<compile_context>
chip_gen: v7x
topology: tpu7x:2x2x1
jax: 0.10.2.dev20260603
libtpu: 0.0.44.dev20260713+nightly
codegen_flags: <defaults>
</compile_context>

<pallas_src>
import functools

import jax
import jax.numpy as jnp
from jax import lax
from jax.experimental import pallas as pl
from jax.experimental.pallas import tpu as pltpu
from jax.experimental.pallas import tpu_sc as plsc

N = 10000
E = 320000
D = 128
H = 32
C = 40

NC = 2
NS = 16
NW = NC * NS
CHUNK = 128
NB = 8
NBD = 4
NCH = 80
EPW = NCH * CHUNK
EPAD = NW * EPW
NP = 10240
NPS = NP // NS
NF0 = 8


def _sc_body(nf, has_gather, nb, ei, zrows, ztab, out,
             irows_a, icols_a, rows, gsems, ssems, y_sh, z_sh):
    cid = lax.axis_index("c")
    sid = lax.axis_index("s")
    wid = sid * NC + cid

    pltpu.sync_copy(zrows, y_sh.at[pl.ds(sid * NPS, NPS)])
    if has_gather:
        pltpu.sync_copy(ztab.at[pl.ds(sid * NPS, NPS)],
                        z_sh.at[pl.ds(sid * NPS, NPS)])
    pltpu.sync_copy(ei.at[0, wid], irows_a)
    pltpu.sync_copy(ei.at[1, wid], icols_a)
    if not has_gather:
        for b in range(nb):
            pltpu.sync_copy(ztab, rows[b])

    nvec = jnp.full((16,), N, jnp.int32)

    @pl.loop(0, NCH)
    def _pre(c):
        for j in range(CHUNK // 16):
            s = pl.ds(j * 16, 16)
            rr = irows_a[c, s]
            cc = icols_a[c, s]
            sel = rr == cc
            if has_gather:
                icols_a[c, s] = jnp.where(sel, nvec, cc)
            else:
                irows_a[c, s] = jnp.where(sel, nvec, rr)

    plsc.subcore_barrier()

    def wait_prev_scatter(b):
        pltpu.make_async_copy(rows[b], y_sh.at[irows_a.at[0]], ssems[b]).wait()

    @pl.loop(0, NCH // nb)
    def _grp(g):
        descs = []
        if has_gather:
            for b in range(nb):
                c = g * nb + b

                @pl.when(g > 0)
                def _w(b=b):
                    wait_prev_scatter(b)

                descs.append(
                    pltpu.async_copy(z_sh.at[icols_a.at[c]], rows[b], gsems[b]))
        for b in range(nb):
            c = g * nb + b
            if has_gather:
                descs[b].wait()
            else:
                @pl.when(g > 0)
                def _w(b=b):
                    wait_prev_scatter(b)
            pltpu.async_copy(rows[b], y_sh.at[irows_a.at[c]], ssems[b], add=True)

    for b in range(nb):
        wait_prev_scatter(b)

    plsc.subcore_barrier()
    pltpu.sync_copy(y_sh.at[pl.ds(sid * NPS, NPS)],
                    out.at[cid, pl.ds(sid * NPS, NPS)])


@functools.lru_cache(maxsize=None)
def _make_sc_pass(nf, has_gather, nb):
    mesh = plsc.VectorSubcoreMesh(core_axis_name="c", subcore_axis_name="s",
                                  num_cores=NC, num_subcores=NS)
    scratch = [
        pltpu.VMEM((NCH, CHUNK), jnp.int32),
        pltpu.VMEM((NCH, CHUNK), jnp.int32),
        [pltpu.VMEM((CHUNK, nf), jnp.float32) for _ in range(nb)],
        [pltpu.SemaphoreType.DMA for _ in range(nb)],
        [pltpu.SemaphoreType.DMA for _ in range(nb)],
        pltpu.VMEM_SHARED((NP, nf), jnp.float32),
        pltpu.VMEM_SHARED((NP, nf), jnp.float32),
    ]
    body = functools.partial(_sc_body, nf, has_gather, nb)
    return pl.kernel(
        body,
        out_type=jax.ShapeDtypeStruct((NC, NP, nf), jnp.float32),
        mesh=mesh,
        scratch_types=scratch,
        compiler_params=pltpu.CompilerParams(use_tc_tiling_on_sc=False),
        name=f"sc_scatter_f{nf}",
    )


BN = 2048


def _dinv_of(da_r, db_r):
    deg = da_r[0, :, :1] + db_r[0, :, :1]
    return jnp.where(deg > 0, lax.rsqrt(jnp.where(deg > 0, deg, 1.0)), 0.0)


def _tc1a_body(x_r, w0_r, w1_r, b_r, o1_r, zr_r):
    x = x_r[...]
    o1_r[...] = jnp.dot(x, w0_r[...], preferred_element_type=jnp.float32) + b_r[...]
    zr_r[...] = jnp.dot(x, w1_r[...], preferred_element_type=jnp.float32)


def _tc1b_body(zr_r, da_r, db_r, z1_r):
    gid = lax.broadcasted_iota(jnp.int32, (BN, 1), 0) + pl.program_id(0) * BN
    z1_r[...] = jnp.where(gid < N, zr_r[...] * _dinv_of(da_r, db_r), 0.0)


def _tc2_body(o1_r, da_r, db_r, ya_r, yb_r, w0_r, b_r, o2_r, z2_r):
    dinv = _dinv_of(da_r, db_r)
    h = jnp.maximum(o1_r[...] - dinv * (ya_r[0] + yb_r[0]), 0.0)
    o2_r[...] = jnp.dot(h, w0_r[...], preferred_element_type=jnp.float32) + b_r[...]
    gid = lax.broadcasted_iota(jnp.int32, (BN, 1), 0) + pl.program_id(0) * BN
    z2_r[...] = jnp.where(gid < N, dinv * h, 0.0)


def _tc3_body(o2_r, da_r, db_r, ya_r, yb_r, w1_r, out_r):
    dinv = _dinv_of(da_r, db_r)
    t = o2_r[...] - jnp.dot(dinv * (ya_r[0] + yb_r[0]), w1_r[...],
                            preferred_element_type=jnp.float32)
    m = jnp.max(t, axis=1, keepdims=True)
    s = t - m
    out_r[...] = s - jnp.log(jnp.sum(jnp.exp(s), axis=1, keepdims=True))


def _row_spec(nf):
    return pl.BlockSpec((BN, nf), lambda i: (i, 0))


def _core_spec(c, nf):
    return pl.BlockSpec((1, BN, nf), lambda i, c=c: (c, i, 0))


def _full_spec(a, b):
    return pl.BlockSpec((a, b), lambda i: (0, 0))


def _tc1a(xp, w0, w1, b):
    return pl.pallas_call(
        _tc1a_body,
        grid=(NP // BN,),
        in_specs=[_row_spec(D), _full_spec(D, H), _full_spec(D, H),
                  _full_spec(1, H)],
        out_specs=[_row_spec(H), _row_spec(H)],
        out_shape=[jax.ShapeDtypeStruct((NP, H), jnp.float32),
                   jax.ShapeDtypeStruct((NP, H), jnp.float32)],
    )(xp, w0, w1, b)


def _tc1b(zr, degp):
    return pl.pallas_call(
        _tc1b_body,
        grid=(NP // BN,),
        in_specs=[_row_spec(H), _core_spec(0, NF0), _core_spec(1, NF0)],
        out_specs=_row_spec(H),
        out_shape=jax.ShapeDtypeStruct((NP, H), jnp.float32),
    )(zr, degp, degp)


def _tc2(o1, degp, y1, w0, b):
    return pl.pallas_call(
        _tc2_body,
        grid=(NP // BN,),
        in_specs=[_row_spec(H), _core_spec(0, NF0), _core_spec(1, NF0),
                  _core_spec(0, H), _core_spec(1, H),
                  _full_spec(H, C), _full_spec(1, C)],
        out_specs=[_row_spec(C), _row_spec(H)],
        out_shape=[jax.ShapeDtypeStruct((NP, C), jnp.float32),
                   jax.ShapeDtypeStruct((NP, H), jnp.float32)],
    )(o1, degp, degp, y1, y1, w0, b)


def _tc3(o2, degp, y2, w1):
    return pl.pallas_call(
        _tc3_body,
        grid=(NP // BN,),
        in_specs=[_row_spec(C), _core_spec(0, NF0), _core_spec(1, NF0),
                  _core_spec(0, H), _core_spec(1, H), _full_spec(H, C)],
        out_specs=_row_spec(C),
        out_shape=jax.ShapeDtypeStruct((N, C), jnp.float32),
    )(o2, degp, degp, y2, y2, w1)


def kernel(x, edge_index, W1_0, W1_1, b1, W2_0, W2_1, b2):
    ei = jnp.concatenate(
        [edge_index, jnp.full((2, EPAD - E), N, jnp.int32)], axis=1
    ).reshape(2, NW, NCH, CHUNK)
    z1rows = jnp.zeros((NPS, NF0), jnp.float32)
    zhrows = jnp.zeros((NPS, H), jnp.float32)

    degp = _make_sc_pass(NF0, False, NBD)(ei, z1rows, jnp.ones((CHUNK, NF0), jnp.float32))
    o1, z1raw = _tc1a(x, W1_0, W1_1, b1.reshape(1, H))
    z1 = _tc1b(z1raw, degp)

    y1 = _make_sc_pass(H, True, NB)(ei, zhrows, z1)
    o2, z2 = _tc2(o1, degp, y1, W2_0, b2.reshape(1, C))

    y2 = _make_sc_pass(H, True, NB)(ei, zhrows, z2)
    return _tc3(o2, degp, y2, W2_1)

# --- scband reference (transcript-rebuilt; emitter-appended) ---
"""Pipeline reference for scband-cheb-net-71940702208089 (READ-ONLY COPY).

The authoritative reference and input builder live on the scoring server;
editing this copy changes nothing except your own understanding.
"""

import jax, jax.numpy as jnp
import numpy as np

N = 10000
E = 320000
D = 128
H = 32
C = 40


def setup_inputs(seed: int = 0) -> dict:
    key = jax.random.key(seed)
    ks = jax.random.split(key, 8)
    x = jax.random.normal(ks[0], (N, D), dtype=jnp.float32)
    edge_index = jax.random.randint(ks[1], (2, E), 0, N, dtype=jnp.int32)
    # ChebConv(K=2) layer 1: in=D, out=H; layer 2: in=H, out=C.
    # Glorot-style init for the per-order linear weights, zero bias (as in PyG reset).
    def glorot(k, fan_in, fan_out):
        s = jnp.sqrt(6.0 / (fan_in + fan_out))
        return jax.random.uniform(k, (fan_in, fan_out), dtype=jnp.float32, minval=-s, maxval=s)
    W1_0 = glorot(ks[2], D, H)
    W1_1 = glorot(ks[3], D, H)
    b1 = jnp.zeros((H,), dtype=jnp.float32)
    W2_0 = glorot(ks[4], H, C)
    W2_1 = glorot(ks[5], H, C)
    b2 = jnp.zeros((C,), dtype=jnp.float32)
    return {"x": x, "edge_index": edge_index, "W1_0": W1_0, "W1_1": W1_1,
            "b1": b1, "W2_0": W2_0, "W2_1": W2_1, "b2": b2}


def _cheb_conv_k2(x, edge_index, W0, W1, b):
    # Faithful to PyG ChebConv with K=2, normalization='sym', lambda_max=2.0:
    #   L = I - D^{-1/2} A D^{-1/2}  (self-loops removed first)
    #   L_hat = (2/lambda_max) L - I = -D^{-1/2} A D^{-1/2}  (diag is exactly 0)
    #   out = Tx0 @ W0 + Tx1 @ W1 + b, with Tx0 = x, Tx1 = L_hat @ x
    row, col = edge_index[0], edge_index[1]
    n = x.shape[0]
    mask = (row != col).astype(x.dtype)  # remove_self_loops
    deg = jnp.zeros((n,), dtype=x.dtype).at[row].add(mask)
    dinv = jnp.where(deg > 0, 1.0 / jnp.sqrt(jnp.where(deg > 0, deg, 1.0)), 0.0)
    w = -dinv[row] * dinv[col] * mask  # off-diagonal entries of L_hat
    Tx0 = x
    out = Tx0 @ W0
    # sparse matvec: Tx1[row] += w * x[col]  (scatter-add over edges)
    Tx1 = jnp.zeros_like(x).at[row].add(w[:, None] * x[col])
    out = out + Tx1 @ W1
    return out + b


def reference(x, edge_index, W1_0, W1_1, b1, W2_0, W2_1, b2):
    h = jax.nn.relu(_cheb_conv_k2(x, edge_index, W1_0, W1_1, b1))
    # F.dropout(training=False) is identity in eval mode
    out = _cheb_conv_k2(h, edge_index, W2_0, W2_1, b2)
    return jax.nn.log_softmax(out, axis=1)

if __name__ == "__main__":
    import jax
    _d = setup_inputs()
    print(jax.jit(kernel)(*tuple(_d.values())))

</pallas_src>

<mosaic_0001>
#map = affine_map<(d0, d1) -> (0, 0, 0, 0)>
#map1 = affine_map<(d0, d1) -> (0, 0)>
#map2 = affine_map<(d0, d1) -> (0, 0, 0)>
module attributes {stable_mosaic.version = 14 : i64} {
  func.func @sc_scatter_f8(%arg0: i32, %arg1: i32, %arg2: memref<2x32x80x128xi32, #tpu.memory_space<hbm>>, %arg3: memref<640x8xf32, #tpu.memory_space<hbm>>, %arg4: memref<128x8xf32, #tpu.memory_space<hbm>>, %arg5: memref<2x10240x8xf32, #tpu.memory_space<hbm>>, %arg6: memref<80x128xi32, #tpu.memory_space<vmem>>, %arg7: memref<80x128xi32, #tpu.memory_space<vmem>>, %arg8: memref<128x8xf32, #tpu.memory_space<vmem>>, %arg9: memref<128x8xf32, #tpu.memory_space<vmem>>, %arg10: memref<128x8xf32, #tpu.memory_space<vmem>>, %arg11: memref<128x8xf32, #tpu.memory_space<vmem>>, %arg12: memref<!tpu.dma_semaphore, #tpu.memory_space<semaphore_mem>>, %arg13: memref<!tpu.dma_semaphore, #tpu.memory_space<semaphore_mem>>, %arg14: memref<!tpu.dma_semaphore, #tpu.memory_space<semaphore_mem>>, %arg15: memref<!tpu.dma_semaphore, #tpu.memory_space<semaphore_mem>>, %arg16: memref<!tpu.dma_semaphore, #tpu.memory_space<semaphore_mem>>, %arg17: memref<!tpu.dma_semaphore, #tpu.memory_space<semaphore_mem>>, %arg18: memref<!tpu.dma_semaphore, #tpu.memory_space<semaphore_mem>>, %arg19: memref<!tpu.dma_semaphore, #tpu.memory_space<semaphore_mem>>, %arg20: memref<10240x8xf32, #tpu.memory_space<vmem_shared>>, %arg21: memref<10240x8xf32, #tpu.memory_space<vmem_shared>>) attributes {dimension_semantics = [#tpu.dimension_semantics<core_parallel>, #tpu.dimension_semantics<subcore_parallel>], iteration_bounds = array<i64: 2, 16>, scalar_prefetch = 0 : i64, scratch_operands = 16 : i64, tpu.core_type = #tpu.core_type<sc_vector_subcore>, window_params = [{transform_indices = #map}, {transform_indices = #map1}, {transform_indices = #map1}, {transform_indices = #map2}]} {
    %mul3A = arith.constant 2 : i32
    %mul3A_0 = arith.muli %arg1, %mul3A : i32
    %add3A = arith.addi %mul3A_0, %arg0 : i32
    %mul3A_1 = arith.constant 640 : i32
    %mul3A_2 = arith.muli %arg1, %mul3A_1 : i32
    "tpu.region"() ({
      %run_scoped3A_46 = tpu.sem_alloc : memref<!tpu.dma_semaphore, #tpu.memory_space<semaphore_mem>>
      %dma_start3A = arith.constant 0 : i32
      %dma_start3A_47 = tpu.memref_slice %arg20[%mul3A_2, %dma_start3A] : memref<10240x8xf32, #tpu.memory_space<vmem_shared>> -> memref<640x8xf32, #tpu.memory_space<vmem_shared>>
      tpu.enqueue_dma source(%arg3 : memref<640x8xf32, #tpu.memory_space<hbm>>) target(%dma_start3A_47 : memref<640x8xf32, #tpu.memory_space<vmem_shared>>) target_semaphore(%run_scoped3A_46 : memref<!tpu.dma_semaphore, #tpu.memory_space<semaphore_mem>>)
      %dma_wait3A_48 = arith.constant 0 : i32
      %dma_wait3A_49 = tpu.memref_slice %arg20[%mul3A_2, %dma_wait3A_48] : memref<10240x8xf32, #tpu.memory_space<vmem_shared>> -> memref<640x8xf32, #tpu.memory_space<vmem_shared>>
      tpu.wait_dma2 semaphore(%run_scoped3A_46 : memref<!tpu.dma_semaphore, #tpu.memory_space<semaphore_mem>>) src(%arg3 : memref<640x8xf32, #tpu.memory_space<hbm>>) dst(%dma_wait3A_49 : memref<640x8xf32, #tpu.memory_space<vmem_shared>>)
      tpu.yield
    }) : () -> ()
    %run_scoped3A = arith.constant 0 : i32
    "tpu.region"() ({
      %run_scoped3A_46 = tpu.sem_alloc : memref<!tpu.dma_semaphore, #tpu.memory_space<semaphore_mem>>
      %dma_start3A = arith.constant 0 : i32
      %dma_start3A_47 = arith.constant 0 : i32
      %dma_start3A_48 = tpu.memref_slice %arg2[%run_scoped3A, %add3A, %dma_start3A, %dma_start3A_47] : memref<2x32x80x128xi32, #tpu.memory_space<hbm>> -> memref<1x1x80x128xi32, #tpu.memory_space<hbm>>
      %dma_start3A_49 = tpu.memref_squeeze %dma_start3A_48 : memref<1x1x80x128xi32, #tpu.memory_space<hbm>> -> memref<80x128xi32, #tpu.memory_space<hbm>>
      %dma_start3A_50 = arith.constant 0 : i32
      %dma_start3A_51 = arith.constant 0 : i32
      %dma_start3A_52 = tpu.memref_slice %arg2[%run_scoped3A, %add3A, %dma_start3A_50, %dma_start3A_51] : memref<2x32x80x128xi32, #tpu.memory_space<hbm>> -> memref<1x1x80x128xi32, #tpu.memory_space<hbm>>
      %dma_start3A_53 = tpu.memref_squeeze %dma_start3A_52 : memref<1x1x80x128xi32, #tpu.memory_space<hbm>> -> memref<80x128xi32, #tpu.memory_space<hbm>>
      tpu.enqueue_dma source(%dma_start3A_53 : memref<80x128xi32, #tpu.memory_space<hbm>>) target(%arg6 : memref<80x128xi32, #tpu.memory_space<vmem>>) target_semaphore(%run_scoped3A_46 : memref<!tpu.dma_semaphore, #tpu.memory_space<semaphore_mem>>)
      %dma_wait3A_54 = arith.constant 0 : i32
      %dma_wait3A_55 = arith.constant 0 : i32
      %dma_wait3A_56 = tpu.memref_slice %arg2[%run_scoped3A, %add3A, %dma_wait3A_54, %dma_wait3A_55] : memref<2x32x80x128xi32, #tpu.memory_space<hbm>> -> memref<1x1x80x128xi32, #tpu.memory_space<hbm>>
      %dma_wait3A_57 = tpu.memref_squeeze %dma_wait3A_56 : memref<1x1x80x128xi32, #tpu.memory_space<hbm>> -> memref<80x128xi32, #tpu.memory_space<hbm>>
      %dma_wait3A_58 = arith.constant 0 : i32
      %dma_wait3A_59 = arith.constant 0 : i32
      %dma_wait3A_60 = tpu.memref_slice %arg2[%run_scoped3A, %add3A, %dma_wait3A_58, %dma_wait3A_59] : memref<2x32x80x128xi32, #tpu.memory_space<hbm>> -> memref<1x1x80x128xi32, #tpu.memory_space<hbm>>
      %dma_wait3A_61 = tpu.memref_squeeze %dma_wait3A_60 : memref<1x1x80x128xi32, #tpu.memory_space<hbm>> -> memref<80x128xi32, #tpu.memory_space<hbm>>
      tpu.wait_dma2 semaphore(%run_scoped3A_46 : memref<!tpu.dma_semaphore, #tpu.memory_space<semaphore_mem>>) src(%dma_wait3A_61 : memref<80x128xi32, #tpu.memory_space<hbm>>) dst(%arg6 : memref<80x128xi32, #tpu.memory_space<vmem>>)
      tpu.yield
    }) : () -> ()
    %run_scoped3A_3 = arith.constant 1 : i32
    "tpu.region"() ({
      %run_scoped3A_46 = tpu.sem_alloc : memref<!tpu.dma_semaphore, #tpu.memory_space<semaphore_mem>>
      %dma_start3A = arith.constant 0 : i32
      %dma_start3A_47 = arith.constant 0 : i32
      %dma_start3A_48 = tpu.memref_slice %arg2[%run_scoped3A_3, %add3A, %dma_start3A, %dma_start3A_47] : memref<2x32x80x128xi32, #tpu.memory_space<hbm>> -> memref<1x1x80x128xi32, #tpu.memory_space<hbm>>
      %dma_start3A_49 = tpu.memref_squeeze %dma_start3A_48 : memref<1x1x80x128xi32, #tpu.memory_space<hbm>> -> memref<80x128xi32, #tpu.memory_space<hbm>>
      %dma_start3A_50 = arith.constant 0 : i32
      %dma_start3A_51 = arith.constant 0 : i32
      %dma_start3A_52 = tpu.memref_slice %arg2[%run_scoped3A_3, %add3A, %dma_start3A_50, %dma_start3A_51] : memref<2x32x80x128xi32, #tpu.memory_space<hbm>> -> memref<1x1x80x128xi32, #tpu.memory_space<hbm>>
      %dma_start3A_53 = tpu.memref_squeeze %dma_start3A_52 : memref<1x1x80x128xi32, #tpu.memory_space<hbm>> -> memref<80x128xi32, #tpu.memory_space<hbm>>
      tpu.enqueue_dma source(%dma_start3A_53 : memref<80x128xi32, #tpu.memory_space<hbm>>) target(%arg7 : memref<80x128xi32, #tpu.memory_space<vmem>>) target_semaphore(%run_scoped3A_46 : memref<!tpu.dma_semaphore, #tpu.memory_space<semaphore_mem>>)
      %dma_wait3A_54 = arith.constant 0 : i32
      %dma_wait3A_55 = arith.constant 0 : i32
      %dma_wait3A_56 = tpu.memref_slice %arg2[%run_scoped3A_3, %add3A, %dma_wait3A_54, %dma_wait3A_55] : memref<2x32x80x128xi32, #tpu.memory_space<hbm>> -> memref<1x1x80x128xi32, #tpu.memory_space<hbm>>
      %dma_wait3A_57 = tpu.memref_squeeze %dma_wait3A_56 : memref<1x1x80x128xi32, #tpu.memory_space<hbm>> -> memref<80x128xi32, #tpu.memory_space<hbm>>
      %dma_wait3A_58 = arith.constant 0 : i32
      %dma_wait3A_59 = arith.constant 0 : i32
      %dma_wait3A_60 = tpu.memref_slice %arg2[%run_scoped3A_3, %add3A, %dma_wait3A_58, %dma_wait3A_59] : memref<2x32x80x128xi32, #tpu.memory_space<hbm>> -> memref<1x1x80x128xi32, #tpu.memory_space<hbm>>
      %dma_wait3A_61 = tpu.memref_squeeze %dma_wait3A_60 : memref<1x1x80x128xi32, #tpu.memory_space<hbm>> -> memref<80x128xi32, #tpu.memory_space<hbm>>
      tpu.wait_dma2 semaphore(%run_scoped3A_46 : memref<!tpu.dma_semaphore, #tpu.memory_space<semaphore_mem>>) src(%dma_wait3A_61 : memref<80x128xi32, #tpu.memory_space<hbm>>) dst(%arg7 : memref<80x128xi32, #tpu.memory_space<vmem>>)
      tpu.yield
    }) : () -> ()
    "tpu.region"() ({
      %run_scoped3A_46 = tpu.sem_alloc : memref<!tpu.dma_semaphore, #tpu.memory_space<semaphore_mem>>
      tpu.enqueue_dma source(%arg4 : memref<128x8xf32, #tpu.memory_space<hbm>>) target(%arg8 : memref<128x8xf32, #tpu.memory_space<vmem>>) target_semaphore(%run_scoped3A_46 : memref<!tpu.dma_semaphore, #tpu.memory_space<semaphore_mem>>)
      tpu.wait_dma2 semaphore(%run_scoped3A_46 : memref<!tpu.dma_semaphore, #tpu.memory_space<semaphore_mem>>) src(%arg4 : memref<128x8xf32, #tpu.memory_space<hbm>>) dst(%arg8 : memref<128x8xf32, #tpu.memory_space<vmem>>)
      tpu.yield
    }) : () -> ()
    "tpu.region"() ({
      %run_scoped3A_46 = tpu.sem_alloc : memref<!tpu.dma_semaphore, #tpu.memory_space<semaphore_mem>>
      tpu.enqueue_dma source(%arg4 : memref<128x8xf32, #tpu.memory_space<hbm>>) target(%arg9 : memref<128x8xf32, #tpu.memory_space<vmem>>) target_semaphore(%run_scoped3A_46 : memref<!tpu.dma_semaphore, #tpu.memory_space<semaphore_mem>>)
      tpu.wait_dma2 semaphore(%run_scoped3A_46 : memref<!tpu.dma_semaphore, #tpu.memory_space<semaphore_mem>>) src(%arg4 : memref<128x8xf32, #tpu.memory_space<hbm>>) dst(%arg9 : memref<128x8xf32, #tpu.memory_space<vmem>>)
      tpu.yield
    }) : () -> ()
    "tpu.region"() ({
      %run_scoped3A_46 = tpu.sem_alloc : memref<!tpu.dma_semaphore, #tpu.memory_space<semaphore_mem>>
      tpu.enqueue_dma source(%arg4 : memref<128x8xf32, #tpu.memory_space<hbm>>) target(%arg10 : memref<128x8xf32, #tpu.memory_space<vmem>>) target_semaphore(%run_scoped3A_46 : memref<!tpu.dma_semaphore, #tpu.memory_space<semaphore_mem>>)
      tpu.wait_dma2 semaphore(%run_scoped3A_46 : memref<!tpu.dma_semaphore, #tpu.memory_space<semaphore_mem>>) src(%arg4 : memref<128x8xf32, #tpu.memory_space<hbm>>) dst(%arg10 : memref<128x8xf32, #tpu.memory_space<vmem>>)
      tpu.yield
    }) : () -> ()
    "tpu.region"() ({
      %run_scoped3A_46 = tpu.sem_alloc : memref<!tpu.dma_semaphore, #tpu.memory_space<semaphore_mem>>
      tpu.enqueue_dma source(%arg4 : memref<128x8xf32, #tpu.memory_space<hbm>>) target(%arg11 : memref<128x8xf32, #tpu.memory_space<vmem>>) target_semaphore(%run_scoped3A_46 : memref<!tpu.dma_semaphore, #tpu.memory_space<semaphore_mem>>)
      tpu.wait_dma2 semaphore(%run_scoped3A_46 : memref<!tpu.dma_semaphore, #tpu.memory_space<semaphore_mem>>) src(%arg4 : memref<128x8xf32, #tpu.memory_space<hbm>>) dst(%arg11 : memref<128x8xf32, #tpu.memory_space<vmem>>)
      tpu.yield
    }) : () -> ()
    %broadcast_in_dim3A = arith.constant 10000 : i32
    %broadcast_in_dim3A_4 = vector.broadcast %broadcast_in_dim3A : i32 to vector<16xi32>
    %scan3A = arith.constant 0 : i32
    %scan3A_5 = arith.constant 80 : i32
    %scan3A_6 = arith.addi %scan3A, %scan3A_5 : i32
    %scan3A_7 = arith.constant 1 : i32
    scf.for %scan3A_46 = %scan3A to %scan3A_6 step %scan3A_7  : i32 {
      %mul3A_47 = arith.constant 1 : i32
      %mul3A_48 = arith.muli %scan3A_46, %mul3A_47 : i32
      %add3A_49 = arith.constant 0 : i32
      %add3A_50 = arith.addi %add3A_49, %mul3A_48 : i32
      %get3A = arith.index_cast %add3A_50 : i32 to index
      %get3A_51 = arith.constant 0 : index
      %get3A_52 = tpu.vector_load %arg6[%get3A, %get3A_51] {strides = array<i32>} : memref<80x128xi32, #tpu.memory_space<vmem>>, vector<1x16xi32>,
      %get3A_53 = vector.shape_cast %get3A_52 : vector<1x16xi32> to vector<16xi32>
      %get3A_54 = arith.index_cast %add3A_50 : i32 to index
      %get3A_55 = arith.constant 0 : index
      %get3A_56 = tpu.vector_load %arg7[%get3A_54, %get3A_55] {strides = array<i32>} : memref<80x128xi32, #tpu.memory_space<vmem>>, vector<1x16xi32>,
      %get3A_57 = vector.shape_cast %get3A_56 : vector<1x16xi32> to vector<16xi32>
      %eq3A = arith.cmpi eq, %get3A_53, %get3A_57 : vector<16xi32>
      %select_n3A = arith.select %eq3A, %broadcast_in_dim3A_4, %get3A_53 : vector<16xi1>, vector<16xi32>
      %swap3A = arith.index_cast %add3A_50 : i32 to index
      %swap3A_58 = arith.constant 0 : index
      %swap3A_59 = tpu.vector_load %arg6[%swap3A, %swap3A_58] {strides = array<i32>} : memref<80x128xi32, #tpu.memory_space<vmem>>, vector<1x16xi32>,
      %swap3A_60 = vector.shape_cast %swap3A_59 : vector<1x16xi32> to vector<16xi32>
      %swap3A_61 = vector.shape_cast %select_n3A : vector<16xi32> to vector<1x16xi32>
      tpu.vector_store %arg6[%swap3A, %swap3A_58], %swap3A_61 {strides = array<i32>} : memref<80x128xi32, #tpu.memory_space<vmem>>, vector<1x16xi32>,
      %get3A_62 = arith.index_cast %add3A_50 : i32 to index
      %get3A_63 = arith.constant 16 : index
      %get3A_64 = tpu.vector_load %arg6[%get3A_62, %get3A_63] {strides = array<i32>} : memref<80x128xi32, #tpu.memory_space<vmem>>, vector<1x16xi32>,
      %get3A_65 = vector.shape_cast %get3A_64 : vector<1x16xi32> to vector<16xi32>
      %get3A_66 = arith.index_cast %add3A_50 : i32 to index
      %get3A_67 = arith.constant 16 : index
      %get3A_68 = tpu.vector_load %arg7[%get3A_66, %get3A_67] {strides = array<i32>} : memref<80x128xi32, #tpu.memory_space<vmem>>, vector<1x16xi32>,
      %get3A_69 = vector.shape_cast %get3A_68 : vector<1x16xi32> to vector<16xi32>
      %eq3A_70 = arith.cmpi eq, %get3A_65, %get3A_69 : vector<16xi32>
      %select_n3A_71 = arith.select %eq3A_70, %broadcast_in_dim3A_4, %get3A_65 : vector<16xi1>, vector<16xi32>
      %swap3A_72 = arith.index_cast %add3A_50 : i32 to index
      %swap3A_73 = arith.constant 16 : index
      %swap3A_74 = tpu.vector_load %arg6[%swap3A_72, %swap3A_73] {strides = array<i32>} : memref<80x128xi32, #tpu.memory_space<vmem>>, vector<1x16xi32>,
      %swap3A_75 = vector.shape_cast %swap3A_74 : vector<1x16xi32> to vector<16xi32>
      %swap3A_76 = vector.shape_cast %select_n3A_71 : vector<16xi32> to vector<1x16xi32>
      tpu.vector_store %arg6[%swap3A_72, %swap3A_73], %swap3A_76 {strides = array<i32>} : memref<80x128xi32, #tpu.memory_space<vmem>>, vector<1x16xi32>,
      %get3A_77 = arith.index_cast %add3A_50 : i32 to index
      %get3A_78 = arith.constant 32 : index
      %get3A_79 = tpu.vector_load %arg6[%get3A_77, %get3A_78] {strides = array<i32>} : memref<80x128xi32, #tpu.memory_space<vmem>>, vector<1x16xi32>,
      %get3A_80 = vector.shape_cast %get3A_79 : vector<1x16xi32> to vector<16xi32>
      %get3A_81 = arith.index_cast %add3A_50 : i32 to index
      %get3A_82 = arith.constant 32 : index
      %get3A_83 = tpu.vector_load %arg7[%get3A_81, %get3A_82] {strides = array<i32>} : memref<80x128xi32, #tpu.memory_space<vmem>>, vector<1x16xi32>,
      %get3A_84 = vector.shape_cast %get3A_83 : vector<1x16xi32> to vector<16xi32>
      %eq3A_85 = arith.cmpi eq, %get3A_80, %get3A_84 : vector<16xi32>
      %select_n3A_86 = arith.select %eq3A_85, %broadcast_in_dim3A_4, %get3A_80 : vector<16xi1>, vector<16xi32>
      %swap3A_87 = arith.index_cast %add3A_50 : i32 to index
      %swap3A_88 = arith.constant 32 : index
      %swap3A_89 = tpu.vector_load %arg6[%swap3A_87, %swap3A_88] {strides = array<i32>} : memref<80x128xi32, #tpu.memory_space<vmem>>, vector<1x16xi32>,
      %swap3A_90 = vector.shape_cast %swap3A_89 : vector<1x16xi32> to vector<16xi32>
      %swap3A_91 = vector.shape_cast %select_n3A_86 : vector<16xi32> to vector<1x16xi32>
      tpu.vector_store %arg6[%swap3A_87, %swap3A_88], %swap3A_91 {strides = array<i32>} : memref<80x128xi32, #tpu.memory_space<vmem>>, vector<1x16xi32>,
      %get3A_92 = arith.index_cast %add3A_50 : i32 to index
      %get3A_93 = arith.constant 48 : index
      %get3A_94 = tpu.vector_load %arg6[%get3A_92, %get3A_93] {strides = array<i32>} : memref<80x128xi32, #tpu.memory_space<vmem>>, vector<1x16xi32>,
      %get3A_95 = vector.shape_cast %get3A_94 : vector<1x16xi32> to vector<16xi32>
      %get3A_96 = arith.index_cast %add3A_50 : i32 to index
      %get3A_97 = arith.constant 48 : index
      %get3A_98 = tpu.vector_load %arg7[%get3A_96, %get3A_97] {strides = array<i32>} : memref<80x128xi32, #tpu.memory_space<vmem>>, vector<1x16xi32>,
      %get3A_99 = vector.shape_cast %get3A_98 : vector<1x16xi32> to vector<16xi32>
      %eq3A_100 = arith.cmpi eq, %get3A_95, %get3A_99 : vector<16xi32>
      %select_n3A_101 = arith.select %eq3A_100, %broadcast_in_dim3A_4, %get3A_95 : vector<16xi1>, vector<16xi32>
      %swap3A_102 = arith.index_cast %add3A_50 : i32 to index
      %swap3A_103 = arith.constant 48 : index
      %swap3A_104 = tpu.vector_load %arg6[%swap3A_102, %swap3A_103] {strides = array<i32>} : memref<80x128xi32, #tpu.memory_space<vmem>>, vector<1x16xi32>,
      %swap3A_105 = vector.shape_cast %swap3A_104 : vector<1x16xi32> to vector<16xi32>
      %swap3A_106 = vector.shape_cast %select_n3A_101 : vector<16xi32> to vector<1x16xi32>
      tpu.vector_store %arg6[%swap3A_102, %swap3A_103], %swap3A_106 {strides = array<i32>} : memref<80x128xi32, #tpu.memory_space<vmem>>, vector<1x16xi32>,
      %get3A_107 = arith.index_cast %add3A_50 : i32 to index
      %get3A_108 = arith.constant 64 : index
      %get3A_109 = tpu.vector_load %arg6[%get3A_107, %get3A_108] {strides = array<i32>} : memref<80x128xi32, #tpu.memory_space<vmem>>, vector<1x16xi32>,
      %get3A_110 = vector.shape_cast %get3A_109 : vector<1x16xi32> to vector<16xi32>
      %get3A_111 = arith.index_cast %add3A_50 : i32 to index
      %get3A_112 = arith.constant 64 : index
      %get3A_113 = tpu.vector_load %arg7[%get3A_111, %get3A_112] {strides = array<i32>} : memref<80x128xi32, #tpu.memory_space<vmem>>, vector<1x16xi32>,
      %get3A_114 = vector.shape_cast %get3A_113 : vector<1x16xi32> to vector<16xi32>
      %eq3A_115 = arith.cmpi eq, %get3A_110, %get3A_114 : vector<16xi32>
      %select_n3A_116 = arith.select %eq3A_115, %broadcast_in_dim3A_4, %get3A_110 : vector<16xi1>, vector<16xi32>
      %swap3A_117 = arith.index_cast %add3A_50 : i32 to index
      %swap3A_118 = arith.constant 64 : index
      %swap3A_119 = tpu.vector_load %arg6[%swap3A_117, %swap3A_118] {strides = array<i32>} : memref<80x128xi32, #tpu.memory_space<vmem>>, vector<1x16xi32>,
      %swap3A_120 = vector.shape_cast %swap3A_119 : vector<1x16xi32> to vector<16xi32>
      %swap3A_121 = vector.shape_cast %select_n3A_116 : vector<16xi32> to vector<1x16xi32>
      tpu.vector_store %arg6[%swap3A_117, %swap3A_118], %swap3A_121 {strides = array<i32>} : memref<80x128xi32, #tpu.memory_space<vmem>>, vector<1x16xi32>,
      %get3A_122 = arith.index_cast %add3A_50 : i32 to index
      %get3A_123 = arith.constant 80 : index
      %get3A_124 = tpu.vector_load %arg6[%get3A_122, %get3A_123] {strides = array<i32>} : memref<80x128xi32, #tpu.memory_space<vmem>>, vector<1x16xi32>,
      %get3A_125 = vector.shape_cast %get3A_124 : vector<1x16xi32> to vector<16xi32>
      %get3A_126 = arith.index_cast %add3A_50 : i32 to index
      %get3A_127 = arith.constant 80 : index
      %get3A_128 = tpu.vector_load %arg7[%get3A_126, %get3A_127] {strides = array<i32>} : memref<80x128xi32, #tpu.memory_space<vmem>>, vector<1x16xi32>,
      %get3A_129 = vector.shape_cast %get3A_128 : vector<1x16xi32> to vector<16xi32>
      %eq3A_130 = arith.cmpi eq, %get3A_125, %get3A_129 : vector<16xi32>
      %select_n3A_131 = arith.select %eq3A_130, %broadcast_in_dim3A_4, %get3A_125 : vector<16xi1>, vector<16xi32>
      %swap3A_132 = arith.index_cast %add3A_50 : i32 to index
      %swap3A_133 = arith.constant 80 : index
      %swap3A_134 = tpu.vector_load %arg6[%swap3A_132, %swap3A_133] {strides = array<i32>} : memref<80x128xi32, #tpu.memory_space<vmem>>, vector<1x16xi32>,
      %swap3A_135 = vector.shape_cast %swap3A_134 : vector<1x16xi32> to vector<16xi32>
      %swap3A_136 = vector.shape_cast %select_n3A_131 : vector<16xi32> to vector<1x16xi32>
      tpu.vector_store %arg6[%swap3A_132, %swap3A_133], %swap3A_136 {strides = array<i32>} : memref<80x128xi32, #tpu.memory_space<vmem>>, vector<1x16xi32>,
      %get3A_137 = arith.index_cast %add3A_50 : i32 to index
      %get3A_138 = arith.constant 96 : index
      %get3A_139 = tpu.vector_load %arg6[%get3A_137, %get3A_138] {strides = array<i32>} : memref<80x128xi32, #tpu.memory_space<vmem>>, vector<1x16xi32>,
      %get3A_140 = vector.shape_cast %get3A_139 : vector<1x16xi32> to vector<16xi32>
      %get3A_141 = arith.index_cast %add3A_50 : i32 to index
      %get3A_142 = arith.constant 96 : index
      %get3A_143 = tpu.vector_load %arg7[%get3A_141, %get3A_142] {strides = array<i32>} : memref<80x128xi32, #tpu.memory_space<vmem>>, vector<1x16xi32>,
      %get3A_144 = vector.shape_cast %get3A_143 : vector<1x16xi32> to vector<16xi32>
      %eq3A_145 = arith.cmpi eq, %get3A_140, %get3A_144 : vector<16xi32>
      %select_n3A_146 = arith.select %eq3A_145, %broadcast_in_dim3A_4, %get3A_140 : vector<16xi1>, vector<16xi32>
      %swap3A_147 = arith.index_cast %add3A_50 : i32 to index
      %swap3A_148 = arith.constant 96 : index
      %swap3A_149 = tpu.vector_load %arg6[%swap3A_147, %swap3A_148] {strides = array<i32>} : memref<80x128xi32, #tpu.memory_space<vmem>>, vector<1x16xi32>,
      %swap3A_150 = vector.shape_cast %swap3A_149 : vector<1x16xi32> to vector<16xi32>
      %swap3A_151 = vector.shape_cast %select_n3A_146 : vector<16xi32> to vector<1x16xi32>
      tpu.vector_store %arg6[%swap3A_147, %swap3A_148], %swap3A_151 {strides = array<i32>} : memref<80x128xi32, #tpu.memory_space<vmem>>, vector<1x16xi32>,
      %get3A_152 = arith.index_cast %add3A_50 : i32 to index
      %get3A_153 = arith.constant 112 : index
      %get3A_154 = tpu.vector_load %arg6[%get3A_152, %get3A_153] {strides = array<i32>} : memref<80x128xi32, #tpu.memory_space<vmem>>, vector<1x16xi32>,
      %get3A_155 = vector.shape_cast %get3A_154 : vector<1x16xi32> to vector<16xi32>
      %get3A_156 = arith.index_cast %add3A_50 : i32 to index
      %get3A_157 = arith.constant 112 : index
      %get3A_158 = tpu.vector_load %arg7[%get3A_156, %get3A_157] {strides = array<i32>} : memref<80x128xi32, #tpu.memory_space<vmem>>, vector<1x16xi32>,
      %get3A_159 = vector.shape_cast %get3A_158 : vector<1x16xi32> to vector<16xi32>
      %eq3A_160 = arith.cmpi eq, %get3A_155, %get3A_159 : vector<16xi32>
      %select_n3A_161 = arith.select %eq3A_160, %broadcast_in_dim3A_4, %get3A_155 : vector<16xi1>, vector<16xi32>
      %swap3A_162 = arith.index_cast %add3A_50 : i32 to index
      %swap3A_163 = arith.constant 112 : index
      %swap3A_164 = tpu.vector_load %arg6[%swap3A_162, %swap3A_163] {strides = array<i32>} : memref<80x128xi32, #tpu.memory_space<vmem>>, vector<1x16xi32>,
      %swap3A_165 = vector.shape_cast %swap3A_164 : vector<1x16xi32> to vector<16xi32>
      %swap3A_166 = vector.shape_cast %select_n3A_161 : vector<16xi32> to vector<1x16xi32>
      tpu.vector_store %arg6[%swap3A_162, %swap3A_163], %swap3A_166 {strides = array<i32>} : memref<80x128xi32, #tpu.memory_space<vmem>>, vector<1x16xi32>,
    }
    %scan3A_8 = arith.constant 80 : i32
    %barrier3A = arith.constant 0 : index
    tpu.barrier barrier_id(%barrier3A)
    %scan3A_9 = arith.constant 0 : i32
    %scan3A_10 = arith.constant 20 : i32
    %scan3A_11 = arith.addi %scan3A_9, %scan3A_10 : i32
    %scan3A_12 = arith.constant 1 : i32
    scf.for %scan3A_46 = %scan3A_9 to %scan3A_11 step %scan3A_12  : i32 {
      %mul3A_47 = arith.constant 1 : i32
      %mul3A_48 = arith.muli %scan3A_46, %mul3A_47 : i32
      %add3A_49 = arith.constant 0 : i32
      %add3A_50 = arith.addi %add3A_49, %mul3A_48 : i32
      %mul3A_51 = arith.constant 4 : i32
      %mul3A_52 = arith.muli %add3A_50, %mul3A_51 : i32
      %add3A_53 = arith.constant 0 : i32
      %add3A_54 = arith.addi %mul3A_52, %add3A_53 : i32
      %gt3A = arith.constant 0 : i32
      %gt3A_55 = arith.cmpi sgt, %add3A_50, %gt3A : i32
      %convert_element_type3A = arith.extui %gt3A_55 : i1 to i32
      %cond3A = arith.constant 0 : i32
      %cond3A_56 = arith.cmpi ne, %convert_element_type3A, %cond3A : i32
      scf.if %cond3A_56 {
        %dma_wait3A_107 = arith.constant 0 : i32
        %dma_wait3A_108 = arith.constant 0 : i32
        %dma_wait3A_109 = tpu.memref_slice %arg6[%dma_wait3A_107, %dma_wait3A_108] : memref<80x128xi32, #tpu.memory_space<vmem>> -> memref<1x128xi32, #tpu.memory_space<vmem>>
        %dma_wait3A_110 = tpu.memref_squeeze %dma_wait3A_109 : memref<1x128xi32, #tpu.memory_space<vmem>> -> memref<128xi32, #tpu.memory_space<vmem>>
        %dma_wait3A_111 = arith.constant 0 : i32
        %dma_wait3A_112 = arith.constant 0 : i32
        %dma_wait3A_113 = tpu.memref_slice %arg20[%dma_wait3A_111, %dma_wait3A_112] : memref<10240x8xf32, #tpu.memory_space<vmem_shared>> -> memref<10240x8xf32, #tpu.memory_space<vmem_shared>>
        tpu.wait_indirect_dma semaphore(%arg16 : memref<!tpu.dma_semaphore, #tpu.memory_space<semaphore_mem>>) src(%arg8 : memref<128x8xf32, #tpu.memory_space<vmem>>) dst(%dma_wait3A_113 : memref<10240x8xf32, #tpu.memory_space<vmem_shared>>)
      } else {
      }
      %dma_start3A = arith.constant 0 : i32
      %dma_start3A_57 = tpu.memref_slice %arg6[%add3A_54, %dma_start3A] : memref<80x128xi32, #tpu.memory_space<vmem>> -> memref<1x128xi32, #tpu.memory_space<vmem>>
      %dma_start3A_58 = tpu.memref_squeeze %dma_start3A_57 : memref<1x128xi32, #tpu.memory_space<vmem>> -> memref<128xi32, #tpu.memory_space<vmem>>
      %dma_start3A_59 = arith.constant 0 : i32
      %dma_start3A_60 = arith.constant 0 : i32
      %dma_start3A_61 = tpu.memref_slice %arg20[%dma_start3A_59, %dma_start3A_60] : memref<10240x8xf32, #tpu.memory_space<vmem_shared>> -> memref<10240x8xf32, #tpu.memory_space<vmem_shared>>
      tpu.enqueue_indirect_dma source(%arg8 : memref<128x8xf32, #tpu.memory_space<vmem>>) target(%dma_start3A_61 : memref<10240x8xf32, #tpu.memory_space<vmem_shared>>) offsets(%dma_start3A_58 : memref<128xi32, #tpu.memory_space<vmem>>) semaphore(%arg16 : memref<!tpu.dma_semaphore, #tpu.memory_space<semaphore_mem>>) {add = true}
      %mul3A_62 = arith.constant 4 : i32
      %mul3A_63 = arith.muli %add3A_50, %mul3A_62 : i32
      %add3A_64 = arith.constant 1 : i32
      %add3A_65 = arith.addi %mul3A_63, %add3A_64 : i32
      %gt3A_66 = arith.constant 0 : i32
      %gt3A_67 = arith.cmpi sgt, %add3A_50, %gt3A_66 : i32
      %convert_element_type3A_68 = arith.extui %gt3A_67 : i1 to i32
      %cond3A_69 = arith.constant 0 : i32
      %cond3A_70 = arith.cmpi ne, %convert_element_type3A_68, %cond3A_69 : i32
      scf.if %cond3A_70 {
        %dma_wait3A_107 = arith.constant 0 : i32
        %dma_wait3A_108 = arith.constant 0 : i32
        %dma_wait3A_109 = tpu.memref_slice %arg6[%dma_wait3A_107, %dma_wait3A_108] : memref<80x128xi32, #tpu.memory_space<vmem>> -> memref<1x128xi32, #tpu.memory_space<vmem>>
        %dma_wait3A_110 = tpu.memref_squeeze %dma_wait3A_109 : memref<1x128xi32, #tpu.memory_space<vmem>> -> memref<128xi32, #tpu.memory_space<vmem>>
        %dma_wait3A_111 = arith.constant 0 : i32
        %dma_wait3A_112 = arith.constant 0 : i32
        %dma_wait3A_113 = tpu.memref_slice %arg20[%dma_wait3A_111, %dma_wait3A_112] : memref<10240x8xf32, #tpu.memory_space<vmem_shared>> -> memref<10240x8xf32, #tpu.memory_space<vmem_shared>>
        tpu.wait_indirect_dma semaphore(%arg17 : memref<!tpu.dma_semaphore, #tpu.memory_space<semaphore_mem>>) src(%arg9 : memref<128x8xf32, #tpu.memory_space<vmem>>) dst(%dma_wait3A_113 : memref<10240x8xf32, #tpu.memory_space<vmem_shared>>)
      } else {
      }
      %dma_start3A_71 = arith.constant 0 : i32
      %dma_start3A_72 = tpu.memref_slice %arg6[%add3A_65, %dma_start3A_71] : memref<80x128xi32, #tpu.memory_space<vmem>> -> memref<1x128xi32, #tpu.memory_space<vmem>>
      %dma_start3A_73 = tpu.memref_squeeze %dma_start3A_72 : memref<1x128xi32, #tpu.memory_space<vmem>> -> memref<128xi32, #tpu.memory_space<vmem>>
      %dma_start3A_74 = arith.constant 0 : i32
      %dma_start3A_75 = arith.constant 0 : i32
      %dma_start3A_76 = tpu.memref_slice %arg20[%dma_start3A_74, %dma_start3A_75] : memref<10240x8xf32, #tpu.memory_space<vmem_shared>> -> memref<10240x8xf32, #tpu.memory_space<vmem_shared>>
      tpu.enqueue_indirect_dma source(%arg9 : memref<128x8xf32, #tpu.memory_space<vmem>>) target(%dma_start3A_76 : memref<10240x8xf32, #tpu.memory_space<vmem_shared>>) offsets(%dma_start3A_73 : memref<128xi32, #tpu.memory_space<vmem>>) semaphore(%arg17 : memref<!tpu.dma_semaphore, #tpu.memory_space<semaphore_mem>>) {add = true}
      %mul3A_77 = arith.constant 4 : i32
      %mul3A_78 = arith.muli %add3A_50, %mul3A_77 : i32
      %add3A_79 = arith.constant 2 : i32
      %add3A_80 = arith.addi %mul3A_78, %add3A_79 : i32
      %gt3A_81 = arith.constant 0 : i32
      %gt3A_82 = arith.cmpi sgt, %add3A_50, %gt3A_81 : i32
      %convert_element_type3A_83 = arith.extui %gt3A_82 : i1 to i32
      %cond3A_84 = arith.constant 0 : i32
      %cond3A_85 = arith.cmpi ne, %convert_element_type3A_83, %cond3A_84 : i32
      scf.if %cond3A_85 {
        %dma_wait3A_107 = arith.constant 0 : i32
        %dma_wait3A_108 = arith.constant 0 : i32
        %dma_wait3A_109 = tpu.memref_slice %arg6[%dma_wait3A_107, %dma_wait3A_108] : memref<80x128xi32, #tpu.memory_space<vmem>> -> memref<1x128xi32, #tpu.memory_space<vmem>>
        %dma_wait3A_110 = tpu.memref_squeeze %dma_wait3A_109 : memref<1x128xi32, #tpu.memory_space<vmem>> -> memref<128xi32, #tpu.memory_space<vmem>>
        %dma_wait3A_111 = arith.constant 0 : i32
        %dma_wait3A_112 = arith.constant 0 : i32
        %dma_wait3A_113 = tpu.memref_slice %arg20[%dma_wait3A_111, %dma_wait3A_112] : memref<10240x8xf32, #tpu.memory_space<vmem_shared>> -> memref<10240x8xf32, #tpu.memory_space<vmem_shared>>
        tpu.wait_indirect_dma semaphore(%arg18 : memref<!tpu.dma_semaphore, #tpu.memory_space<semaphore_mem>>) src(%arg10 : memref<128x8xf32, #tpu.memory_space<vmem>>) dst(%dma_wait3A_113 : memref<10240x8xf32, #tpu.memory_space<vmem_shared>>)
      } else {
      }
      %dma_start3A_86 = arith.constant 0 : i32
      %dma_start3A_87 = tpu.memref_slice %arg6[%add3A_80, %dma_start3A_86] : memref<80x128xi32, #tpu.memory_space<vmem>> -> memref<1x128xi32, #tpu.memory_space<vmem>>
      %dma_start3A_88 = tpu.memref_squeeze %dma_start3A_87 : memref<1x128xi32, #tpu.memory_space<vmem>> -> memref<128xi32, #tpu.memory_space<vmem>>
      %dma_start3A_89 = arith.constant 0 : i32
      %dma_start3A_90 = arith.constant 0 : i32
      %dma_start3A_91 = tpu.memref_slice %arg20[%dma_start3A_89, %dma_start3A_90] : memref<10240x8xf32, #tpu.memory_space<vmem_shared>> -> memref<10240x8xf32, #tpu.memory_space<vmem_shared>>
      tpu.enqueue_indirect_dma source(%arg10 : memref<128x8xf32, #tpu.memory_space<vmem>>) target(%dma_start3A_91 : memref<10240x8xf32, #tpu.memory_space<vmem_shared>>) offsets(%dma_start3A_88 : memref<128xi32, #tpu.memory_space<vmem>>) semaphore(%arg18 : memref<!tpu.dma_semaphore, #tpu.memory_space<semaphore_mem>>) {add = true}
      %mul3A_92 = arith.constant 4 : i32
      %mul3A_93 = arith.muli %add3A_50, %mul3A_92 : i32
      %add3A_94 = arith.constant 3 : i32
      %add3A_95 = arith.addi %mul3A_93, %add3A_94 : i32
      %gt3A_96 = arith.constant 0 : i32
      %gt3A_97 = arith.cmpi sgt, %add3A_50, %gt3A_96 : i32
      %convert_element_type3A_98 = arith.extui %gt3A_97 : i1 to i32
      %cond3A_99 = arith.constant 0 : i32
      %cond3A_100 = arith.cmpi ne, %convert_element_type3A_98, %cond3A_99 : i32
      scf.if %cond3A_100 {
        %dma_wait3A_107 = arith.constant 0 : i32
        %dma_wait3A_108 = arith.constant 0 : i32
        %dma_wait3A_109 = tpu.memref_slice %arg6[%dma_wait3A_107, %dma_wait3A_108] : memref<80x128xi32, #tpu.memory_space<vmem>> -> memref<1x128xi32, #tpu.memory_space<vmem>>
        %dma_wait3A_110 = tpu.memref_squeeze %dma_wait3A_109 : memref<1x128xi32, #tpu.memory_space<vmem>> -> memref<128xi32, #tpu.memory_space<vmem>>
        %dma_wait3A_111 = arith.constant 0 : i32
        %dma_wait3A_112 = arith.constant 0 : i32
        %dma_wait3A_113 = tpu.memref_slice %arg20[%dma_wait3A_111, %dma_wait3A_112] : memref<10240x8xf32, #tpu.memory_space<vmem_shared>> -> memref<10240x8xf32, #tpu.memory_space<vmem_shared>>
        tpu.wait_indirect_dma semaphore(%arg19 : memref<!tpu.dma_semaphore, #tpu.memory_space<semaphore_mem>>) src(%arg11 : memref<128x8xf32, #tpu.memory_space<vmem>>) dst(%dma_wait3A_113 : memref<10240x8xf32, #tpu.memory_space<vmem_shared>>)
      } else {
      }
      %dma_start3A_101 = arith.constant 0 : i32
      %dma_start3A_102 = tpu.memref_slice %arg6[%add3A_95, %dma_start3A_101] : memref<80x128xi32, #tpu.memory_space<vmem>> -> memref<1x128xi32, #tpu.memory_space<vmem>>
      %dma_start3A_103 = tpu.memref_squeeze %dma_start3A_102 : memref<1x128xi32, #tpu.memory_space<vmem>> -> memref<128xi32, #tpu.memory_space<vmem>>
      %dma_start3A_104 = arith.constant 0 : i32
      %dma_start3A_105 = arith.constant 0 : i32
      %dma_start3A_106 = tpu.memref_slice %arg20[%dma_start3A_104, %dma_start3A_105] : memref<10240x8xf32, #tpu.memory_space<vmem_shared>> -> memref<10240x8xf32, #tpu.memory_space<vmem_shared>>
      tpu.enqueue_indirect_dma source(%arg11 : memref<128x8xf32, #tpu.memory_space<vmem>>) target(%dma_start3A_106 : memref<10240x8xf32, #tpu.memory_space<vmem_shared>>) offsets(%dma_start3A_103 : memref<128xi32, #tpu.memory_space<vmem>>) semaphore(%arg19 : memref<!tpu.dma_semaphore, #tpu.memory_space<semaphore_mem>>) {add = true}
    }
    %scan3A_13 = arith.constant 20 : i32
    %dma_wait3A = arith.constant 0 : i32
    %dma_wait3A_14 = arith.constant 0 : i32
    %dma_wait3A_15 = tpu.memref_slice %arg6[%dma_wait3A, %dma_wait3A_14] : memref<80x128xi32, #tpu.memory_space<vmem>> -> memref<1x128xi32, #tpu.memory_space<vmem>>
    %dma_wait3A_16 = tpu.memref_squeeze %dma_wait3A_15 : memref<1x128xi32, #tpu.memory_space<vmem>> -> memref<128xi32, #tpu.memory_space<vmem>>
    %dma_wait3A_17 = arith.constant 0 : i32
    %dma_wait3A_18 = arith.constant 0 : i32
    %dma_wait3A_19 = tpu.memref_slice %arg20[%dma_wait3A_17, %dma_wait3A_18] : memref<10240x8xf32, #tpu.memory_space<vmem_shared>> -> memref<10240x8xf32, #tpu.memory_space<vmem_shared>>
    tpu.wait_indirect_dma semaphore(%arg16 : memref<!tpu.dma_semaphore, #tpu.memory_space<semaphore_mem>>) src(%arg8 : memref<128x8xf32, #tpu.memory_space<vmem>>) dst(%dma_wait3A_19 : memref<10240x8xf32, #tpu.memory_space<vmem_shared>>)
    %dma_wait3A_20 = arith.constant 0 : i32
    %dma_wait3A_21 = arith.constant 0 : i32
    %dma_wait3A_22 = tpu.memref_slice %arg6[%dma_wait3A_20, %dma_wait3A_21] : memref<80x128xi32, #tpu.memory_space<vmem>> -> memref<1x128xi32, #tpu.memory_space<vmem>>
    %dma_wait3A_23 = tpu.memref_squeeze %dma_wait3A_22 : memref<1x128xi32, #tpu.memory_space<vmem>> -> memref<128xi32, #tpu.memory_space<vmem>>
    %dma_wait3A_24 = arith.constant 0 : i32
    %dma_wait3A_25 = arith.constant 0 : i32
    %dma_wait3A_26 = tpu.memref_slice %arg20[%dma_wait3A_24, %dma_wait3A_25] : memref<10240x8xf32, #tpu.memory_space<vmem_shared>> -> memref<10240x8xf32, #tpu.memory_space<vmem_shared>>
    tpu.wait_indirect_dma semaphore(%arg17 : memref<!tpu.dma_semaphore, #tpu.memory_space<semaphore_mem>>) src(%arg9 : memref<128x8xf32, #tpu.memory_space<vmem>>) dst(%dma_wait3A_26 : memref<10240x8xf32, #tpu.memory_space<vmem_shared>>)
    %dma_wait3A_27 = arith.constant 0 : i32
    %dma_wait3A_28 = arith.constant 0 : i32
    %dma_wait3A_29 = tpu.memref_slice %arg6[%dma_wait3A_27, %dma_wait3A_28] : memref<80x128xi32, #tpu.memory_space<vmem>> -> memref<1x128xi32, #tpu.memory_space<vmem>>
    %dma_wait3A_30 = tpu.memref_squeeze %dma_wait3A_29 : memref<1x128xi32, #tpu.memory_space<vmem>> -> memref<128xi32, #tpu.memory_space<vmem>>
    %dma_wait3A_31 = arith.constant 0 : i32
    %dma_wait3A_32 = arith.constant 0 : i32
    %dma_wait3A_33 = tpu.memref_slice %arg20[%dma_wait3A_31, %dma_wait3A_32] : memref<10240x8xf32, #tpu.memory_space<vmem_shared>> -> memref<10240x8xf32, #tpu.memory_space<vmem_shared>>
    tpu.wait_indirect_dma semaphore(%arg18 : memref<!tpu.dma_semaphore, #tpu.memory_space<semaphore_mem>>) src(%arg10 : memref<128x8xf32, #tpu.memory_space<vmem>>) dst(%dma_wait3A_33 : memref<10240x8xf32, #tpu.memory_space<vmem_shared>>)
    %dma_wait3A_34 = arith.constant 0 : i32
    %dma_wait3A_35 = arith.constant 0 : i32
    %dma_wait3A_36 = tpu.memref_slice %arg6[%dma_wait3A_34, %dma_wait3A_35] : memref<80x128xi32, #tpu.memory_space<vmem>> -> memref<1x128xi32, #tpu.memory_space<vmem>>
    %dma_wait3A_37 = tpu.memref_squeeze %dma_wait3A_36 : memref<1x128xi32, #tpu.memory_space<vmem>> -> memref<128xi32, #tpu.memory_space<vmem>>
    %dma_wait3A_38 = arith.constant 0 : i32
    %dma_wait3A_39 = arith.constant 0 : i32
    %dma_wait3A_40 = tpu.memref_slice %arg20[%dma_wait3A_38, %dma_wait3A_39] : memref<10240x8xf32, #tpu.memory_space<vmem_shared>> -> memref<10240x8xf32, #tpu.memory_space<vmem_shared>>
    tpu.wait_indirect_dma semaphore(%arg19 : memref<!tpu.dma_semaphore, #tpu.memory_space<semaphore_mem>>) src(%arg11 : memref<128x8xf32, #tpu.memory_space<vmem>>) dst(%dma_wait3A_40 : memref<10240x8xf32, #tpu.memory_space<vmem_shared>>)
    %barrier3A_41 = arith.constant 0 : index
    tpu.barrier barrier_id(%barrier3A_41)
    %mul3A_42 = arith.constant 640 : i32
    %mul3A_43 = arith.muli %arg1, %mul3A_42 : i32
    %mul3A_44 = arith.constant 640 : i32
    %mul3A_45 = arith.muli %arg1, %mul3A_44 : i32
    "tpu.region"() ({
      %run_scoped3A_46 = tpu.sem_alloc : memref<!tpu.dma_semaphore, #tpu.memory_space<semaphore_mem>>
      %dma_start3A = arith.constant 0 : i32
      %dma_start3A_47 = tpu.memref_slice %arg5[%arg0, %mul3A_45, %dma_start3A] : memref<2x10240x8xf32, #tpu.memory_space<hbm>> -> memref<1x640x8xf32, #tpu.memory_space<hbm>>
      %dma_start3A_48 = tpu.memref_squeeze %dma_start3A_47 : memref<1x640x8xf32, #tpu.memory_space<hbm>> -> memref<640x8xf32, #tpu.memory_space<hbm>>
      %dma_start3A_49 = arith.constant 0 : i32
      %dma_start3A_50 = tpu.memref_slice %arg20[%mul3A_43, %dma_start3A_49] : memref<10240x8xf32, #tpu.memory_space<vmem_shared>> -> memref<640x8xf32, #tpu.memory_space<vmem_shared>>
      tpu.enqueue_dma source(%dma_start3A_50 : memref<640x8xf32, #tpu.memory_space<vmem_shared>>) target(%dma_start3A_48 : memref<640x8xf32, #tpu.memory_space<hbm>>) target_semaphore(%run_scoped3A_46 : memref<!tpu.dma_semaphore, #tpu.memory_space<semaphore_mem>>)
      %dma_wait3A_51 = arith.constant 0 : i32
      %dma_wait3A_52 = tpu.memref_slice %arg5[%arg0, %mul3A_45, %dma_wait3A_51] : memref<2x10240x8xf32, #tpu.memory_space<hbm>> -> memref<1x640x8xf32, #tpu.memory_space<hbm>>
      %dma_wait3A_53 = tpu.memref_squeeze %dma_wait3A_52 : memref<1x640x8xf32, #tpu.memory_space<hbm>> -> memref<640x8xf32, #tpu.memory_space<hbm>>
      %dma_wait3A_54 = arith.constant 0 : i32
      %dma_wait3A_55 = tpu.memref_slice %arg20[%mul3A_43, %dma_wait3A_54] : memref<10240x8xf32, #tpu.memory_space<vmem_shared>> -> memref<640x8xf32, #tpu.memory_space<vmem_shared>>
      tpu.wait_dma2 semaphore(%run_scoped3A_46 : memref<!tpu.dma_semaphore, #tpu.memory_space<semaphore_mem>>) src(%dma_wait3A_55 : memref<640x8xf32, #tpu.memory_space<vmem_shared>>) dst(%dma_wait3A_53 : memref<640x8xf32, #tpu.memory_space<hbm>>)
      tpu.yield
    }) : () -> ()
    return
  }
}

#map = affine_map<(d0, d1) -> (0, 0, 0, 0)>
#map1 = affine_map<(d0, d1) -> (0, 0)>
#map2 = affine_map<(d0, d1) -> (0, 0, 0)>
module attributes {stable_mosaic.version = 14 : i64} {
  func.func @sc_scatter_f32(%arg0: i32, %arg1: i32, %arg2: memref<2x32x80x128xi32, #tpu.memory_space<hbm>>, %arg3: memref<640x32xf32, #tpu.memory_space<hbm>>, %arg4: memref<10240x32xf32, #tpu.memory_space<hbm>>, %arg5: memref<2x10240x32xf32, #tpu.memory_space<hbm>>, %arg6: memref<80x128xi32, #tpu.memory_space<vmem>>, %arg7: memref<80x128xi32, #tpu.memory_space<vmem>>, %arg8: memref<128x32xf32, #tpu.memory_space<vmem>>, %arg9: memref<128x32xf32, #tpu.memory_space<vmem>>, %arg10: memref<128x32xf32, #tpu.memory_space<vmem>>, %arg11: memref<128x32xf32, #tpu.memory_space<vmem>>, %arg12: memref<128x32xf32, #tpu.memory_space<vmem>>, %arg13: memref<128x32xf32, #tpu.memory_space<vmem>>, %arg14: memref<128x32xf32, #tpu.memory_space<vmem>>, %arg15: memref<128x32xf32, #tpu.memory_space<vmem>>, %arg16: memref<!tpu.dma_semaphore, #tpu.memory_space<semaphore_mem>>, %arg17: memref<!tpu.dma_semaphore, #tpu.memory_space<semaphore_mem>>, %arg18: memref<!tpu.dma_semaphore, #tpu.memory_space<semaphore_mem>>, %arg19: memref<!tpu.dma_semaphore, #tpu.memory_space<semaphore_mem>>, %arg20: memref<!tpu.dma_semaphore, #tpu.memory_space<semaphore_mem>>, %arg21: memref<!tpu.dma_semaphore, #tpu.memory_space<semaphore_mem>>, %arg22: memref<!tpu.dma_semaphore, #tpu.memory_space<semaphore_mem>>, %arg23: memref<!tpu.dma_semaphore, #tpu.memory_space<semaphore_mem>>, %arg24: memref<!tpu.dma_semaphore, #tpu.memory_space<semaphore_mem>>, %arg25: memref<!tpu.dma_semaphore, #tpu.memory_space<semaphore_mem>>, %arg26: memref<!tpu.dma_semaphore, #tpu.memory_space<semaphore_mem>>, %arg27: memref<!tpu.dma_semaphore, #tpu.memory_space<semaphore_mem>>, %arg28: memref<!tpu.dma_semaphore, #tpu.memory_space<semaphore_mem>>, %arg29: memref<!tpu.dma_semaphore, #tpu.memory_space<semaphore_mem>>, %arg30: memref<!tpu.dma_semaphore, #tpu.memory_space<semaphore_mem>>, %arg31: memref<!tpu.dma_semaphore, #tpu.memory_space<semaphore_mem>>, %arg32: memref<10240x32xf32, #tpu.memory_space<vmem_shared>>, %arg33: memref<10240x32xf32, #tpu.memory_space<vmem_shared>>) attributes {dimension_semantics = [#tpu.dimension_semantics<core_parallel>, #tpu.dimension_semantics<subcore_parallel>], iteration_bounds = array<i64: 2, 16>, scalar_prefetch = 0 : i64, scratch_operands = 28 : i64, tpu.core_type = #tpu.core_type<sc_vector_subcore>, window_params = [{transform_indices = #map}, {transform_indices = #map1}, {transform_indices = #map1}, {transform_indices = #map2}]} {
    %mul3A = arith.constant 2 : i32
    %mul3A_0 = arith.muli %arg1, %mul3A : i32
    %add3A = arith.addi %mul3A_0, %arg0 : i32
    %mul3A_1 = arith.constant 640 : i32
    %mul3A_2 = arith.muli %arg1, %mul3A_1 : i32
    "tpu.region"() ({
      %run_scoped3A_78 = tpu.sem_alloc : memref<!tpu.dma_semaphore, #tpu.memory_space<semaphore_mem>>
      %dma_start3A = arith.constant 0 : i32
      %dma_start3A_79 = tpu.memref_slice %arg32[%mul3A_2, %dma_start3A] : memref<10240x32xf32, #tpu.memory_space<vmem_shared>> -> memref<640x32xf32, #tpu.memory_space<vmem_shared>>
      tpu.enqueue_dma source(%arg3 : memref<640x32xf32, #tpu.memory_space<hbm>>) target(%dma_start3A_79 : memref<640x32xf32, #tpu.memory_space<vmem_shared>>) target_semaphore(%run_scoped3A_78 : memref<!tpu.dma_semaphore, #tpu.memory_space<semaphore_mem>>)
      %dma_wait3A_80 = arith.constant 0 : i32
      %dma_wait3A_81 = tpu.memref_slice %arg32[%mul3A_2, %dma_wait3A_80] : memref<10240x32xf32, #tpu.memory_space<vmem_shared>> -> memref<640x32xf32, #tpu.memory_space<vmem_shared>>
      tpu.wait_dma2 semaphore(%run_scoped3A_78 : memref<!tpu.dma_semaphore, #tpu.memory_space<semaphore_mem>>) src(%arg3 : memref<640x32xf32, #tpu.memory_space<hbm>>) dst(%dma_wait3A_81 : memref<640x32xf32, #tpu.memory_space<vmem_shared>>)
      tpu.yield
    }) : () -> ()
    %mul3A_3 = arith.constant 640 : i32
    %mul3A_4 = arith.muli %arg1, %mul3A_3 : i32
    %mul3A_5 = arith.constant 640 : i32
    %mul3A_6 = arith.muli %arg1, %mul3A_5 : i32
    "tpu.region"() ({
      %run_scoped3A_78 = tpu.sem_alloc : memref<!tpu.dma_semaphore, #tpu.memory_space<semaphore_mem>>
      %dma_start3A = arith.constant 0 : i32
      %dma_start3A_79 = tpu.memref_slice %arg33[%mul3A_6, %dma_start3A] : memref<10240x32xf32, #tpu.memory_space<vmem_shared>> -> memref<640x32xf32, #tpu.memory_space<vmem_shared>>
      %dma_start3A_80 = arith.constant 0 : i32
      %dma_start3A_81 = tpu.memref_slice %arg4[%mul3A_4, %dma_start3A_80] : memref<10240x32xf32, #tpu.memory_space<hbm>> -> memref<640x32xf32, #tpu.memory_space<hbm>>
      tpu.enqueue_dma source(%dma_start3A_81 : memref<640x32xf32, #tpu.memory_space<hbm>>) target(%dma_start3A_79 : memref<640x32xf32, #tpu.memory_space<vmem_shared>>) target_semaphore(%run_scoped3A_78 : memref<!tpu.dma_semaphore, #tpu.memory_space<semaphore_mem>>)
      %dma_wait3A_82 = arith.constant 0 : i32
      %dma_wait3A_83 = tpu.memref_slice %arg33[%mul3A_6, %dma_wait3A_82] : memref<10240x32xf32, #tpu.memory_space<vmem_shared>> -> memref<640x32xf32, #tpu.memory_space<vmem_shared>>
      %dma_wait3A_84 = arith.constant 0 : i32
      %dma_wait3A_85 = tpu.memref_slice %arg4[%mul3A_4, %dma_wait3A_84] : memref<10240x32xf32, #tpu.memory_space<hbm>> -> memref<640x32xf32, #tpu.memory_space<hbm>>
      tpu.wait_dma2 semaphore(%run_scoped3A_78 : memref<!tpu.dma_semaphore, #tpu.memory_space<semaphore_mem>>) src(%dma_wait3A_85 : memref<640x32xf32, #tpu.memory_space<hbm>>) dst(%dma_wait3A_83 : memref<640x32xf32, #tpu.memory_space<vmem_shared>>)
      tpu.yield
    }) : () -> ()
    %run_scoped3A = arith.constant 0 : i32
    "tpu.region"() ({
      %run_scoped3A_78 = tpu.sem_alloc : memref<!tpu.dma_semaphore, #tpu.memory_space<semaphore_mem>>
      %dma_start3A = arith.constant 0 : i32
      %dma_start3A_79 = arith.constant 0 : i32
      %dma_start3A_80 = tpu.memref_slice %arg2[%run_scoped3A, %add3A, %dma_start3A, %dma_start3A_79] : memref<2x32x80x128xi32, #tpu.memory_space<hbm>> -> memref<1x1x80x128xi32, #tpu.memory_space<hbm>>
      %dma_start3A_81 = tpu.memref_squeeze %dma_start3A_80 : memref<1x1x80x128xi32, #tpu.memory_space<hbm>> -> memref<80x128xi32, #tpu.memory_space<hbm>>
      %dma_start3A_82 = arith.constant 0 : i32
      %dma_start3A_83 = arith.constant 0 : i32
      %dma_start3A_84 = tpu.memref_slice %arg2[%run_scoped3A, %add3A, %dma_start3A_82, %dma_start3A_83] : memref<2x32x80x128xi32, #tpu.memory_space<hbm>> -> memref<1x1x80x128xi32, #tpu.memory_space<hbm>>
      %dma_start3A_85 = tpu.memref_squeeze %dma_start3A_84 : memref<1x1x80x128xi32, #tpu.memory_space<hbm>> -> memref<80x128xi32, #tpu.memory_space<hbm>>
      tpu.enqueue_dma source(%dma_start3A_85 : memref<80x128xi32, #tpu.memory_space<hbm>>) target(%arg6 : memref<80x128xi32, #tpu.memory_space<vmem>>) target_semaphore(%run_scoped3A_78 : memref<!tpu.dma_semaphore, #tpu.memory_space<semaphore_mem>>)
      %dma_wait3A_86 = arith.constant 0 : i32
      %dma_wait3A_87 = arith.constant 0 : i32
      %dma_wait3A_88 = tpu.memref_slice %arg2[%run_scoped3A, %add3A, %dma_wait3A_86, %dma_wait3A_87] : memref<2x32x80x128xi32, #tpu.memory_space<hbm>> -> memref<1x1x80x128xi32, #tpu.memory_space<hbm>>
      %dma_wait3A_89 = tpu.memref_squeeze %dma_wait3A_88 : memref<1x1x80x128xi32, #tpu.memory_space<hbm>> -> memref<80x128xi32, #tpu.memory_space<hbm>>
      %dma_wait3A_90 = arith.constant 0 : i32
      %dma_wait3A_91 = arith.constant 0 : i32
      %dma_wait3A_92 = tpu.memref_slice %arg2[%run_scoped3A, %add3A, %dma_wait3A_90, %dma_wait3A_91] : memref<2x32x80x128xi32, #tpu.memory_space<hbm>> -> memref<1x1x80x128xi32, #tpu.memory_space<hbm>>
      %dma_wait3A_93 = tpu.memref_squeeze %dma_wait3A_92 : memref<1x1x80x128xi32, #tpu.memory_space<hbm>> -> memref<80x128xi32, #tpu.memory_space<hbm>>
      tpu.wait_dma2 semaphore(%run_scoped3A_78 : memref<!tpu.dma_semaphore, #tpu.memory_space<semaphore_mem>>) src(%dma_wait3A_93 : memref<80x128xi32, #tpu.memory_space<hbm>>) dst(%arg6 : memref<80x128xi32, #tpu.memory_space<vmem>>)
      tpu.yield
    }) : () -> ()
    %run_scoped3A_7 = arith.constant 1 : i32
    "tpu.region"() ({
      %run_scoped3A_78 = tpu.sem_alloc : memref<!tpu.dma_semaphore, #tpu.memory_space<semaphore_mem>>
      %dma_start3A = arith.constant 0 : i32
      %dma_start3A_79 = arith.constant 0 : i32
      %dma_start3A_80 = tpu.memref_slice %arg2[%run_scoped3A_7, %add3A, %dma_start3A, %dma_start3A_79] : memref<2x32x80x128xi32, #tpu.memory_space<hbm>> -> memref<1x1x80x128xi32, #tpu.memory_space<hbm>>
      %dma_start3A_81 = tpu.memref_squeeze %dma_start3A_80 : memref<1x1x80x128xi32, #tpu.memory_space<hbm>> -> memref<80x128xi32, #tpu.memory_space<hbm>>
      %dma_start3A_82 = arith.constant 0 : i32
      %dma_start3A_83 = arith.constant 0 : i32
      %dma_start3A_84 = tpu.memref_slice %arg2[%run_scoped3A_7, %add3A, %dma_start3A_82, %dma_start3A_83] : memref<2x32x80x128xi32, #tpu.memory_space<hbm>> -> memref<1x1x80x128xi32, #tpu.memory_space<hbm>>
      %dma_start3A_85 = tpu.memref_squeeze %dma_start3A_84 : memref<1x1x80x128xi32, #tpu.memory_space<hbm>> -> memref<80x128xi32, #tpu.memory_space<hbm>>
      tpu.enqueue_dma source(%dma_start3A_85 : memref<80x128xi32, #tpu.memory_space<hbm>>) target(%arg7 : memref<80x128xi32, #tpu.memory_space<vmem>>) target_semaphore(%run_scoped3A_78 : memref<!tpu.dma_semaphore, #tpu.memory_space<semaphore_mem>>)
      %dma_wait3A_86 = arith.constant 0 : i32
      %dma_wait3A_87 = arith.constant 0 : i32
      %dma_wait3A_88 = tpu.memref_slice %arg2[%run_scoped3A_7, %add3A, %dma_wait3A_86, %dma_wait3A_87] : memref<2x32x80x128xi32, #tpu.memory_space<hbm>> -> memref<1x1x80x128xi32, #tpu.memory_space<hbm>>
      %dma_wait3A_89 = tpu.memref_squeeze %dma_wait3A_88 : memref<1x1x80x128xi32, #tpu.memory_space<hbm>> -> memref<80x128xi32, #tpu.memory_space<hbm>>
      %dma_wait3A_90 = arith.constant 0 : i32
      %dma_wait3A_91 = arith.constant 0 : i32
      %dma_wait3A_92 = tpu.memref_slice %arg2[%run_scoped3A_7, %add3A, %dma_wait3A_90, %dma_wait3A_91] : memref<2x32x80x128xi32, #tpu.memory_space<hbm>> -> memref<1x1x80x128xi32, #tpu.memory_space<hbm>>
      %dma_wait3A_93 = tpu.memref_squeeze %dma_wait3A_92 : memref<1x1x80x128xi32, #tpu.memory_space<hbm>> -> memref<80x128xi32, #tpu.memory_space<hbm>>
      tpu.wait_dma2 semaphore(%run_scoped3A_78 : memref<!tpu.dma_semaphore, #tpu.memory_space<semaphore_mem>>) src(%dma_wait3A_93 : memref<80x128xi32, #tpu.memory_space<hbm>>) dst(%arg7 : memref<80x128xi32, #tpu.memory_space<vmem>>)
      tpu.yield
    }) : () -> ()
    %broadcast_in_dim3A = arith.constant 10000 : i32
    %broadcast_in_dim3A_8 = vector.broadcast %broadcast_in_dim3A : i32 to vector<16xi32>
    %scan3A = arith.constant 0 : i32
    %scan3A_9 = arith.constant 80 : i32
    %scan3A_10 = arith.addi %scan3A, %scan3A_9 : i32
    %scan3A_11 = arith.constant 1 : i32
    scf.for %scan3A_78 = %scan3A to %scan3A_10 step %scan3A_11  : i32 {
      %mul3A_79 = arith.constant 1 : i32
      %mul3A_80 = arith.muli %scan3A_78, %mul3A_79 : i32
      %add3A_81 = arith.constant 0 : i32
      %add3A_82 = arith.addi %add3A_81, %mul3A_80 : i32
      %get3A = arith.index_cast %add3A_82 : i32 to index
      %get3A_83 = arith.constant 0 : index
      %get3A_84 = tpu.vector_load %arg6[%get3A, %get3A_83] {strides = array<i32>} : memref<80x128xi32, #tpu.memory_space<vmem>>, vector<1x16xi32>,
      %get3A_85 = vector.shape_cast %get3A_84 : vector<1x16xi32> to vector<16xi32>
      %get3A_86 = arith.index_cast %add3A_82 : i32 to index
      %get3A_87 = arith.constant 0 : index
      %get3A_88 = tpu.vector_load %arg7[%get3A_86, %get3A_87] {strides = array<i32>} : memref<80x128xi32, #tpu.memory_space<vmem>>, vector<1x16xi32>,
      %get3A_89 = vector.shape_cast %get3A_88 : vector<1x16xi32> to vector<16xi32>
      %eq3A = arith.cmpi eq, %get3A_85, %get3A_89 : vector<16xi32>
      %select_n3A = arith.select %eq3A, %broadcast_in_dim3A_8, %get3A_89 : vector<16xi1>, vector<16xi32>
      %swap3A = arith.index_cast %add3A_82 : i32 to index
      %swap3A_90 = arith.constant 0 : index
      %swap3A_91 = tpu.vector_load %arg7[%swap3A, %swap3A_90] {strides = array<i32>} : memref<80x128xi32, #tpu.memory_space<vmem>>, vector<1x16xi32>,
      %swap3A_92 = vector.shape_cast %swap3A_91 : vector<1x16xi32> to vector<16xi32>
      %swap3A_93 = vector.shape_cast %select_n3A : vector<16xi32> to vector<1x16xi32>
      tpu.vector_store %arg7[%swap3A, %swap3A_90], %swap3A_93 {strides = array<i32>} : memref<80x128xi32, #tpu.memory_space<vmem>>, vector<1x16xi32>,
      %get3A_94 = arith.index_cast %add3A_82 : i32 to index
      %get3A_95 = arith.constant 16 : index
      %get3A_96 = tpu.vector_load %arg6[%get3A_94, %get3A_95] {strides = array<i32>} : memref<80x128xi32, #tpu.memory_space<vmem>>, vector<1x16xi32>,
      %get3A_97 = vector.shape_cast %get3A_96 : vector<1x16xi32> to vector<16xi32>
      %get3A_98 = arith.index_cast %add3A_82 : i32 to index
      %get3A_99 = arith.constant 16 : index
      %get3A_100 = tpu.vector_load %arg7[%get3A_98, %get3A_99] {strides = array<i32>} : memref<80x128xi32, #tpu.memory_space<vmem>>, vector<1x16xi32>,
      %get3A_101 = vector.shape_cast %get3A_100 : vector<1x16xi32> to vector<16xi32>
      %eq3A_102 = arith.cmpi eq, %get3A_97, %get3A_101 : vector<16xi32>
      %select_n3A_103 = arith.select %eq3A_102, %broadcast_in_dim3A_8, %get3A_101 : vector<16xi1>, vector<16xi32>
      %swap3A_104 = arith.index_cast %add3A_82 : i32 to index
      %swap3A_105 = arith.constant 16 : index
      %swap3A_106 = tpu.vector_load %arg7[%swap3A_104, %swap3A_105] {strides = array<i32>} : memref<80x128xi32, #tpu.memory_space<vmem>>, vector<1x16xi32>,
      %swap3A_107 = vector.shape_cast %swap3A_106 : vector<1x16xi32> to vector<16xi32>
      %swap3A_108 = vector.shape_cast %select_n3A_103 : vector<16xi32> to vector<1x16xi32>
      tpu.vector_store %arg7[%swap3A_104, %swap3A_105], %swap3A_108 {strides = array<i32>} : memref<80x128xi32, #tpu.memory_space<vmem>>, vector<1x16xi32>,
      %get3A_109 = arith.index_cast %add3A_82 : i32 to index
      %get3A_110 = arith.constant 32 : index
      %get3A_111 = tpu.vector_load %arg6[%get3A_109, %get3A_110] {strides = array<i32>} : memref<80x128xi32, #tpu.memory_space<vmem>>, vector<1x16xi32>,
      %get3A_112 = vector.shape_cast %get3A_111 : vector<1x16xi32> to vector<16xi32>
      %get3A_113 = arith.index_cast %add3A_82 : i32 to index
      %get3A_114 = arith.constant 32 : index
      %get3A_115 = tpu.vector_load %arg7[%get3A_113, %get3A_114] {strides = array<i32>} : memref<80x128xi32, #tpu.memory_space<vmem>>, vector<1x16xi32>,
      %get3A_116 = vector.shape_cast %get3A_115 : vector<1x16xi32> to vector<16xi32>
      %eq3A_117 = arith.cmpi eq, %get3A_112, %get3A_116 : vector<16xi32>
      %select_n3A_118 = arith.select %eq3A_117, %broadcast_in_dim3A_8, %get3A_116 : vector<16xi1>, vector<16xi32>
      %swap3A_119 = arith.index_cast %add3A_82 : i32 to index
      %swap3A_120 = arith.constant 32 : index
      %swap3A_121 = tpu.vector_load %arg7[%swap3A_119, %swap3A_120] {strides = array<i32>} : memref<80x128xi32, #tpu.memory_space<vmem>>, vector<1x16xi32>,
      %swap3A_122 = vector.shape_cast %swap3A_121 : vector<1x16xi32> to vector<16xi32>
      %swap3A_123 = vector.shape_cast %select_n3A_118 : vector<16xi32> to vector<1x16xi32>
      tpu.vector_store %arg7[%swap3A_119, %swap3A_120], %swap3A_123 {strides = array<i32>} : memref<80x128xi32, #tpu.memory_space<vmem>>, vector<1x16xi32>,
      %get3A_124 = arith.index_cast %add3A_82 : i32 to index
      %get3A_125 = arith.constant 48 : index
      %get3A_126 = tpu.vector_load %arg6[%get3A_124, %get3A_125] {strides = array<i32>} : memref<80x128xi32, #tpu.memory_space<vmem>>, vector<1x16xi32>,
      %get3A_127 = vector.shape_cast %get3A_126 : vector<1x16xi32> to vector<16xi32>
      %get3A_128 = arith.index_cast %add3A_82 : i32 to index
      %get3A_129 = arith.constant 48 : index
      %get3A_130 = tpu.vector_load %arg7[%get3A_128, %get3A_129] {strides = array<i32>} : memref<80x128xi32, #tpu.memory_space<vmem>>, vector<1x16xi32>,
      %get3A_131 = vector.shape_cast %get3A_130 : vector<1x16xi32> to vector<16xi32>
      %eq3A_132 = arith.cmpi eq, %get3A_127, %get3A_131 : vector<16xi32>
      %select_n3A_133 = arith.select %eq3A_132, %broadcast_in_dim3A_8, %get3A_131 : vector<16xi1>, vector<16xi32>
      %swap3A_134 = arith.index_cast %add3A_82 : i32 to index
      %swap3A_135 = arith.constant 48 : index
      %swap3A_136 = tpu.vector_load %arg7[%swap3A_134, %swap3A_135] {strides = array<i32>} : memref<80x128xi32, #tpu.memory_space<vmem>>, vector<1x16xi32>,
      %swap3A_137 = vector.shape_cast %swap3A_136 : vector<1x16xi32> to vector<16xi32>
      %swap3A_138 = vector.shape_cast %select_n3A_133 : vector<16xi32> to vector<1x16xi32>
      tpu.vector_store %arg7[%swap3A_134, %swap3A_135], %swap3A_138 {strides = array<i32>} : memref<80x128xi32, #tpu.memory_space<vmem>>, vector<1x16xi32>,
      %get3A_139 = arith.index_cast %add3A_82 : i32 to index
      %get3A_140 = arith.constant 64 : index
      %get3A_141 = tpu.vector_load %arg6[%get3A_139, %get3A_140] {strides = array<i32>} : memref<80x128xi32, #tpu.memory_space<vmem>>, vector<1x16xi32>,
      %get3A_142 = vector.shape_cast %get3A_141 : vector<1x16xi32> to vector<16xi32>
      %get3A_143 = arith.index_cast %add3A_82 : i32 to index
      %get3A_144 = arith.constant 64 : index
      %get3A_145 = tpu.vector_load %arg7[%get3A_143, %get3A_144] {strides = array<i32>} : memref<80x128xi32, #tpu.memory_space<vmem>>, vector<1x16xi32>,
      %get3A_146 = vector.shape_cast %get3A_145 : vector<1x16xi32> to vector<16xi32>
      %eq3A_147 = arith.cmpi eq, %get3A_142, %get3A_146 : vector<16xi32>
      %select_n3A_148 = arith.select %eq3A_147, %broadcast_in_dim3A_8, %get3A_146 : vector<16xi1>, vector<16xi32>
      %swap3A_149 = arith.index_cast %add3A_82 : i32 to index
      %swap3A_150 = arith.constant 64 : index
      %swap3A_151 = tpu.vector_load %arg7[%swap3A_149, %swap3A_150] {strides = array<i32>} : memref<80x128xi32, #tpu.memory_space<vmem>>, vector<1x16xi32>,
      %swap3A_152 = vector.shape_cast %swap3A_151 : vector<1x16xi32> to vector<16xi32>
      %swap3A_153 = vector.shape_cast %select_n3A_148 : vector<16xi32> to vector<1x16xi32>
      tpu.vector_store %arg7[%swap3A_149, %swap3A_150], %swap3A_153 {strides = array<i32>} : memref<80x128xi32, #tpu.memory_space<vmem>>, vector<1x16xi32>,
      %get3A_154 = arith.index_cast %add3A_82 : i32 to index
      %get3A_155 = arith.constant 80 : index
      %get3A_156 = tpu.vector_load %arg6[%get3A_154, %get3A_155] {strides = array<i32>} : memref<80x128xi32, #tpu.memory_space<vmem>>, vector<1x16xi32>,
      %get3A_157 = vector.shape_cast %get3A_156 : vector<1x16xi32> to vector<16xi32>
      %get3A_158 = arith.index_cast %add3A_82 : i32 to index
      %get3A_159 = arith.constant 80 : index
      %get3A_160 = tpu.vector_load %arg7[%get3A_158, %get3A_159] {strides = array<i32>} : memref<80x128xi32, #tpu.memory_space<vmem>>, vector<1x16xi32>,
      %get3A_161 = vector.shape_cast %get3A_160 : vector<1x16xi32> to vector<16xi32>
      %eq3A_162 = arith.cmpi eq, %get3A_157, %get3A_161 : vector<16xi32>
      %select_n3A_163 = arith.select %eq3A_162, %broadcast_in_dim3A_8, %get3A_161 : vector<16xi1>, vector<16xi32>
      %swap3A_164 = arith.index_cast %add3A_82 : i32 to index
      %swap3A_165 = arith.constant 80 : index
      %swap3A_166 = tpu.vector_load %arg7[%swap3A_164, %swap3A_165] {strides = array<i32>} : memref<80x128xi32, #tpu.memory_space<vmem>>, vector<1x16xi32>,
      %swap3A_167 = vector.shape_cast %swap3A_166 : vector<1x16xi32> to vector<16xi32>
      %swap3A_168 = vector.shape_cast %select_n3A_163 : vector<16xi32> to vector<1x16xi32>
      tpu.vector_store %arg7[%swap3A_164, %swap3A_165], %swap3A_168 {strides = array<i32>} : memref<80x128xi32, #tpu.memory_space<vmem>>, vector<1x16xi32>,
      %get3A_169 = arith.index_cast %add3A_82 : i32 to index
      %get3A_170 = arith.constant 96 : index
      %get3A_171 = tpu.vector_load %arg6[%get3A_169, %get3A_170] {strides = array<i32>} : memref<80x128xi32, #tpu.memory_space<vmem>>, vector<1x16xi32>,
      %get3A_172 = vector.shape_cast %get3A_171 : vector<1x16xi32> to vector<16xi32>
      %get3A_173 = arith.index_cast %add3A_82 : i32 to index
      %get3A_174 = arith.constant 96 : index
      %get3A_175 = tpu.vector_load %arg7[%get3A_173, %get3A_174] {strides = array<i32>} : memref<80x128xi32, #tpu.memory_space<vmem>>, vector<1x16xi32>,
      %get3A_176 = vector.shape_cast %get3A_175 : vector<1x16xi32> to vector<16xi32>
      %eq3A_177 = arith.cmpi eq, %get3A_172, %get3A_176 : vector<16xi32>
      %select_n3A_178 = arith.select %eq3A_177, %broadcast_in_dim3A_8, %get3A_176 : vector<16xi1>, vector<16xi32>
      %swap3A_179 = arith.index_cast %add3A_82 : i32 to index
      %swap3A_180 = arith.constant 96 : index
      %swap3A_181 = tpu.vector_load %arg7[%swap3A_179, %swap3A_180] {strides = array<i32>} : memref<80x128xi32, #tpu.memory_space<vmem>>, vector<1x16xi32>,
      %swap3A_182 = vector.shape_cast %swap3A_181 : vector<1x16xi32> to vector<16xi32>
      %swap3A_183 = vector.shape_cast %select_n3A_178 : vector<16xi32> to vector<1x16xi32>
      tpu.vector_store %arg7[%swap3A_179, %swap3A_180], %swap3A_183 {strides = array<i32>} : memref<80x128xi32, #tpu.memory_space<vmem>>, vector<1x16xi32>,
      %get3A_184 = arith.index_cast %add3A_82 : i32 to index
      %get3A_185 = arith.constant 112 : index
      %get3A_186 = tpu.vector_load %arg6[%get3A_184, %get3A_185] {strides = array<i32>} : memref<80x128xi32, #tpu.memory_space<vmem>>, vector<1x16xi32>,
      %get3A_187 = vector.shape_cast %get3A_186 : vector<1x16xi32> to vector<16xi32>
      %get3A_188 = arith.index_cast %add3A_82 : i32 to index
      %get3A_189 = arith.constant 112 : index
      %get3A_190 = tpu.vector_load %arg7[%get3A_188, %get3A_189] {strides = array<i32>} : memref<80x128xi32, #tpu.memory_space<vmem>>, vector<1x16xi32>,
      %get3A_191 = vector.shape_cast %get3A_190 : vector<1x16xi32> to vector<16xi32>
      %eq3A_192 = arith.cmpi eq, %get3A_187, %get3A_191 : vector<16xi32>
      %select_n3A_193 = arith.select %eq3A_192, %broadcast_in_dim3A_8, %get3A_191 : vector<16xi1>, vector<16xi32>
      %swap3A_194 = arith.index_cast %add3A_82 : i32 to index
      %swap3A_195 = arith.constant 112 : index
      %swap3A_196 = tpu.vector_load %arg7[%swap3A_194, %swap3A_195] {strides = array<i32>} : memref<80x128xi32, #tpu.memory_space<vmem>>, vector<1x16xi32>,
      %swap3A_197 = vector.shape_cast %swap3A_196 : vector<1x16xi32> to vector<16xi32>
      %swap3A_198 = vector.shape_cast %select_n3A_193 : vector<16xi32> to vector<1x16xi32>
      tpu.vector_store %arg7[%swap3A_194, %swap3A_195], %swap3A_198 {strides = array<i32>} : memref<80x128xi32, #tpu.memory_space<vmem>>, vector<1x16xi32>,
    }
    %scan3A_12 = arith.constant 80 : i32
    %barrier3A = arith.constant 0 : index
    tpu.barrier barrier_id(%barrier3A)
    %scan3A_13 = arith.constant 0 : i32
    %scan3A_14 = arith.constant 10 : i32
    %scan3A_15 = arith.addi %scan3A_13, %scan3A_14 : i32
    %scan3A_16 = arith.constant 1 : i32
    scf.for %scan3A_78 = %scan3A_13 to %scan3A_15 step %scan3A_16  : i32 {
      %mul3A_79 = arith.constant 1 : i32
      %mul3A_80 = arith.muli %scan3A_78, %mul3A_79 : i32
      %add3A_81 = arith.constant 0 : i32
      %add3A_82 = arith.addi %add3A_81, %mul3A_80 : i32
      %mul3A_83 = arith.constant 8 : i32
      %mul3A_84 = arith.muli %add3A_82, %mul3A_83 : i32
      %add3A_85 = arith.constant 0 : i32
      %add3A_86 = arith.addi %mul3A_84, %add3A_85 : i32
      %gt3A = arith.constant 0 : i32
      %gt3A_87 = arith.cmpi sgt, %add3A_82, %gt3A : i32
      %convert_element_type3A = arith.extui %gt3A_87 : i1 to i32
      %cond3A = arith.constant 0 : i32
      %cond3A_88 = arith.cmpi ne, %convert_element_type3A, %cond3A : i32
      scf.if %cond3A_88 {
        %dma_wait3A_327 = arith.constant 0 : i32
        %dma_wait3A_328 = arith.constant 0 : i32
        %dma_wait3A_329 = tpu.memref_slice %arg6[%dma_wait3A_327, %dma_wait3A_328] : memref<80x128xi32, #tpu.memory_space<vmem>> -> memref<1x128xi32, #tpu.memory_space<vmem>>
        %dma_wait3A_330 = tpu.memref_squeeze %dma_wait3A_329 : memref<1x128xi32, #tpu.memory_space<vmem>> -> memref<128xi32, #tpu.memory_space<vmem>>
        %dma_wait3A_331 = arith.constant 0 : i32
        %dma_wait3A_332 = arith.constant 0 : i32
        %dma_wait3A_333 = tpu.memref_slice %arg32[%dma_wait3A_331, %dma_wait3A_332] : memref<10240x32xf32, #tpu.memory_space<vmem_shared>> -> memref<10240x32xf32, #tpu.memory_space<vmem_shared>>
        tpu.wait_indirect_dma semaphore(%arg24 : memref<!tpu.dma_semaphore, #tpu.memory_space<semaphore_mem>>) src(%arg8 : memref<128x32xf32, #tpu.memory_space<vmem>>) dst(%dma_wait3A_333 : memref<10240x32xf32, #tpu.memory_space<vmem_shared>>)
      } else {
      }
      %dma_start3A = arith.constant 0 : i32
      %dma_start3A_89 = tpu.memref_slice %arg7[%add3A_86, %dma_start3A] : memref<80x128xi32, #tpu.memory_space<vmem>> -> memref<1x128xi32, #tpu.memory_space<vmem>>
      %dma_start3A_90 = tpu.memref_squeeze %dma_start3A_89 : memref<1x128xi32, #tpu.memory_space<vmem>> -> memref<128xi32, #tpu.memory_space<vmem>>
      %dma_start3A_91 = arith.constant 0 : i32
      %dma_start3A_92 = arith.constant 0 : i32
      %dma_start3A_93 = tpu.memref_slice %arg33[%dma_start3A_91, %dma_start3A_92] : memref<10240x32xf32, #tpu.memory_space<vmem_shared>> -> memref<10240x32xf32, #tpu.memory_space<vmem_shared>>
      tpu.enqueue_indirect_dma source(%dma_start3A_93 : memref<10240x32xf32, #tpu.memory_space<vmem_shared>>) target(%arg8 : memref<128x32xf32, #tpu.memory_space<vmem>>) offsets(%dma_start3A_90 : memref<128xi32, #tpu.memory_space<vmem>>) semaphore(%arg16 : memref<!tpu.dma_semaphore, #tpu.memory_space<semaphore_mem>>)
      %mul3A_94 = arith.constant 8 : i32
      %mul3A_95 = arith.muli %add3A_82, %mul3A_94 : i32
      %add3A_96 = arith.constant 1 : i32
      %add3A_97 = arith.addi %mul3A_95, %add3A_96 : i32
      %gt3A_98 = arith.constant 0 : i32
      %gt3A_99 = arith.cmpi sgt, %add3A_82, %gt3A_98 : i32
      %convert_element_type3A_100 = arith.extui %gt3A_99 : i1 to i32
      %cond3A_101 = arith.constant 0 : i32
      %cond3A_102 = arith.cmpi ne, %convert_element_type3A_100, %cond3A_101 : i32
      scf.if %cond3A_102 {
        %dma_wait3A_327 = arith.constant 0 : i32
        %dma_wait3A_328 = arith.constant 0 : i32
        %dma_wait3A_329 = tpu.memref_slice %arg6[%dma_wait3A_327, %dma_wait3A_328] : memref<80x128xi32, #tpu.memory_space<vmem>> -> memref<1x128xi32, #tpu.memory_space<vmem>>
        %dma_wait3A_330 = tpu.memref_squeeze %dma_wait3A_329 : memref<1x128xi32, #tpu.memory_space<vmem>> -> memref<128xi32, #tpu.memory_space<vmem>>
        %dma_wait3A_331 = arith.constant 0 : i32
        %dma_wait3A_332 = arith.constant 0 : i32
        %dma_wait3A_333 = tpu.memref_slice %arg32[%dma_wait3A_331, %dma_wait3A_332] : memref<10240x32xf32, #tpu.memory_space<vmem_shared>> -> memref<10240x32xf32, #tpu.memory_space<vmem_shared>>
        tpu.wait_indirect_dma semaphore(%arg25 : memref<!tpu.dma_semaphore, #tpu.memory_space<semaphore_mem>>) src(%arg9 : memref<128x32xf32, #tpu.memory_space<vmem>>) dst(%dma_wait3A_333 : memref<10240x32xf32, #tpu.memory_space<vmem_shared>>)
      } else {
      }
      %dma_start3A_103 = arith.constant 0 : i32
      %dma_start3A_104 = tpu.memref_slice %arg7[%add3A_97, %dma_start3A_103] : memref<80x128xi32, #tpu.memory_space<vmem>> -> memref<1x128xi32, #tpu.memory_space<vmem>>
      %dma_start3A_105 = tpu.memref_squeeze %dma_start3A_104 : memref<1x128xi32, #tpu.memory_space<vmem>> -> memref<128xi32, #tpu.memory_space<vmem>>
      %dma_start3A_106 = arith.constant 0 : i32
      %dma_start3A_107 = arith.constant 0 : i32
      %dma_start3A_108 = tpu.memref_slice %arg33[%dma_start3A_106, %dma_start3A_107] : memref<10240x32xf32, #tpu.memory_space<vmem_shared>> -> memref<10240x32xf32, #tpu.memory_space<vmem_shared>>
      tpu.enqueue_indirect_dma source(%dma_start3A_108 : memref<10240x32xf32, #tpu.memory_space<vmem_shared>>) target(%arg9 : memref<128x32xf32, #tpu.memory_space<vmem>>) offsets(%dma_start3A_105 : memref<128xi32, #tpu.memory_space<vmem>>) semaphore(%arg17 : memref<!tpu.dma_semaphore, #tpu.memory_space<semaphore_mem>>)
      %mul3A_109 = arith.constant 8 : i32
      %mul3A_110 = arith.muli %add3A_82, %mul3A_109 : i32
      %add3A_111 = arith.constant 2 : i32
      %add3A_112 = arith.addi %mul3A_110, %add3A_111 : i32
      %gt3A_113 = arith.constant 0 : i32
      %gt3A_114 = arith.cmpi sgt, %add3A_82, %gt3A_113 : i32
      %convert_element_type3A_115 = arith.extui %gt3A_114 : i1 to i32
      %cond3A_116 = arith.constant 0 : i32
      %cond3A_117 = arith.cmpi ne, %convert_element_type3A_115, %cond3A_116 : i32
      scf.if %cond3A_117 {
        %dma_wait3A_327 = arith.constant 0 : i32
        %dma_wait3A_328 = arith.constant 0 : i32
        %dma_wait3A_329 = tpu.memref_slice %arg6[%dma_wait3A_327, %dma_wait3A_328] : memref<80x128xi32, #tpu.memory_space<vmem>> -> memref<1x128xi32, #tpu.memory_space<vmem>>
        %dma_wait3A_330 = tpu.memref_squeeze %dma_wait3A_329 : memref<1x128xi32, #tpu.memory_space<vmem>> -> memref<128xi32, #tpu.memory_space<vmem>>
        %dma_wait3A_331 = arith.constant 0 : i32
        %dma_wait3A_332 = arith.constant 0 : i32
        %dma_wait3A_333 = tpu.memref_slice %arg32[%dma_wait3A_331, %dma_wait3A_332] : memref<10240x32xf32, #tpu.memory_space<vmem_shared>> -> memref<10240x32xf32, #tpu.memory_space<vmem_shared>>
        tpu.wait_indirect_dma semaphore(%arg26 : memref<!tpu.dma_semaphore, #tpu.memory_space<semaphore_mem>>) src(%arg10 : memref<128x32xf32, #tpu.memory_space<vmem>>) dst(%dma_wait3A_333 : memref<10240x32xf32, #tpu.memory_space<vmem_shared>>)
      } else {
      }
      %dma_start3A_118 = arith.constant 0 : i32
      %dma_start3A_119 = tpu.memref_slice %arg7[%add3A_112, %dma_start3A_118] : memref<80x128xi32, #tpu.memory_space<vmem>> -> memref<1x128xi32, #tpu.memory_space<vmem>>
      %dma_start3A_120 = tpu.memref_squeeze %dma_start3A_119 : memref<1x128xi32, #tpu.memory_space<vmem>> -> memref<128xi32, #tpu.memory_space<vmem>>
      %dma_start3A_121 = arith.constant 0 : i32
      %dma_start3A_122 = arith.constant 0 : i32
      %dma_start3A_123 = tpu.memref_slice %arg33[%dma_start3A_121, %dma_start3A_122] : memref<10240x32xf32, #tpu.memory_space<vmem_shared>> -> memref<10240x32xf32, #tpu.memory_space<vmem_shared>>
      tpu.enqueue_indirect_dma source(%dma_start3A_123 : memref<10240x32xf32, #tpu.memory_space<vmem_shared>>) target(%arg10 : memref<128x32xf32, #tpu.memory_space<vmem>>) offsets(%dma_start3A_120 : memref<128xi32, #tpu.memory_space<vmem>>) semaphore(%arg18 : memref<!tpu.dma_semaphore, #tpu.memory_space<semaphore_mem>>)
      %mul3A_124 = arith.constant 8 : i32
      %mul3A_125 = arith.muli %add3A_82, %mul3A_124 : i32
      %add3A_126 = arith.constant 3 : i32
      %add3A_127 = arith.addi %mul3A_125, %add3A_126 : i32
      %gt3A_128 = arith.constant 0 : i32
      %gt3A_129 = arith.cmpi sgt, %add3A_82, %gt3A_128 : i32
      %convert_element_type3A_130 = arith.extui %gt3A_129 : i1 to i32
      %cond3A_131 = arith.constant 0 : i32
      %cond3A_132 = arith.cmpi ne, %convert_element_type3A_130, %cond3A_131 : i32
      scf.if %cond3A_132 {
        %dma_wait3A_327 = arith.constant 0 : i32
        %dma_wait3A_328 = arith.constant 0 : i32
        %dma_wait3A_329 = tpu.memref_slice %arg6[%dma_wait3A_327, %dma_wait3A_328] : memref<80x128xi32, #tpu.memory_space<vmem>> -> memref<1x128xi32, #tpu.memory_space<vmem>>
        %dma_wait3A_330 = tpu.memref_squeeze %dma_wait3A_329 : memref<1x128xi32, #tpu.memory_space<vmem>> -> memref<128xi32, #tpu.memory_space<vmem>>
        %dma_wait3A_331 = arith.constant 0 : i32
        %dma_wait3A_332 = arith.constant 0 : i32
        %dma_wait3A_333 = tpu.memref_slice %arg32[%dma_wait3A_331, %dma_wait3A_332] : memref<10240x32xf32, #tpu.memory_space<vmem_shared>> -> memref<10240x32xf32, #tpu.memory_space<vmem_shared>>
        tpu.wait_indirect_dma semaphore(%arg27 : memref<!tpu.dma_semaphore, #tpu.memory_space<semaphore_mem>>) src(%arg11 : memref<128x32xf32, #tpu.memory_space<vmem>>) dst(%dma_wait3A_333 : memref<10240x32xf32, #tpu.memory_space<vmem_shared>>)
      } else {
      }
      %dma_start3A_133 = arith.constant 0 : i32
      %dma_start3A_134 = tpu.memref_slice %arg7[%add3A_127, %dma_start3A_133] : memref<80x128xi32, #tpu.memory_space<vmem>> -> memref<1x128xi32, #tpu.memory_space<vmem>>
      %dma_start3A_135 = tpu.memref_squeeze %dma_start3A_134 : memref<1x128xi32, #tpu.memory_space<vmem>> -> memref<128xi32, #tpu.memory_space<vmem>>
      %dma_start3A_136 = arith.constant 0 : i32
      %dma_start3A_137 = arith.constant 0 : i32
      %dma_start3A_138 = tpu.memref_slice %arg33[%dma_start3A_136, %dma_start3A_137] : memref<10240x32xf32, #tpu.memory_space<vmem_shared>> -> memref<10240x32xf32, #tpu.memory_space<vmem_shared>>
      tpu.enqueue_indirect_dma source(%dma_start3A_138 : memref<10240x32xf32, #tpu.memory_space<vmem_shared>>) target(%arg11 : memref<128x32xf32, #tpu.memory_space<vmem>>) offsets(%dma_start3A_135 : memref<128xi32, #tpu.memory_space<vmem>>) semaphore(%arg19 : memref<!tpu.dma_semaphore, #tpu.memory_space<semaphore_mem>>)
      %mul3A_139 = arith.constant 8 : i32
      %mul3A_140 = arith.muli %add3A_82, %mul3A_139 : i32
      %add3A_141 = arith.constant 4 : i32
      %add3A_142 = arith.addi %mul3A_140, %add3A_141 : i32
      %gt3A_143 = arith.constant 0 : i32
      %gt3A_144 = arith.cmpi sgt, %add3A_82, %gt3A_143 : i32
      %convert_element_type3A_145 = arith.extui %gt3A_144 : i1 to i32
      %cond3A_146 = arith.constant 0 : i32
      %cond3A_147 = arith.cmpi ne, %convert_element_type3A_145, %cond3A_146 : i32
      scf.if %cond3A_147 {
        %dma_wait3A_327 = arith.constant 0 : i32
        %dma_wait3A_328 = arith.constant 0 : i32
        %dma_wait3A_329 = tpu.memref_slice %arg6[%dma_wait3A_327, %dma_wait3A_328] : memref<80x128xi32, #tpu.memory_space<vmem>> -> memref<1x128xi32, #tpu.memory_space<vmem>>
        %dma_wait3A_330 = tpu.memref_squeeze %dma_wait3A_329 : memref<1x128xi32, #tpu.memory_space<vmem>> -> memref<128xi32, #tpu.memory_space<vmem>>
        %dma_wait3A_331 = arith.constant 0 : i32
        %dma_wait3A_332 = arith.constant 0 : i32
        %dma_wait3A_333 = tpu.memref_slice %arg32[%dma_wait3A_331, %dma_wait3A_332] : memref<10240x32xf32, #tpu.memory_space<vmem_shared>> -> memref<10240x32xf32, #tpu.memory_space<vmem_shared>>
        tpu.wait_indirect_dma semaphore(%arg28 : memref<!tpu.dma_semaphore, #tpu.memory_space<semaphore_mem>>) src(%arg12 : memref<128x32xf32, #tpu.memory_space<vmem>>) dst(%dma_wait3A_333 : memref<10240x32xf32, #tpu.memory_space<vmem_shared>>)
      } else {
      }
      %dma_start3A_148 = arith.constant 0 : i32
      %dma_start3A_149 = tpu.memref_slice %arg7[%add3A_142, %dma_start3A_148] : memref<80x128xi32, #tpu.memory_space<vmem>> -> memref<1x128xi32, #tpu.memory_space<vmem>>
      %dma_start3A_150 = tpu.memref_squeeze %dma_start3A_149 : memref<1x128xi32, #tpu.memory_space<vmem>> -> memref<128xi32, #tpu.memory_space<vmem>>
      %dma_start3A_151 = arith.constant 0 : i32
      %dma_start3A_152 = arith.constant 0 : i32
      %dma_start3A_153 = tpu.memref_slice %arg33[%dma_start3A_151, %dma_start3A_152] : memref<10240x32xf32, #tpu.memory_space<vmem_shared>> -> memref<10240x32xf32, #tpu.memory_space<vmem_shared>>
      tpu.enqueue_indirect_dma source(%dma_start3A_153 : memref<10240x32xf32, #tpu.memory_space<vmem_shared>>) target(%arg12 : memref<128x32xf32, #tpu.memory_space<vmem>>) offsets(%dma_start3A_150 : memref<128xi32, #tpu.memory_space<vmem>>) semaphore(%arg20 : memref<!tpu.dma_semaphore, #tpu.memory_space<semaphore_mem>>)
      %mul3A_154 = arith.constant 8 : i32
      %mul3A_155 = arith.muli %add3A_82, %mul3A_154 : i32
      %add3A_156 = arith.constant 5 : i32
      %add3A_157 = arith.addi %mul3A_155, %add3A_156 : i32
      %gt3A_158 = arith.constant 0 : i32
      %gt3A_159 = arith.cmpi sgt, %add3A_82, %gt3A_158 : i32
      %convert_element_type3A_160 = arith.extui %gt3A_159 : i1 to i32
      %cond3A_161 = arith.constant 0 : i32
      %cond3A_162 = arith.cmpi ne, %convert_element_type3A_160, %cond3A_161 : i32
      scf.if %cond3A_162 {
        %dma_wait3A_327 = arith.constant 0 : i32
        %dma_wait3A_328 = arith.constant 0 : i32
        %dma_wait3A_329 = tpu.memref_slice %arg6[%dma_wait3A_327, %dma_wait3A_328] : memref<80x128xi32, #tpu.memory_space<vmem>> -> memref<1x128xi32, #tpu.memory_space<vmem>>
        %dma_wait3A_330 = tpu.memref_squeeze %dma_wait3A_329 : memref<1x128xi32, #tpu.memory_space<vmem>> -> memref<128xi32, #tpu.memory_space<vmem>>
        %dma_wait3A_331 = arith.constant 0 : i32
        %dma_wait3A_332 = arith.constant 0 : i32
        %dma_wait3A_333 = tpu.memref_slice %arg32[%dma_wait3A_331, %dma_wait3A_332] : memref<10240x32xf32, #tpu.memory_space<vmem_shared>> -> memref<10240x32xf32, #tpu.memory_space<vmem_shared>>
        tpu.wait_indirect_dma semaphore(%arg29 : memref<!tpu.dma_semaphore, #tpu.memory_space<semaphore_mem>>) src(%arg13 : memref<128x32xf32, #tpu.memory_space<vmem>>) dst(%dma_wait3A_333 : memref<10240x32xf32, #tpu.memory_space<vmem_shared>>)
      } else {
      }
      %dma_start3A_163 = arith.constant 0 : i32
      %dma_start3A_164 = tpu.memref_slice %arg7[%add3A_157, %dma_start3A_163] : memref<80x128xi32, #tpu.memory_space<vmem>> -> memref<1x128xi32, #tpu.memory_space<vmem>>
      %dma_start3A_165 = tpu.memref_squeeze %dma_start3A_164 : memref<1x128xi32, #tpu.memory_space<vmem>> -> memref<128xi32, #tpu.memory_space<vmem>>
      %dma_start3A_166 = arith.constant 0 : i32
      %dma_start3A_167 = arith.constant 0 : i32
      %dma_start3A_168 = tpu.memref_slice %arg33[%dma_start3A_166, %dma_start3A_167] : memref<10240x32xf32, #tpu.memory_space<vmem_shared>> -> memref<10240x32xf32, #tpu.memory_space<vmem_shared>>
      tpu.enqueue_indirect_dma source(%dma_start3A_168 : memref<10240x32xf32, #tpu.memory_space<vmem_shared>>) target(%arg13 : memref<128x32xf32, #tpu.memory_space<vmem>>) offsets(%dma_start3A_165 : memref<128xi32, #tpu.memory_space<vmem>>) semaphore(%arg21 : memref<!tpu.dma_semaphore, #tpu.memory_space<semaphore_mem>>)
      %mul3A_169 = arith.constant 8 : i32
      %mul3A_170 = arith.muli %add3A_82, %mul3A_169 : i32
      %add3A_171 = arith.constant 6 : i32
      %add3A_172 = arith.addi %mul3A_170, %add3A_171 : i32
      %gt3A_173 = arith.constant 0 : i32
      %gt3A_174 = arith.cmpi sgt, %add3A_82, %gt3A_173 : i32
      %convert_element_type3A_175 = arith.extui %gt3A_174 : i1 to i32
      %cond3A_176 = arith.constant 0 : i32
      %cond3A_177 = arith.cmpi ne, %convert_element_type3A_175, %cond3A_176 : i32
      scf.if %cond3A_177 {
        %dma_wait3A_327 = arith.constant 0 : i32
        %dma_wait3A_328 = arith.constant 0 : i32
        %dma_wait3A_329 = tpu.memref_slice %arg6[%dma_wait3A_327, %dma_wait3A_328] : memref<80x128xi32, #tpu.memory_space<vmem>> -> memref<1x128xi32, #tpu.memory_space<vmem>>
        %dma_wait3A_330 = tpu.memref_squeeze %dma_wait3A_329 : memref<1x128xi32, #tpu.memory_space<vmem>> -> memref<128xi32, #tpu.memory_space<vmem>>
        %dma_wait3A_331 = arith.constant 0 : i32
        %dma_wait3A_332 = arith.constant 0 : i32
        %dma_wait3A_333 = tpu.memref_slice %arg32[%dma_wait3A_331, %dma_wait3A_332] : memref<10240x32xf32, #tpu.memory_space<vmem_shared>> -> memref<10240x32xf32, #tpu.memory_space<vmem_shared>>
        tpu.wait_indirect_dma semaphore(%arg30 : memref<!tpu.dma_semaphore, #tpu.memory_space<semaphore_mem>>) src(%arg14 : memref<128x32xf32, #tpu.memory_space<vmem>>) dst(%dma_wait3A_333 : memref<10240x32xf32, #tpu.memory_space<vmem_shared>>)
      } else {
      }
      %dma_start3A_178 = arith.constant 0 : i32
      %dma_start3A_179 = tpu.memref_slice %arg7[%add3A_172, %dma_start3A_178] : memref<80x128xi32, #tpu.memory_space<vmem>> -> memref<1x128xi32, #tpu.memory_space<vmem>>
      %dma_start3A_180 = tpu.memref_squeeze %dma_start3A_179 : memref<1x128xi32, #tpu.memory_space<vmem>> -> memref<128xi32, #tpu.memory_space<vmem>>
      %dma_start3A_181 = arith.constant 0 : i32
      %dma_start3A_182 = arith.constant 0 : i32
      %dma_start3A_183 = tpu.memref_slice %arg33[%dma_start3A_181, %dma_start3A_182] : memref<10240x32xf32, #tpu.memory_space<vmem_shared>> -> memref<10240x32xf32, #tpu.memory_space<vmem_shared>>
      tpu.enqueue_indirect_dma source(%dma_start3A_183 : memref<10240x32xf32, #tpu.memory_space<vmem_shared>>) target(%arg14 : memref<128x32xf32, #tpu.memory_space<vmem>>) offsets(%dma_start3A_180 : memref<128xi32, #tpu.memory_space<vmem>>) semaphore(%arg22 : memref<!tpu.dma_semaphore, #tpu.memory_space<semaphore_mem>>)
      %mul3A_184 = arith.constant 8 : i32
      %mul3A_185 = arith.muli %add3A_82, %mul3A_184 : i32
      %add3A_186 = arith.constant 7 : i32
      %add3A_187 = arith.addi %mul3A_185, %add3A_186 : i32
      %gt3A_188 = arith.constant 0 : i32
      %gt3A_189 = arith.cmpi sgt, %add3A_82, %gt3A_188 : i32
      %convert_element_type3A_190 = arith.extui %gt3A_189 : i1 to i32
      %cond3A_191 = arith.constant 0 : i32
      %cond3A_192 = arith.cmpi ne, %convert_element_type3A_190, %cond3A_191 : i32
      scf.if %cond3A_192 {
        %dma_wait3A_327 = arith.constant 0 : i32
        %dma_wait3A_328 = arith.constant 0 : i32
        %dma_wait3A_329 = tpu.memref_slice %arg6[%dma_wait3A_327, %dma_wait3A_328] : memref<80x128xi32, #tpu.memory_space<vmem>> -> memref<1x128xi32, #tpu.memory_space<vmem>>
        %dma_wait3A_330 = tpu.memref_squeeze %dma_wait3A_329 : memref<1x128xi32, #tpu.memory_space<vmem>> -> memref<128xi32, #tpu.memory_space<vmem>>
        %dma_wait3A_331 = arith.constant 0 : i32
        %dma_wait3A_332 = arith.constant 0 : i32
        %dma_wait3A_333 = tpu.memref_slice %arg32[%dma_wait3A_331, %dma_wait3A_332] : memref<10240x32xf32, #tpu.memory_space<vmem_shared>> -> memref<10240x32xf32, #tpu.memory_space<vmem_shared>>
        tpu.wait_indirect_dma semaphore(%arg31 : memref<!tpu.dma_semaphore, #tpu.memory_space<semaphore_mem>>) src(%arg15 : memref<128x32xf32, #tpu.memory_space<vmem>>) dst(%dma_wait3A_333 : memref<10240x32xf32, #tpu.memory_space<vmem_shared>>)
      } else {
      }
      %dma_start3A_193 = arith.constant 0 : i32
      %dma_start3A_194 = tpu.memref_slice %arg7[%add3A_187, %dma_start3A_193] : memref<80x128xi32, #tpu.memory_space<vmem>> -> memref<1x128xi32, #tpu.memory_space<vmem>>
      %dma_start3A_195 = tpu.memref_squeeze %dma_start3A_194 : memref<1x128xi32, #tpu.memory_space<vmem>> -> memref<128xi32, #tpu.memory_space<vmem>>
      %dma_start3A_196 = arith.constant 0 : i32
      %dma_start3A_197 = arith.constant 0 : i32
      %dma_start3A_198 = tpu.memref_slice %arg33[%dma_start3A_196, %dma_start3A_197] : memref<10240x32xf32, #tpu.memory_space<vmem_shared>> -> memref<10240x32xf32, #tpu.memory_space<vmem_shared>>
      tpu.enqueue_indirect_dma source(%dma_start3A_198 : memref<10240x32xf32, #tpu.memory_space<vmem_shared>>) target(%arg15 : memref<128x32xf32, #tpu.memory_space<vmem>>) offsets(%dma_start3A_195 : memref<128xi32, #tpu.memory_space<vmem>>) semaphore(%arg23 : memref<!tpu.dma_semaphore, #tpu.memory_space<semaphore_mem>>)
      %mul3A_199 = arith.constant 8 : i32
      %mul3A_200 = arith.muli %add3A_82, %mul3A_199 : i32
      %add3A_201 = arith.constant 0 : i32
      %add3A_202 = arith.addi %mul3A_200, %add3A_201 : i32
      %dma_wait3A_203 = arith.constant 0 : i32
      %dma_wait3A_204 = tpu.memref_slice %arg7[%add3A_86, %dma_wait3A_203] : memref<80x128xi32, #tpu.memory_space<vmem>> -> memref<1x128xi32, #tpu.memory_space<vmem>>
      %dma_wait3A_205 = tpu.memref_squeeze %dma_wait3A_204 : memref<1x128xi32, #tpu.memory_space<vmem>> -> memref<128xi32, #tpu.memory_space<vmem>>
      %dma_wait3A_206 = arith.constant 0 : i32
      %dma_wait3A_207 = arith.constant 0 : i32
      %dma_wait3A_208 = tpu.memref_slice %arg33[%dma_wait3A_206, %dma_wait3A_207] : memref<10240x32xf32, #tpu.memory_space<vmem_shared>> -> memref<10240x32xf32, #tpu.memory_space<vmem_shared>>
      tpu.wait_indirect_dma semaphore(%arg16 : memref<!tpu.dma_semaphore, #tpu.memory_space<semaphore_mem>>) src(%dma_wait3A_208 : memref<10240x32xf32, #tpu.memory_space<vmem_shared>>) dst(%arg8 : memref<128x32xf32, #tpu.memory_space<vmem>>)
      %dma_start3A_209 = arith.constant 0 : i32
      %dma_start3A_210 = tpu.memref_slice %arg6[%add3A_202, %dma_start3A_209] : memref<80x128xi32, #tpu.memory_space<vmem>> -> memref<1x128xi32, #tpu.memory_space<vmem>>
      %dma_start3A_211 = tpu.memref_squeeze %dma_start3A_210 : memref<1x128xi32, #tpu.memory_space<vmem>> -> memref<128xi32, #tpu.memory_space<vmem>>
      %dma_start3A_212 = arith.constant 0 : i32
      %dma_start3A_213 = arith.constant 0 : i32
      %dma_start3A_214 = tpu.memref_slice %arg32[%dma_start3A_212, %dma_start3A_213] : memref<10240x32xf32, #tpu.memory_space<vmem_shared>> -> memref<10240x32xf32, #tpu.memory_space<vmem_shared>>
      tpu.enqueue_indirect_dma source(%arg8 : memref<128x32xf32, #tpu.memory_space<vmem>>) target(%dma_start3A_214 : memref<10240x32xf32, #tpu.memory_space<vmem_shared>>) offsets(%dma_start3A_211 : memref<128xi32, #tpu.memory_space<vmem>>) semaphore(%arg24 : memref<!tpu.dma_semaphore, #tpu.memory_space<semaphore_mem>>) {add = true}
      %mul3A_215 = arith.constant 8 : i32
      %mul3A_216 = arith.muli %add3A_82, %mul3A_215 : i32
      %add3A_217 = arith.constant 1 : i32
      %add3A_218 = arith.addi %mul3A_216, %add3A_217 : i32
      %dma_wait3A_219 = arith.constant 0 : i32
      %dma_wait3A_220 = tpu.memref_slice %arg7[%add3A_97, %dma_wait3A_219] : memref<80x128xi32, #tpu.memory_space<vmem>> -> memref<1x128xi32, #tpu.memory_space<vmem>>
      %dma_wait3A_221 = tpu.memref_squeeze %dma_wait3A_220 : memref<1x128xi32, #tpu.memory_space<vmem>> -> memref<128xi32, #tpu.memory_space<vmem>>
      %dma_wait3A_222 = arith.constant 0 : i32
      %dma_wait3A_223 = arith.constant 0 : i32
      %dma_wait3A_224 = tpu.memref_slice %arg33[%dma_wait3A_222, %dma_wait3A_223] : memref<10240x32xf32, #tpu.memory_space<vmem_shared>> -> memref<10240x32xf32, #tpu.memory_space<vmem_shared>>
      tpu.wait_indirect_dma semaphore(%arg17 : memref<!tpu.dma_semaphore, #tpu.memory_space<semaphore_mem>>) src(%dma_wait3A_224 : memref<10240x32xf32, #tpu.memory_space<vmem_shared>>) dst(%arg9 : memref<128x32xf32, #tpu.memory_space<vmem>>)
      %dma_start3A_225 = arith.constant 0 : i32
      %dma_start3A_226 = tpu.memref_slice %arg6[%add3A_218, %dma_start3A_225] : memref<80x128xi32, #tpu.memory_space<vmem>> -> memref<1x128xi32, #tpu.memory_space<vmem>>
      %dma_start3A_227 = tpu.memref_squeeze %dma_start3A_226 : memref<1x128xi32, #tpu.memory_space<vmem>> -> memref<128xi32, #tpu.memory_space<vmem>>
      %dma_start3A_228 = arith.constant 0 : i32
      %dma_start3A_229 = arith.constant 0 : i32
      %dma_start3A_230 = tpu.memref_slice %arg32[%dma_start3A_228, %dma_start3A_229] : memref<10240x32xf32, #tpu.memory_space<vmem_shared>> -> memref<10240x32xf32, #tpu.memory_space<vmem_shared>>
      tpu.enqueue_indirect_dma source(%arg9 : memref<128x32xf32, #tpu.memory_space<vmem>>) target(%dma_start3A_230 : memref<10240x32xf32, #tpu.memory_space<vmem_shared>>) offsets(%dma_start3A_227 : memref<128xi32, #tpu.memory_space<vmem>>) semaphore(%arg25 : memref<!tpu.dma_semaphore, #tpu.memory_space<semaphore_mem>>) {add = true}
      %mul3A_231 = arith.constant 8 : i32
      %mul3A_232 = arith.muli %add3A_82, %mul3A_231 : i32
      %add3A_233 = arith.constant 2 : i32
      %add3A_234 = arith.addi %mul3A_232, %add3A_233 : i32
      %dma_wait3A_235 = arith.constant 0 : i32
      %dma_wait3A_236 = tpu.memref_slice %arg7[%add3A_112, %dma_wait3A_235] : memref<80x128xi32, #tpu.memory_space<vmem>> -> memref<1x128xi32, #tpu.memory_space<vmem>>
      %dma_wait3A_237 = tpu.memref_squeeze %dma_wait3A_236 : memref<1x128xi32, #tpu.memory_space<vmem>> -> memref<128xi32, #tpu.memory_space<vmem>>
      %dma_wait3A_238 = arith.constant 0 : i32
      %dma_wait3A_239 = arith.constant 0 : i32
      %dma_wait3A_240 = tpu.memref_slice %arg33[%dma_wait3A_238, %dma_wait3A_239] : memref<10240x32xf32, #tpu.memory_space<vmem_shared>> -> memref<10240x32xf32, #tpu.memory_space<vmem_shared>>
      tpu.wait_indirect_dma semaphore(%arg18 : memref<!tpu.dma_semaphore, #tpu.memory_space<semaphore_mem>>) src(%dma_wait3A_240 : memref<10240x32xf32, #tpu.memory_space<vmem_shared>>) dst(%arg10 : memref<128x32xf32, #tpu.memory_space<vmem>>)
      %dma_start3A_241 = arith.constant 0 : i32
      %dma_start3A_242 = tpu.memref_slice %arg6[%add3A_234, %dma_start3A_241] : memref<80x128xi32, #tpu.memory_space<vmem>> -> memref<1x128xi32, #tpu.memory_space<vmem>>
      %dma_start3A_243 = tpu.memref_squeeze %dma_start3A_242 : memref<1x128xi32, #tpu.memory_space<vmem>> -> memref<128xi32, #tpu.memory_space<vmem>>
      %dma_start3A_244 = arith.constant 0 : i32
      %dma_start3A_245 = arith.constant 0 : i32
      %dma_start3A_246 = tpu.memref_slice %arg32[%dma_start3A_244, %dma_start3A_245] : memref<10240x32xf32, #tpu.memory_space<vmem_shared>> -> memref<10240x32xf32, #tpu.memory_space<vmem_shared>>
      tpu.enqueue_indirect_dma source(%arg10 : memref<128x32xf32, #tpu.memory_space<vmem>>) target(%dma_start3A_246 : memref<10240x32xf32, #tpu.memory_space<vmem_shared>>) offsets(%dma_start3A_243 : memref<128xi32, #tpu.memory_space<vmem>>) semaphore(%arg26 : memref<!tpu.dma_semaphore, #tpu.memory_space<semaphore_mem>>) {add = true}
      %mul3A_247 = arith.constant 8 : i32
      %mul3A_248 = arith.muli %add3A_82, %mul3A_247 : i32
      %add3A_249 = arith.constant 3 : i32
      %add3A_250 = arith.addi %mul3A_248, %add3A_249 : i32
      %dma_wait3A_251 = arith.constant 0 : i32
      %dma_wait3A_252 = tpu.memref_slice %arg7[%add3A_127, %dma_wait3A_251] : memref<80x128xi32, #tpu.memory_space<vmem>> -> memref<1x128xi32, #tpu.memory_space<vmem>>
      %dma_wait3A_253 = tpu.memref_squeeze %dma_wait3A_252 : memref<1x128xi32, #tpu.memory_space<vmem>> -> memref<128xi32, #tpu.memory_space<vmem>>
      %dma_wait3A_254 = arith.constant 0 : i32
      %dma_wait3A_255 = arith.constant 0 : i32
      %dma_wait3A_256 = tpu.memref_slice %arg33[%dma_wait3A_254, %dma_wait3A_255] : memref<10240x32xf32, #tpu.memory_space<vmem_shared>> -> memref<10240x32xf32, #tpu.memory_space<vmem_shared>>
      tpu.wait_indirect_dma semaphore(%arg19 : memref<!tpu.dma_semaphore, #tpu.memory_space<semaphore_mem>>) src(%dma_wait3A_256 : memref<10240x32xf32, #tpu.memory_space<vmem_shared>>) dst(%arg11 : memref<128x32xf32, #tpu.memory_space<vmem>>)
      %dma_start3A_257 = arith.constant 0 : i32
      %dma_start3A_258 = tpu.memref_slice %arg6[%add3A_250, %dma_start3A_257] : memref<80x128xi32, #tpu.memory_space<vmem>> -> memref<1x128xi32, #tpu.memory_space<vmem>>
      %dma_start3A_259 = tpu.memref_squeeze %dma_start3A_258 : memref<1x128xi32, #tpu.memory_space<vmem>> -> memref<128xi32, #tpu.memory_space<vmem>>
      %dma_start3A_260 = arith.constant 0 : i32
      %dma_start3A_261 = arith.constant 0 : i32
      %dma_start3A_262 = tpu.memref_slice %arg32[%dma_start3A_260, %dma_start3A_261] : memref<10240x32xf32, #tpu.memory_space<vmem_shared>> -> memref<10240x32xf32, #tpu.memory_space<vmem_shared>>
      tpu.enqueue_indirect_dma source(%arg11 : memref<128x32xf32, #tpu.memory_space<vmem>>) target(%dma_start3A_262 : memref<10240x32xf32, #tpu.memory_space<vmem_shared>>) offsets(%dma_start3A_259 : memref<128xi32, #tpu.memory_space<vmem>>) semaphore(%arg27 : memref<!tpu.dma_semaphore, #tpu.memory_space<semaphore_mem>>) {add = true}
      %mul3A_263 = arith.constant 8 : i32
      %mul3A_264 = arith.muli %add3A_82, %mul3A_263 : i32
      %add3A_265 = arith.constant 4 : i32
      %add3A_266 = arith.addi %mul3A_264, %add3A_265 : i32
      %dma_wait3A_267 = arith.constant 0 : i32
      %dma_wait3A_268 = tpu.memref_slice %arg7[%add3A_142, %dma_wait3A_267] : memref<80x128xi32, #tpu.memory_space<vmem>> -> memref<1x128xi32, #tpu.memory_space<vmem>>
      %dma_wait3A_269 = tpu.memref_squeeze %dma_wait3A_268 : memref<1x128xi32, #tpu.memory_space<vmem>> -> memref<128xi32, #tpu.memory_space<vmem>>
      %dma_wait3A_270 = arith.constant 0 : i32
      %dma_wait3A_271 = arith.constant 0 : i32
      %dma_wait3A_272 = tpu.memref_slice %arg33[%dma_wait3A_270, %dma_wait3A_271] : memref<10240x32xf32, #tpu.memory_space<vmem_shared>> -> memref<10240x32xf32, #tpu.memory_space<vmem_shared>>
      tpu.wait_indirect_dma semaphore(%arg20 : memref<!tpu.dma_semaphore, #tpu.memory_space<semaphore_mem>>) src(%dma_wait3A_272 : memref<10240x32xf32, #tpu.memory_space<vmem_shared>>) dst(%arg12 : memref<128x32xf32, #tpu.memory_space<vmem>>)
      %dma_start3A_273 = arith.constant 0 : i32
      %dma_start3A_274 = tpu.memref_slice %arg6[%add3A_266, %dma_start3A_273] : memref<80x128xi32, #tpu.memory_space<vmem>> -> memref<1x128xi32, #tpu.memory_space<vmem>>
      %dma_start3A_275 = tpu.memref_squeeze %dma_start3A_274 : memref<1x128xi32, #tpu.memory_space<vmem>> -> memref<128xi32, #tpu.memory_space<vmem>>
      %dma_start3A_276 = arith.constant 0 : i32
      %dma_start3A_277 = arith.constant 0 : i32
      %dma_start3A_278 = tpu.memref_slice %arg32[%dma_start3A_276, %dma_start3A_277] : memref<10240x32xf32, #tpu.memory_space<vmem_shared>> -> memref<10240x32xf32, #tpu.memory_space<vmem_shared>>
      tpu.enqueue_indirect_dma source(%arg12 : memref<128x32xf32, #tpu.memory_space<vmem>>) target(%dma_start3A_278 : memref<10240x32xf32, #tpu.memory_space<vmem_shared>>) offsets(%dma_start3A_275 : memref<128xi32, #tpu.memory_space<vmem>>) semaphore(%arg28 : memref<!tpu.dma_semaphore, #tpu.memory_space<semaphore_mem>>) {add = true}
      %mul3A_279 = arith.constant 8 : i32
      %mul3A_280 = arith.muli %add3A_82, %mul3A_279 : i32
      %add3A_281 = arith.constant 5 : i32
      %add3A_282 = arith.addi %mul3A_280, %add3A_281 : i32
      %dma_wait3A_283 = arith.constant 0 : i32
      %dma_wait3A_284 = tpu.memref_slice %arg7[%add3A_157, %dma_wait3A_283] : memref<80x128xi32, #tpu.memory_space<vmem>> -> memref<1x128xi32, #tpu.memory_space<vmem>>
      %dma_wait3A_285 = tpu.memref_squeeze %dma_wait3A_284 : memref<1x128xi32, #tpu.memory_space<vmem>> -> memref<128xi32, #tpu.memory_space<vmem>>
      %dma_wait3A_286 = arith.constant 0 : i32
      %dma_wait3A_287 = arith.constant 0 : i32
      %dma_wait3A_288 = tpu.memref_slice %arg33[%dma_wait3A_286, %dma_wait3A_287] : memref<10240x32xf32, #tpu.memory_space<vmem_shared>> -> memref<10240x32xf32, #tpu.memory_space<vmem_shared>>
      tpu.wait_indirect_dma semaphore(%arg21 : memref<!tpu.dma_semaphore, #tpu.memory_space<semaphore_mem>>) src(%dma_wait3A_288 : memref<10240x32xf32, #tpu.memory_space<vmem_shared>>) dst(%arg13 : memref<128x32xf32, #tpu.memory_space<vmem>>)
      %dma_start3A_289 = arith.constant 0 : i32
      %dma_start3A_290 = tpu.memref_slice %arg6[%add3A_282, %dma_start3A_289] : memref<80x128xi32, #tpu.memory_space<vmem>> -> memref<1x128xi32, #tpu.memory_space<vmem>>
      %dma_start3A_291 = tpu.memref_squeeze %dma_start3A_290 : memref<1x128xi32, #tpu.memory_space<vmem>> -> memref<128xi32, #tpu.memory_space<vmem>>
      %dma_start3A_292 = arith.constant 0 : i32
      %dma_start3A_293 = arith.constant 0 : i32
      %dma_start3A_294 = tpu.memref_slice %arg32[%dma_start3A_292, %dma_start3A_293] : memref<10240x32xf32, #tpu.memory_space<vmem_shared>> -> memref<10240x32xf32, #tpu.memory_space<vmem_shared>>
      tpu.enqueue_indirect_dma source(%arg13 : memref<128x32xf32, #tpu.memory_space<vmem>>) target(%dma_start3A_294 : memref<10240x32xf32, #tpu.memory_space<vmem_shared>>) offsets(%dma_start3A_291 : memref<128xi32, #tpu.memory_space<vmem>>) semaphore(%arg29 : memref<!tpu.dma_semaphore, #tpu.memory_space<semaphore_mem>>) {add = true}
      %mul3A_295 = arith.constant 8 : i32
      %mul3A_296 = arith.muli %add3A_82, %mul3A_295 : i32
      %add3A_297 = arith.constant 6 : i32
      %add3A_298 = arith.addi %mul3A_296, %add3A_297 : i32
      %dma_wait3A_299 = arith.constant 0 : i32
      %dma_wait3A_300 = tpu.memref_slice %arg7[%add3A_172, %dma_wait3A_299] : memref<80x128xi32, #tpu.memory_space<vmem>> -> memref<1x128xi32, #tpu.memory_space<vmem>>
      %dma_wait3A_301 = tpu.memref_squeeze %dma_wait3A_300 : memref<1x128xi32, #tpu.memory_space<vmem>> -> memref<128xi32, #tpu.memory_space<vmem>>
      %dma_wait3A_302 = arith.constant 0 : i32
      %dma_wait3A_303 = arith.constant 0 : i32
      %dma_wait3A_304 = tpu.memref_slice %arg33[%dma_wait3A_302, %dma_wait3A_303] : memref<10240x32xf32, #tpu.memory_space<vmem_shared>> -> memref<10240x32xf32, #tpu.memory_space<vmem_shared>>
      tpu.wait_indirect_dma semaphore(%arg22 : memref<!tpu.dma_semaphore, #tpu.memory_space<semaphore_mem>>) src(%dma_wait3A_304 : memref<10240x32xf32, #tpu.memory_space<vmem_shared>>) dst(%arg14 : memref<128x32xf32, #tpu.memory_space<vmem>>)
      %dma_start3A_305 = arith.constant 0 : i32
      %dma_start3A_306 = tpu.memref_slice %arg6[%add3A_298, %dma_start3A_305] : memref<80x128xi32, #tpu.memory_space<vmem>> -> memref<1x128xi32, #tpu.memory_space<vmem>>
      %dma_start3A_307 = tpu.memref_squeeze %dma_start3A_306 : memref<1x128xi32, #tpu.memory_space<vmem>> -> memref<128xi32, #tpu.memory_space<vmem>>
      %dma_start3A_308 = arith.constant 0 : i32
      %dma_start3A_309 = arith.constant 0 : i32
      %dma_start3A_310 = tpu.memref_slice %arg32[%dma_start3A_308, %dma_start3A_309] : memref<10240x32xf32, #tpu.memory_space<vmem_shared>> -> memref<10240x32xf32, #tpu.memory_space<vmem_shared>>
      tpu.enqueue_indirect_dma source(%arg14 : memref<128x32xf32, #tpu.memory_space<vmem>>) target(%dma_start3A_310 : memref<10240x32xf32, #tpu.memory_space<vmem_shared>>) offsets(%dma_start3A_307 : memref<128xi32, #tpu.memory_space<vmem>>) semaphore(%arg30 : memref<!tpu.dma_semaphore, #tpu.memory_space<semaphore_mem>>) {add = true}
      %mul3A_311 = arith.constant 8 : i32
      %mul3A_312 = arith.muli %add3A_82, %mul3A_311 : i32
      %add3A_313 = arith.constant 7 : i32
      %add3A_314 = arith.addi %mul3A_312, %add3A_313 : i32
      %dma_wait3A_315 = arith.constant 0 : i32
      %dma_wait3A_316 = tpu.memref_slice %arg7[%add3A_187, %dma_wait3A_315] : memref<80x128xi32, #tpu.memory_space<vmem>> -> memref<1x128xi32, #tpu.memory_space<vmem>>
      %dma_wait3A_317 = tpu.memref_squeeze %dma_wait3A_316 : memref<1x128xi32, #tpu.memory_space<vmem>> -> memref<128xi32, #tpu.memory_space<vmem>>
      %dma_wait3A_318 = arith.constant 0 : i32
      %dma_wait3A_319 = arith.constant 0 : i32
      %dma_wait3A_320 = tpu.memref_slice %arg33[%dma_wait3A_318, %dma_wait3A_319] : memref<10240x32xf32, #tpu.memory_space<vmem_shared>> -> memref<10240x32xf32, #tpu.memory_space<vmem_shared>>
      tpu.wait_indirect_dma semaphore(%arg23 : memref<!tpu.dma_semaphore, #tpu.memory_space<semaphore_mem>>) src(%dma_wait3A_320 : memref<10240x32xf32, #tpu.memory_space<vmem_shared>>) dst(%arg15 : memref<128x32xf32, #tpu.memory_space<vmem>>)
      %dma_start3A_321 = arith.constant 0 : i32
      %dma_start3A_322 = tpu.memref_slice %arg6[%add3A_314, %dma_start3A_321] : memref<80x128xi32, #tpu.memory_space<vmem>> -> memref<1x128xi32, #tpu.memory_space<vmem>>
      %dma_start3A_323 = tpu.memref_squeeze %dma_start3A_322 : memref<1x128xi32, #tpu.memory_space<vmem>> -> memref<128xi32, #tpu.memory_space<vmem>>
      %dma_start3A_324 = arith.constant 0 : i32
      %dma_start3A_325 = arith.constant 0 : i32
      %dma_start3A_326 = tpu.memref_slice %arg32[%dma_start3A_324, %dma_start3A_325] : memref<10240x32xf32, #tpu.memory_space<vmem_shared>> -> memref<10240x32xf32, #tpu.memory_space<vmem_shared>>
      tpu.enqueue_indirect_dma source(%arg15 : memref<128x32xf32, #tpu.memory_space<vmem>>) target(%dma_start3A_326 : memref<10240x32xf32, #tpu.memory_space<vmem_shared>>) offsets(%dma_start3A_323 : memref<128xi32, #tpu.memory_space<vmem>>) semaphore(%arg31 : memref<!tpu.dma_semaphore, #tpu.memory_space<semaphore_mem>>) {add = true}
    }
    %scan3A_17 = arith.constant 10 : i32
    %dma_wait3A = arith.constant 0 : i32
    %dma_wait3A_18 = arith.constant 0 : i32
    %dma_wait3A_19 = tpu.memref_slice %arg6[%dma_wait3A, %dma_wait3A_18] : memref<80x128xi32, #tpu.memory_space<vmem>> -> memref<1x128xi32, #tpu.memory_space<vmem>>
    %dma_wait3A_20 = tpu.memref_squeeze %dma_wait3A_19 : memref<1x128xi32, #tpu.memory_space<vmem>> -> memref<128xi32, #tpu.memory_space<vmem>>
    %dma_wait3A_21 = arith.constant 0 : i32
    %dma_wait3A_22 = arith.constant 0 : i32
    %dma_wait3A_23 = tpu.memref_slice %arg32[%dma_wait3A_21, %dma_wait3A_22] : memref<10240x32xf32, #tpu.memory_space<vmem_shared>> -> memref<10240x32xf32, #tpu.memory_space<vmem_shared>>
    tpu.wait_indirect_dma semaphore(%arg24 : memref<!tpu.dma_semaphore, #tpu.memory_space<semaphore_mem>>) src(%arg8 : memref<128x32xf32, #tpu.memory_space<vmem>>) dst(%dma_wait3A_23 : memref<10240x32xf32, #tpu.memory_space<vmem_shared>>)
    %dma_wait3A_24 = arith.constant 0 : i32
    %dma_wait3A_25 = arith.constant 0 : i32
    %dma_wait3A_26 = tpu.memref_slice %arg6[%dma_wait3A_24, %dma_wait3A_25] : memref<80x128xi32, #tpu.memory_space<vmem>> -> memref<1x128xi32, #tpu.memory_space<vmem>>
    %dma_wait3A_27 = tpu.memref_squeeze %dma_wait3A_26 : memref<1x128xi32, #tpu.memory_space<vmem>> -> memref<128xi32, #tpu.memory_space<vmem>>
    %dma_wait3A_28 = arith.constant 0 : i32
    %dma_wait3A_29 = arith.constant 0 : i32
    %dma_wait3A_30 = tpu.memref_slice %arg32[%dma_wait3A_28, %dma_wait3A_29] : memref<10240x32xf32, #tpu.memory_space<vmem_shared>> -> memref<10240x32xf32, #tpu.memory_space<vmem_shared>>
    tpu.wait_indirect_dma semaphore(%arg25 : memref<!tpu.dma_semaphore, #tpu.memory_space<semaphore_mem>>) src(%arg9 : memref<128x32xf32, #tpu.memory_space<vmem>>) dst(%dma_wait3A_30 : memref<10240x32xf32, #tpu.memory_space<vmem_shared>>)
    %dma_wait3A_31 = arith.constant 0 : i32
    %dma_wait3A_32 = arith.constant 0 : i32
    %dma_wait3A_33 = tpu.memref_slice %arg6[%dma_wait3A_31, %dma_wait3A_32] : memref<80x128xi32, #tpu.memory_space<vmem>> -> memref<1x128xi32, #tpu.memory_space<vmem>>
    %dma_wait3A_34 = tpu.memref_squeeze %dma_wait3A_33 : memref<1x128xi32, #tpu.memory_space<vmem>> -> memref<128xi32, #tpu.memory_space<vmem>>
    %dma_wait3A_35 = arith.constant 0 : i32
    %dma_wait3A_36 = arith.constant 0 : i32
    %dma_wait3A_37 = tpu.memref_slice %arg32[%dma_wait3A_35, %dma_wait3A_36] : memref<10240x32xf32, #tpu.memory_space<vmem_shared>> -> memref<10240x32xf32, #tpu.memory_space<vmem_shared>>
    tpu.wait_indirect_dma semaphore(%arg26 : memref<!tpu.dma_semaphore, #tpu.memory_space<semaphore_mem>>) src(%arg10 : memref<128x32xf32, #tpu.memory_space<vmem>>) dst(%dma_wait3A_37 : memref<10240x32xf32, #tpu.memory_space<vmem_shared>>)
    %dma_wait3A_38 = arith.constant 0 : i32
    %dma_wait3A_39 = arith.constant 0 : i32
    %dma_wait3A_40 = tpu.memref_slice %arg6[%dma_wait3A_38, %dma_wait3A_39] : memref<80x128xi32, #tpu.memory_space<vmem>> -> memref<1x128xi32, #tpu.memory_space<vmem>>
    %dma_wait3A_41 = tpu.memref_squeeze %dma_wait3A_40 : memref<1x128xi32, #tpu.memory_space<vmem>> -> memref<128xi32, #tpu.memory_space<vmem>>
    %dma_wait3A_42 = arith.constant 0 : i32
    %dma_wait3A_43 = arith.constant 0 : i32
    %dma_wait3A_44 = tpu.memref_slice %arg32[%dma_wait3A_42, %dma_wait3A_43] : memref<10240x32xf32, #tpu.memory_space<vmem_shared>> -> memref<10240x32xf32, #tpu.memory_space<vmem_shared>>
    tpu.wait_indirect_dma semaphore(%arg27 : memref<!tpu.dma_semaphore, #tpu.memory_space<semaphore_mem>>) src(%arg11 : memref<128x32xf32, #tpu.memory_space<vmem>>) dst(%dma_wait3A_44 : memref<10240x32xf32, #tpu.memory_space<vmem_shared>>)
    %dma_wait3A_45 = arith.constant 0 : i32
    %dma_wait3A_46 = arith.constant 0 : i32
    %dma_wait3A_47 = tpu.memref_slice %arg6[%dma_wait3A_45, %dma_wait3A_46] : memref<80x128xi32, #tpu.memory_space<vmem>> -> memref<1x128xi32, #tpu.memory_space<vmem>>
    %dma_wait3A_48 = tpu.memref_squeeze %dma_wait3A_47 : memref<1x128xi32, #tpu.memory_space<vmem>> -> memref<128xi32, #tpu.memory_space<vmem>>
    %dma_wait3A_49 = arith.constant 0 : i32
    %dma_wait3A_50 = arith.constant 0 : i32
    %dma_wait3A_51 = tpu.memref_slice %arg32[%dma_wait3A_49, %dma_wait3A_50] : memref<10240x32xf32, #tpu.memory_space<vmem_shared>> -> memref<10240x32xf32, #tpu.memory_space<vmem_shared>>
    tpu.wait_indirect_dma semaphore(%arg28 : memref<!tpu.dma_semaphore, #tpu.memory_space<semaphore_mem>>) src(%arg12 : memref<128x32xf32, #tpu.memory_space<vmem>>) dst(%dma_wait3A_51 : memref<10240x32xf32, #tpu.memory_space<vmem_shared>>)
    %dma_wait3A_52 = arith.constant 0 : i32
    %dma_wait3A_53 = arith.constant 0 : i32
    %dma_wait3A_54 = tpu.memref_slice %arg6[%dma_wait3A_52, %dma_wait3A_53] : memref<80x128xi32, #tpu.memory_space<vmem>> -> memref<1x128xi32, #tpu.memory_space<vmem>>
    %dma_wait3A_55 = tpu.memref_squeeze %dma_wait3A_54 : memref<1x128xi32, #tpu.memory_space<vmem>> -> memref<128xi32, #tpu.memory_space<vmem>>
    %dma_wait3A_56 = arith.constant 0 : i32
    %dma_wait3A_57 = arith.constant 0 : i32
    %dma_wait3A_58 = tpu.memref_slice %arg32[%dma_wait3A_56, %dma_wait3A_57] : memref<10240x32xf32, #tpu.memory_space<vmem_shared>> -> memref<10240x32xf32, #tpu.memory_space<vmem_shared>>
    tpu.wait_indirect_dma semaphore(%arg29 : memref<!tpu.dma_semaphore, #tpu.memory_space<semaphore_mem>>) src(%arg13 : memref<128x32xf32, #tpu.memory_space<vmem>>) dst(%dma_wait3A_58 : memref<10240x32xf32, #tpu.memory_space<vmem_shared>>)
    %dma_wait3A_59 = arith.constant 0 : i32
    %dma_wait3A_60 = arith.constant 0 : i32
    %dma_wait3A_61 = tpu.memref_slice %arg6[%dma_wait3A_59, %dma_wait3A_60] : memref<80x128xi32, #tpu.memory_space<vmem>> -> memref<1x128xi32, #tpu.memory_space<vmem>>
    %dma_wait3A_62 = tpu.memref_squeeze %dma_wait3A_61 : memref<1x128xi32, #tpu.memory_space<vmem>> -> memref<128xi32, #tpu.memory_space<vmem>>
    %dma_wait3A_63 = arith.constant 0 : i32
    %dma_wait3A_64 = arith.constant 0 : i32
    %dma_wait3A_65 = tpu.memref_slice %arg32[%dma_wait3A_63, %dma_wait3A_64] : memref<10240x32xf32, #tpu.memory_space<vmem_shared>> -> memref<10240x32xf32, #tpu.memory_space<vmem_shared>>
    tpu.wait_indirect_dma semaphore(%arg30 : memref<!tpu.dma_semaphore, #tpu.memory_space<semaphore_mem>>) src(%arg14 : memref<128x32xf32, #tpu.memory_space<vmem>>) dst(%dma_wait3A_65 : memref<10240x32xf32, #tpu.memory_space<vmem_shared>>)
    %dma_wait3A_66 = arith.constant 0 : i32
    %dma_wait3A_67 = arith.constant 0 : i32
    %dma_wait3A_68 = tpu.memref_slice %arg6[%dma_wait3A_66, %dma_wait3A_67] : memref<80x128xi32, #tpu.memory_space<vmem>> -> memref<1x128xi32, #tpu.memory_space<vmem>>
    %dma_wait3A_69 = tpu.memref_squeeze %dma_wait3A_68 : memref<1x128xi32, #tpu.memory_space<vmem>> -> memref<128xi32, #tpu.memory_space<vmem>>
    %dma_wait3A_70 = arith.constant 0 : i32
    %dma_wait3A_71 = arith.constant 0 : i32
    %dma_wait3A_72 = tpu.memref_slice %arg32[%dma_wait3A_70, %dma_wait3A_71] : memref<10240x32xf32, #tpu.memory_space<vmem_shared>> -> memref<10240x32xf32, #tpu.memory_space<vmem_shared>>
    tpu.wait_indirect_dma semaphore(%arg31 : memref<!tpu.dma_semaphore, #tpu.memory_space<semaphore_mem>>) src(%arg15 : memref<128x32xf32, #tpu.memory_space<vmem>>) dst(%dma_wait3A_72 : memref<10240x32xf32, #tpu.memory_space<vmem_shared>>)
    %barrier3A_73 = arith.constant 0 : index
    tpu.barrier barrier_id(%barrier3A_73)
    %mul3A_74 = arith.constant 640 : i32
    %mul3A_75 = arith.muli %arg1, %mul3A_74 : i32
    %mul3A_76 = arith.constant 640 : i32
    %mul3A_77 = arith.muli %arg1, %mul3A_76 : i32
    "tpu.region"() ({
      %run_scoped3A_78 = tpu.sem_alloc : memref<!tpu.dma_semaphore, #tpu.memory_space<semaphore_mem>>
      %dma_start3A = arith.constant 0 : i32
      %dma_start3A_79 = tpu.memref_slice %arg5[%arg0, %mul3A_77, %dma_start3A] : memref<2x10240x32xf32, #tpu.memory_space<hbm>> -> memref<1x640x32xf32, #tpu.memory_space<hbm>>
      %dma_start3A_80 = tpu.memref_squeeze %dma_start3A_79 : memref<1x640x32xf32, #tpu.memory_space<hbm>> -> memref<640x32xf32, #tpu.memory_space<hbm>>
      %dma_start3A_81 = arith.constant 0 : i32
      %dma_start3A_82 = tpu.memref_slice %arg32[%mul3A_75, %dma_start3A_81] : memref<10240x32xf32, #tpu.memory_space<vmem_shared>> -> memref<640x32xf32, #tpu.memory_space<vmem_shared>>
      tpu.enqueue_dma source(%dma_start3A_82 : memref<640x32xf32, #tpu.memory_space<vmem_shared>>) target(%dma_start3A_80 : memref<640x32xf32, #tpu.memory_space<hbm>>) target_semaphore(%run_scoped3A_78 : memref<!tpu.dma_semaphore, #tpu.memory_space<semaphore_mem>>)
      %dma_wait3A_83 = arith.constant 0 : i32
      %dma_wait3A_84 = tpu.memref_slice %arg5[%arg0, %mul3A_77, %dma_wait3A_83] : memref<2x10240x32xf32, #tpu.memory_space<hbm>> -> memref<1x640x32xf32, #tpu.memory_space<hbm>>
      %dma_wait3A_85 = tpu.memref_squeeze %dma_wait3A_84 : memref<1x640x32xf32, #tpu.memory_space<hbm>> -> memref<640x32xf32, #tpu.memory_space<hbm>>
      %dma_wait3A_86 = arith.constant 0 : i32
      %dma_wait3A_87 = tpu.memref_slice %arg32[%mul3A_75, %dma_wait3A_86] : memref<10240x32xf32, #tpu.memory_space<vmem_shared>> -> memref<640x32xf32, #tpu.memory_space<vmem_shared>>
      tpu.wait_dma2 semaphore(%run_scoped3A_78 : memref<!tpu.dma_semaphore, #tpu.memory_space<semaphore_mem>>) src(%dma_wait3A_87 : memref<640x32xf32, #tpu.memory_space<vmem_shared>>) dst(%dma_wait3A_85 : memref<640x32xf32, #tpu.memory_space<hbm>>)
      tpu.yield
    }) : () -> ()
    return
  }
}

#map = affine_map<(d0, d1) -> (0, 0, 0, 0)>
#map1 = affine_map<(d0, d1) -> (0, 0)>
#map2 = affine_map<(d0, d1) -> (0, 0, 0)>
module attributes {stable_mosaic.version = 14 : i64} {
  func.func @sc_scatter_f32(%arg0: i32, %arg1: i32, %arg2: memref<2x32x80x128xi32, #tpu.memory_space<hbm>>, %arg3: memref<640x32xf32, #tpu.memory_space<hbm>>, %arg4: memref<10240x32xf32, #tpu.memory_space<hbm>>, %arg5: memref<2x10240x32xf32, #tpu.memory_space<hbm>>, %arg6: memref<80x128xi32, #tpu.memory_space<vmem>>, %arg7: memref<80x128xi32, #tpu.memory_space<vmem>>, %arg8: memref<128x32xf32, #tpu.memory_space<vmem>>, %arg9: memref<128x32xf32, #tpu.memory_space<vmem>>, %arg10: memref<128x32xf32, #tpu.memory_space<vmem>>, %arg11: memref<128x32xf32, #tpu.memory_space<vmem>>, %arg12: memref<128x32xf32, #tpu.memory_space<vmem>>, %arg13: memref<128x32xf32, #tpu.memory_space<vmem>>, %arg14: memref<128x32xf32, #tpu.memory_space<vmem>>, %arg15: memref<128x32xf32, #tpu.memory_space<vmem>>, %arg16: memref<!tpu.dma_semaphore, #tpu.memory_space<semaphore_mem>>, %arg17: memref<!tpu.dma_semaphore, #tpu.memory_space<semaphore_mem>>, %arg18: memref<!tpu.dma_semaphore, #tpu.memory_space<semaphore_mem>>, %arg19: memref<!tpu.dma_semaphore, #tpu.memory_space<semaphore_mem>>, %arg20: memref<!tpu.dma_semaphore, #tpu.memory_space<semaphore_mem>>, %arg21: memref<!tpu.dma_semaphore, #tpu.memory_space<semaphore_mem>>, %arg22: memref<!tpu.dma_semaphore, #tpu.memory_space<semaphore_mem>>, %arg23: memref<!tpu.dma_semaphore, #tpu.memory_space<semaphore_mem>>, %arg24: memref<!tpu.dma_semaphore, #tpu.memory_space<semaphore_mem>>, %arg25: memref<!tpu.dma_semaphore, #tpu.memory_space<semaphore_mem>>, %arg26: memref<!tpu.dma_semaphore, #tpu.memory_space<semaphore_mem>>, %arg27: memref<!tpu.dma_semaphore, #tpu.memory_space<semaphore_mem>>, %arg28: memref<!tpu.dma_semaphore, #tpu.memory_space<semaphore_mem>>, %arg29: memref<!tpu.dma_semaphore, #tpu.memory_space<semaphore_mem>>, %arg30: memref<!tpu.dma_semaphore, #tpu.memory_space<semaphore_mem>>, %arg31: memref<!tpu.dma_semaphore, #tpu.memory_space<semaphore_mem>>, %arg32: memref<10240x32xf32, #tpu.memory_space<vmem_shared>>, %arg33: memref<10240x32xf32, #tpu.memory_space<vmem_shared>>) attributes {dimension_semantics = [#tpu.dimension_semantics<core_parallel>, #tpu.dimension_semantics<subcore_parallel>], iteration_bounds = array<i64: 2, 16>, scalar_prefetch = 0 : i64, scratch_operands = 28 : i64, tpu.core_type = #tpu.core_type<sc_vector_subcore>, window_params = [{transform_indices = #map}, {transform_indices = #map1}, {transform_indices = #map1}, {transform_indices = #map2}]} {
    %mul3A = arith.constant 2 : i32
    %mul3A_0 = arith.muli %arg1, %mul3A : i32
    %add3A = arith.addi %mul3A_0, %arg0 : i32
    %mul3A_1 = arith.constant 640 : i32
    %mul3A_2 = arith.muli %arg1, %mul3A_1 : i32
    "tpu.region"() ({
      %run_scoped3A_78 = tpu.sem_alloc : memref<!tpu.dma_semaphore, #tpu.memory_space<semaphore_mem>>
      %dma_start3A = arith.constant 0 : i32
      %dma_start3A_79 = tpu.memref_slice %arg32[%mul3A_2, %dma_start3A] : memref<10240x32xf32, #tpu.memory_space<vmem_shared>> -> memref<640x32xf32, #tpu.memory_space<vmem_shared>>
      tpu.enqueue_dma source(%arg3 : memref<640x32xf32, #tpu.memory_space<hbm>>) target(%dma_start3A_79 : memref<640x32xf32, #tpu.memory_space<vmem_shared>>) target_semaphore(%run_scoped3A_78 : memref<!tpu.dma_semaphore, #tpu.memory_space<semaphore_mem>>)
      %dma_wait3A_80 = arith.constant 0 : i32
      %dma_wait3A_81 = tpu.memref_slice %arg32[%mul3A_2, %dma_wait3A_80] : memref<10240x32xf32, #tpu.memory_space<vmem_shared>> -> memref<640x32xf32, #tpu.memory_space<vmem_shared>>
      tpu.wait_dma2 semaphore(%run_scoped3A_78 : memref<!tpu.dma_semaphore, #tpu.memory_space<semaphore_mem>>) src(%arg3 : memref<640x32xf32, #tpu.memory_space<hbm>>) dst(%dma_wait3A_81 : memref<640x32xf32, #tpu.memory_space<vmem_shared>>)
      tpu.yield
    }) : () -> ()
    %mul3A_3 = arith.constant 640 : i32
    %mul3A_4 = arith.muli %arg1, %mul3A_3 : i32
    %mul3A_5 = arith.constant 640 : i32
    %mul3A_6 = arith.muli %arg1, %mul3A_5 : i32
    "tpu.region"() ({
      %run_scoped3A_78 = tpu.sem_alloc : memref<!tpu.dma_semaphore, #tpu.memory_space<semaphore_mem>>
      %dma_start3A = arith.constant 0 : i32
      %dma_start3A_79 = tpu.memref_slice %arg33[%mul3A_6, %dma_start3A] : memref<10240x32xf32, #tpu.memory_space<vmem_shared>> -> memref<640x32xf32, #tpu.memory_space<vmem_shared>>
      %dma_start3A_80 = arith.constant 0 : i32
      %dma_start3A_81 = tpu.memref_slice %arg4[%mul3A_4, %dma_start3A_80] : memref<10240x32xf32, #tpu.memory_space<hbm>> -> memref<640x32xf32, #tpu.memory_space<hbm>>
      tpu.enqueue_dma source(%dma_start3A_81 : memref<640x32xf32, #tpu.memory_space<hbm>>) target(%dma_start3A_79 : memref<640x32xf32, #tpu.memory_space<vmem_shared>>) target_semaphore(%run_scoped3A_78 : memref<!tpu.dma_semaphore, #tpu.memory_space<semaphore_mem>>)
      %dma_wait3A_82 = arith.constant 0 : i32
      %dma_wait3A_83 = tpu.memref_slice %arg33[%mul3A_6, %dma_wait3A_82] : memref<10240x32xf32, #tpu.memory_space<vmem_shared>> -> memref<640x32xf32, #tpu.memory_space<vmem_shared>>
      %dma_wait3A_84 = arith.constant 0 : i32
      %dma_wait3A_85 = tpu.memref_slice %arg4[%mul3A_4, %dma_wait3A_84] : memref<10240x32xf32, #tpu.memory_space<hbm>> -> memref<640x32xf32, #tpu.memory_space<hbm>>
      tpu.wait_dma2 semaphore(%run_scoped3A_78 : memref<!tpu.dma_semaphore, #tpu.memory_space<semaphore_mem>>) src(%dma_wait3A_85 : memref<640x32xf32, #tpu.memory_space<hbm>>) dst(%dma_wait3A_83 : memref<640x32xf32, #tpu.memory_space<vmem_shared>>)
      tpu.yield
    }) : () -> ()
    %run_scoped3A = arith.constant 0 : i32
    "tpu.region"() ({
      %run_scoped3A_78 = tpu.sem_alloc : memref<!tpu.dma_semaphore, #tpu.memory_space<semaphore_mem>>
      %dma_start3A = arith.constant 0 : i32
      %dma_start3A_79 = arith.constant 0 : i32
      %dma_start3A_80 = tpu.memref_slice %arg2[%run_scoped3A, %add3A, %dma_start3A, %dma_start3A_79] : memref<2x32x80x128xi32, #tpu.memory_space<hbm>> -> memref<1x1x80x128xi32, #tpu.memory_space<hbm>>
      %dma_start3A_81 = tpu.memref_squeeze %dma_start3A_80 : memref<1x1x80x128xi32, #tpu.memory_space<hbm>> -> memref<80x128xi32, #tpu.memory_space<hbm>>
      %dma_start3A_82 = arith.constant 0 : i32
      %dma_start3A_83 = arith.constant 0 : i32
      %dma_start3A_84 = tpu.memref_slice %arg2[%run_scoped3A, %add3A, %dma_start3A_82, %dma_start3A_83] : memref<2x32x80x128xi32, #tpu.memory_space<hbm>> -> memref<1x1x80x128xi32, #tpu.memory_space<hbm>>
      %dma_start3A_85 = tpu.memref_squeeze %dma_start3A_84 : memref<1x1x80x128xi32, #tpu.memory_space<hbm>> -> memref<80x128xi32, #tpu.memory_space<hbm>>
      tpu.enqueue_dma source(%dma_start3A_85 : memref<80x128xi32, #tpu.memory_space<hbm>>) target(%arg6 : memref<80x128xi32, #tpu.memory_space<vmem>>) target_semaphore(%run_scoped3A_78 : memref<!tpu.dma_semaphore, #tpu.memory_space<semaphore_mem>>)
      %dma_wait3A_86 = arith.constant 0 : i32
      %dma_wait3A_87 = arith.constant 0 : i32
      %dma_wait3A_88 = tpu.memref_slice %arg2[%run_scoped3A, %add3A, %dma_wait3A_86, %dma_wait3A_87] : memref<2x32x80x128xi32, #tpu.memory_space<hbm>> -> memref<1x1x80x128xi32, #tpu.memory_space<hbm>>
      %dma_wait3A_89 = tpu.memref_squeeze %dma_wait3A_88 : memref<1x1x80x128xi32, #tpu.memory_space<hbm>> -> memref<80x128xi32, #tpu.memory_space<hbm>>
      %dma_wait3A_90 = arith.constant 0 : i32
      %dma_wait3A_91 = arith.constant 0 : i32
      %dma_wait3A_92 = tpu.memref_slice %arg2[%run_scoped3A, %add3A, %dma_wait3A_90, %dma_wait3A_91] : memref<2x32x80x128xi32, #tpu.memory_space<hbm>> -> memref<1x1x80x128xi32, #tpu.memory_space<hbm>>
      %dma_wait3A_93 = tpu.memref_squeeze %dma_wait3A_92 : memref<1x1x80x128xi32, #tpu.memory_space<hbm>> -> memref<80x128xi32, #tpu.memory_space<hbm>>
      tpu.wait_dma2 semaphore(%run_scoped3A_78 : memref<!tpu.dma_semaphore, #tpu.memory_space<semaphore_mem>>) src(%dma_wait3A_93 : memref<80x128xi32, #tpu.memory_space<hbm>>) dst(%arg6 : memref<80x128xi32, #tpu.memory_space<vmem>>)
      tpu.yield
    }) : () -> ()
    %run_scoped3A_7 = arith.constant 1 : i32
    "tpu.region"() ({
      %run_scoped3A_78 = tpu.sem_alloc : memref<!tpu.dma_semaphore, #tpu.memory_space<semaphore_mem>>
      %dma_start3A = arith.constant 0 : i32
      %dma_start3A_79 = arith.constant 0 : i32
      %dma_start3A_80 = tpu.memref_slice %arg2[%run_scoped3A_7, %add3A, %dma_start3A, %dma_start3A_79] : memref<2x32x80x128xi32, #tpu.memory_space<hbm>> -> memref<1x1x80x128xi32, #tpu.memory_space<hbm>>
      %dma_start3A_81 = tpu.memref_squeeze %dma_start3A_80 : memref<1x1x80x128xi32, #tpu.memory_space<hbm>> -> memref<80x128xi32, #tpu.memory_space<hbm>>
      %dma_start3A_82 = arith.constant 0 : i32
      %dma_start3A_83 = arith.constant 0 : i32
      %dma_start3A_84 = tpu.memref_slice %arg2[%run_scoped3A_7, %add3A, %dma_start3A_82, %dma_start3A_83] : memref<2x32x80x128xi32, #tpu.memory_space<hbm>> -> memref<1x1x80x128xi32, #tpu.memory_space<hbm>>
      %dma_start3A_85 = tpu.memref_squeeze %dma_start3A_84 : memref<1x1x80x128xi32, #tpu.memory_space<hbm>> -> memref<80x128xi32, #tpu.memory_space<hbm>>
      tpu.enqueue_dma source(%dma_start3A_85 : memref<80x128xi32, #tpu.memory_space<hbm>>) target(%arg7 : memref<80x128xi32, #tpu.memory_space<vmem>>) target_semaphore(%run_scoped3A_78 : memref<!tpu.dma_semaphore, #tpu.memory_space<semaphore_mem>>)
      %dma_wait3A_86 = arith.constant 0 : i32
      %dma_wait3A_87 = arith.constant 0 : i32
      %dma_wait3A_88 = tpu.memref_slice %arg2[%run_scoped3A_7, %add3A, %dma_wait3A_86, %dma_wait3A_87] : memref<2x32x80x128xi32, #tpu.memory_space<hbm>> -> memref<1x1x80x128xi32, #tpu.memory_space<hbm>>
      %dma_wait3A_89 = tpu.memref_squeeze %dma_wait3A_88 : memref<1x1x80x128xi32, #tpu.memory_space<hbm>> -> memref<80x128xi32, #tpu.memory_space<hbm>>
      %dma_wait3A_90 = arith.constant 0 : i32
      %dma_wait3A_91 = arith.constant 0 : i32
      %dma_wait3A_92 = tpu.memref_slice %arg2[%run_scoped3A_7, %add3A, %dma_wait3A_90, %dma_wait3A_91] : memref<2x32x80x128xi32, #tpu.memory_space<hbm>> -> memref<1x1x80x128xi32, #tpu.memory_space<hbm>>
      %dma_wait3A_93 = tpu.memref_squeeze %dma_wait3A_92 : memref<1x1x80x128xi32, #tpu.memory_space<hbm>> -> memref<80x128xi32, #tpu.memory_space<hbm>>
      tpu.wait_dma2 semaphore(%run_scoped3A_78 : memref<!tpu.dma_semaphore, #tpu.memory_space<semaphore_mem>>) src(%dma_wait3A_93 : memref<80x128xi32, #tpu.memory_space<hbm>>) dst(%arg7 : memref<80x128xi32, #tpu.memory_space<vmem>>)
      tpu.yield
    }) : () -> ()
    %broadcast_in_dim3A = arith.constant 10000 : i32
    %broadcast_in_dim3A_8 = vector.broadcast %broadcast_in_dim3A : i32 to vector<16xi32>
    %scan3A = arith.constant 0 : i32
    %scan3A_9 = arith.constant 80 : i32
    %scan3A_10 = arith.addi %scan3A, %scan3A_9 : i32
    %scan3A_11 = arith.constant 1 : i32
    scf.for %scan3A_78 = %scan3A to %scan3A_10 step %scan3A_11  : i32 {
      %mul3A_79 = arith.constant 1 : i32
      %mul3A_80 = arith.muli %scan3A_78, %mul3A_79 : i32
      %add3A_81 = arith.constant 0 : i32
      %add3A_82 = arith.addi %add3A_81, %mul3A_80 : i32
      %get3A = arith.index_cast %add3A_82 : i32 to index
      %get3A_83 = arith.constant 0 : index
      %get3A_84 = tpu.vector_load %arg6[%get3A, %get3A_83] {strides = array<i32>} : memref<80x128xi32, #tpu.memory_space<vmem>>, vector<1x16xi32>,
      %get3A_85 = vector.shape_cast %get3A_84 : vector<1x16xi32> to vector<16xi32>
      %get3A_86 = arith.index_cast %add3A_82 : i32 to index
      %get3A_87 = arith.constant 0 : index
      %get3A_88 = tpu.vector_load %arg7[%get3A_86, %get3A_87] {strides = array<i32>} : memref<80x128xi32, #tpu.memory_space<vmem>>, vector<1x16xi32>,
      %get3A_89 = vector.shape_cast %get3A_88 : vector<1x16xi32> to vector<16xi32>
      %eq3A = arith.cmpi eq, %get3A_85, %get3A_89 : vector<16xi32>
      %select_n3A = arith.select %eq3A, %broadcast_in_dim3A_8, %get3A_89 : vector<16xi1>, vector<16xi32>
      %swap3A = arith.index_cast %add3A_82 : i32 to index
      %swap3A_90 = arith.constant 0 : index
      %swap3A_91 = tpu.vector_load %arg7[%swap3A, %swap3A_90] {strides = array<i32>} : memref<80x128xi32, #tpu.memory_space<vmem>>, vector<1x16xi32>,
      %swap3A_92 = vector.shape_cast %swap3A_91 : vector<1x16xi32> to vector<16xi32>
      %swap3A_93 = vector.shape_cast %select_n3A : vector<16xi32> to vector<1x16xi32>
      tpu.vector_store %arg7[%swap3A, %swap3A_90], %swap3A_93 {strides = array<i32>} : memref<80x128xi32, #tpu.memory_space<vmem>>, vector<1x16xi32>,
      %get3A_94 = arith.index_cast %add3A_82 : i32 to index
      %get3A_95 = arith.constant 16 : index
      %get3A_96 = tpu.vector_load %arg6[%get3A_94, %get3A_95] {strides = array<i32>} : memref<80x128xi32, #tpu.memory_space<vmem>>, vector<1x16xi32>,
      %get3A_97 = vector.shape_cast %get3A_96 : vector<1x16xi32> to vector<16xi32>
      %get3A_98 = arith.index_cast %add3A_82 : i32 to index
      %get3A_99 = arith.constant 16 : index
      %get3A_100 = tpu.vector_load %arg7[%get3A_98, %get3A_99] {strides = array<i32>} : memref<80x128xi32, #tpu.memory_space<vmem>>, vector<1x16xi32>,
      %get3A_101 = vector.shape_cast %get3A_100 : vector<1x16xi32> to vector<16xi32>
      %eq3A_102 = arith.cmpi eq, %get3A_97, %get3A_101 : vector<16xi32>
      %select_n3A_103 = arith.select %eq3A_102, %broadcast_in_dim3A_8, %get3A_101 : vector<16xi1>, vector<16xi32>
      %swap3A_104 = arith.index_cast %add3A_82 : i32 to index
      %swap3A_105 = arith.constant 16 : index
      %swap3A_106 = tpu.vector_load %arg7[%swap3A_104, %swap3A_105] {strides = array<i32>} : memref<80x128xi32, #tpu.memory_space<vmem>>, vector<1x16xi32>,
      %swap3A_107 = vector.shape_cast %swap3A_106 : vector<1x16xi32> to vector<16xi32>
      %swap3A_108 = vector.shape_cast %select_n3A_103 : vector<16xi32> to vector<1x16xi32>
      tpu.vector_store %arg7[%swap3A_104, %swap3A_105], %swap3A_108 {strides = array<i32>} : memref<80x128xi32, #tpu.memory_space<vmem>>, vector<1x16xi32>,
      %get3A_109 = arith.index_cast %add3A_82 : i32 to index
      %get3A_110 = arith.constant 32 : index
      %get3A_111 = tpu.vector_load %arg6[%get3A_109, %get3A_110] {strides = array<i32>} : memref<80x128xi32, #tpu.memory_space<vmem>>, vector<1x16xi32>,
      %get3A_112 = vector.shape_cast %get3A_111 : vector<1x16xi32> to vector<16xi32>
      %get3A_113 = arith.index_cast %add3A_82 : i32 to index
      %get3A_114 = arith.constant 32 : index
      %get3A_115 = tpu.vector_load %arg7[%get3A_113, %get3A_114] {strides = array<i32>} : memref<80x128xi32, #tpu.memory_space<vmem>>, vector<1x16xi32>,
      %get3A_116 = vector.shape_cast %get3A_115 : vector<1x16xi32> to vector<16xi32>
      %eq3A_117 = arith.cmpi eq, %get3A_112, %get3A_116 : vector<16xi32>
      %select_n3A_118 = arith.select %eq3A_117, %broadcast_in_dim3A_8, %get3A_116 : vector<16xi1>, vector<16xi32>
      %swap3A_119 = arith.index_cast %add3A_82 : i32 to index
      %swap3A_120 = arith.constant 32 : index
      %swap3A_121 = tpu.vector_load %arg7[%swap3A_119, %swap3A_120] {strides = array<i32>} : memref<80x128xi32, #tpu.memory_space<vmem>>, vector<1x16xi32>,
      %swap3A_122 = vector.shape_cast %swap3A_121 : vector<1x16xi32> to vector<16xi32>
      %swap3A_123 = vector.shape_cast %select_n3A_118 : vector<16xi32> to vector<1x16xi32>
      tpu.vector_store %arg7[%swap3A_119, %swap3A_120], %swap3A_123 {strides = array<i32>} : memref<80x128xi32, #tpu.memory_space<vmem>>, vector<1x16xi32>,
      %get3A_124 = arith.index_cast %add3A_82 : i32 to index
      %get3A_125 = arith.constant 48 : index
      %get3A_126 = tpu.vector_load %arg6[%get3A_124, %get3A_125] {strides = array<i32>} : memref<80x128xi32, #tpu.memory_space<vmem>>, vector<1x16xi32>,
      %get3A_127 = vector.shape_cast %get3A_126 : vector<1x16xi32> to vector<16xi32>
      %get3A_128 = arith.index_cast %add3A_82 : i32 to index
      %get3A_129 = arith.constant 48 : index
      %get3A_130 = tpu.vector_load %arg7[%get3A_128, %get3A_129] {strides = array<i32>} : memref<80x128xi32, #tpu.memory_space<vmem>>, vector<1x16xi32>,
      %get3A_131 = vector.shape_cast %get3A_130 : vector<1x16xi32> to vector<16xi32>
      %eq3A_132 = arith.cmpi eq, %get3A_127, %get3A_131 : vector<16xi32>
      %select_n3A_133 = arith.select %eq3A_132, %broadcast_in_dim3A_8, %get3A_131 : vector<16xi1>, vector<16xi32>
      %swap3A_134 = arith.index_cast %add3A_82 : i32 to index
      %swap3A_135 = arith.constant 48 : index
      %swap3A_136 = tpu.vector_load %arg7[%swap3A_134, %swap3A_135] {strides = array<i32>} : memref<80x128xi32, #tpu.memory_space<vmem>>, vector<1x16xi32>,
      %swap3A_137 = vector.shape_cast %swap3A_136 : vector<1x16xi32> to vector<16xi32>
      %swap3A_138 = vector.shape_cast %select_n3A_133 : vector<16xi32> to vector<1x16xi32>
      tpu.vector_store %arg7[%swap3A_134, %swap3A_135], %swap3A_138 {strides = array<i32>} : memref<80x128xi32, #tpu.memory_space<vmem>>, vector<1x16xi32>,
      %get3A_139 = arith.index_cast %add3A_82 : i32 to index
      %get3A_140 = arith.constant 64 : index
      %get3A_141 = tpu.vector_load %arg6[%get3A_139, %get3A_140] {strides = array<i32>} : memref<80x128xi32, #tpu.memory_space<vmem>>, vector<1x16xi32>,
      %get3A_142 = vector.shape_cast %get3A_141 : vector<1x16xi32> to vector<16xi32>
      %get3A_143 = arith.index_cast %add3A_82 : i32 to index
      %get3A_144 = arith.constant 64 : index
      %get3A_145 = tpu.vector_load %arg7[%get3A_143, %get3A_144] {strides = array<i32>} : memref<80x128xi32, #tpu.memory_space<vmem>>, vector<1x16xi32>,
      %get3A_146 = vector.shape_cast %get3A_145 : vector<1x16xi32> to vector<16xi32>
      %eq3A_147 = arith.cmpi eq, %get3A_142, %get3A_146 : vector<16xi32>
      %select_n3A_148 = arith.select %eq3A_147, %broadcast_in_dim3A_8, %get3A_146 : vector<16xi1>, vector<16xi32>
      %swap3A_149 = arith.index_cast %add3A_82 : i32 to index
      %swap3A_150 = arith.constant 64 : index
      %swap3A_151 = tpu.vector_load %arg7[%swap3A_149, %swap3A_150] {strides = array<i32>} : memref<80x128xi32, #tpu.memory_space<vmem>>, vector<1x16xi32>,
      %swap3A_152 = vector.shape_cast %swap3A_151 : vector<1x16xi32> to vector<16xi32>
      %swap3A_153 = vector.shape_cast %select_n3A_148 : vector<16xi32> to vector<1x16xi32>
      tpu.vector_store %arg7[%swap3A_149, %swap3A_150], %swap3A_153 {strides = array<i32>} : memref<80x128xi32, #tpu.memory_space<vmem>>, vector<1x16xi32>,
      %get3A_154 = arith.index_cast %add3A_82 : i32 to index
      %get3A_155 = arith.constant 80 : index
      %get3A_156 = tpu.vector_load %arg6[%get3A_154, %get3A_155] {strides = array<i32>} : memref<80x128xi32, #tpu.memory_space<vmem>>, vector<1x16xi32>,
      %get3A_157 = vector.shape_cast %get3A_156 : vector<1x16xi32> to vector<16xi32>
      %get3A_158 = arith.index_cast %add3A_82 : i32 to index
      %get3A_159 = arith.constant 80 : index
      %get3A_160 = tpu.vector_load %arg7[%get3A_158, %get3A_159] {strides = array<i32>} : memref<80x128xi32, #tpu.memory_space<vmem>>, vector<1x16xi32>,
      %get3A_161 = vector.shape_cast %get3A_160 : vector<1x16xi32> to vector<16xi32>
      %eq3A_162 = arith.cmpi eq, %get3A_157, %get3A_161 : vector<16xi32>
      %select_n3A_163 = arith.select %eq3A_162, %broadcast_in_dim3A_8, %get3A_161 : vector<16xi1>, vector<16xi32>
      %swap3A_164 = arith.index_cast %add3A_82 : i32 to index
      %swap3A_165 = arith.constant 80 : index
      %swap3A_166 = tpu.vector_load %arg7[%swap3A_164, %swap3A_165] {strides = array<i32>} : memref<80x128xi32, #tpu.memory_space<vmem>>, vector<1x16xi32>,
      %swap3A_167 = vector.shape_cast %swap3A_166 : vector<1x16xi32> to vector<16xi32>
      %swap3A_168 = vector.shape_cast %select_n3A_163 : vector<16xi32> to vector<1x16xi32>
      tpu.vector_store %arg7[%swap3A_164, %swap3A_165], %swap3A_168 {strides = array<i32>} : memref<80x128xi32, #tpu.memory_space<vmem>>, vector<1x16xi32>,
      %get3A_169 = arith.index_cast %add3A_82 : i32 to index
      %get3A_170 = arith.constant 96 : index
      %get3A_171 = tpu.vector_load %arg6[%get3A_169, %get3A_170] {strides = array<i32>} : memref<80x128xi32, #tpu.memory_space<vmem>>, vector<1x16xi32>,
      %get3A_172 = vector.shape_cast %get3A_171 : vector<1x16xi32> to vector<16xi32>
      %get3A_173 = arith.index_cast %add3A_82 : i32 to index
      %get3A_174 = arith.constant 96 : index
      %get3A_175 = tpu.vector_load %arg7[%get3A_173, %get3A_174] {strides = array<i32>} : memref<80x128xi32, #tpu.memory_space<vmem>>, vector<1x16xi32>,
      %get3A_176 = vector.shape_cast %get3A_175 : vector<1x16xi32> to vector<16xi32>
      %eq3A_177 = arith.cmpi eq, %get3A_172, %get3A_176 : vector<16xi32>
      %select_n3A_178 = arith.select %eq3A_177, %broadcast_in_dim3A_8, %get3A_176 : vector<16xi1>, vector<16xi32>
      %swap3A_179 = arith.index_cast %add3A_82 : i32 to index
      %swap3A_180 = arith.constant 96 : index
      %swap3A_181 = tpu.vector_load %arg7[%swap3A_179, %swap3A_180] {strides = array<i32>} : memref<80x128xi32, #tpu.memory_space<vmem>>, vector<1x16xi32>,
      %swap3A_182 = vector.shape_cast %swap3A_181 : vector<1x16xi32> to vector<16xi32>
      %swap3A_183 = vector.shape_cast %select_n3A_178 : vector<16xi32> to vector<1x16xi32>
      tpu.vector_store %arg7[%swap3A_179, %swap3A_180], %swap3A_183 {strides = array<i32>} : memref<80x128xi32, #tpu.memory_space<vmem>>, vector<1x16xi32>,
      %get3A_184 = arith.index_cast %add3A_82 : i32 to index
      %get3A_185 = arith.constant 112 : index
      %get3A_186 = tpu.vector_load %arg6[%get3A_184, %get3A_185] {strides = array<i32>} : memref<80x128xi32, #tpu.memory_space<vmem>>, vector<1x16xi32>,
      %get3A_187 = vector.shape_cast %get3A_186 : vector<1x16xi32> to vector<16xi32>
      %get3A_188 = arith.index_cast %add3A_82 : i32 to index
      %get3A_189 = arith.constant 112 : index
      %get3A_190 = tpu.vector_load %arg7[%get3A_188, %get3A_189] {strides = array<i32>} : memref<80x128xi32, #tpu.memory_space<vmem>>, vector<1x16xi32>,
      %get3A_191 = vector.shape_cast %get3A_190 : vector<1x16xi32> to vector<16xi32>
      %eq3A_192 = arith.cmpi eq, %get3A_187, %get3A_191 : vector<16xi32>
      %select_n3A_193 = arith.select %eq3A_192, %broadcast_in_dim3A_8, %get3A_191 : vector<16xi1>, vector<16xi32>
      %swap3A_194 = arith.index_cast %add3A_82 : i32 to index
      %swap3A_195 = arith.constant 112 : index
      %swap3A_196 = tpu.vector_load %arg7[%swap3A_194, %swap3A_195] {strides = array<i32>} : memref<80x128xi32, #tpu.memory_space<vmem>>, vector<1x16xi32>,
      %swap3A_197 = vector.shape_cast %swap3A_196 : vector<1x16xi32> to vector<16xi32>
      %swap3A_198 = vector.shape_cast %select_n3A_193 : vector<16xi32> to vector<1x16xi32>
      tpu.vector_store %arg7[%swap3A_194, %swap3A_195], %swap3A_198 {strides = array<i32>} : memref<80x128xi32, #tpu.memory_space<vmem>>, vector<1x16xi32>,
    }
    %scan3A_12 = arith.constant 80 : i32
    %barrier3A = arith.constant 0 : index
    tpu.barrier barrier_id(%barrier3A)
    %scan3A_13 = arith.constant 0 : i32
    %scan3A_14 = arith.constant 10 : i32
    %scan3A_15 = arith.addi %scan3A_13, %scan3A_14 : i32
    %scan3A_16 = arith.constant 1 : i32
    scf.for %scan3A_78 = %scan3A_13 to %scan3A_15 step %scan3A_16  : i32 {
      %mul3A_79 = arith.constant 1 : i32
      %mul3A_80 = arith.muli %scan3A_78, %mul3A_79 : i32
      %add3A_81 = arith.constant 0 : i32
      %add3A_82 = arith.addi %add3A_81, %mul3A_80 : i32
      %mul3A_83 = arith.constant 8 : i32
      %mul3A_84 = arith.muli %add3A_82, %mul3A_83 : i32
      %add3A_85 = arith.constant 0 : i32
      %add3A_86 = arith.addi %mul3A_84, %add3A_85 : i32
      %gt3A = arith.constant 0 : i32
      %gt3A_87 = arith.cmpi sgt, %add3A_82, %gt3A : i32
      %convert_element_type3A = arith.extui %gt3A_87 : i1 to i32
      %cond3A = arith.constant 0 : i32
      %cond3A_88 = arith.cmpi ne, %convert_element_type3A, %cond3A : i32
      scf.if %cond3A_88 {
        %dma_wait3A_327 = arith.constant 0 : i32
        %dma_wait3A_328 = arith.constant 0 : i32
        %dma_wait3A_329 = tpu.memref_slice %arg6[%dma_wait3A_327, %dma_wait3A_328] : memref<80x128xi32, #tpu.memory_space<vmem>> -> memref<1x128xi32, #tpu.memory_space<vmem>>
        %dma_wait3A_330 = tpu.memref_squeeze %dma_wait3A_329 : memref<1x128xi32, #tpu.memory_space<vmem>> -> memref<128xi32, #tpu.memory_space<vmem>>
        %dma_wait3A_331 = arith.constant 0 : i32
        %dma_wait3A_332 = arith.constant 0 : i32
        %dma_wait3A_333 = tpu.memref_slice %arg32[%dma_wait3A_331, %dma_wait3A_332] : memref<10240x32xf32, #tpu.memory_space<vmem_shared>> -> memref<10240x32xf32, #tpu.memory_space<vmem_shared>>
        tpu.wait_indirect_dma semaphore(%arg24 : memref<!tpu.dma_semaphore, #tpu.memory_space<semaphore_mem>>) src(%arg8 : memref<128x32xf32, #tpu.memory_space<vmem>>) dst(%dma_wait3A_333 : memref<10240x32xf32, #tpu.memory_space<vmem_shared>>)
      } else {
      }
      %dma_start3A = arith.constant 0 : i32
      %dma_start3A_89 = tpu.memref_slice %arg7[%add3A_86, %dma_start3A] : memref<80x128xi32, #tpu.memory_space<vmem>> -> memref<1x128xi32, #tpu.memory_space<vmem>>
      %dma_start3A_90 = tpu.memref_squeeze %dma_start3A_89 : memref<1x128xi32, #tpu.memory_space<vmem>> -> memref<128xi32, #tpu.memory_space<vmem>>
      %dma_start3A_91 = arith.constant 0 : i32
      %dma_start3A_92 = arith.constant 0 : i32
      %dma_start3A_93 = tpu.memref_slice %arg33[%dma_start3A_91, %dma_start3A_92] : memref<10240x32xf32, #tpu.memory_space<vmem_shared>> -> memref<10240x32xf32, #tpu.memory_space<vmem_shared>>
      tpu.enqueue_indirect_dma source(%dma_start3A_93 : memref<10240x32xf32, #tpu.memory_space<vmem_shared>>) target(%arg8 : memref<128x32xf32, #tpu.memory_space<vmem>>) offsets(%dma_start3A_90 : memref<128xi32, #tpu.memory_space<vmem>>) semaphore(%arg16 : memref<!tpu.dma_semaphore, #tpu.memory_space<semaphore_mem>>)
      %mul3A_94 = arith.constant 8 : i32
      %mul3A_95 = arith.muli %add3A_82, %mul3A_94 : i32
      %add3A_96 = arith.constant 1 : i32
      %add3A_97 = arith.addi %mul3A_95, %add3A_96 : i32
      %gt3A_98 = arith.constant 0 : i32
      %gt3A_99 = arith.cmpi sgt, %add3A_82, %gt3A_98 : i32
      %convert_element_type3A_100 = arith.extui %gt3A_99 : i1 to i32
      %cond3A_101 = arith.constant 0 : i32
      %cond3A_102 = arith.cmpi ne, %convert_element_type3A_100, %cond3A_101 : i32
      scf.if %cond3A_102 {
        %dma_wait3A_327 = arith.constant 0 : i32
        %dma_wait3A_328 = arith.constant 0 : i32
        %dma_wait3A_329 = tpu.memref_slice %arg6[%dma_wait3A_327, %dma_wait3A_328] : memref<80x128xi32, #tpu.memory_space<vmem>> -> memref<1x128xi32, #tpu.memory_space<vmem>>
        %dma_wait3A_330 = tpu.memref_squeeze %dma_wait3A_329 : memref<1x128xi32, #tpu.memory_space<vmem>> -> memref<128xi32, #tpu.memory_space<vmem>>
        %dma_wait3A_331 = arith.constant 0 : i32
        %dma_wait3A_332 = arith.constant 0 : i32
        %dma_wait3A_333 = tpu.memref_slice %arg32[%dma_wait3A_331, %dma_wait3A_332] : memref<10240x32xf32, #tpu.memory_space<vmem_shared>> -> memref<10240x32xf32, #tpu.memory_space<vmem_shared>>
        tpu.wait_indirect_dma semaphore(%arg25 : memref<!tpu.dma_semaphore, #tpu.memory_space<semaphore_mem>>) src(%arg9 : memref<128x32xf32, #tpu.memory_space<vmem>>) dst(%dma_wait3A_333 : memref<10240x32xf32, #tpu.memory_space<vmem_shared>>)
      } else {
      }
      %dma_start3A_103 = arith.constant 0 : i32
      %dma_start3A_104 = tpu.memref_slice %arg7[%add3A_97, %dma_start3A_103] : memref<80x128xi32, #tpu.memory_space<vmem>> -> memref<1x128xi32, #tpu.memory_space<vmem>>
      %dma_start3A_105 = tpu.memref_squeeze %dma_start3A_104 : memref<1x128xi32, #tpu.memory_space<vmem>> -> memref<128xi32, #tpu.memory_space<vmem>>
      %dma_start3A_106 = arith.constant 0 : i32
      %dma_start3A_107 = arith.constant 0 : i32
      %dma_start3A_108 = tpu.memref_slice %arg33[%dma_start3A_106, %dma_start3A_107] : memref<10240x32xf32, #tpu.memory_space<vmem_shared>> -> memref<10240x32xf32, #tpu.memory_space<vmem_shared>>
      tpu.enqueue_indirect_dma source(%dma_start3A_108 : memref<10240x32xf32, #tpu.memory_space<vmem_shared>>) target(%arg9 : memref<128x32xf32, #tpu.memory_space<vmem>>) offsets(%dma_start3A_105 : memref<128xi32, #tpu.memory_space<vmem>>) semaphore(%arg17 : memref<!tpu.dma_semaphore, #tpu.memory_space<semaphore_mem>>)
      %mul3A_109 = arith.constant 8 : i32
      %mul3A_110 = arith.muli %add3A_82, %mul3A_109 : i32
      %add3A_111 = arith.constant 2 : i32
      %add3A_112 = arith.addi %mul3A_110, %add3A_111 : i32
      %gt3A_113 = arith.constant 0 : i32
      %gt3A_114 = arith.cmpi sgt, %add3A_82, %gt3A_113 : i32
      %convert_element_type3A_115 = arith.extui %gt3A_114 : i1 to i32
      %cond3A_116 = arith.constant 0 : i32
      %cond3A_117 = arith.cmpi ne, %convert_element_type3A_115, %cond3A_116 : i32
      scf.if %cond3A_117 {
        %dma_wait3A_327 = arith.constant 0 : i32
        %dma_wait3A_328 = arith.constant 0 : i32
        %dma_wait3A_329 = tpu.memref_slice %arg6[%dma_wait3A_327, %dma_wait3A_328] : memref<80x128xi32, #tpu.memory_space<vmem>> -> memref<1x128xi32, #tpu.memory_space<vmem>>
        %dma_wait3A_330 = tpu.memref_squeeze %dma_wait3A_329 : memref<1x128xi32, #tpu.memory_space<vmem>> -> memref<128xi32, #tpu.memory_space<vmem>>
        %dma_wait3A_331 = arith.constant 0 : i32
        %dma_wait3A_332 = arith.constant 0 : i32
        %dma_wait3A_333 = tpu.memref_slice %arg32[%dma_wait3A_331, %dma_wait3A_332] : memref<10240x32xf32, #tpu.memory_space<vmem_shared>> -> memref<10240x32xf32, #tpu.memory_space<vmem_shared>>
        tpu.wait_indirect_dma semaphore(%arg26 : memref<!tpu.dma_semaphore, #tpu.memory_space<semaphore_mem>>) src(%arg10 : memref<128x32xf32, #tpu.memory_space<vmem>>) dst(%dma_wait3A_333 : memref<10240x32xf32, #tpu.memory_space<vmem_shared>>)
      } else {
      }
      %dma_start3A_118 = arith.constant 0 : i32
      %dma_start3A_119 = tpu.memref_slice %arg7[%add3A_112, %dma_start3A_118] : memref<80x128xi32, #tpu.memory_space<vmem>> -> memref<1x128xi32, #tpu.memory_space<vmem>>
      %dma_start3A_120 = tpu.memref_squeeze %dma_start3A_119 : memref<1x128xi32, #tpu.memory_space<vmem>> -> memref<128xi32, #tpu.memory_space<vmem>>
      %dma_start3A_121 = arith.constant 0 : i32
      %dma_start3A_122 = arith.constant 0 : i32
      %dma_start3A_123 = tpu.memref_slice %arg33[%dma_start3A_121, %dma_start3A_122] : memref<10240x32xf32, #tpu.memory_space<vmem_shared>> -> memref<10240x32xf32, #tpu.memory_space<vmem_shared>>
      tpu.enqueue_indirect_dma source(%dma_start3A_123 : memref<10240x32xf32, #tpu.memory_space<vmem_shared>>) target(%arg10 : memref<128x32xf32, #tpu.memory_space<vmem>>) offsets(%dma_start3A_120 : memref<128xi32, #tpu.memory_space<vmem>>) semaphore(%arg18 : memref<!tpu.dma_semaphore, #tpu.memory_space<semaphore_mem>>)
      %mul3A_124 = arith.constant 8 : i32
      %mul3A_125 = arith.muli %add3A_82, %mul3A_124 : i32
      %add3A_126 = arith.constant 3 : i32
      %add3A_127 = arith.addi %mul3A_125, %add3A_126 : i32
      %gt3A_128 = arith.constant 0 : i32
      %gt3A_129 = arith.cmpi sgt, %add3A_82, %gt3A_128 : i32
      %convert_element_type3A_130 = arith.extui %gt3A_129 : i1 to i32
      %cond3A_131 = arith.constant 0 : i32
      %cond3A_132 = arith.cmpi ne, %convert_element_type3A_130, %cond3A_131 : i32
      scf.if %cond3A_132 {
        %dma_wait3A_327 = arith.constant 0 : i32
        %dma_wait3A_328 = arith.constant 0 : i32
        %dma_wait3A_329 = tpu.memref_slice %arg6[%dma_wait3A_327, %dma_wait3A_328] : memref<80x128xi32, #tpu.memory_space<vmem>> -> memref<1x128xi32, #tpu.memory_space<vmem>>
        %dma_wait3A_330 = tpu.memref_squeeze %dma_wait3A_329 : memref<1x128xi32, #tpu.memory_space<vmem>> -> memref<128xi32, #tpu.memory_space<vmem>>
        %dma_wait3A_331 = arith.constant 0 : i32
        %dma_wait3A_332 = arith.constant 0 : i32
        %dma_wait3A_333 = tpu.memref_slice %arg32[%dma_wait3A_331, %dma_wait3A_332] : memref<10240x32xf32, #tpu.memory_space<vmem_shared>> -> memref<10240x32xf32, #tpu.memory_space<vmem_shared>>
        tpu.wait_indirect_dma semaphore(%arg27 : memref<!tpu.dma_semaphore, #tpu.memory_space<semaphore_mem>>) src(%arg11 : memref<128x32xf32, #tpu.memory_space<vmem>>) dst(%dma_wait3A_333 : memref<10240x32xf32, #tpu.memory_space<vmem_shared>>)
      } else {
      }
      %dma_start3A_133 = arith.constant 0 : i32
      %dma_start3A_134 = tpu.memref_slice %arg7[%add3A_127, %dma_start3A_133] : memref<80x128xi32, #tpu.memory_space<vmem>> -> memref<1x128xi32, #tpu.memory_space<vmem>>
      %dma_start3A_135 = tpu.memref_squeeze %dma_start3A_134 : memref<1x128xi32, #tpu.memory_space<vmem>> -> memref<128xi32, #tpu.memory_space<vmem>>
      %dma_start3A_136 = arith.constant 0 : i32
      %dma_start3A_137 = arith.constant 0 : i32
      %dma_start3A_138 = tpu.memref_slice %arg33[%dma_start3A_136, %dma_start3A_137] : memref<10240x32xf32, #tpu.memory_space<vmem_shared>> -> memref<10240x32xf32, #tpu.memory_space<vmem_shared>>
      tpu.enqueue_indirect_dma source(%dma_start3A_138 : memref<10240x32xf32, #tpu.memory_space<vmem_shared>>) target(%arg11 : memref<128x32xf32, #tpu.memory_space<vmem>>) offsets(%dma_start3A_135 : memref<128xi32, #tpu.memory_space<vmem>>) semaphore(%arg19 : memref<!tpu.dma_semaphore, #tpu.memory_space<semaphore_mem>>)
      %mul3A_139 = arith.constant 8 : i32
      %mul3A_140 = arith.muli %add3A_82, %mul3A_139 : i32
      %add3A_141 = arith.constant 4 : i32
      %add3A_142 = arith.addi %mul3A_140, %add3A_141 : i32
      %gt3A_143 = arith.constant 0 : i32
      %gt3A_144 = arith.cmpi sgt, %add3A_82, %gt3A_143 : i32
      %convert_element_type3A_145 = arith.extui %gt3A_144 : i1 to i32
      %cond3A_146 = arith.constant 0 : i32
      %cond3A_147 = arith.cmpi ne, %convert_element_type3A_145, %cond3A_146 : i32
      scf.if %cond3A_147 {
        %dma_wait3A_327 = arith.constant 0 : i32
        %dma_wait3A_328 = arith.constant 0 : i32
        %dma_wait3A_329 = tpu.memref_slice %arg6[%dma_wait3A_327, %dma_wait3A_328] : memref<80x128xi32, #tpu.memory_space<vmem>> -> memref<1x128xi32, #tpu.memory_space<vmem>>
        %dma_wait3A_330 = tpu.memref_squeeze %dma_wait3A_329 : memref<1x128xi32, #tpu.memory_space<vmem>> -> memref<128xi32, #tpu.memory_space<vmem>>
        %dma_wait3A_331 = arith.constant 0 : i32
        %dma_wait3A_332 = arith.constant 0 : i32
        %dma_wait3A_333 = tpu.memref_slice %arg32[%dma_wait3A_331, %dma_wait3A_332] : memref<10240x32xf32, #tpu.memory_space<vmem_shared>> -> memref<10240x32xf32, #tpu.memory_space<vmem_shared>>
        tpu.wait_indirect_dma semaphore(%arg28 : memref<!tpu.dma_semaphore, #tpu.memory_space<semaphore_mem>>) src(%arg12 : memref<128x32xf32, #tpu.memory_space<vmem>>) dst(%dma_wait3A_333 : memref<10240x32xf32, #tpu.memory_space<vmem_shared>>)
      } else {
      }
      %dma_start3A_148 = arith.constant 0 : i32
      %dma_start3A_149 = tpu.memref_slice %arg7[%add3A_142, %dma_start3A_148] : memref<80x128xi32, #tpu.memory_space<vmem>> -> memref<1x128xi32, #tpu.memory_space<vmem>>
      %dma_start3A_150 = tpu.memref_squeeze %dma_start3A_149 : memref<1x128xi32, #tpu.memory_space<vmem>> -> memref<128xi32, #tpu.memory_space<vmem>>
      %dma_start3A_151 = arith.constant 0 : i32
      %dma_start3A_152 = arith.constant 0 : i32
      %dma_start3A_153 = tpu.memref_slice %arg33[%dma_start3A_151, %dma_start3A_152] : memref<10240x32xf32, #tpu.memory_space<vmem_shared>> -> memref<10240x32xf32, #tpu.memory_space<vmem_shared>>
      tpu.enqueue_indirect_dma source(%dma_start3A_153 : memref<10240x32xf32, #tpu.memory_space<vmem_shared>>) target(%arg12 : memref<128x32xf32, #tpu.memory_space<vmem>>) offsets(%dma_start3A_150 : memref<128xi32, #tpu.memory_space<vmem>>) semaphore(%arg20 : memref<!tpu.dma_semaphore, #tpu.memory_space<semaphore_mem>>)
      %mul3A_154 = arith.constant 8 : i32
      %mul3A_155 = arith.muli %add3A_82, %mul3A_154 : i32
      %add3A_156 = arith.constant 5 : i32
      %add3A_157 = arith.addi %mul3A_155, %add3A_156 : i32
      %gt3A_158 = arith.constant 0 : i32
      %gt3A_159 = arith.cmpi sgt, %add3A_82, %gt3A_158 : i32
      %convert_element_type3A_160 = arith.extui %gt3A_159 : i1 to i32
      %cond3A_161 = arith.constant 0 : i32
      %cond3A_162 = arith.cmpi ne, %convert_element_type3A_160, %cond3A_161 : i32
      scf.if %cond3A_162 {
        %dma_wait3A_327 = arith.constant 0 : i32
        %dma_wait3A_328 = arith.constant 0 : i32
        %dma_wait3A_329 = tpu.memref_slice %arg6[%dma_wait3A_327, %dma_wait3A_328] : memref<80x128xi32, #tpu.memory_space<vmem>> -> memref<1x128xi32, #tpu.memory_space<vmem>>
        %dma_wait3A_330 = tpu.memref_squeeze %dma_wait3A_329 : memref<1x128xi32, #tpu.memory_space<vmem>> -> memref<128xi32, #tpu.memory_space<vmem>>
        %dma_wait3A_331 = arith.constant 0 : i32
        %dma_wait3A_332 = arith.constant 0 : i32
        %dma_wait3A_333 = tpu.memref_slice %arg32[%dma_wait3A_331, %dma_wait3A_332] : memref<10240x32xf32, #tpu.memory_space<vmem_shared>> -> memref<10240x32xf32, #tpu.memory_space<vmem_shared>>
        tpu.wait_indirect_dma semaphore(%arg29 : memref<!tpu.dma_semaphore, #tpu.memory_space<semaphore_mem>>) src(%arg13 : memref<128x32xf32, #tpu.memory_space<vmem>>) dst(%dma_wait3A_333 : memref<10240x32xf32, #tpu.memory_space<vmem_shared>>)
      } else {
      }
      %dma_start3A_163 = arith.constant 0 : i32
      %dma_start3A_164 = tpu.memref_slice %arg7[%add3A_157, %dma_start3A_163] : memref<80x128xi32, #tpu.memory_space<vmem>> -> memref<1x128xi32, #tpu.memory_space<vmem>>
      %dma_start3A_165 = tpu.memref_squeeze %dma_start3A_164 : memref<1x128xi32, #tpu.memory_space<vmem>> -> memref<128xi32, #tpu.memory_space<vmem>>
      %dma_start3A_166 = arith.constant 0 : i32
      %dma_start3A_167 = arith.constant 0 : i32
      %dma_start3A_168 = tpu.memref_slice %arg33[%dma_start3A_166, %dma_start3A_167] : memref<10240x32xf32, #tpu.memory_space<vmem_shared>> -> memref<10240x32xf32, #tpu.memory_space<vmem_shared>>
      tpu.enqueue_indirect_dma source(%dma_start3A_168 : memref<10240x32xf32, #tpu.memory_space<vmem_shared>>) target(%arg13 : memref<128x32xf32, #tpu.memory_space<vmem>>) offsets(%dma_start3A_165 : memref<128xi32, #tpu.memory_space<vmem>>) semaphore(%arg21 : memref<!tpu.dma_semaphore, #tpu.memory_space<semaphore_mem>>)
      %mul3A_169 = arith.constant 8 : i32
      %mul3A_170 = arith.muli %add3A_82, %mul3A_169 : i32
      %add3A_171 = arith.constant 6 : i32
      %add3A_172 = arith.addi %mul3A_170, %add3A_171 : i32
      %gt3A_173 = arith.constant 0 : i32
      %gt3A_174 = arith.cmpi sgt, %add3A_82, %gt3A_173 : i32
      %convert_element_type3A_175 = arith.extui %gt3A_174 : i1 to i32
      %cond3A_176 = arith.constant 0 : i32
      %cond3A_177 = arith.cmpi ne, %convert_element_type3A_175, %cond3A_176 : i32
      scf.if %cond3A_177 {
        %dma_wait3A_327 = arith.constant 0 : i32
        %dma_wait3A_328 = arith.constant 0 : i32
        %dma_wait3A_329 = tpu.memref_slice %arg6[%dma_wait3A_327, %dma_wait3A_328] : memref<80x128xi32, #tpu.memory_space<vmem>> -> memref<1x128xi32, #tpu.memory_space<vmem>>
        %dma_wait3A_330 = tpu.memref_squeeze %dma_wait3A_329 : memref<1x128xi32, #tpu.memory_space<vmem>> -> memref<128xi32, #tpu.memory_space<vmem>>
        %dma_wait3A_331 = arith.constant 0 : i32
        %dma_wait3A_332 = arith.constant 0 : i32
        %dma_wait3A_333 = tpu.memref_slice %arg32[%dma_wait3A_331, %dma_wait3A_332] : memref<10240x32xf32, #tpu.memory_space<vmem_shared>> -> memref<10240x32xf32, #tpu.memory_space<vmem_shared>>
        tpu.wait_indirect_dma semaphore(%arg30 : memref<!tpu.dma_semaphore, #tpu.memory_space<semaphore_mem>>) src(%arg14 : memref<128x32xf32, #tpu.memory_space<vmem>>) dst(%dma_wait3A_333 : memref<10240x32xf32, #tpu.memory_space<vmem_shared>>)
      } else {
      }
      %dma_start3A_178 = arith.constant 0 : i32
      %dma_start3A_179 = tpu.memref_slice %arg7[%add3A_172, %dma_start3A_178] : memref<80x128xi32, #tpu.memory_space<vmem>> -> memref<1x128xi32, #tpu.memory_space<vmem>>
      %dma_start3A_180 = tpu.memref_squeeze %dma_start3A_179 : memref<1x128xi32, #tpu.memory_space<vmem>> -> memref<128xi32, #tpu.memory_space<vmem>>
      %dma_start3A_181 = arith.constant 0 : i32
      %dma_start3A_182 = arith.constant 0 : i32
      %dma_start3A_183 = tpu.memref_slice %arg33[%dma_start3A_181, %dma_start3A_182] : memref<10240x32xf32, #tpu.memory_space<vmem_shared>> -> memref<10240x32xf32, #tpu.memory_space<vmem_shared>>
      tpu.enqueue_indirect_dma source(%dma_start3A_183 : memref<10240x32xf32, #tpu.memory_space<vmem_shared>>) target(%arg14 : memref<128x32xf32, #tpu.memory_space<vmem>>) offsets(%dma_start3A_180 : memref<128xi32, #tpu.memory_space<vmem>>) semaphore(%arg22 : memref<!tpu.dma_semaphore, #tpu.memory_space<semaphore_mem>>)
      %mul3A_184 = arith.constant 8 : i32
      %mul3A_185 = arith.muli %add3A_82, %mul3A_184 : i32
      %add3A_186 = arith.constant 7 : i32
      %add3A_187 = arith.addi %mul3A_185, %add3A_186 : i32
      %gt3A_188 = arith.constant 0 : i32
      %gt3A_189 = arith.cmpi sgt, %add3A_82, %gt3A_188 : i32
      %convert_element_type3A_190 = arith.extui %gt3A_189 : i1 to i32
      %cond3A_191 = arith.constant 0 : i32
      %cond3A_192 = arith.cmpi ne, %convert_element_type3A_190, %cond3A_191 : i32
      scf.if %cond3A_192 {
        %dma_wait3A_327 = arith.constant 0 : i32
        %dma_wait3A_328 = arith.constant 0 : i32
        %dma_wait3A_329 = tpu.memref_slice %arg6[%dma_wait3A_327, %dma_wait3A_328] : memref<80x128xi32, #tpu.memory_space<vmem>> -> memref<1x128xi32, #tpu.memory_space<vmem>>
        %dma_wait3A_330 = tpu.memref_squeeze %dma_wait3A_329 : memref<1x128xi32, #tpu.memory_space<vmem>> -> memref<128xi32, #tpu.memory_space<vmem>>
        %dma_wait3A_331 = arith.constant 0 : i32
        %dma_wait3A_332 = arith.constant 0 : i32
        %dma_wait3A_333 = tpu.memref_slice %arg32[%dma_wait3A_331, %dma_wait3A_332] : memref<10240x32xf32, #tpu.memory_space<vmem_shared>> -> memref<10240x32xf32, #tpu.memory_space<vmem_shared>>
        tpu.wait_indirect_dma semaphore(%arg31 : memref<!tpu.dma_semaphore, #tpu.memory_space<semaphore_mem>>) src(%arg15 : memref<128x32xf32, #tpu.memory_space<vmem>>) dst(%dma_wait3A_333 : memref<10240x32xf32, #tpu.memory_space<vmem_shared>>)
      } else {
      }
      %dma_start3A_193 = arith.constant 0 : i32
      %dma_start3A_194 = tpu.memref_slice %arg7[%add3A_187, %dma_start3A_193] : memref<80x128xi32, #tpu.memory_space<vmem>> -> memref<1x128xi32, #tpu.memory_space<vmem>>
      %dma_start3A_195 = tpu.memref_squeeze %dma_start3A_194 : memref<1x128xi32, #tpu.memory_space<vmem>> -> memref<128xi32, #tpu.memory_space<vmem>>
      %dma_start3A_196 = arith.constant 0 : i32
      %dma_start3A_197 = arith.constant 0 : i32
      %dma_start3A_198 = tpu.memref_slice %arg33[%dma_start3A_196, %dma_start3A_197] : memref<10240x32xf32, #tpu.memory_space<vmem_shared>> -> memref<10240x32xf32, #tpu.memory_space<vmem_shared>>
      tpu.enqueue_indirect_dma source(%dma_start3A_198 : memref<10240x32xf32, #tpu.memory_space<vmem_shared>>) target(%arg15 : memref<128x32xf32, #tpu.memory_space<vmem>>) offsets(%dma_start3A_195 : memref<128xi32, #tpu.memory_space<vmem>>) semaphore(%arg23 : memref<!tpu.dma_semaphore, #tpu.memory_space<semaphore_mem>>)
      %mul3A_199 = arith.constant 8 : i32
      %mul3A_200 = arith.muli %add3A_82, %mul3A_199 : i32
      %add3A_201 = arith.constant 0 : i32
      %add3A_202 = arith.addi %mul3A_200, %add3A_201 : i32
      %dma_wait3A_203 = arith.constant 0 : i32
      %dma_wait3A_204 = tpu.memref_slice %arg7[%add3A_86, %dma_wait3A_203] : memref<80x128xi32, #tpu.memory_space<vmem>> -> memref<1x128xi32, #tpu.memory_space<vmem>>
      %dma_wait3A_205 = tpu.memref_squeeze %dma_wait3A_204 : memref<1x128xi32, #tpu.memory_space<vmem>> -> memref<128xi32, #tpu.memory_space<vmem>>
      %dma_wait3A_206 = arith.constant 0 : i32
      %dma_wait3A_207 = arith.constant 0 : i32
      %dma_wait3A_208 = tpu.memref_slice %arg33[%dma_wait3A_206, %dma_wait3A_207] : memref<10240x32xf32, #tpu.memory_space<vmem_shared>> -> memref<10240x32xf32, #tpu.memory_space<vmem_shared>>
      tpu.wait_indirect_dma semaphore(%arg16 : memref<!tpu.dma_semaphore, #tpu.memory_space<semaphore_mem>>) src(%dma_wait3A_208 : memref<10240x32xf32, #tpu.memory_space<vmem_shared>>) dst(%arg8 : memref<128x32xf32, #tpu.memory_space<vmem>>)
      %dma_start3A_209 = arith.constant 0 : i32
      %dma_start3A_210 = tpu.memref_slice %arg6[%add3A_202, %dma_start3A_209] : memref<80x128xi32, #tpu.memory_space<vmem>> -> memref<1x128xi32, #tpu.memory_space<vmem>>
      %dma_start3A_211 = tpu.memref_squeeze %dma_start3A_210 : memref<1x128xi32, #tpu.memory_space<vmem>> -> memref<128xi32, #tpu.memory_space<vmem>>
      %dma_start3A_212 = arith.constant 0 : i32
      %dma_start3A_213 = arith.constant 0 : i32
      %dma_start3A_214 = tpu.memref_slice %arg32[%dma_start3A_212, %dma_start3A_213] : memref<10240x32xf32, #tpu.memory_space<vmem_shared>> -> memref<10240x32xf32, #tpu.memory_space<vmem_shared>>
      tpu.enqueue_indirect_dma source(%arg8 : memref<128x32xf32, #tpu.memory_space<vmem>>) target(%dma_start3A_214 : memref<10240x32xf32, #tpu.memory_space<vmem_shared>>) offsets(%dma_start3A_211 : memref<128xi32, #tpu.memory_space<vmem>>) semaphore(%arg24 : memref<!tpu.dma_semaphore, #tpu.memory_space<semaphore_mem>>) {add = true}
      %mul3A_215 = arith.constant 8 : i32
      %mul3A_216 = arith.muli %add3A_82, %mul3A_215 : i32
      %add3A_217 = arith.constant 1 : i32
      %add3A_218 = arith.addi %mul3A_216, %add3A_217 : i32
      %dma_wait3A_219 = arith.constant 0 : i32
      %dma_wait3A_220 = tpu.memref_slice %arg7[%add3A_97, %dma_wait3A_219] : memref<80x128xi32, #tpu.memory_space<vmem>> -> memref<1x128xi32, #tpu.memory_space<vmem>>
      %dma_wait3A_221 = tpu.memref_squeeze %dma_wait3A_220 : memref<1x128xi32, #tpu.memory_space<vmem>> -> memref<128xi32, #tpu.memory_space<vmem>>
      %dma_wait3A_222 = arith.constant 0 : i32
      %dma_wait3A_223 = arith.constant 0 : i32
      %dma_wait3A_224 = tpu.memref_slice %arg33[%dma_wait3A_222, %dma_wait3A_223] : memref<10240x32xf32, #tpu.memory_space<vmem_shared>> -> memref<10240x32xf32, #tpu.memory_space<vmem_shared>>
      tpu.wait_indirect_dma semaphore(%arg17 : memref<!tpu.dma_semaphore, #tpu.memory_space<semaphore_mem>>) src(%dma_wait3A_224 : memref<10240x32xf32, #tpu.memory_space<vmem_shared>>) dst(%arg9 : memref<128x32xf32, #tpu.memory_space<vmem>>)
      %dma_start3A_225 = arith.constant 0 : i32
      %dma_start3A_226 = tpu.memref_slice %arg6[%add3A_218, %dma_start3A_225] : memref<80x128xi32, #tpu.memory_space<vmem>> -> memref<1x128xi32, #tpu.memory_space<vmem>>
      %dma_start3A_227 = tpu.memref_squeeze %dma_start3A_226 : memref<1x128xi32, #tpu.memory_space<vmem>> -> memref<128xi32, #tpu.memory_space<vmem>>
      %dma_start3A_228 = arith.constant 0 : i32
      %dma_start3A_229 = arith.constant 0 : i32
      %dma_start3A_230 = tpu.memref_slice %arg32[%dma_start3A_228, %dma_start3A_229] : memref<10240x32xf32, #tpu.memory_space<vmem_shared>> -> memref<10240x32xf32, #tpu.memory_space<vmem_shared>>
      tpu.enqueue_indirect_dma source(%arg9 : memref<128x32xf32, #tpu.memory_space<vmem>>) target(%dma_start3A_230 : memref<10240x32xf32, #tpu.memory_space<vmem_shared>>) offsets(%dma_start3A_227 : memref<128xi32, #tpu.memory_space<vmem>>) semaphore(%arg25 : memref<!tpu.dma_semaphore, #tpu.memory_space<semaphore_mem>>) {add = true}
      %mul3A_231 = arith.constant 8 : i32
      %mul3A_232 = arith.muli %add3A_82, %mul3A_231 : i32
      %add3A_233 = arith.constant 2 : i32
      %add3A_234 = arith.addi %mul3A_232, %add3A_233 : i32
      %dma_wait3A_235 = arith.constant 0 : i32
      %dma_wait3A_236 = tpu.memref_slice %arg7[%add3A_112, %dma_wait3A_235] : memref<80x128xi32, #tpu.memory_space<vmem>> -> memref<1x128xi32, #tpu.memory_space<vmem>>
      %dma_wait3A_237 = tpu.memref_squeeze %dma_wait3A_236 : memref<1x128xi32, #tpu.memory_space<vmem>> -> memref<128xi32, #tpu.memory_space<vmem>>
      %dma_wait3A_238 = arith.constant 0 : i32
      %dma_wait3A_239 = arith.constant 0 : i32
      %dma_wait3A_240 = tpu.memref_slice %arg33[%dma_wait3A_238, %dma_wait3A_239] : memref<10240x32xf32, #tpu.memory_space<vmem_shared>> -> memref<10240x32xf32, #tpu.memory_space<vmem_shared>>
      tpu.wait_indirect_dma semaphore(%arg18 : memref<!tpu.dma_semaphore, #tpu.memory_space<semaphore_mem>>) src(%dma_wait3A_240 : memref<10240x32xf32, #tpu.memory_space<vmem_shared>>) dst(%arg10 : memref<128x32xf32, #tpu.memory_space<vmem>>)
      %dma_start3A_241 = arith.constant 0 : i32
      %dma_start3A_242 = tpu.memref_slice %arg6[%add3A_234, %dma_start3A_241] : memref<80x128xi32, #tpu.memory_space<vmem>> -> memref<1x128xi32, #tpu.memory_space<vmem>>
      %dma_start3A_243 = tpu.memref_squeeze %dma_start3A_242 : memref<1x128xi32, #tpu.memory_space<vmem>> -> memref<128xi32, #tpu.memory_space<vmem>>
      %dma_start3A_244 = arith.constant 0 : i32
      %dma_start3A_245 = arith.constant 0 : i32
      %dma_start3A_246 = tpu.memref_slice %arg32[%dma_start3A_244, %dma_start3A_245] : memref<10240x32xf32, #tpu.memory_space<vmem_shared>> -> memref<10240x32xf32, #tpu.memory_space<vmem_shared>>
      tpu.enqueue_indirect_dma source(%arg10 : memref<128x32xf32, #tpu.memory_space<vmem>>) target(%dma_start3A_246 : memref<10240x32xf32, #tpu.memory_space<vmem_shared>>) offsets(%dma_start3A_243 : memref<128xi32, #tpu.memory_space<vmem>>) semaphore(%arg26 : memref<!tpu.dma_semaphore, #tpu.memory_space<semaphore_mem>>) {add = true}
      %mul3A_247 = arith.constant 8 : i32
      %mul3A_248 = arith.muli %add3A_82, %mul3A_247 : i32
      %add3A_249 = arith.constant 3 : i32
      %add3A_250 = arith.addi %mul3A_248, %add3A_249 : i32
      %dma_wait3A_251 = arith.constant 0 : i32
      %dma_wait3A_252 = tpu.memref_slice %arg7[%add3A_127, %dma_wait3A_251] : memref<80x128xi32, #tpu.memory_space<vmem>> -> memref<1x128xi32, #tpu.memory_space<vmem>>
      %dma_wait3A_253 = tpu.memref_squeeze %dma_wait3A_252 : memref<1x128xi32, #tpu.memory_space<vmem>> -> memref<128xi32, #tpu.memory_space<vmem>>
      %dma_wait3A_254 = arith.constant 0 : i32
      %dma_wait3A_255 = arith.constant 0 : i32
      %dma_wait3A_256 = tpu.memref_slice %arg33[%dma_wait3A_254, %dma_wait3A_255] : memref<10240x32xf32, #tpu.memory_space<vmem_shared>> -> memref<10240x32xf32, #tpu.memory_space<vmem_shared>>
      tpu.wait_indirect_dma semaphore(%arg19 : memref<!tpu.dma_semaphore, #tpu.memory_space<semaphore_mem>>) src(%dma_wait3A_256 : memref<10240x32xf32, #tpu.memory_space<vmem_shared>>) dst(%arg11 : memref<128x32xf32, #tpu.memory_space<vmem>>)
      %dma_start3A_257 = arith.constant 0 : i32
      %dma_start3A_258 = tpu.memref_slice %arg6[%add3A_250, %dma_start3A_257] : memref<80x128xi32, #tpu.memory_space<vmem>> -> memref<1x128xi32, #tpu.memory_space<vmem>>
      %dma_start3A_259 = tpu.memref_squeeze %dma_start3A_258 : memref<1x128xi32, #tpu.memory_space<vmem>> -> memref<128xi32, #tpu.memory_space<vmem>>
      %dma_start3A_260 = arith.constant 0 : i32
      %dma_start3A_261 = arith.constant 0 : i32
      %dma_start3A_262 = tpu.memref_slice %arg32[%dma_start3A_260, %dma_start3A_261] : memref<10240x32xf32, #tpu.memory_space<vmem_shared>> -> memref<10240x32xf32, #tpu.memory_space<vmem_shared>>
      tpu.enqueue_indirect_dma source(%arg11 : memref<128x32xf32, #tpu.memory_space<vmem>>) target(%dma_start3A_262 : memref<10240x32xf32, #tpu.memory_space<vmem_shared>>) offsets(%dma_start3A_259 : memref<128xi32, #tpu.memory_space<vmem>>) semaphore(%arg27 : memref<!tpu.dma_semaphore, #tpu.memory_space<semaphore_mem>>) {add = true}
      %mul3A_263 = arith.constant 8 : i32
      %mul3A_264 = arith.muli %add3A_82, %mul3A_263 : i32
      %add3A_265 = arith.constant 4 : i32
      %add3A_266 = arith.addi %mul3A_264, %add3A_265 : i32
      %dma_wait3A_267 = arith.constant 0 : i32
      %dma_wait3A_268 = tpu.memref_slice %arg7[%add3A_142, %dma_wait3A_267] : memref<80x128xi32, #tpu.memory_space<vmem>> -> memref<1x128xi32, #tpu.memory_space<vmem>>
      %dma_wait3A_269 = tpu.memref_squeeze %dma_wait3A_268 : memref<1x128xi32, #tpu.memory_space<vmem>> -> memref<128xi32, #tpu.memory_space<vmem>>
      %dma_wait3A_270 = arith.constant 0 : i32
      %dma_wait3A_271 = arith.constant 0 : i32
      %dma_wait3A_272 = tpu.memref_slice %arg33[%dma_wait3A_270, %dma_wait3A_271] : memref<10240x32xf32, #tpu.memory_space<vmem_shared>> -> memref<10240x32xf32, #tpu.memory_space<vmem_shared>>
      tpu.wait_indirect_dma semaphore(%arg20 : memref<!tpu.dma_semaphore, #tpu.memory_space<semaphore_mem>>) src(%dma_wait3A_272 : memref<10240x32xf32, #tpu.memory_space<vmem_shared>>) dst(%arg12 : memref<128x32xf32, #tpu.memory_space<vmem>>)
      %dma_start3A_273 = arith.constant 0 : i32
      %dma_start3A_274 = tpu.memref_slice %arg6[%add3A_266, %dma_start3A_273] : memref<80x128xi32, #tpu.memory_space<vmem>> -> memref<1x128xi32, #tpu.memory_space<vmem>>
      %dma_start3A_275 = tpu.memref_squeeze %dma_start3A_274 : memref<1x128xi32, #tpu.memory_space<vmem>> -> memref<128xi32, #tpu.memory_space<vmem>>
      %dma_start3A_276 = arith.constant 0 : i32
      %dma_start3A_277 = arith.constant 0 : i32
      %dma_start3A_278 = tpu.memref_slice %arg32[%dma_start3A_276, %dma_start3A_277] : memref<10240x32xf32, #tpu.memory_space<vmem_shared>> -> memref<10240x32xf32, #tpu.memory_space<vmem_shared>>
      tpu.enqueue_indirect_dma source(%arg12 : memref<128x32xf32, #tpu.memory_space<vmem>>) target(%dma_start3A_278 : memref<10240x32xf32, #tpu.memory_space<vmem_shared>>) offsets(%dma_start3A_275 : memref<128xi32, #tpu.memory_space<vmem>>) semaphore(%arg28 : memref<!tpu.dma_semaphore, #tpu.memory_space<semaphore_mem>>) {add = true}
      %mul3A_279 = arith.constant 8 : i32
      %mul3A_280 = arith.muli %add3A_82, %mul3A_279 : i32
      %add3A_281 = arith.constant 5 : i32
      %add3A_282 = arith.addi %mul3A_280, %add3A_281 : i32
      %dma_wait3A_283 = arith.constant 0 : i32
      %dma_wait3A_284 = tpu.memref_slice %arg7[%add3A_157, %dma_wait3A_283] : memref<80x128xi32, #tpu.memory_space<vmem>> -> memref<1x128xi32, #tpu.memory_space<vmem>>
      %dma_wait3A_285 = tpu.memref_squeeze %dma_wait3A_284 : memref<1x128xi32, #tpu.memory_space<vmem>> -> memref<128xi32, #tpu.memory_space<vmem>>
      %dma_wait3A_286 = arith.constant 0 : i32
      %dma_wait3A_287 = arith.constant 0 : i32
      %dma_wait3A_288 = tpu.memref_slice %arg33[%dma_wait3A_286, %dma_wait3A_287] : memref<10240x32xf32, #tpu.memory_space<vmem_shared>> -> memref<10240x32xf32, #tpu.memory_space<vmem_shared>>
      tpu.wait_indirect_dma semaphore(%arg21 : memref<!tpu.dma_semaphore, #tpu.memory_space<semaphore_mem>>) src(%dma_wait3A_288 : memref<10240x32xf32, #tpu.memory_space<vmem_shared>>) dst(%arg13 : memref<128x32xf32, #tpu.memory_space<vmem>>)
      %dma_start3A_289 = arith.constant 0 : i32
      %dma_start3A_290 = tpu.memref_slice %arg6[%add3A_282, %dma_start3A_289] : memref<80x128xi32, #tpu.memory_space<vmem>> -> memref<1x128xi32, #tpu.memory_space<vmem>>
      %dma_start3A_291 = tpu.memref_squeeze %dma_start3A_290 : memref<1x128xi32, #tpu.memory_space<vmem>> -> memref<128xi32, #tpu.memory_space<vmem>>
      %dma_start3A_292 = arith.constant 0 : i32
      %dma_start3A_293 = arith.constant 0 : i32
      %dma_start3A_294 = tpu.memref_slice %arg32[%dma_start3A_292, %dma_start3A_293] : memref<10240x32xf32, #tpu.memory_space<vmem_shared>> -> memref<10240x32xf32, #tpu.memory_space<vmem_shared>>
      tpu.enqueue_indirect_dma source(%arg13 : memref<128x32xf32, #tpu.memory_space<vmem>>) target(%dma_start3A_294 : memref<10240x32xf32, #tpu.memory_space<vmem_shared>>) offsets(%dma_start3A_291 : memref<128xi32, #tpu.memory_space<vmem>>) semaphore(%arg29 : memref<!tpu.dma_semaphore, #tpu.memory_space<semaphore_mem>>) {add = true}
      %mul3A_295 = arith.constant 8 : i32
      %mul3A_296 = arith.muli %add3A_82, %mul3A_295 : i32
      %add3A_297 = arith.constant 6 : i32
      %add3A_298 = arith.addi %mul3A_296, %add3A_297 : i32
      %dma_wait3A_299 = arith.constant 0 : i32
      %dma_wait3A_300 = tpu.memref_slice %arg7[%add3A_172, %dma_wait3A_299] : memref<80x128xi32, #tpu.memory_space<vmem>> -> memref<1x128xi32, #tpu.memory_space<vmem>>
      %dma_wait3A_301 = tpu.memref_squeeze %dma_wait3A_300 : memref<1x128xi32, #tpu.memory_space<vmem>> -> memref<128xi32, #tpu.memory_space<vmem>>
      %dma_wait3A_302 = arith.constant 0 : i32
      %dma_wait3A_303 = arith.constant 0 : i32
      %dma_wait3A_304 = tpu.memref_slice %arg33[%dma_wait3A_302, %dma_wait3A_303] : memref<10240x32xf32, #tpu.memory_space<vmem_shared>> -> memref<10240x32xf32, #tpu.memory_space<vmem_shared>>
      tpu.wait_indirect_dma semaphore(%arg22 : memref<!tpu.dma_semaphore, #tpu.memory_space<semaphore_mem>>) src(%dma_wait3A_304 : memref<10240x32xf32, #tpu.memory_space<vmem_shared>>) dst(%arg14 : memref<128x32xf32, #tpu.memory_space<vmem>>)
      %dma_start3A_305 = arith.constant 0 : i32
      %dma_start3A_306 = tpu.memref_slice %arg6[%add3A_298, %dma_start3A_305] : memref<80x128xi32, #tpu.memory_space<vmem>> -> memref<1x128xi32, #tpu.memory_space<vmem>>
      %dma_start3A_307 = tpu.memref_squeeze %dma_start3A_306 : memref<1x128xi32, #tpu.memory_space<vmem>> -> memref<128xi32, #tpu.memory_space<vmem>>
      %dma_start3A_308 = arith.constant 0 : i32
      %dma_start3A_309 = arith.constant 0 : i32
      %dma_start3A_310 = tpu.memref_slice %arg32[%dma_start3A_308, %dma_start3A_309] : memref<10240x32xf32, #tpu.memory_space<vmem_shared>> -> memref<10240x32xf32, #tpu.memory_space<vmem_shared>>
      tpu.enqueue_indirect_dma source(%arg14 : memref<128x32xf32, #tpu.memory_space<vmem>>) target(%dma_start3A_310 : memref<10240x32xf32, #tpu.memory_space<vmem_shared>>) offsets(%dma_start3A_307 : memref<128xi32, #tpu.memory_space<vmem>>) semaphore(%arg30 : memref<!tpu.dma_semaphore, #tpu.memory_space<semaphore_mem>>) {add = true}
      %mul3A_311 = arith.constant 8 : i32
      %mul3A_312 = arith.muli %add3A_82, %mul3A_311 : i32
      %add3A_313 = arith.constant 7 : i32
      %add3A_314 = arith.addi %mul3A_312, %add3A_313 : i32
      %dma_wait3A_315 = arith.constant 0 : i32
      %dma_wait3A_316 = tpu.memref_slice %arg7[%add3A_187, %dma_wait3A_315] : memref<80x128xi32, #tpu.memory_space<vmem>> -> memref<1x128xi32, #tpu.memory_space<vmem>>
      %dma_wait3A_317 = tpu.memref_squeeze %dma_wait3A_316 : memref<1x128xi32, #tpu.memory_space<vmem>> -> memref<128xi32, #tpu.memory_space<vmem>>
      %dma_wait3A_318 = arith.constant 0 : i32
      %dma_wait3A_319 = arith.constant 0 : i32
      %dma_wait3A_320 = tpu.memref_slice %arg33[%dma_wait3A_318, %dma_wait3A_319] : memref<10240x32xf32, #tpu.memory_space<vmem_shared>> -> memref<10240x32xf32, #tpu.memory_space<vmem_shared>>
      tpu.wait_indirect_dma semaphore(%arg23 : memref<!tpu.dma_semaphore, #tpu.memory_space<semaphore_mem>>) src(%dma_wait3A_320 : memref<10240x32xf32, #tpu.memory_space<vmem_shared>>) dst(%arg15 : memref<128x32xf32, #tpu.memory_space<vmem>>)
      %dma_start3A_321 = arith.constant 0 : i32
      %dma_start3A_322 = tpu.memref_slice %arg6[%add3A_314, %dma_start3A_321] : memref<80x128xi32, #tpu.memory_space<vmem>> -> memref<1x128xi32, #tpu.memory_space<vmem>>
      %dma_start3A_323 = tpu.memref_squeeze %dma_start3A_322 : memref<1x128xi32, #tpu.memory_space<vmem>> -> memref<128xi32, #tpu.memory_space<vmem>>
      %dma_start3A_324 = arith.constant 0 : i32
      %dma_start3A_325 = arith.constant 0 : i32
      %dma_start3A_326 = tpu.memref_slice %arg32[%dma_start3A_324, %dma_start3A_325] : memref<10240x32xf32, #tpu.memory_space<vmem_shared>> -> memref<10240x32xf32, #tpu.memory_space<vmem_shared>>
      tpu.enqueue_indirect_dma source(%arg15 : memref<128x32xf32, #tpu.memory_space<vmem>>) target(%dma_start3A_326 : memref<10240x32xf32, #tpu.memory_space<vmem_shared>>) offsets(%dma_start3A_323 : memref<128xi32, #tpu.memory_space<vmem>>) semaphore(%arg31 : memref<!tpu.dma_semaphore, #tpu.memory_space<semaphore_mem>>) {add = true}
    }
    %scan3A_17 = arith.constant 10 : i32
    %dma_wait3A = arith.constant 0 : i32
    %dma_wait3A_18 = arith.constant 0 : i32
    %dma_wait3A_19 = tpu.memref_slice %arg6[%dma_wait3A, %dma_wait3A_18] : memref<80x128xi32, #tpu.memory_space<vmem>> -> memref<1x128xi32, #tpu.memory_space<vmem>>
    %dma_wait3A_20 = tpu.memref_squeeze %dma_wait3A_19 : memref<1x128xi32, #tpu.memory_space<vmem>> -> memref<128xi32, #tpu.memory_space<vmem>>
    %dma_wait3A_21 = arith.constant 0 : i32
    %dma_wait3A_22 = arith.constant 0 : i32
    %dma_wait3A_23 = tpu.memref_slice %arg32[%dma_wait3A_21, %dma_wait3A_22] : memref<10240x32xf32, #tpu.memory_space<vmem_shared>> -> memref<10240x32xf32, #tpu.memory_space<vmem_shared>>
    tpu.wait_indirect_dma semaphore(%arg24 : memref<!tpu.dma_semaphore, #tpu.memory_space<semaphore_mem>>) src(%arg8 : memref<128x32xf32, #tpu.memory_space<vmem>>) dst(%dma_wait3A_23 : memref<10240x32xf32, #tpu.memory_space<vmem_shared>>)
    %dma_wait3A_24 = arith.constant 0 : i32
    %dma_wait3A_25 = arith.constant 0 : i32
    %dma_wait3A_26 = tpu.memref_slice %arg6[%dma_wait3A_24, %dma_wait3A_25] : memref<80x128xi32, #tpu.memory_space<vmem>> -> memref<1x128xi32, #tpu.memory_space<vmem>>
    %dma_wait3A_27 = tpu.memref_squeeze %dma_wait3A_26 : memref<1x128xi32, #tpu.memory_space<vmem>> -> memref<128xi32, #tpu.memory_space<vmem>>
    %dma_wait3A_28 = arith.constant 0 : i32
    %dma_wait3A_29 = arith.constant 0 : i32
    %dma_wait3A_30 = tpu.memref_slice %arg32[%dma_wait3A_28, %dma_wait3A_29] : memref<10240x32xf32, #tpu.memory_space<vmem_shared>> -> memref<10240x32xf32, #tpu.memory_space<vmem_shared>>
    tpu.wait_indirect_dma semaphore(%arg25 : memref<!tpu.dma_semaphore, #tpu.memory_space<semaphore_mem>>) src(%arg9 : memref<128x32xf32, #tpu.memory_space<vmem>>) dst(%dma_wait3A_30 : memref<10240x32xf32, #tpu.memory_space<vmem_shared>>)
    %dma_wait3A_31 = arith.constant 0 : i32
    %dma_wait3A_32 = arith.constant 0 : i32
    %dma_wait3A_33 = tpu.memref_slice %arg6[%dma_wait3A_31, %dma_wait3A_32] : memref<80x128xi32, #tpu.memory_space<vmem>> -> memref<1x128xi32, #tpu.memory_space<vmem>>
    %dma_wait3A_34 = tpu.memref_squeeze %dma_wait3A_33 : memref<1x128xi32, #tpu.memory_space<vmem>> -> memref<128xi32, #tpu.memory_space<vmem>>
    %dma_wait3A_35 = arith.constant 0 : i32
    %dma_wait3A_36 = arith.constant 0 : i32
    %dma_wait3A_37 = tpu.memref_slice %arg32[%dma_wait3A_35, %dma_wait3A_36] : memref<10240x32xf32, #tpu.memory_space<vmem_shared>> -> memref<10240x32xf32, #tpu.memory_space<vmem_shared>>
    tpu.wait_indirect_dma semaphore(%arg26 : memref<!tpu.dma_semaphore, #tpu.memory_space<semaphore_mem>>) src(%arg10 : memref<128x32xf32, #tpu.memory_space<vmem>>) dst(%dma_wait3A_37 : memref<10240x32xf32, #tpu.memory_space<vmem_shared>>)
    %dma_wait3A_38 = arith.constant 0 : i32
    %dma_wait3A_39 = arith.constant 0 : i32
    %dma_wait3A_40 = tpu.memref_slice %arg6[%dma_wait3A_38, %dma_wait3A_39] : memref<80x128xi32, #tpu.memory_space<vmem>> -> memref<1x128xi32, #tpu.memory_space<vmem>>
    %dma_wait3A_41 = tpu.memref_squeeze %dma_wait3A_40 : memref<1x128xi32, #tpu.memory_space<vmem>> -> memref<128xi32, #tpu.memory_space<vmem>>
    %dma_wait3A_42 = arith.constant 0 : i32
    %dma_wait3A_43 = arith.constant 0 : i32
    %dma_wait3A_44 = tpu.memref_slice %arg32[%dma_wait3A_42, %dma_wait3A_43] : memref<10240x32xf32, #tpu.memory_space<vmem_shared>> -> memref<10240x32xf32, #tpu.memory_space<vmem_shared>>
    tpu.wait_indirect_dma semaphore(%arg27 : memref<!tpu.dma_semaphore, #tpu.memory_space<semaphore_mem>>) src(%arg11 : memref<128x32xf32, #tpu.memory_space<vmem>>) dst(%dma_wait3A_44 : memref<10240x32xf32, #tpu.memory_space<vmem_shared>>)
    %dma_wait3A_45 = arith.constant 0 : i32
    %dma_wait3A_46 = arith.constant 0 : i32
    %dma_wait3A_47 = tpu.memref_slice %arg6[%dma_wait3A_45, %dma_wait3A_46] : memref<80x128xi32, #tpu.memory_space<vmem>> -> memref<1x128xi32, #tpu.memory_space<vmem>>
    %dma_wait3A_48 = tpu.memref_squeeze %dma_wait3A_47 : memref<1x128xi32, #tpu.memory_space<vmem>> -> memref<128xi32, #tpu.memory_space<vmem>>
    %dma_wait3A_49 = arith.constant 0 : i32
    %dma_wait3A_50 = arith.constant 0 : i32
    %dma_wait3A_51 = tpu.memref_slice %arg32[%dma_wait3A_49, %dma_wait3A_50] : memref<10240x32xf32, #tpu.memory_space<vmem_shared>> -> memref<10240x32xf32, #tpu.memory_space<vmem_shared>>
    tpu.wait_indirect_dma semaphore(%arg28 : memref<!tpu.dma_semaphore, #tpu.memory_space<semaphore_mem>>) src(%arg12 : memref<128x32xf32, #tpu.memory_space<vmem>>) dst(%dma_wait3A_51 : memref<10240x32xf32, #tpu.memory_space<vmem_shared>>)
    %dma_wait3A_52 = arith.constant 0 : i32
    %dma_wait3A_53 = arith.constant 0 : i32
    %dma_wait3A_54 = tpu.memref_slice %arg6[%dma_wait3A_52, %dma_wait3A_53] : memref<80x128xi32, #tpu.memory_space<vmem>> -> memref<1x128xi32, #tpu.memory_space<vmem>>
    %dma_wait3A_55 = tpu.memref_squeeze %dma_wait3A_54 : memref<1x128xi32, #tpu.memory_space<vmem>> -> memref<128xi32, #tpu.memory_space<vmem>>
    %dma_wait3A_56 = arith.constant 0 : i32
    %dma_wait3A_57 = arith.constant 0 : i32
    %dma_wait3A_58 = tpu.memref_slice %arg32[%dma_wait3A_56, %dma_wait3A_57] : memref<10240x32xf32, #tpu.memory_space<vmem_shared>> -> memref<10240x32xf32, #tpu.memory_space<vmem_shared>>
    tpu.wait_indirect_dma semaphore(%arg29 : memref<!tpu.dma_semaphore, #tpu.memory_space<semaphore_mem>>) src(%arg13 : memref<128x32xf32, #tpu.memory_space<vmem>>) dst(%dma_wait3A_58 : memref<10240x32xf32, #tpu.memory_space<vmem_shared>>)
    %dma_wait3A_59 = arith.constant 0 : i32
    %dma_wait3A_60 = arith.constant 0 : i32
    %dma_wait3A_61 = tpu.memref_slice %arg6[%dma_wait3A_59, %dma_wait3A_60] : memref<80x128xi32, #tpu.memory_space<vmem>> -> memref<1x128xi32, #tpu.memory_space<vmem>>
    %dma_wait3A_62 = tpu.memref_squeeze %dma_wait3A_61 : memref<1x128xi32, #tpu.memory_space<vmem>> -> memref<128xi32, #tpu.memory_space<vmem>>
    %dma_wait3A_63 = arith.constant 0 : i32
    %dma_wait3A_64 = arith.constant 0 : i32
    %dma_wait3A_65 = tpu.memref_slice %arg32[%dma_wait3A_63, %dma_wait3A_64] : memref<10240x32xf32, #tpu.memory_space<vmem_shared>> -> memref<10240x32xf32, #tpu.memory_space<vmem_shared>>
    tpu.wait_indirect_dma semaphore(%arg30 : memref<!tpu.dma_semaphore, #tpu.memory_space<semaphore_mem>>) src(%arg14 : memref<128x32xf32, #tpu.memory_space<vmem>>) dst(%dma_wait3A_65 : memref<10240x32xf32, #tpu.memory_space<vmem_shared>>)
    %dma_wait3A_66 = arith.constant 0 : i32
    %dma_wait3A_67 = arith.constant 0 : i32
    %dma_wait3A_68 = tpu.memref_slice %arg6[%dma_wait3A_66, %dma_wait3A_67] : memref<80x128xi32, #tpu.memory_space<vmem>> -> memref<1x128xi32, #tpu.memory_space<vmem>>
    %dma_wait3A_69 = tpu.memref_squeeze %dma_wait3A_68 : memref<1x128xi32, #tpu.memory_space<vmem>> -> memref<128xi32, #tpu.memory_space<vmem>>
    %dma_wait3A_70 = arith.constant 0 : i32
    %dma_wait3A_71 = arith.constant 0 : i32
    %dma_wait3A_72 = tpu.memref_slice %arg32[%dma_wait3A_70, %dma_wait3A_71] : memref<10240x32xf32, #tpu.memory_space<vmem_shared>> -> memref<10240x32xf32, #tpu.memory_space<vmem_shared>>
    tpu.wait_indirect_dma semaphore(%arg31 : memref<!tpu.dma_semaphore, #tpu.memory_space<semaphore_mem>>) src(%arg15 : memref<128x32xf32, #tpu.memory_space<vmem>>) dst(%dma_wait3A_72 : memref<10240x32xf32, #tpu.memory_space<vmem_shared>>)
    %barrier3A_73 = arith.constant 0 : index
    tpu.barrier barrier_id(%barrier3A_73)
    %mul3A_74 = arith.constant 640 : i32
    %mul3A_75 = arith.muli %arg1, %mul3A_74 : i32
    %mul3A_76 = arith.constant 640 : i32
    %mul3A_77 = arith.muli %arg1, %mul3A_76 : i32
    "tpu.region"() ({
      %run_scoped3A_78 = tpu.sem_alloc : memref<!tpu.dma_semaphore, #tpu.memory_space<semaphore_mem>>
      %dma_start3A = arith.constant 0 : i32
      %dma_start3A_79 = tpu.memref_slice %arg5[%arg0, %mul3A_77, %dma_start3A] : memref<2x10240x32xf32, #tpu.memory_space<hbm>> -> memref<1x640x32xf32, #tpu.memory_space<hbm>>
      %dma_start3A_80 = tpu.memref_squeeze %dma_start3A_79 : memref<1x640x32xf32, #tpu.memory_space<hbm>> -> memref<640x32xf32, #tpu.memory_space<hbm>>
      %dma_start3A_81 = arith.constant 0 : i32
      %dma_start3A_82 = tpu.memref_slice %arg32[%mul3A_75, %dma_start3A_81] : memref<10240x32xf32, #tpu.memory_space<vmem_shared>> -> memref<640x32xf32, #tpu.memory_space<vmem_shared>>
      tpu.enqueue_dma source(%dma_start3A_82 : memref<640x32xf32, #tpu.memory_space<vmem_shared>>) target(%dma_start3A_80 : memref<640x32xf32, #tpu.memory_space<hbm>>) target_semaphore(%run_scoped3A_78 : memref<!tpu.dma_semaphore, #tpu.memory_space<semaphore_mem>>)
      %dma_wait3A_83 = arith.constant 0 : i32
      %dma_wait3A_84 = tpu.memref_slice %arg5[%arg0, %mul3A_77, %dma_wait3A_83] : memref<2x10240x32xf32, #tpu.memory_space<hbm>> -> memref<1x640x32xf32, #tpu.memory_space<hbm>>
      %dma_wait3A_85 = tpu.memref_squeeze %dma_wait3A_84 : memref<1x640x32xf32, #tpu.memory_space<hbm>> -> memref<640x32xf32, #tpu.memory_space<hbm>>
      %dma_wait3A_86 = arith.constant 0 : i32
      %dma_wait3A_87 = tpu.memref_slice %arg32[%mul3A_75, %dma_wait3A_86] : memref<10240x32xf32, #tpu.memory_space<vmem_shared>> -> memref<640x32xf32, #tpu.memory_space<vmem_shared>>
      tpu.wait_dma2 semaphore(%run_scoped3A_78 : memref<!tpu.dma_semaphore, #tpu.memory_space<semaphore_mem>>) src(%dma_wait3A_87 : memref<640x32xf32, #tpu.memory_space<vmem_shared>>) dst(%dma_wait3A_85 : memref<640x32xf32, #tpu.memory_space<hbm>>)
      tpu.yield
    }) : () -> ()
    return
  }
}

module attributes {stable_mosaic.version = 14 : i64} {
  func.func @_tc1a_body(%arg0: i32, %arg1: memref<2048x128xf32, #tpu.memory_space<vmem>>, %arg2: memref<128x32xf32, #tpu.memory_space<vmem>>, %arg3: memref<128x32xf32, #tpu.memory_space<vmem>>, %arg4: memref<1x32xf32, #tpu.memory_space<vmem>>, %arg5: memref<2048x32xf32, #tpu.memory_space<vmem>>, %arg6: memref<2048x32xf32, #tpu.memory_space<vmem>>) attributes {dimension_semantics = [#tpu.dimension_semantics<arbitrary>], iteration_bounds = array<i64: 5>, scalar_prefetch = 0 : i64, scratch_operands = 0 : i64, tpu.core_type = #tpu.core_type<tc>, window_params = [{transform_indices = @transform_0, window_bounds = array<i64: 2048, 128>}, {pipeline_mode = #tpu.pipeline_mode<synchronous>, transform_indices = @transform_1, window_bounds = array<i64: 128, 32>}, {pipeline_mode = #tpu.pipeline_mode<synchronous>, transform_indices = @transform_2, window_bounds = array<i64: 128, 32>}, {pipeline_mode = #tpu.pipeline_mode<synchronous>, transform_indices = @transform_3, window_bounds = array<i64: 1, 32>}, {transform_indices = @transform_4, window_bounds = array<i64: 2048, 32>}, {transform_indices = @transform_5, window_bounds = array<i64: 2048, 32>}]} {
    %get3A = arith.constant 0 : index
    %get3A_0 = arith.constant 0 : index
    %get3A_1 = vector.load %arg1[%get3A, %get3A_0] : memref<2048x128xf32, #tpu.memory_space<vmem>>, vector<2048x128xf32>
    %get3A_2 = arith.constant 0 : index
    %get3A_3 = arith.constant 0 : index
    %get3A_4 = vector.load %arg2[%get3A_2, %get3A_3] : memref<128x32xf32, #tpu.memory_space<vmem>>, vector<128x32xf32>
    %dot_general3A = arith.constant dense<0.000000e+00> : vector<2048x32xf32>
    %dot_general3A_5 = tpu.matmul %get3A_1, %get3A_4, %dot_general3A {dimension_numbers = #tpu.dot_dimension_numbers<[1], [0], [0], [1], [0, 0, 1, 1], [], []>, transpose_lhs_hint = false} : vector<2048x128xf32>, vector<128x32xf32>, vector<2048x32xf32> -> vector<2048x32xf32>
    %get3A_6 = arith.constant 0 : index
    %get3A_7 = arith.constant 0 : index
    %get3A_8 = vector.load %arg4[%get3A_6, %get3A_7] : memref<1x32xf32, #tpu.memory_space<vmem>>, vector<1x32xf32>
    %add3A = vector.broadcast %get3A_8 : vector<1x32xf32> to vector<2048x32xf32>
    %add3A_9 = arith.addf %dot_general3A_5, %add3A : vector<2048x32xf32>
    %swap3A = arith.constant 0 : index
    %swap3A_10 = arith.constant 0 : index
    %swap3A_11 = vector.load %arg5[%swap3A, %swap3A_10] : memref<2048x32xf32, #tpu.memory_space<vmem>>, vector<2048x32xf32>
    tpu.vector_store %arg5[%swap3A, %swap3A_10], %add3A_9 {strides = array<i32>} : memref<2048x32xf32, #tpu.memory_space<vmem>>, vector<2048x32xf32>,
    %get3A_12 = arith.constant 0 : index
    %get3A_13 = arith.constant 0 : index
    %get3A_14 = vector.load %arg3[%get3A_12, %get3A_13] : memref<128x32xf32, #tpu.memory_space<vmem>>, vector<128x32xf32>
    %dot_general3A_15 = arith.constant dense<0.000000e+00> : vector<2048x32xf32>
    %dot_general3A_16 = tpu.matmul %get3A_1, %get3A_14, %dot_general3A_15 {dimension_numbers = #tpu.dot_dimension_numbers<[1], [0], [0], [1], [0, 0, 1, 1], [], []>, transpose_lhs_hint = false} : vector<2048x128xf32>, vector<128x32xf32>, vector<2048x32xf32> -> vector<2048x32xf32>
    %swap3A_17 = arith.constant 0 : index
    %swap3A_18 = arith.constant 0 : index
    %swap3A_19 = vector.load %arg6[%swap3A_17, %swap3A_18] : memref<2048x32xf32, #tpu.memory_space<vmem>>, vector<2048x32xf32>
    tpu.vector_store %arg6[%swap3A_17, %swap3A_18], %dot_general3A_16 {strides = array<i32>} : memref<2048x32xf32, #tpu.memory_space<vmem>>, vector<2048x32xf32>,
    return
  }
  func.func @transform_0(%arg0: i32) -> (i32, i32) {
    %c0_i32 = arith.constant 0 : i32
    %c0_i32_0 = arith.constant 0 : i32
    return %arg0, %c0_i32 : i32, i32
  }
  func.func @transform_1(%arg0: i32) -> (i32, i32) {
    %c0_i32 = arith.constant 0 : i32
    %c0_i32_0 = arith.constant 0 : i32
    %c0_i32_1 = arith.constant 0 : i32
    return %c0_i32, %c0_i32_0 : i32, i32
  }
  func.func @transform_2(%arg0: i32) -> (i32, i32) {
    %c0_i32 = arith.constant 0 : i32
    %c0_i32_0 = arith.constant 0 : i32
    %c0_i32_1 = arith.constant 0 : i32
    return %c0_i32, %c0_i32_0 : i32, i32
  }
  func.func @transform_3(%arg0: i32) -> (i32, i32) {
    %c0_i32 = arith.constant 0 : i32
    %c0_i32_0 = arith.constant 0 : i32
    %c0_i32_1 = arith.constant 0 : i32
    return %c0_i32, %c0_i32_0 : i32, i32
  }
  func.func @transform_4(%arg0: i32) -> (i32, i32) {
    %c0_i32 = arith.constant 0 : i32
    %c0_i32_0 = arith.constant 0 : i32
    return %arg0, %c0_i32 : i32, i32
  }
  func.func @transform_5(%arg0: i32) -> (i32, i32) {
    %c0_i32 = arith.constant 0 : i32
    %c0_i32_0 = arith.constant 0 : i32
    return %arg0, %c0_i32 : i32, i32
  }
}

module attributes {stable_mosaic.version = 14 : i64} {
  func.func @_tc1b_body(%arg0: i32, %arg1: memref<2048x32xf32, #tpu.memory_space<vmem>>, %arg2: memref<1x2048x8xf32, #tpu.memory_space<vmem>>, %arg3: memref<1x2048x8xf32, #tpu.memory_space<vmem>>, %arg4: memref<2048x32xf32, #tpu.memory_space<vmem>>) attributes {dimension_semantics = [#tpu.dimension_semantics<arbitrary>], iteration_bounds = array<i64: 5>, scalar_prefetch = 0 : i64, scratch_operands = 0 : i64, tpu.core_type = #tpu.core_type<tc>, window_params = [{transform_indices = @transform_0, window_bounds = array<i64: 2048, 32>}, {transform_indices = @transform_1, window_bounds = array<i64: 1, 2048, 8>}, {transform_indices = @transform_2, window_bounds = array<i64: 1, 2048, 8>}, {transform_indices = @transform_3, window_bounds = array<i64: 2048, 32>}]} {
    %iota3A = tpu.iota {dimensions = array<i32: 0>} : vector<2048x1xi32>
    %mul3A = arith.constant 2048 : i32
    %mul3A_0 = arith.muli %arg0, %mul3A : i32
    %add3A = vector.broadcast %mul3A_0 : i32 to vector<2048x1xi32>
    %add3A_1 = arith.addi %iota3A, %add3A : vector<2048x1xi32>
    %lt3A = arith.constant 10000 : i32
    %lt3A_2 = vector.broadcast %lt3A : i32 to vector<2048x1xi32>
    %lt3A_3 = arith.cmpi slt, %add3A_1, %lt3A_2 : vector<2048x1xi32>
    %get3A = arith.constant 0 : index
    %get3A_4 = arith.constant 0 : index
    %get3A_5 = vector.load %arg1[%get3A, %get3A_4] : memref<2048x32xf32, #tpu.memory_space<vmem>>, vector<2048x32xf32>
    %get3A_6 = arith.constant 0 : index
    %get3A_7 = arith.constant 0 : index
    %get3A_8 = arith.constant 0 : index
    %get3A_9 = vector.load %arg2[%get3A_6, %get3A_7, %get3A_8] : memref<1x2048x8xf32, #tpu.memory_space<vmem>>, vector<1x2048x1xf32>
    %get3A_10 = vector.shape_cast %get3A_9 : vector<1x2048x1xf32> to vector<2048x1xf32>
    %get3A_11 = arith.constant 0 : index
    %get3A_12 = arith.constant 0 : index
    %get3A_13 = arith.constant 0 : index
    %get3A_14 = vector.load %arg3[%get3A_11, %get3A_12, %get3A_13] : memref<1x2048x8xf32, #tpu.memory_space<vmem>>, vector<1x2048x1xf32>
    %get3A_15 = vector.shape_cast %get3A_14 : vector<1x2048x1xf32> to vector<2048x1xf32>
    %add3A_16 = arith.addf %get3A_10, %get3A_15 : vector<2048x1xf32>
    %gt3A = arith.constant 0.000000e+00 : f32
    %gt3A_17 = vector.broadcast %gt3A : f32 to vector<2048x1xf32>
    %gt3A_18 = arith.cmpf ogt, %add3A_16, %gt3A_17 : vector<2048x1xf32>
    %gt3A_19 = arith.constant 0.000000e+00 : f32
    %gt3A_20 = vector.broadcast %gt3A_19 : f32 to vector<2048x1xf32>
    %gt3A_21 = arith.cmpf ogt, %add3A_16, %gt3A_20 : vector<2048x1xf32>
    %jit3A = arith.constant 1.000000e+00 : f32
    %broadcast_in_dim3A = vector.broadcast %jit3A : f32 to vector<2048x1xf32>
    %select_n3A = arith.select %gt3A_21, %add3A_16, %broadcast_in_dim3A : vector<2048x1xi1>, vector<2048x1xf32>
    %rsqrt3A = math.rsqrt %select_n3A : vector<2048x1xf32>
    %jit3A_22 = arith.constant 0.000000e+00 : f32
    %broadcast_in_dim3A_23 = vector.broadcast %jit3A_22 : f32 to vector<2048x1xf32>
    %select_n3A_24 = arith.select %gt3A_18, %rsqrt3A, %broadcast_in_dim3A_23 : vector<2048x1xi1>, vector<2048x1xf32>
    %mul3A_25 = vector.broadcast %select_n3A_24 : vector<2048x1xf32> to vector<2048x32xf32>
    %mul3A_26 = arith.mulf %get3A_5, %mul3A_25 : vector<2048x32xf32>
    %jit3A_27 = arith.constant 0.000000e+00 : f32
    %broadcast_in_dim3A_28 = vector.shape_cast %lt3A_3 : vector<2048x1xi1> to vector<2048x1xi1>
    %broadcast_in_dim3A_29 = vector.broadcast %broadcast_in_dim3A_28 : vector<2048x1xi1> to vector<2048x32xi1>
    %broadcast_in_dim3A_30 = vector.broadcast %jit3A_27 : f32 to vector<2048x32xf32>
    %select_n3A_31 = arith.select %broadcast_in_dim3A_29, %mul3A_26, %broadcast_in_dim3A_30 : vector<2048x32xi1>, vector<2048x32xf32>
    %swap3A = arith.constant 0 : index
    %swap3A_32 = arith.constant 0 : index
    %swap3A_33 = vector.load %arg4[%swap3A, %swap3A_32] : memref<2048x32xf32, #tpu.memory_space<vmem>>, vector<2048x32xf32>
    tpu.vector_store %arg4[%swap3A, %swap3A_32], %select_n3A_31 {strides = array<i32>} : memref<2048x32xf32, #tpu.memory_space<vmem>>, vector<2048x32xf32>,
    return
  }
  func.func @transform_0(%arg0: i32) -> (i32, i32) {
    %c0_i32 = arith.constant 0 : i32
    %c0_i32_0 = arith.constant 0 : i32
    return %arg0, %c0_i32 : i32, i32
  }
  func.func @transform_1(%arg0: i32) -> (i32, i32, i32) {
    %c0_i32 = arith.constant 0 : i32
    %c0_i32_0 = arith.constant 0 : i32
    %c0_i32_1 = arith.constant 0 : i32
    return %c0_i32, %arg0, %c0_i32_0 : i32, i32, i32
  }
  func.func @transform_2(%arg0: i32) -> (i32, i32, i32) {
    %c1_i32 = arith.constant 1 : i32
    %c0_i32 = arith.constant 0 : i32
    %c0_i32_0 = arith.constant 0 : i32
    return %c1_i32, %arg0, %c0_i32 : i32, i32, i32
  }
  func.func @transform_3(%arg0: i32) -> (i32, i32) {
    %c0_i32 = arith.constant 0 : i32
    %c0_i32_0 = arith.constant 0 : i32
    return %arg0, %c0_i32 : i32, i32
  }
}

module attributes {stable_mosaic.version = 14 : i64} {
  func.func @_tc2_body(%arg0: i32, %arg1: memref<2048x32xf32, #tpu.memory_space<vmem>>, %arg2: memref<1x2048x8xf32, #tpu.memory_space<vmem>>, %arg3: memref<1x2048x8xf32, #tpu.memory_space<vmem>>, %arg4: memref<1x2048x32xf32, #tpu.memory_space<vmem>>, %arg5: memref<1x2048x32xf32, #tpu.memory_space<vmem>>, %arg6: memref<32x40xf32, #tpu.memory_space<vmem>>, %arg7: memref<1x40xf32, #tpu.memory_space<vmem>>, %arg8: memref<2048x40xf32, #tpu.memory_space<vmem>>, %arg9: memref<2048x32xf32, #tpu.memory_space<vmem>>) attributes {dimension_semantics = [#tpu.dimension_semantics<arbitrary>], iteration_bounds = array<i64: 5>, scalar_prefetch = 0 : i64, scratch_operands = 0 : i64, tpu.core_type = #tpu.core_type<tc>, window_params = [{transform_indices = @transform_0, window_bounds = array<i64: 2048, 32>}, {transform_indices = @transform_1, window_bounds = array<i64: 1, 2048, 8>}, {transform_indices = @transform_2, window_bounds = array<i64: 1, 2048, 8>}, {transform_indices = @transform_3, window_bounds = array<i64: 1, 2048, 32>}, {transform_indices = @transform_4, window_bounds = array<i64: 1, 2048, 32>}, {pipeline_mode = #tpu.pipeline_mode<synchronous>, transform_indices = @transform_5, window_bounds = array<i64: 32, 40>}, {pipeline_mode = #tpu.pipeline_mode<synchronous>, transform_indices = @transform_6, window_bounds = array<i64: 1, 40>}, {transform_indices = @transform_7, window_bounds = array<i64: 2048, 40>}, {transform_indices = @transform_8, window_bounds = array<i64: 2048, 32>}]} {
    %get3A = arith.constant 0 : index
    %get3A_0 = arith.constant 0 : index
    %get3A_1 = arith.constant 0 : index
    %get3A_2 = vector.load %arg2[%get3A, %get3A_0, %get3A_1] : memref<1x2048x8xf32, #tpu.memory_space<vmem>>, vector<1x2048x1xf32>
    %get3A_3 = vector.shape_cast %get3A_2 : vector<1x2048x1xf32> to vector<2048x1xf32>
    %get3A_4 = arith.constant 0 : index
    %get3A_5 = arith.constant 0 : index
    %get3A_6 = arith.constant 0 : index
    %get3A_7 = vector.load %arg3[%get3A_4, %get3A_5, %get3A_6] : memref<1x2048x8xf32, #tpu.memory_space<vmem>>, vector<1x2048x1xf32>
    %get3A_8 = vector.shape_cast %get3A_7 : vector<1x2048x1xf32> to vector<2048x1xf32>
    %add3A = arith.addf %get3A_3, %get3A_8 : vector<2048x1xf32>
    %gt3A = arith.constant 0.000000e+00 : f32
    %gt3A_9 = vector.broadcast %gt3A : f32 to vector<2048x1xf32>
    %gt3A_10 = arith.cmpf ogt, %add3A, %gt3A_9 : vector<2048x1xf32>
    %gt3A_11 = arith.constant 0.000000e+00 : f32
    %gt3A_12 = vector.broadcast %gt3A_11 : f32 to vector<2048x1xf32>
    %gt3A_13 = arith.cmpf ogt, %add3A, %gt3A_12 : vector<2048x1xf32>
    %jit3A = arith.constant 1.000000e+00 : f32
    %broadcast_in_dim3A = vector.broadcast %jit3A : f32 to vector<2048x1xf32>
    %select_n3A = arith.select %gt3A_13, %add3A, %broadcast_in_dim3A : vector<2048x1xi1>, vector<2048x1xf32>
    %rsqrt3A = math.rsqrt %select_n3A : vector<2048x1xf32>
    %jit3A_14 = arith.constant 0.000000e+00 : f32
    %broadcast_in_dim3A_15 = vector.broadcast %jit3A_14 : f32 to vector<2048x1xf32>
    %select_n3A_16 = arith.select %gt3A_10, %rsqrt3A, %broadcast_in_dim3A_15 : vector<2048x1xi1>, vector<2048x1xf32>
    %get3A_17 = arith.constant 0 : index
    %get3A_18 = arith.constant 0 : index
    %get3A_19 = vector.load %arg1[%get3A_17, %get3A_18] : memref<2048x32xf32, #tpu.memory_space<vmem>>, vector<2048x32xf32>
    %get3A_20 = arith.constant 0 : index
    %get3A_21 = arith.constant 0 : index
    %get3A_22 = arith.constant 0 : index
    %get3A_23 = vector.load %arg4[%get3A_20, %get3A_21, %get3A_22] : memref<1x2048x32xf32, #tpu.memory_space<vmem>>, vector<1x2048x32xf32>
    %get3A_24 = vector.shape_cast %get3A_23 : vector<1x2048x32xf32> to vector<2048x32xf32>
    %get3A_25 = arith.constant 0 : index
    %get3A_26 = arith.constant 0 : index
    %get3A_27 = arith.constant 0 : index
    %get3A_28 = vector.load %arg5[%get3A_25, %get3A_26, %get3A_27] : memref<1x2048x32xf32, #tpu.memory_space<vmem>>, vector<1x2048x32xf32>
    %get3A_29 = vector.shape_cast %get3A_28 : vector<1x2048x32xf32> to vector<2048x32xf32>
    %add3A_30 = arith.addf %get3A_24, %get3A_29 : vector<2048x32xf32>
    %mul3A = vector.broadcast %select_n3A_16 : vector<2048x1xf32> to vector<2048x32xf32>
    %mul3A_31 = arith.mulf %mul3A, %add3A_30 : vector<2048x32xf32>
    %sub3A = arith.subf %get3A_19, %mul3A_31 : vector<2048x32xf32>
    %max3A = arith.constant 0.000000e+00 : f32
    %max3A_32 = vector.broadcast %max3A : f32 to vector<2048x32xf32>
    %max3A_33 = arith.maximumf %sub3A, %max3A_32 : vector<2048x32xf32>
    %get3A_34 = arith.constant 0 : index
    %get3A_35 = arith.constant 0 : index
    %get3A_36 = vector.load %arg6[%get3A_34, %get3A_35] : memref<32x40xf32, #tpu.memory_space<vmem>>, vector<32x40xf32>
    %dot_general3A = arith.constant dense<0.000000e+00> : vector<2048x40xf32>
    %dot_general3A_37 = tpu.matmul %max3A_33, %get3A_36, %dot_general3A {dimension_numbers = #tpu.dot_dimension_numbers<[1], [0], [0], [1], [0, 0, 1, 1], [], []>, transpose_lhs_hint = false} : vector<2048x32xf32>, vector<32x40xf32>, vector<2048x40xf32> -> vector<2048x40xf32>
    %get3A_38 = arith.constant 0 : index
    %get3A_39 = arith.constant 0 : index
    %get3A_40 = vector.load %arg7[%get3A_38, %get3A_39] : memref<1x40xf32, #tpu.memory_space<vmem>>, vector<1x40xf32>
    %add3A_41 = vector.broadcast %get3A_40 : vector<1x40xf32> to vector<2048x40xf32>
    %add3A_42 = arith.addf %dot_general3A_37, %add3A_41 : vector<2048x40xf32>
    %swap3A = arith.constant 0 : index
    %swap3A_43 = arith.constant 0 : index
    %swap3A_44 = vector.load %arg8[%swap3A, %swap3A_43] : memref<2048x40xf32, #tpu.memory_space<vmem>>, vector<2048x40xf32>
    tpu.vector_store %arg8[%swap3A, %swap3A_43], %add3A_42 {strides = array<i32>} : memref<2048x40xf32, #tpu.memory_space<vmem>>, vector<2048x40xf32>,
    %iota3A = tpu.iota {dimensions = array<i32: 0>} : vector<2048x1xi32>
    %mul3A_45 = arith.constant 2048 : i32
    %mul3A_46 = arith.muli %arg0, %mul3A_45 : i32
    %add3A_47 = vector.broadcast %mul3A_46 : i32 to vector<2048x1xi32>
    %add3A_48 = arith.addi %iota3A, %add3A_47 : vector<2048x1xi32>
    %lt3A = arith.constant 10000 : i32
    %lt3A_49 = vector.broadcast %lt3A : i32 to vector<2048x1xi32>
    %lt3A_50 = arith.cmpi slt, %add3A_48, %lt3A_49 : vector<2048x1xi32>
    %mul3A_51 = vector.broadcast %select_n3A_16 : vector<2048x1xf32> to vector<2048x32xf32>
    %mul3A_52 = arith.mulf %mul3A_51, %max3A_33 : vector<2048x32xf32>
    %jit3A_53 = arith.constant 0.000000e+00 : f32
    %broadcast_in_dim3A_54 = vector.shape_cast %lt3A_50 : vector<2048x1xi1> to vector<2048x1xi1>
    %broadcast_in_dim3A_55 = vector.broadcast %broadcast_in_dim3A_54 : vector<2048x1xi1> to vector<2048x32xi1>
    %broadcast_in_dim3A_56 = vector.broadcast %jit3A_53 : f32 to vector<2048x32xf32>
    %select_n3A_57 = arith.select %broadcast_in_dim3A_55, %mul3A_52, %broadcast_in_dim3A_56 : vector<2048x32xi1>, vector<2048x32xf32>
    %swap3A_58 = arith.constant 0 : index
    %swap3A_59 = arith.constant 0 : index
    %swap3A_60 = vector.load %arg9[%swap3A_58, %swap3A_59] : memref<2048x32xf32, #tpu.memory_space<vmem>>, vector<2048x32xf32>
    tpu.vector_store %arg9[%swap3A_58, %swap3A_59], %select_n3A_57 {strides = array<i32>} : memref<2048x32xf32, #tpu.memory_space<vmem>>, vector<2048x32xf32>,
    return
  }
  func.func @transform_0(%arg0: i32) -> (i32, i32) {
    %c0_i32 = arith.constant 0 : i32
    %c0_i32_0 = arith.constant 0 : i32
    return %arg0, %c0_i32 : i32, i32
  }
  func.func @transform_1(%arg0: i32) -> (i32, i32, i32) {
    %c0_i32 = arith.constant 0 : i32
    %c0_i32_0 = arith.constant 0 : i32
    %c0_i32_1 = arith.constant 0 : i32
    return %c0_i32, %arg0, %c0_i32_0 : i32, i32, i32
  }
  func.func @transform_2(%arg0: i32) -> (i32, i32, i32) {
    %c1_i32 = arith.constant 1 : i32
    %c0_i32 = arith.constant 0 : i32
    %c0_i32_0 = arith.constant 0 : i32
    return %c1_i32, %arg0, %c0_i32 : i32, i32, i32
  }
  func.func @transform_3(%arg0: i32) -> (i32, i32, i32) {
    %c0_i32 = arith.constant 0 : i32
    %c0_i32_0 = arith.constant 0 : i32
    %c0_i32_1 = arith.constant 0 : i32
    return %c0_i32, %arg0, %c0_i32_0 : i32, i32, i32
  }
  func.func @transform_4(%arg0: i32) -> (i32, i32, i32) {
    %c1_i32 = arith.constant 1 : i32
    %c0_i32 = arith.constant 0 : i32
    %c0_i32_0 = arith.constant 0 : i32
    return %c1_i32, %arg0, %c0_i32 : i32, i32, i32
  }
  func.func @transform_5(%arg0: i32) -> (i32, i32) {
    %c0_i32 = arith.constant 0 : i32
    %c0_i32_0 = arith.constant 0 : i32
    %c0_i32_1 = arith.constant 0 : i32
    return %c0_i32, %c0_i32_0 : i32, i32
  }
  func.func @transform_6(%arg0: i32) -> (i32, i32) {
    %c0_i32 = arith.constant 0 : i32
    %c0_i32_0 = arith.constant 0 : i32
    %c0_i32_1 = arith.constant 0 : i32
    return %c0_i32, %c0_i32_0 : i32, i32
  }
  func.func @transform_7(%arg0: i32) -> (i32, i32) {
    %c0_i32 = arith.constant 0 : i32
    %c0_i32_0 = arith.constant 0 : i32
    return %arg0, %c0_i32 : i32, i32
  }
  func.func @transform_8(%arg0: i32) -> (i32, i32) {
    %c0_i32 = arith.constant 0 : i32
    %c0_i32_0 = arith.constant 0 : i32
    return %arg0, %c0_i32 : i32, i32
  }
}

module attributes {stable_mosaic.version = 14 : i64} {
  func.func @_tc3_body(%arg0: i32, %arg1: memref<2048x40xf32, #tpu.memory_space<vmem>>, %arg2: memref<1x2048x8xf32, #tpu.memory_space<vmem>>, %arg3: memref<1x2048x8xf32, #tpu.memory_space<vmem>>, %arg4: memref<1x2048x32xf32, #tpu.memory_space<vmem>>, %arg5: memref<1x2048x32xf32, #tpu.memory_space<vmem>>, %arg6: memref<32x40xf32, #tpu.memory_space<vmem>>, %arg7: memref<2048x40xf32, #tpu.memory_space<vmem>>) attributes {dimension_semantics = [#tpu.dimension_semantics<arbitrary>], iteration_bounds = array<i64: 5>, scalar_prefetch = 0 : i64, scratch_operands = 0 : i64, tpu.core_type = #tpu.core_type<tc>, window_params = [{transform_indices = @transform_0, window_bounds = array<i64: 2048, 40>}, {transform_indices = @transform_1, window_bounds = array<i64: 1, 2048, 8>}, {transform_indices = @transform_2, window_bounds = array<i64: 1, 2048, 8>}, {transform_indices = @transform_3, window_bounds = array<i64: 1, 2048, 32>}, {transform_indices = @transform_4, window_bounds = array<i64: 1, 2048, 32>}, {pipeline_mode = #tpu.pipeline_mode<synchronous>, transform_indices = @transform_5, window_bounds = array<i64: 32, 40>}, {transform_indices = @transform_6, window_bounds = array<i64: 2048, 40>}]} {
    %get3A = arith.constant 0 : index
    %get3A_0 = arith.constant 0 : index
    %get3A_1 = arith.constant 0 : index
    %get3A_2 = vector.load %arg2[%get3A, %get3A_0, %get3A_1] : memref<1x2048x8xf32, #tpu.memory_space<vmem>>, vector<1x2048x1xf32>
    %get3A_3 = vector.shape_cast %get3A_2 : vector<1x2048x1xf32> to vector<2048x1xf32>
    %get3A_4 = arith.constant 0 : index
    %get3A_5 = arith.constant 0 : index
    %get3A_6 = arith.constant 0 : index
    %get3A_7 = vector.load %arg3[%get3A_4, %get3A_5, %get3A_6] : memref<1x2048x8xf32, #tpu.memory_space<vmem>>, vector<1x2048x1xf32>
    %get3A_8 = vector.shape_cast %get3A_7 : vector<1x2048x1xf32> to vector<2048x1xf32>
    %add3A = arith.addf %get3A_3, %get3A_8 : vector<2048x1xf32>
    %gt3A = arith.constant 0.000000e+00 : f32
    %gt3A_9 = vector.broadcast %gt3A : f32 to vector<2048x1xf32>
    %gt3A_10 = arith.cmpf ogt, %add3A, %gt3A_9 : vector<2048x1xf32>
    %gt3A_11 = arith.constant 0.000000e+00 : f32
    %gt3A_12 = vector.broadcast %gt3A_11 : f32 to vector<2048x1xf32>
    %gt3A_13 = arith.cmpf ogt, %add3A, %gt3A_12 : vector<2048x1xf32>
    %jit3A = arith.constant 1.000000e+00 : f32
    %broadcast_in_dim3A = vector.broadcast %jit3A : f32 to vector<2048x1xf32>
    %select_n3A = arith.select %gt3A_13, %add3A, %broadcast_in_dim3A : vector<2048x1xi1>, vector<2048x1xf32>
    %rsqrt3A = math.rsqrt %select_n3A : vector<2048x1xf32>
    %jit3A_14 = arith.constant 0.000000e+00 : f32
    %broadcast_in_dim3A_15 = vector.broadcast %jit3A_14 : f32 to vector<2048x1xf32>
    %select_n3A_16 = arith.select %gt3A_10, %rsqrt3A, %broadcast_in_dim3A_15 : vector<2048x1xi1>, vector<2048x1xf32>
    %get3A_17 = arith.constant 0 : index
    %get3A_18 = arith.constant 0 : index
    %get3A_19 = vector.load %arg1[%get3A_17, %get3A_18] : memref<2048x40xf32, #tpu.memory_space<vmem>>, vector<2048x40xf32>
    %get3A_20 = arith.constant 0 : index
    %get3A_21 = arith.constant 0 : index
    %get3A_22 = arith.constant 0 : index
    %get3A_23 = vector.load %arg4[%get3A_20, %get3A_21, %get3A_22] : memref<1x2048x32xf32, #tpu.memory_space<vmem>>, vector<1x2048x32xf32>
    %get3A_24 = vector.shape_cast %get3A_23 : vector<1x2048x32xf32> to vector<2048x32xf32>
    %get3A_25 = arith.constant 0 : index
    %get3A_26 = arith.constant 0 : index
    %get3A_27 = arith.constant 0 : index
    %get3A_28 = vector.load %arg5[%get3A_25, %get3A_26, %get3A_27] : memref<1x2048x32xf32, #tpu.memory_space<vmem>>, vector<1x2048x32xf32>
    %get3A_29 = vector.shape_cast %get3A_28 : vector<1x2048x32xf32> to vector<2048x32xf32>
    %add3A_30 = arith.addf %get3A_24, %get3A_29 : vector<2048x32xf32>
    %mul3A = vector.broadcast %select_n3A_16 : vector<2048x1xf32> to vector<2048x32xf32>
    %mul3A_31 = arith.mulf %mul3A, %add3A_30 : vector<2048x32xf32>
    %get3A_32 = arith.constant 0 : index
    %get3A_33 = arith.constant 0 : index
    %get3A_34 = vector.load %arg6[%get3A_32, %get3A_33] : memref<32x40xf32, #tpu.memory_space<vmem>>, vector<32x40xf32>
    %dot_general3A = arith.constant dense<0.000000e+00> : vector<2048x40xf32>
    %dot_general3A_35 = tpu.matmul %mul3A_31, %get3A_34, %dot_general3A {dimension_numbers = #tpu.dot_dimension_numbers<[1], [0], [0], [1], [0, 0, 1, 1], [], []>, transpose_lhs_hint = false} : vector<2048x32xf32>, vector<32x40xf32>, vector<2048x40xf32> -> vector<2048x40xf32>
    %sub3A = arith.subf %get3A_19, %dot_general3A_35 : vector<2048x40xf32>
    %reduce_max3A = arith.constant dense<0xFF800000> : vector<2048xf32>
    %reduce_max3A_36 = vector.multi_reduction <maximumf>, %sub3A, %reduce_max3A [1] : vector<2048x40xf32> to vector<2048xf32>
    %broadcast_in_dim3A_37 = vector.shape_cast %reduce_max3A_36 : vector<2048xf32> to vector<2048x1xf32>
    %sub3A_38 = vector.broadcast %broadcast_in_dim3A_37 : vector<2048x1xf32> to vector<2048x40xf32>
    %sub3A_39 = arith.subf %sub3A, %sub3A_38 : vector<2048x40xf32>
    %exp3A = math.exp %sub3A_39 : vector<2048x40xf32>
    %reduce_sum3A = arith.constant dense<0.000000e+00> : vector<2048xf32>
    %reduce_sum3A_40 = vector.multi_reduction <add>, %exp3A, %reduce_sum3A [1] : vector<2048x40xf32> to vector<2048xf32>
    %broadcast_in_dim3A_41 = vector.shape_cast %reduce_sum3A_40 : vector<2048xf32> to vector<2048x1xf32>
    %log3A = math.log %broadcast_in_dim3A_41 : vector<2048x1xf32>
    %sub3A_42 = vector.broadcast %log3A : vector<2048x1xf32> to vector<2048x40xf32>
    %sub3A_43 = arith.subf %sub3A_39, %sub3A_42 : vector<2048x40xf32>
    %swap3A = arith.constant 0 : index
    %swap3A_44 = arith.constant 0 : index
    %swap3A_45 = vector.load %arg7[%swap3A, %swap3A_44] : memref<2048x40xf32, #tpu.memory_space<vmem>>, vector<2048x40xf32>
    tpu.vector_store %arg7[%swap3A, %swap3A_44], %sub3A_43 {strides = array<i32>} : memref<2048x40xf32, #tpu.memory_space<vmem>>, vector<2048x40xf32>,
    return
  }
  func.func @transform_0(%arg0: i32) -> (i32, i32) {
    %c0_i32 = arith.constant 0 : i32
    %c0_i32_0 = arith.constant 0 : i32
    return %arg0, %c0_i32 : i32, i32
  }
  func.func @transform_1(%arg0: i32) -> (i32, i32, i32) {
    %c0_i32 = arith.constant 0 : i32
    %c0_i32_0 = arith.constant 0 : i32
    %c0_i32_1 = arith.constant 0 : i32
    return %c0_i32, %arg0, %c0_i32_0 : i32, i32, i32
  }
  func.func @transform_2(%arg0: i32) -> (i32, i32, i32) {
    %c1_i32 = arith.constant 1 : i32
    %c0_i32 = arith.constant 0 : i32
    %c0_i32_0 = arith.constant 0 : i32
    return %c1_i32, %arg0, %c0_i32 : i32, i32, i32
  }
  func.func @transform_3(%arg0: i32) -> (i32, i32, i32) {
    %c0_i32 = arith.constant 0 : i32
    %c0_i32_0 = arith.constant 0 : i32
    %c0_i32_1 = arith.constant 0 : i32
    return %c0_i32, %arg0, %c0_i32_0 : i32, i32, i32
  }
  func.func @transform_4(%arg0: i32) -> (i32, i32, i32) {
    %c1_i32 = arith.constant 1 : i32
    %c0_i32 = arith.constant 0 : i32
    %c0_i32_0 = arith.constant 0 : i32
    return %c1_i32, %arg0, %c0_i32 : i32, i32, i32
  }
  func.func @transform_5(%arg0: i32) -> (i32, i32) {
    %c0_i32 = arith.constant 0 : i32
    %c0_i32_0 = arith.constant 0 : i32
    %c0_i32_1 = arith.constant 0 : i32
    return %c0_i32, %c0_i32_0 : i32, i32
  }
  func.func @transform_6(%arg0: i32) -> (i32, i32) {
    %c0_i32 = arith.constant 0 : i32
    %c0_i32_0 = arith.constant 0 : i32
    return %arg0, %c0_i32 : i32, i32
  }
}

</mosaic_0001>

<sc_bundles>
// kernel: sc_scatter_f32.4.cloned.1.call-start
scs
__scs_entry_jumppad:
0x0: {  	(pc) =	sbr.rel $0x88, $3  }
0x1: {  	(tag) =	ssettag $0x0;
	lr =	simm.s32 $0x1  }
0x2: {  	[smem:$0x3F99] =	sst lr;
	_ =	strace $0xD0000000  }
0x3: {  	_ = 	snop  }
0x4: {  	_ = 	snop  }
0x5: {  	_ = 	snop  }
0x6: {  	_ = 	snop  }
0x7: {  	_ = 	snop  }
__scs_overlays_trampoline_lowered:
0x8: {  	[smem:$0x3FA8] =	sst s0  }
0x9: {  	[smem:$0x3FA9] =	sst s1  }
0xa: {  	[smem:$0x3FAA] =	sst s2  }
0xb: {  	[smem:$0x3FAB] =	sst s3  }
0xc: {  	[smem:$0x3FAC] =	sst s4  }
0xd: {  	[smem:$0x3FAD] =	sst s5  }
0xe: {  	[smem:$0x3FAE] =	sst s6  }
0xf: {  	[smem:$0x3FAF] =	sst s7  }
0x10: {  	[smem:$0x3FB0] =	sst s8  }
0x11: {  	[smem:$0x3FB1] =	sst s9;
	s0 =	simm.s32 @!p0 $0x0  }
0x12: {  	s1 =	sld [smem:$0x3F97];
	s0 =	simm.s32 @p0 $0x1  }
0x13: {  	[smem:$0x3FB2] =	sst s0;
	s0 =	simm.s32 @!p1 $0x0  }
0x14: {  	s2 =	sld [smem:$0x3F96];
	s0 =	simm.s32 @p1 $0x1  }
0x15: {  	[smem:$0x3FB3] =	sst s0;
	s0 =	simm.s32 @!p2 $0x0  }
0x16: {  	s3 =	sld [smem:$0x3FDB];
	s0 =	simm.s32 @p2 $0x1  }
0x17: {  	s4 =	simm.s32 $0x1BF5;
	[smem:$0x3FB5] =	sst s0  }
0x18: {  	s0 =	sld [smem:$0x3F98];
	_ =	swait.ge [sflag:s4], $0x0  }
0x19: {  	s7 =	sld [smem:$0x3F99]  }
0x1a: {  	s8 =	sadd.s32 $0xFFFFE003, lr  }
0x1b: {  	s9 =	sadd.s32 $0xFFFFFEF7, lr;
	s5 =	simm.s32 $0xFFFFFFFF;
	p2 =	slt.u32 s8, $0xFFFFF086  }
0x1c: {  	p1 =	slt.u32 s9, $0xF7A;
	s5 =	simm.s32 @!p2 $0x0  }
0x1d: {  	s5 =	simm.s32 @p1 $0x1;
	p0 =	seq.s32 s7, s2  }
0x1e: {  	s7 =	smul.u32 @!p0 $0xF7A, s2;
	p2 =	seq.s32 @!p0 s5, $0x0  }
0x1f: {  	s9 =	smul.u32 $0xF7A, s1;
	s8 =	simm.s32 @!p0 $0x1BF5;
	p2 =	por !p2, p0  }
0x20: {  	[sflag:s8] =	ssyncset.s32 @!p0 $0xFFFFF086;
	s6 =	sadd.s32 @!p0 s3, s7;
	s7 =	simm.s32 @!p0 $0x108  }
0x21: {  	s3 =	sadd.s32 s3, s9;
	s6 =	sadd.s32 @!p0 $0x88, s6;
	s7 =	simm.s32 @p2 $0x1082  }
0x22: {  	[simem:s7], [sflag:s8] =	dma.local @!p0 [hbm:s6], $0xF7A  }
0x23: {  	s9 =	sor.u32 $0xD0000000, s2;
	s6 =	simm.s32 $0x108;
	_ =	swait.ge @!p0 [sflag:s8], $0x0  }
0x24: {  	s3 =	sadd.s32 $0x88, s3;
	s6 =	simm.s32 @!p1 $0x1082;
	[sflag:s4] =	ssyncset.s32 $0xFFFFF086  }
0x25: {  	[simem:s6], [sflag:s4] =	dma.local [hbm:s3], $0xF7A  }
0x26: {  	[smem:$0x3F99] =	sst s1;
	(tag) =	ssettag s2;
	_ =	strace s9  }
0x27: {  	s1 =	sld [smem:$0x3FA9]  }
0x28: {  	s2 =	sld [smem:$0x3FAA]  }
0x29: {  	s4 =	sld [smem:$0x3FAC]  }
0x2a: {  	p0 =	seq.s32 s5, $0x0;
	s5 =	sld [smem:$0x3FAD]  }
0x2b: {  	s6 =	sld [smem:$0x3FAE]  }
0x2c: {  	s7 =	sld [smem:$0x3FAF]  }
0x2d: {  	s3 =	simm.s32 $0x108;
	s8 =	sld [smem:$0x3FB0]  }
0x2e: {  	s3 =	simm.s32 @!p0 $0x1082;
	s9 =	sld [smem:$0x3FB1]  }
0x2f: {  	lr =	sadd.s32 s0, s3;
	s0 =	sld [smem:$0x3FA8]  }
0x30: {  	s3 =	sld [smem:$0x3FAB]  }
0x31: {  	[smem:$0x3FB4] =	sst s10  }
0x32: {  	s10 =	sld [smem:$0x3FB2];
	_ =	sdelay $0x3  }
0x33: {  	p0 =	seq.s32 s10, $0x1;
	s10 =	sld [smem:$0x3FB4];
	_ =	sdelay $0x3  }
0x34: {  	[smem:$0x3FB4] =	sst s10  }
0x35: {  	s10 =	sld [smem:$0x3FB3];
	_ =	sdelay $0x3  }
0x36: {  	p1 =	seq.s32 s10, $0x1;
	s10 =	sld [smem:$0x3FB4];
	_ =	sdelay $0x3  }
0x37: {  	[smem:$0x3FB4] =	sst s10  }
0x38: {  	s10 =	sld [smem:$0x3FB5]  }
0x39: {  	_ = 	snop;
	(pc) =	sbr.ind lr, $3  }
0x3a: {  	_ = 	snop  }
0x3b: {  	_ = 	snop  }
0x3c: {  	p2 =	seq.s32 s10, $0x1;
	s10 =	sld [smem:$0x3FB4]  }
0x3d: {  	_ =	shalt  }
0x3e: {  	_ =	shalt  }
0x3f: {  	_ =	shalt  }
0x40: {  	_ =	shalt  }
0x41: {  	_ =	shalt  }
0x42: {  	_ =	shalt  }
0x43: {  	_ =	shalt  }
0x44: {  	_ =	shalt  }
0x45: {  	_ =	shalt  }
0x46: {  	_ =	shalt  }
0x47: {  	_ =	shalt  }
0x48: {  	_ =	shalt  }
0x49: {  	_ =	shalt  }
0x4a: {  	_ =	shalt  }
0x4b: {  	_ =	shalt  }
0x4c: {  	_ =	shalt  }
0x4d: {  	_ =	shalt  }
0x4e: {  	_ =	shalt  }
0x4f: {  	_ =	shalt  }
0x50: {  	_ =	shalt  }
0x51: {  	_ =	shalt  }
0x52: {  	_ =	shalt  }
0x53: {  	_ =	shalt  }
0x54: {  	_ =	shalt  }
0x55: {  	_ =	shalt  }
0x56: {  	_ =	shalt  }
0x57: {  	_ =	shalt  }
0x58: {  	_ =	shalt  }
0x59: {  	_ =	shalt  }
0x5a: {  	_ =	shalt  }
0x5b: {  	_ =	shalt  }
0x5c: {  	_ =	shalt  }
0x5d: {  	_ =	shalt  }
0x5e: {  	_ =	shalt  }
0x5f: {  	_ =	shalt  }
0x60: {  	_ =	shalt  }
0x61: {  	_ =	shalt  }
0x62: {  	_ =	shalt  }
0x63: {  	_ =	shalt  }
0x64: {  	_ =	shalt  }
0x65: {  	_ =	shalt  }
0x66: {  	_ =	shalt  }
0x67: {  	_ =	shalt  }
0x68: {  	_ =	shalt  }
0x69: {  	_ =	shalt  }
0x6a: {  	_ =	shalt  }
0x6b: {  	_ =	shalt  }
0x6c: {  	_ =	shalt  }
0x6d: {  	_ =	shalt  }
0x6e: {  	_ =	shalt  }
0x6f: {  	_ =	shalt  }
0x70: {  	_ =	shalt  }
0x71: {  	_ =	shalt  }
0x72: {  	_ =	shalt  }
0x73: {  	_ =	shalt  }
0x74: {  	_ =	shalt  }
0x75: {  	_ =	shalt  }
0x76: {  	_ =	shalt  }
0x77: {  	_ =	shalt  }
0x78: {  	_ =	shalt  }
0x79: {  	_ =	shalt  }
0x7a: {  	_ =	shalt  }
0x7b: {  	_ =	shalt  }
0x7c: {  	_ =	shalt  }
0x7d: {  	_ =	shalt  }
0x7e: {  	_ =	shalt  }
0x7f: {  	_ =	shalt  }
0x80: {  	_ =	shalt  }
0x81: {  	_ =	shalt  }
0x82: {  	_ =	shalt  }
0x83: {  	_ =	shalt  }
0x84: {  	_ =	shalt  }
0x85: {  	_ =	shalt  }
0x86: {  	_ =	shalt  }
0x87: {  	_ =	shalt  }
.Lfunc_end0:
.L_simem_size_0:
called_computation.1_lowered:
.L_overlay_start_0:
0x88: {  	s2 =	sld [smem:$0x3FD9]  }
0x89: {  	s3 =	sld [smem:$0x3FFE];
	_ =	sdelay $0x1  }
0x8a: {  	s1 =	srdreg.scid  }
0x8b: {  	s0 =	sand.u32 $0x1, s1  }
0x8c: {  	s17 =	sshll.u32 s0, $0xA;
	s2 =	sadd.s32 s3, s2  }
0x8d: {  	s2 =	sadd.s32 s2, s17  }
0x8e: {  	[smem:$0x3FC0] =	sst s2  }
0x8f: {  	_ = 	snop  }
0x90: {  	s2 =	sld [smem:$0x3FD0];
	(tm) =	ssettm $0x1  }
0x91: {  	s18 =	sld [smem:$0x3FFB];
	_ =	sdelay $0x3  }
0x92: {  	_ =	strace s18  }
0x93: {  	s3 =	sld [smem:$0x3FFC];
	_ =	sdelay $0x3  }
0x94: {  	_ =	strace s3  }
0x95: {  	s3 =	sld [smem:$0x3FFD];
	_ =	sdelay $0x3  }
0x96: {  	_ =	strace s3  }
0x97: {  	_ =	strace $0x8FFFFFFF  }
0x98: {  	s19 =	sld [smem:$0x3FDB];
	_ =	sdelay $0x1  }
0x99: {  	s4 =	simm.s32 $_scs_section_size  }
0x9a: {  	s5 =	simm.s32 $_size__tile_overlayer_lowered;
	s6 =	simm.s32 $_tile_overlayer_lowered  }
0x9b: {  	s22 =	simm.s32 $0x1BFF;
	s21 =	sshll.u32 s6, $0x1;
	s3 =	sadd.s32 s4, s19  }
0x9c: {  	s7 =	simm.s32 $0x0;
	s20 =	sshll.u32 s5, $0x1;
	s5 =	sadd.s32 s21, s3  }
0x9d: {  	[timem:s7], [sflag:s22] =	dma.local [hbm:s5], s20  }
0x9e: {  	_ =	swait.ge [sflag:s22], s20  }
0x9f: {  	s4 =	ssub.s32 $0x0, s20;
	[sflag:s22] =	ssyncset.done $0x0  }
0xa0: {  	[sflag:s22] =	ssyncadd.s32 s4;
	_ =	sdelay $0x1  }
0xa1: {  	s23 =	simm.s32 $0x1B8B  }
0xa2: {  	_ =	swait.ge [sflag:s23], $0x1  }
0xa3: {  	[sflag:s23] =	ssyncset.done $0x0  }
0xa4: {  	s25 =	simm.s32 $0x1B8E;
	s24 =	sld [smem:$0x3FFE];
	[sflag:s23] =	ssyncadd.s32 $0xFFFFFFFF  }
0xa5: {  	s26 =	simm.s32 $execute0_lowered;
	[smem:$0x3FD2] =	sst s25  }
0xa6: {  	s5 =	sshll.u32 s26, $0x1;
	_ =	strace $0x80000049;
	[dreg:$0x1] =	wrdreg $0xFFFFFFFF  }
0xa7: {  	s28 =	simm.s32 $_size_execute0_lowered;
	s3 =	sadd.s32 s3, s5;
	[dreg:$0x0] =	wrdreg $0x0  }
0xa8: {  	s5 =	sshll.u32 s28, $0x1;
	[dreg:$0x2] =	wrdreg s3  }
0xa9: {  	[dreg:$0x3] =	wrdreg s5  }
0xaa: {  	[dreg:$0x4] =	wrdreg $0xC0  }
0xab: {  	_ =	task [dreg:s7], $0x5FFFF  }
0xac: {  	[dreg:$0x1] =	wrdreg $0xFFFFFFFF  }
0xad: {  	[dreg:$0x0] =	wrdreg $0x60  }
0xae: {  	[dreg:$0x2] =	wrdreg s24  }
0xaf: {  	[dreg:$0x3] =	wrdreg s2  }
0xb0: {  	[dreg:$0x4] =	wrdreg $0xD0000  }
0xb1: {  	[dreg:$0x5] =	wrdreg $0x120000  }
0xb2: {  	[dreg:$0x6] =	wrdreg $0x9  }
0xb3: {  	_ =	task.clear_ibuf [dreg:s7], $0x7FFFF;
	_ =	strace $0x90000049  }
0xb4: {  	s29 =	simm.s32 $0x9;
	_ =	strace $0x8000004B  }
0xb5: {  	_ =	swait.ge [sflag:s29], $0x1  }
0xb6: {  	[sflag:s29] =	ssyncadd.s32 $0xFFFFFFFF  }
0xb7: {  	_ =	strace $0x9000004B  }
0xb8: {  	_ =	sfence  }
0xb9: {  	s30 =	sld [smem:$0x0];
	_ =	sdelay $0x2  }
0xba: {  	s31 =	sshll.u32 s1, $0xD;
	s1 =	sshrl.u32 s1, $0x2  }
0xbb: {  	s3 =	sand.u32 $0x4000, s31;
	s1 =	sadd.s32 s1, s30  }
0xbc: {  	s0 =	sor.u32 s3, s0;
	s1 =	sshll.u32 s1, $0x11  }
0xbd: {  	s0 =	sor.u32 s1, s0  }
0xbe: {  	s0 =	sadd.s32 $0x8F2B, s0  }
0xbf: {  	[sflag:s0] =	ssyncadd.remote.s32 $0x1  }
0xc0: {  	_ =	sfence.sel $0xFFFF  }
0xc1: {  	[dreg:$0x0] =	wrdreg $0xFFFFFFFF;
	(pc) =	sbr.abs _section_cstart, $3  }
0xc2: {  	[dreg:$0x1] =	wrdreg $0xFFFFFFFF  }
0xc3: {  	_ =	task.clear_ibuf [dreg:s7], $0x2FFFF;
	_ =	strace $0x9FFFFFFF  }
0xc4: {  	(tm) =	ssettm $0x7FFFFFFF  }
0xc5: {  	_ =	shalt  }
tec
execute0_lowered:
.L_overlay_start_1:
0x0: {  	(tag) =	ssettag $0x1  }
0x1: {  	s0 =	srdreg.scid  }
0x2: {  	s9 =	stileid.u32;
	s1 =	rddreg [dreg:$0x0]  }
0x3: {  	s4 =	rddreg [dreg:$0x1];
	s8 =	simm.s32 $0x0;
	s13 =	simm.s32 $0x11  }
0x4: {  	s0 =	sand.u32 $0x1, s0;
	s2 =	sshll.u32 s9, $0x1;
	[smem:$0x7FF] =	sst s8  }
0x5: {  	s24 =	simm.s32 $0x5000;
	s3 =	sor.u32 s0, s2;
	s2 =	rddreg [dreg:$0x2]  }
0x6: {  	s16 =	sadd.s32 $0x90200, s1;
	s5 =	smul.u32 $0x2800, s3;
	s3 =	rddreg [dreg:$0x3]  }
0x7: {  	s25 =	simm.s32 $0x6000;
	_ =	strace $0x8000004A;
	[dreg:$0xc] =	wrdreg s16  }
0x8: {  	s26 =	simm.s32 $0x7000;
	s28 =	simm.s32 $0x8000;
	[dreg:$0x5] =	wrdreg s24  }
0x9: {  	s29 =	simm.s32 $0x9000;
	s30 =	simm.s32 $0xA000;
	[dreg:$0x6] =	wrdreg s25  }
0xa: {  	s31 =	simm.s32 $0xB000;
	s15 =	simm.s32 $0x10;
	[dreg:$0x7] =	wrdreg s26  }
0xb: {  	s7 =	smul.u32 $0x5000, s9;
	s19 =	sshll.u32 s9, $0x6;
	[dreg:$0x8] =	wrdreg s28  }
0xc: {  	s6 =	smul.u32 $0x50000, s0;
	s0 =	ssub.s32 $0x2, s0;
	[dreg:$0x9] =	wrdreg s29  }
0xd: {  	s17 =	sshrl.u32 s0, $0x1;
	s18 =	sadd.s32 s7, s2;
	[dreg:$0xa] =	wrdreg s30  }
0xe: {  	s16 =	simm.s32 $0x80;
	s24 =	simm.s32 $0x7;
	[dreg:$0xb] =	wrdreg s31  }
0xf: {  	s25 =	simm.s32 $0x8;
	s6 =	sadd.s32 s7, s6;
	s0 =	ssub.s32 s0, s17  }
0x10: {  	s20 =	sadd.s32 s7, s3;
	s7 =	sshrl.u32 s7, $0x3;
	s12 =	sshrl.u32 s18, $0x3  }
0x11: {  	s17 =	simm.s32 $0xC000;
	s18 =	simm.s32 $0x1;
	s5 =	sshrl.u32 s5, $0x3  }
0x12: {  	s6 =	sshrl.u32 s6, $0x3;
	s4 =	sadd.s32 s4, s7;
	s0 =	smax.u32 s0, $0x1  }
0x13: {  	s23 =	sshrl.u32 s20, $0x3;
	s20 =	simm.s32 $0x3;
	[dreg:$0xd] =	wrdreg s4  }
0x14: {  	s5 =	sadd.s32 s5, s1;
	s1 =	sadd.s32 s6, s1;
	[dreg:$0x11] =	wrdreg s0  }
0x15: {  	s6 =	sor.u32 $0x1C11, s19;
	[dreg:$0x12] =	wrdreg s23;
	s21 =	sadd.s32 $0x3C00, s5  }
0x16: {  	s19 =	simm.s32 $0x2;
	s22 =	sadd.s32 $0xDC00, s5;
	[dreg:$0xe] =	wrdreg s21  }
0x17: {  	s23 =	simm.s32 $0x6;
	s1 =	sadd.s32 $0x90C00, s1;
	[dreg:$0xf] =	wrdreg s22  }
0x18: {  	s0 =	simm.s32 $0xF;
	s4 =	simm.s32 $0x0;
	[dreg:$0x10] =	wrdreg s1  }
0x19: {  	s21 =	simm.s32 $0x4;
	s22 =	simm.s32 $0x5;
	s1 =	simm.s32 $0xE  }
.LBB2_1:
0x1a: {  	s5 =	rddreg [dreg:$0xc]  }
0x1b: {  	[spmem:s12], [sflag:s6] =	dma.local [hbm:s5], $0xA00  }
0x1c: {  	_ =	swait.ge [sflag:s13], $0xA00  }
0x1d: {  	[sflag:s13] =	ssyncset.done $0x0;
	s28 =	rddreg [dreg:$0xd]  }
0x1e: {  	s7 =	rddreg [dreg:$0x12];
	[sflag:s13] =	ssyncadd.s32 $0xFFFFF600  }
0x1f: {  	[spmem:s7], [sflag:s6] =	dma.local [hbm:s28], $0xA00  }
0x20: {  	_ =	swait.ge [sflag:s13], $0xA00  }
0x21: {  	[sflag:s13] =	ssyncset.done $0x0  }
0x22: {  	s29 =	simm.s32 $0x0;
	s30 =	rddreg [dreg:$0xe];
	[sflag:s13] =	ssyncadd.s32 $0xFFFFF600  }
0x23: {  	[tilespmem:s29], [sflag:$0x11] =	stream.linear.gather [hbm4b:s30+s29], $0x2800, $0x38;
	[tilespmem:$0x17000] =	vst v63  }
0x24: {  	_ =	swait.ge [sflag:s13], $0x2800  }
0x25: {  	[sflag:s13] =	ssyncset.done $0x0  }
0x26: {  	s8 =	simm.s32 $0x2800;
	s31 =	rddreg [dreg:$0xf];
	[sflag:s13] =	ssyncadd.s32 $0xFFFFD800  }
0x27: {  	[tilespmem:s8], [sflag:$0x11] =	stream.linear.gather [hbm4b:s31+s29], $0x2800, $0x38;
	[tilespmem:$0x17000] =	vst v63  }
0x28: {  	_ =	swait.ge [sflag:s13], $0x2800  }
0x29: {  	[sflag:s13] =	ssyncset.done $0x0  }
0x2a: {  	s5 =	simm.s32 $0x0;
	[sflag:s13] =	ssyncadd.s32 $0xFFFFD800  }
0x2b: {  	v6 =	vld [tilespmem:s5+$0x0]  }
0x2c: {  	v13 =	vld [tilespmem:s5+$0x10]  }
0x2d: {  	v5 =	vld [tilespmem:s5+$0x20]  }
0x2e: {  	v4 =	vld [tilespmem:s5+$0x30]  }
0x2f: {  	v3 =	vld [tilespmem:s5+$0x40]  }
0x30: {  	v2 =	vld [tilespmem:s5+$0x50]  }
0x31: {  	v1 =	vld [tilespmem:s5+$0x60]  }
0x32: {  	v0 =	vld [tilespmem:s5+$0x70]  }
0x33: {  	v12 =	vld [tilespmem:s5+$0x2800]  }
0x34: {  	v11 =	vld [tilespmem:s5+$0x2810]  }
0x35: {  	v10 =	vld [tilespmem:s5+$0x2820]  }
0x36: {  	v9 =	vld [tilespmem:s5+$0x2830]  }
0x37: {  	v8 =	vld [tilespmem:s5+$0x2840]  }
0x38: {  	v7 =	vld [tilespmem:s5+$0x2850];
	vm0 =	veq.s32 v6, v12  }
0x39: {  	s7 =	simm.s32 $0x200;
	v6 =	vld [tilespmem:s5+$0x2860];
	v12 =	vsel vm0, $0x2710, v12;
	vm0 =	veq.s32 v13, v11  }
.LBB2_2:
0x3a: {  	s8 =	sshra.s32 s7, $0x2;
	p0 =	sne.s32 s7, $0x9E00;
	[tilespmem:s5+$0x2800] =	vst v12;
	v11 =	vsel vm0, $0x2710, v11;
	vm0 =	veq.s32 v5, v10;
	v12 =	vld [tilespmem:s5+$0x2870]  }
0x3b: {  	v13 =	vld [tilespmem:s8+$0x0];
	[tilespmem:s5+$0x2810] =	vst v11;
	v5 =	vsel vm0, $0x2710, v10;
	vm0 =	veq.s32 v4, v9  }
0x3c: {  	v14 =	vld [tilespmem:s8+$0x10];
	[tilespmem:s5+$0x2820] =	vst v5;
	v4 =	vsel vm0, $0x2710, v9;
	vm0 =	veq.s32 v3, v8  }
0x3d: {  	v5 =	vld [tilespmem:s8+$0x20];
	[tilespmem:s5+$0x2830] =	vst v4;
	v3 =	vsel vm0, $0x2710, v8;
	vm0 =	veq.s32 v2, v7  }
0x3e: {  	v4 =	vld [tilespmem:s8+$0x30];
	[tilespmem:s5+$0x2840] =	vst v3;
	v2 =	vsel vm0, $0x2710, v7;
	vm0 =	veq.s32 v1, v6  }
0x3f: {  	v3 =	vld [tilespmem:s8+$0x40];
	[tilespmem:s5+$0x2850] =	vst v2;
	v1 =	vsel vm0, $0x2710, v6;
	vm0 =	veq.s32 v0, v12  }
0x40: {  	v2 =	vld [tilespmem:s8+$0x50];
	[tilespmem:s5+$0x2860] =	vst v1;
	v0 =	vsel vm0, $0x2710, v12  }
0x41: {  	v1 =	vld [tilespmem:s8+$0x60];
	[tilespmem:s5+$0x2870] =	vst v0;
	s5 =	smov.u32 s8  }
0x42: {  	v0 =	vld [tilespmem:s5+$0x70]  }
0x43: {  	v6 =	vld [tilespmem:s5+$0x2800]  }
0x44: {  	v11 =	vld [tilespmem:s5+$0x2810]  }
.Ltmp0:
0x45: {  	v10 =	vld [tilespmem:s5+$0x2820];
	(pc) =	sbr.rel @p0 .LBB2_2-.Ltmp0, $4  }
0x46: {  	v9 =	vld [tilespmem:s5+$0x2830]  }
0x47: {  	v8 =	vld [tilespmem:s5+$0x2840]  }
0x48: {  	vm0 =	veq.s32 v13, v6;
	v7 =	vld [tilespmem:s5+$0x2850]  }
0x49: {  	s7 =	sadd.s32 $0x200, s7;
	v12 =	vsel vm0, $0x2710, v6;
	vm0 =	veq.s32 v14, v11;
	v6 =	vld [tilespmem:s5+$0x2860]  }
0x4a: {  	[tilespmem:s5+$0x2800] =	vst v12;
	v11 =	vsel vm0, $0x2710, v11;
	vm10 =	veq.s32 v5, v10;
	v63 =	vld [tilespmem:s5+$0x2870]  }
0x4b: {  	[tilespmem:s5+$0x2810] =	vst v11;
	v10 =	vsel vm10, $0x2710, v10;
	vm11 =	veq.s32 v4, v9  }
0x4c: {  	[tilespmem:s5+$0x2820] =	vst v10;
	v4 =	vsel vm11, $0x2710, v9;
	vm12 =	veq.s32 v3, v8  }
0x4d: {  	[tilespmem:s5+$0x2830] =	vst v4;
	v3 =	vsel vm12, $0x2710, v8;
	vm13 =	veq.s32 v2, v7  }
0x4e: {  	[tilespmem:s5+$0x2840] =	vst v3;
	v2 =	vsel vm13, $0x2710, v7;
	vm14 =	veq.s32 v1, v6  }
0x4f: {  	[tilespmem:s5+$0x2850] =	vst v2;
	v1 =	vsel vm14, $0x2710, v6;
	vm15 =	veq.s32 v0, v63  }
0x50: {  	[tilespmem:s5+$0x2860] =	vst v1;
	v0 =	vsel vm15, $0x2710, v63  }
0x51: {  	p0 =	por $0x0, $0x0;
	[tilespmem:s5+$0x2870] =	vst v0  }
0x52: {  	s5 =	simm.s32 @p0 $0x9;
	[bflag:$0x0] =	sbarrier.arrive $0xFFFF  }
0x53: {  	_ =	swait.ge @p0 [sflag:s5], $0x1000  }
0x54: {  	s7 =	simm.s32 @p0 $0xA;
	s8 =	simm.s32 @p0 $0x5000;
	[sflag:s5] =	ssyncset.done @p0 $0x0  }
0x55: {  	s9 =	simm.s32 @p0 $0x80;
	[sflag:s5] =	ssyncadd.s32 @p0 $0xFFFFF000;
	s5 =	simm.s32 @p0 $0x2800  }
0x56: {  	[tilespmem:s8], [sflag:$0x1] =	stream.indirect.gather @p0 [spmem:s3], $0x20, s5, s9, $0xb8;
	[tilespmem:$0x17000] =	vst v63  }
0x57: {  	_ =	swait.ge @p0 [sflag:s7], $0x1000  }
0x58: {  	s5 =	simm.s32 @p0 $0x2880;
	[sflag:s7] =	ssyncset.done @p0 $0x0  }
0x59: {  	s8 =	simm.s32 @p0 $0xB;
	[sflag:s7] =	ssyncadd.s32 @p0 $0xFFFFF000;
	s7 =	simm.s32 @p0 $0x6000  }
0x5a: {  	[tilespmem:s7], [sflag:$0x2] =	stream.indirect.gather @p0 [spmem:s3], $0x20, s5, s9, $0xb8;
	[tilespmem:$0x17000] =	vst v63  }
0x5b: {  	_ =	swait.ge @p0 [sflag:s8], $0x1000  }
0x5c: {  	s5 =	simm.s32 @p0 $0x2900;
	[sflag:s8] =	ssyncset.done @p0 $0x0  }
0x5d: {  	s7 =	simm.s32 @p0 $0x7000;
	[sflag:s8] =	ssyncadd.s32 @p0 $0xFFFFF000;
	s8 =	simm.s32 @p0 $0xC  }
0x5e: {  	[tilespmem:s7], [sflag:$0x3] =	stream.indirect.gather @p0 [spmem:s3], $0x20, s5, s9, $0xb8;
	[tilespmem:$0x17000] =	vst v63  }
0x5f: {  	_ =	swait.ge @p0 [sflag:s8], $0x1000  }
0x60: {  	s5 =	simm.s32 @p0 $0x2980;
	[sflag:s8] =	ssyncset.done @p0 $0x0  }
0x61: {  	s7 =	simm.s32 @p0 $0x8000;
	[sflag:s8] =	ssyncadd.s32 @p0 $0xFFFFF000;
	s8 =	simm.s32 @p0 $0xD  }
0x62: {  	[tilespmem:s7], [sflag:$0x4] =	stream.indirect.gather @p0 [spmem:s3], $0x20, s5, s9, $0xb8;
	[tilespmem:$0x17000] =	vst v63  }
0x63: {  	_ =	swait.ge @p0 [sflag:s8], $0x1000  }
0x64: {  	s5 =	simm.s32 @p0 $0x2A00;
	[sflag:s8] =	ssyncset.done @p0 $0x0  }
0x65: {  	s7 =	simm.s32 @p0 $0x9000;
	[sflag:s8] =	ssyncadd.s32 @p0 $0xFFFFF000;
	s8 =	simm.s32 @p0 $0xE  }
0x66: {  	[tilespmem:s7], [sflag:$0x5] =	stream.indirect.gather @p0 [spmem:s3], $0x20, s5, s9, $0xb8;
	[tilespmem:$0x17000] =	vst v63  }
0x67: {  	_ =	swait.ge @p0 [sflag:s8], $0x1000  }
0x68: {  	s5 =	simm.s32 @p0 $0x2A80;
	[sflag:s8] =	ssyncset.done @p0 $0x0  }
0x69: {  	s7 =	simm.s32 @p0 $0xA000;
	[sflag:s8] =	ssyncadd.s32 @p0 $0xFFFFF000;
	s8 =	simm.s32 @p0 $0xF  }
0x6a: {  	[tilespmem:s7], [sflag:$0x6] =	stream.indirect.gather @p0 [spmem:s3], $0x20, s5, s9, $0xb8;
	[tilespmem:$0x17000] =	vst v63  }
0x6b: {  	_ =	swait.ge @p0 [sflag:s8], $0x1000  }
0x6c: {  	s5 =	simm.s32 @p0 $0x2B00;
	[sflag:s8] =	ssyncset.done @p0 $0x0  }
0x6d: {  	s7 =	simm.s32 @p0 $0xB000;
	[sflag:s8] =	ssyncadd.s32 @p0 $0xFFFFF000;
	s8 =	simm.s32 @p0 $0x10  }
0x6e: {  	[tilespmem:s7], [sflag:$0x7] =	stream.indirect.gather @p0 [spmem:s3], $0x20, s5, s9, $0xb8;
	[tilespmem:$0x17000] =	vst v63  }
0x6f: {  	_ =	swait.ge @p0 [sflag:s8], $0x1000  }
0x70: {  	s5 =	simm.s32 @!p0 $0x5000;
	[sflag:s8] =	ssyncset.done @p0 $0x0  }
0x71: {  	s7 =	simm.s32 @!p0 $0x2800;
	[sflag:s8] =	ssyncadd.s32 @p0 $0xFFFFF000;
	s8 =	simm.s32 @!p0 $0x80  }
0x72: {  	[tilespmem:s5], [sflag:$0x1] =	stream.indirect.gather @!p0 [spmem:s3], $0x20, s7, s8, $0xb8;
	[tilespmem:$0x17000] =	vst v63  }
0x73: {  	s5 =	simm.s32 @!p0 $0x2880;
	s7 =	simm.s32 @!p0 $0x6000  }
0x74: {  	[tilespmem:s7], [sflag:$0x2] =	stream.indirect.gather @!p0 [spmem:s3], $0x20, s5, s8, $0xb8;
	[tilespmem:$0x17000] =	vst v63  }
0x75: {  	s5 =	simm.s32 @!p0 $0x2900;
	s7 =	simm.s32 @!p0 $0x7000  }
0x76: {  	[tilespmem:s7], [sflag:$0x3] =	stream.indirect.gather @!p0 [spmem:s3], $0x20, s5, s8, $0xb8;
	[tilespmem:$0x17000] =	vst v63  }
0x77: {  	s5 =	simm.s32 @!p0 $0x2980;
	s7 =	simm.s32 @!p0 $0x8000  }
0x78: {  	[tilespmem:s7], [sflag:$0x4] =	stream.indirect.gather @!p0 [spmem:s3], $0x20, s5, s8, $0xb8;
	[tilespmem:$0x17000] =	vst v63  }
0x79: {  	s5 =	simm.s32 @!p0 $0x2A00;
	s7 =	simm.s32 @!p0 $0x9000  }
0x7a: {  	[tilespmem:s7], [sflag:$0x5] =	stream.indirect.gather @!p0 [spmem:s3], $0x20, s5, s8, $0xb8;
	[tilespmem:$0x17000] =	vst v63  }
0x7b: {  	s9 =	simm.s32 @!p0 $0xA000;
	s5 =	simm.s32 $0x380;
	s7 =	simm.s32 @!p0 $0x2A80  }
0x7c: {  	[tilespmem:s9], [sflag:$0x6] =	stream.indirect.gather @!p0 [spmem:s3], $0x20, s7, s8, $0xb8;
	[tilespmem:$0x17000] =	vst v63  }
0x7d: {  	s5 =	simm.s32 @!p0 $0x380;
	s7 =	simm.s32 @!p0 $0x2B00;
	s9 =	simm.s32 @!p0 $0xB000  }
0x7e: {  	[tilespmem:s9], [sflag:$0x7] =	stream.indirect.gather @!p0 [spmem:s3], $0x20, s7, s8, $0xb8;
	[tilespmem:$0x17000] =	vst v63  }
0x7f: {  	s9 =	sadd.s32 $0x2800, s5  }
0x80: {  	[tilespmem:s17], [sflag:$0x8] =	stream.indirect.gather [spmem:s3], $0x20, s9, s16, $0xb8;
	[tilespmem:$0x17000] =	vst v63  }
0x81: {  	_ =	swait.ge [sflag:s18], $0x1000  }
0x82: {  	[sflag:s18] =	ssyncset.done $0x0  }
0x83: {  	s11 =	simm.s32 $0x0;
	s10 =	rddreg [dreg:$0x5];
	[sflag:s18] =	ssyncadd.s32 $0xFFFFF000  }
0x84: {  	[spmem:s2] =	stream.indirect.scatter.add.f32 [tilespmem:s10], [sflag:$0x9], $0x20, s11, s16, $0xb8;
	[tilespmem:$0x17000] =	vst v63  }
0x85: {  	_ =	swait.ge [sflag:s19], $0x1000  }
0x86: {  	s8 =	simm.s32 @p0 $0x80;
	[sflag:s19] =	ssyncset.done $0x0  }
0x87: {  	s8 =	simm.s32 @!p0 $0x80;
	s14 =	rddreg [dreg:$0x6];
	[sflag:s19] =	ssyncadd.s32 $0xFFFFF000  }
0x88: {  	[spmem:s2] =	stream.indirect.scatter.add.f32 [tilespmem:s14], [sflag:$0xA], $0x20, s8, s16, $0xb8;
	[tilespmem:$0x17000] =	vst v63  }
0x89: {  	_ =	swait.ge [sflag:s20], $0x1000  }
0x8a: {  	s8 =	simm.s32 @p0 $0x100;
	[sflag:s20] =	ssyncset.done $0x0  }
0x8b: {  	s8 =	simm.s32 @!p0 $0x100;
	s26 =	rddreg [dreg:$0x7];
	[sflag:s20] =	ssyncadd.s32 $0xFFFFF000  }
0x8c: {  	[spmem:s2] =	stream.indirect.scatter.add.f32 [tilespmem:s26], [sflag:$0xB], $0x20, s8, s16, $0xb8;
	[tilespmem:$0x17000] =	vst v63  }
0x8d: {  	_ =	swait.ge [sflag:s21], $0x1000  }
0x8e: {  	s8 =	simm.s32 @p0 $0x180;
	[sflag:s21] =	ssyncset.done $0x0  }
0x8f: {  	s8 =	simm.s32 @!p0 $0x180;
	s28 =	rddreg [dreg:$0x8];
	[sflag:s21] =	ssyncadd.s32 $0xFFFFF000  }
0x90: {  	[spmem:s2] =	stream.indirect.scatter.add.f32 [tilespmem:s28], [sflag:$0xC], $0x20, s8, s16, $0xb8;
	[tilespmem:$0x17000] =	vst v63  }
0x91: {  	_ =	swait.ge [sflag:s22], $0x1000  }
0x92: {  	s8 =	simm.s32 @p0 $0x200;
	[sflag:s22] =	ssyncset.done $0x0  }
0x93: {  	s8 =	simm.s32 @!p0 $0x200;
	s29 =	rddreg [dreg:$0x9];
	[sflag:s22] =	ssyncadd.s32 $0xFFFFF000  }
0x94: {  	[spmem:s2] =	stream.indirect.scatter.add.f32 [tilespmem:s29], [sflag:$0xD], $0x20, s8, s16, $0xb8;
	[tilespmem:$0x17000] =	vst v63  }
0x95: {  	_ =	swait.ge [sflag:s23], $0x1000  }
0x96: {  	s8 =	simm.s32 @p0 $0x280;
	[sflag:s23] =	ssyncset.done $0x0  }
0x97: {  	s8 =	simm.s32 @!p0 $0x280;
	s30 =	rddreg [dreg:$0xa];
	[sflag:s23] =	ssyncadd.s32 $0xFFFFF000  }
0x98: {  	[spmem:s2] =	stream.indirect.scatter.add.f32 [tilespmem:s30], [sflag:$0xE], $0x20, s8, s16, $0xb8;
	[tilespmem:$0x17000] =	vst v63  }
0x99: {  	_ =	swait.ge [sflag:s24], $0x1000  }
0x9a: {  	s8 =	simm.s32 @p0 $0x300;
	[sflag:s24] =	ssyncset.done $0x0  }
0x9b: {  	s8 =	simm.s32 @!p0 $0x300;
	s31 =	rddreg [dreg:$0xb];
	[sflag:s24] =	ssyncadd.s32 $0xFFFFF000  }
0x9c: {  	[spmem:s2] =	stream.indirect.scatter.add.f32 [tilespmem:s31], [sflag:$0xF], $0x20, s8, s16, $0xb8;
	[tilespmem:$0x17000] =	vst v63  }
0x9d: {  	s7 =	simm.s32 $0x1000;
	s9 =	simm.s32 $0x780;
	_ =	swait.ge [sflag:s25], $0x1000  }
0x9e: {  	p0 =	por $0x1, $0x1;
	s8 =	simm.s32 $0x2000;
	[sflag:s25] =	ssyncset.done $0x0  }
.LBB2_4:
0x9f: {  	s11 =	simm.s32 @p0 $0x9;
	[sflag:s25] =	ssyncadd.s32 $0xFFFFF000  }
0xa0: {  	[spmem:s2] =	stream.indirect.scatter.add.f32 [tilespmem:s17], [sflag:$0x10], $0x20, s5, s16, $0xb8;
	[tilespmem:$0x17000] =	vst v63  }
0xa1: {  	s14 =	simm.s32 @p0 $0xA;
	_ =	swait.ge @p0 [sflag:s11], $0x1000  }
0xa2: {  	s26 =	sshra.s32 @p0 s7, $0x2;
	s28 =	simm.s32 @p0 $0x5000;
	[sflag:s11] =	ssyncset.done @p0 $0x0  }
0xa3: {  	s5 =	simm.s32 @p0 $0x80;
	[sflag:s11] =	ssyncadd.s32 @p0 $0xFFFFF000;
	s11 =	sadd.s32 @p0 $0x2800, s26  }
0xa4: {  	[tilespmem:s28], [sflag:$0x1] =	stream.indirect.gather @p0 [spmem:s3], $0x20, s11, s5, $0xb8;
	[tilespmem:$0x17000] =	vst v63  }
0xa5: {  	_ =	swait.ge @p0 [sflag:s14], $0x1000  }
0xa6: {  	s31 =	simm.s32 @p0 $0xB;
	s29 =	sadd.s32 @p0 $0x2980, s26;
	[sflag:s14] =	ssyncset.done @p0 $0x0  }
0xa7: {  	s11 =	sadd.s32 @p0 $0x2880, s26;
	[sflag:s14] =	ssyncadd.s32 @p0 $0xFFFFF000;
	s14 =	simm.s32 @p0 $0x6000  }
0xa8: {  	[tilespmem:s14], [sflag:$0x2] =	stream.indirect.gather @p0 [spmem:s3], $0x20, s11, s5, $0xb8;
	[tilespmem:$0x17000] =	vst v63  }
0xa9: {  	s30 =	sadd.s32 @p0 $0x2A00, s26;
	s28 =	sadd.s32 @p0 $0x2900, s26;
	_ =	swait.ge @p0 [sflag:s31], $0x1000  }
0xaa: {  	s11 =	sadd.s32 @p0 $0x2A80, s26;
	s14 =	sadd.s32 @p0 $0x2B00, s26;
	[sflag:s31] =	ssyncset.done @p0 $0x0  }
0xab: {  	s26 =	simm.s32 @p0 $0x7000;
	[sflag:s31] =	ssyncadd.s32 @p0 $0xFFFFF000;
	s31 =	simm.s32 @p0 $0xC  }
0xac: {  	[tilespmem:s26], [sflag:$0x3] =	stream.indirect.gather @p0 [spmem:s3], $0x20, s28, s5, $0xb8;
	[tilespmem:$0x17000] =	vst v63  }
0xad: {  	_ =	swait.ge @p0 [sflag:s31], $0x1000  }
0xae: {  	[sflag:s31] =	ssyncset.done @p0 $0x0  }
0xaf: {  	s26 =	simm.s32 @p0 $0x8000;
	s28 =	simm.s32 @p0 $0xD;
	[sflag:s31] =	ssyncadd.s32 @p0 $0xFFFFF000  }
0xb0: {  	[tilespmem:s26], [sflag:$0x4] =	stream.indirect.gather @p0 [spmem:s3], $0x20, s29, s5, $0xb8;
	[tilespmem:$0x17000] =	vst v63  }
0xb1: {  	_ =	swait.ge @p0 [sflag:s28], $0x1000  }
0xb2: {  	[sflag:s28] =	ssyncset.done @p0 $0x0  }
0xb3: {  	s26 =	simm.s32 @p0 $0x9000;
	[sflag:s28] =	ssyncadd.s32 @p0 $0xFFFFF000;
	s28 =	simm.s32 @p0 $0xE  }
0xb4: {  	[tilespmem:s26], [sflag:$0x5] =	stream.indirect.gather @p0 [spmem:s3], $0x20, s30, s5, $0xb8;
	[tilespmem:$0x17000] =	vst v63  }
0xb5: {  	_ =	swait.ge @p0 [sflag:s28], $0x1000  }
0xb6: {  	[sflag:s28] =	ssyncset.done @p0 $0x0  }
0xb7: {  	s26 =	simm.s32 @p0 $0xA000;
	[sflag:s28] =	ssyncadd.s32 @p0 $0xFFFFF000;
	s28 =	simm.s32 @p0 $0xF  }
0xb8: {  	[tilespmem:s26], [sflag:$0x6] =	stream.indirect.gather @p0 [spmem:s3], $0x20, s11, s5, $0xb8;
	[tilespmem:$0x17000] =	vst v63  }
0xb9: {  	_ =	swait.ge @p0 [sflag:s28], $0x1000  }
0xba: {  	[sflag:s28] =	ssyncset.done @p0 $0x0  }
0xbb: {  	s11 =	simm.s32 @p0 $0xB000;
	s26 =	simm.s32 @p0 $0x10;
	[sflag:s28] =	ssyncadd.s32 @p0 $0xFFFFF000  }
0xbc: {  	[tilespmem:s11], [sflag:$0x7] =	stream.indirect.gather @p0 [spmem:s3], $0x20, s14, s5, $0xb8;
	[tilespmem:$0x17000] =	vst v63  }
0xbd: {  	_ =	swait.ge @p0 [sflag:s26], $0x1000  }
0xbe: {  	s5 =	sshra.s32 @!p0 s7, $0x2;
	s11 =	simm.s32 @!p0 $0x5000;
	[sflag:s26] =	ssyncset.done @p0 $0x0  }
0xbf: {  	s14 =	simm.s32 @!p0 $0x80;
	s5 =	sadd.s32 @!p0 $0x2800, s5;
	[sflag:s26] =	ssyncadd.s32 @p0 $0xFFFFF000  }
0xc0: {  	[tilespmem:s11], [sflag:$0x1] =	stream.indirect.gather @!p0 [spmem:s3], $0x20, s5, s14, $0xb8;
	[tilespmem:$0x17000] =	vst v63  }
0xc1: {  	s5 =	simm.s32 @!p0 $0x2880;
	s11 =	simm.s32 @!p0 $0x6000  }
0xc2: {  	[tilespmem:s11], [sflag:$0x2] =	stream.indirect.gather @!p0 [spmem:s3], $0x20, s5, s14, $0xb8;
	[tilespmem:$0x17000] =	vst v63  }
0xc3: {  	s5 =	simm.s32 @!p0 $0x2900;
	s11 =	simm.s32 @!p0 $0x7000  }
0xc4: {  	[tilespmem:s11], [sflag:$0x3] =	stream.indirect.gather @!p0 [spmem:s3], $0x20, s5, s14, $0xb8;
	[tilespmem:$0x17000] =	vst v63  }
0xc5: {  	s5 =	simm.s32 @!p0 $0x2980;
	s11 =	simm.s32 @!p0 $0x8000  }
0xc6: {  	[tilespmem:s11], [sflag:$0x4] =	stream.indirect.gather @!p0 [spmem:s3], $0x20, s5, s14, $0xb8;
	[tilespmem:$0x17000] =	vst v63  }
0xc7: {  	s5 =	simm.s32 @!p0 $0x2A00;
	s11 =	simm.s32 @!p0 $0x9000  }
0xc8: {  	[tilespmem:s11], [sflag:$0x5] =	stream.indirect.gather @!p0 [spmem:s3], $0x20, s5, s14, $0xb8;
	[tilespmem:$0x17000] =	vst v63  }
0xc9: {  	s5 =	simm.s32 @!p0 $0x2A80;
	s11 =	simm.s32 @!p0 $0xA000  }
0xca: {  	[tilespmem:s11], [sflag:$0x6] =	stream.indirect.gather @!p0 [spmem:s3], $0x20, s5, s14, $0xb8;
	[tilespmem:$0x17000] =	vst v63  }
0xcb: {  	s5 =	smov.u32 s9  }
0xcc: {  	s26 =	simm.s32 @!p0 $0xB000;
	s11 =	simm.s32 @!p0 $0x2B00;
	s5 =	simm.s32 @!p0 $0x380  }
0xcd: {  	[tilespmem:s26], [sflag:$0x7] =	stream.indirect.gather @!p0 [spmem:s3], $0x20, s11, s14, $0xb8;
	[tilespmem:$0x17000] =	vst v63  }
0xce: {  	s29 =	sadd.s32 $0x2800, s5  }
0xcf: {  	[tilespmem:s17], [sflag:$0x8] =	stream.indirect.gather [spmem:s3], $0x20, s29, s16, $0xb8;
	[tilespmem:$0x17000] =	vst v63  }
0xd0: {  	_ =	swait.ge [sflag:s18], $0x1000  }
0xd1: {  	[sflag:s18] =	ssyncset.done $0x0  }
0xd2: {  	s31 =	sshra.s32 s7, $0x2;
	s30 =	rddreg [dreg:$0x5];
	[sflag:s18] =	ssyncadd.s32 $0xFFFFF000  }
0xd3: {  	[spmem:s2] =	stream.indirect.scatter.add.f32 [tilespmem:s30], [sflag:$0x9], $0x20, s31, s16, $0xb8;
	[tilespmem:$0x17000] =	vst v63  }
0xd4: {  	_ =	swait.ge [sflag:s19], $0x1000  }
0xd5: {  	s11 =	sadd.s32 @p0 $0xFFFFFD00, s9;
	[sflag:s19] =	ssyncset.done $0x0  }
0xd6: {  	s11 =	simm.s32 @!p0 $0x80;
	s14 =	rddreg [dreg:$0x6];
	[sflag:s19] =	ssyncadd.s32 $0xFFFFF000  }
0xd7: {  	[spmem:s2] =	stream.indirect.scatter.add.f32 [tilespmem:s14], [sflag:$0xA], $0x20, s11, s16, $0xb8;
	[tilespmem:$0x17000] =	vst v63  }
0xd8: {  	_ =	swait.ge [sflag:s20], $0x1000  }
0xd9: {  	s11 =	sadd.s32 @p0 $0xFFFFFD80, s9;
	[sflag:s20] =	ssyncset.done $0x0  }
0xda: {  	s11 =	simm.s32 @!p0 $0x100;
	s26 =	rddreg [dreg:$0x7];
	[sflag:s20] =	ssyncadd.s32 $0xFFFFF000  }
0xdb: {  	[spmem:s2] =	stream.indirect.scatter.add.f32 [tilespmem:s26], [sflag:$0xB], $0x20, s11, s16, $0xb8;
	[tilespmem:$0x17000] =	vst v63  }
0xdc: {  	_ =	swait.ge [sflag:s21], $0x1000  }
0xdd: {  	s11 =	sadd.s32 @p0 $0xFFFFFE00, s9;
	[sflag:s21] =	ssyncset.done $0x0  }
0xde: {  	s11 =	simm.s32 @!p0 $0x180;
	s28 =	rddreg [dreg:$0x8];
	[sflag:s21] =	ssyncadd.s32 $0xFFFFF000  }
0xdf: {  	[spmem:s2] =	stream.indirect.scatter.add.f32 [tilespmem:s28], [sflag:$0xC], $0x20, s11, s16, $0xb8;
	[tilespmem:$0x17000] =	vst v63  }
0xe0: {  	_ =	swait.ge [sflag:s22], $0x1000  }
0xe1: {  	s11 =	sadd.s32 @p0 $0xFFFFFE80, s9;
	[sflag:s22] =	ssyncset.done $0x0  }
0xe2: {  	s11 =	simm.s32 @!p0 $0x200;
	s29 =	rddreg [dreg:$0x9];
	[sflag:s22] =	ssyncadd.s32 $0xFFFFF000  }
0xe3: {  	[spmem:s2] =	stream.indirect.scatter.add.f32 [tilespmem:s29], [sflag:$0xD], $0x20, s11, s16, $0xb8;
	[tilespmem:$0x17000] =	vst v63  }
0xe4: {  	s10 =	smov.u32 s8;
	_ =	swait.ge [sflag:s23], $0x1000  }
0xe5: {  	s8 =	sadd.s32 $0x1000, s8;
	s11 =	sadd.s32 @p0 $0xFFFFFF00, s9;
	[sflag:s23] =	ssyncset.done $0x0  }
0xe6: {  	s11 =	simm.s32 @!p0 $0x280;
	s30 =	rddreg [dreg:$0xa];
	[sflag:s23] =	ssyncadd.s32 $0xFFFFF000  }
0xe7: {  	[spmem:s2] =	stream.indirect.scatter.add.f32 [tilespmem:s30], [sflag:$0xE], $0x20, s11, s16, $0xb8;
	[tilespmem:$0x17000] =	vst v63  }
0xe8: {  	p1 =	sne.s32 s8, $0xA000;
	_ =	swait.ge [sflag:s24], $0x1000  }
.Ltmp1:
0xe9: {  	s11 =	sadd.s32 @p0 $0xFFFFFF80, s9;
	[sflag:s24] =	ssyncset.done $0x0;
	(pc) =	sbr.rel @p1 .LBB2_4-.Ltmp1, $4  }
0xea: {  	s11 =	simm.s32 @!p0 $0x300;
	s31 =	rddreg [dreg:$0xb];
	[sflag:s24] =	ssyncadd.s32 $0xFFFFF000  }
0xeb: {  	[spmem:s2] =	stream.indirect.scatter.add.f32 [tilespmem:s31], [sflag:$0xF], $0x20, s11, s16, $0xb8;
	[tilespmem:$0x17000] =	vst v63  }
0xec: {  	s7 =	smov.u32 s10;
	_ =	swait.ge [sflag:s25], $0x1000  }
0xed: {  	s9 =	sadd.s32 $0x400, s9;
	p0 =	sne.s32 s7, $0x0;
	[sflag:s25] =	ssyncset.done $0x0  }
0xee: {  	s8 =	simm.s32 @p0 $0x9;
	[sflag:s25] =	ssyncadd.s32 $0xFFFFF000  }
0xef: {  	[spmem:s2] =	stream.indirect.scatter.add.f32 [tilespmem:s17], [sflag:$0x10], $0x20, s5, s16, $0xb8;
	[tilespmem:$0x17000] =	vst v63  }
0xf0: {  	_ =	swait.ge @p0 [sflag:s8], $0x1000  }
0xf1: {  	s10 =	simm.s32 @p0 $0x5000;
	s5 =	sshra.s32 @p0 s7, $0x2;
	[sflag:s8] =	ssyncset.done @p0 $0x0  }
0xf2: {  	s11 =	simm.s32 @p0 $0x80;
	[sflag:s8] =	ssyncadd.s32 @p0 $0xFFFFF000;
	s8 =	sadd.s32 @p0 $0x2800, s5  }
0xf3: {  	[tilespmem:s10], [sflag:$0x1] =	stream.indirect.gather @p0 [spmem:s3], $0x20, s8, s11, $0xb8;
	[tilespmem:$0x17000] =	vst v63  }
0xf4: {  	s8 =	simm.s32 @p0 $0xA  }
0xf5: {  	_ =	swait.ge @p0 [sflag:s8], $0x1000  }
0xf6: {  	[sflag:s8] =	ssyncset.done @p0 $0x0  }
0xf7: {  	s10 =	sadd.s32 @p0 $0x2880, s5;
	[sflag:s8] =	ssyncadd.s32 @p0 $0xFFFFF000;
	s8 =	simm.s32 @p0 $0x6000  }
0xf8: {  	[tilespmem:s8], [sflag:$0x2] =	stream.indirect.gather @p0 [spmem:s3], $0x20, s10, s11, $0xb8;
	[tilespmem:$0x17000] =	vst v63  }
0xf9: {  	s8 =	simm.s32 @p0 $0xB  }
0xfa: {  	_ =	swait.ge @p0 [sflag:s8], $0x1000  }
0xfb: {  	[sflag:s8] =	ssyncset.done @p0 $0x0  }
0xfc: {  	s10 =	sadd.s32 @p0 $0x2900, s5;
	[sflag:s8] =	ssyncadd.s32 @p0 $0xFFFFF000;
	s8 =	simm.s32 @p0 $0x7000  }
0xfd: {  	[tilespmem:s8], [sflag:$0x3] =	stream.indirect.gather @p0 [spmem:s3], $0x20, s10, s11, $0xb8;
	[tilespmem:$0x17000] =	vst v63  }
0xfe: {  	s8 =	simm.s32 @p0 $0xC  }
0xff: {  	_ =	swait.ge @p0 [sflag:s8], $0x1000  }
0x100: {  	[sflag:s8] =	ssyncset.done @p0 $0x0  }
0x101: {  	s10 =	sadd.s32 @p0 $0x2980, s5;
	[sflag:s8] =	ssyncadd.s32 @p0 $0xFFFFF000;
	s8 =	simm.s32 @p0 $0x8000  }
0x102: {  	[tilespmem:s8], [sflag:$0x4] =	stream.indirect.gather @p0 [spmem:s3], $0x20, s10, s11, $0xb8;
	[tilespmem:$0x17000] =	vst v63  }
0x103: {  	s8 =	simm.s32 @p0 $0xD  }
0x104: {  	_ =	swait.ge @p0 [sflag:s8], $0x1000  }
0x105: {  	[sflag:s8] =	ssyncset.done @p0 $0x0  }
0x106: {  	s10 =	sadd.s32 @p0 $0x2A00, s5;
	[sflag:s8] =	ssyncadd.s32 @p0 $0xFFFFF000;
	s8 =	simm.s32 @p0 $0x9000  }
0x107: {  	[tilespmem:s8], [sflag:$0x5] =	stream.indirect.gather @p0 [spmem:s3], $0x20, s10, s11, $0xb8;
	[tilespmem:$0x17000] =	vst v63  }
0x108: {  	s8 =	simm.s32 @p0 $0xE  }
0x109: {  	_ =	swait.ge @p0 [sflag:s8], $0x1000  }
0x10a: {  	[sflag:s8] =	ssyncset.done @p0 $0x0  }
0x10b: {  	s10 =	sadd.s32 @p0 $0x2A80, s5;
	[sflag:s8] =	ssyncadd.s32 @p0 $0xFFFFF000;
	s8 =	simm.s32 @p0 $0xA000  }
0x10c: {  	[tilespmem:s8], [sflag:$0x6] =	stream.indirect.gather @p0 [spmem:s3], $0x20, s10, s11, $0xb8;
	[tilespmem:$0x17000] =	vst v63  }
0x10d: {  	s8 =	simm.s32 @p0 $0xF  }
0x10e: {  	_ =	swait.ge @p0 [sflag:s8], $0x1000  }
0x10f: {  	[sflag:s8] =	ssyncset.done @p0 $0x0  }
0x110: {  	s5 =	sadd.s32 @p0 $0x2B00, s5;
	[sflag:s8] =	ssyncadd.s32 @p0 $0xFFFFF000;
	s8 =	simm.s32 @p0 $0xB000  }
0x111: {  	[tilespmem:s8], [sflag:$0x7] =	stream.indirect.gather @p0 [spmem:s3], $0x20, s5, s11, $0xb8;
	[tilespmem:$0x17000] =	vst v63  }
0x112: {  	s5 =	simm.s32 @p0 $0x10  }
0x113: {  	_ =	swait.ge @p0 [sflag:s5], $0x1000  }
0x114: {  	s10 =	simm.s32 @!p0 $0x5000;
	s8 =	sshra.s32 @!p0 s7, $0x2;
	[sflag:s5] =	ssyncset.done @p0 $0x0  }
0x115: {  	[sflag:s5] =	ssyncadd.s32 @p0 $0xFFFFF000;
	s5 =	sadd.s32 @!p0 $0x2800, s8;
	s8 =	simm.s32 @!p0 $0x80  }
0x116: {  	[tilespmem:s10], [sflag:$0x1] =	stream.indirect.gather @!p0 [spmem:s3], $0x20, s5, s8, $0xb8;
	[tilespmem:$0x17000] =	vst v63  }
0x117: {  	s5 =	simm.s32 @!p0 $0x2880;
	s10 =	simm.s32 @!p0 $0x6000  }
0x118: {  	[tilespmem:s10], [sflag:$0x2] =	stream.indirect.gather @!p0 [spmem:s3], $0x20, s5, s8, $0xb8;
	[tilespmem:$0x17000] =	vst v63  }
0x119: {  	s5 =	simm.s32 @!p0 $0x2900;
	s10 =	simm.s32 @!p0 $0x7000  }
0x11a: {  	[tilespmem:s10], [sflag:$0x3] =	stream.indirect.gather @!p0 [spmem:s3], $0x20, s5, s8, $0xb8;
	[tilespmem:$0x17000] =	vst v63  }
0x11b: {  	s5 =	simm.s32 @!p0 $0x2980;
	s10 =	simm.s32 @!p0 $0x8000  }
0x11c: {  	[tilespmem:s10], [sflag:$0x4] =	stream.indirect.gather @!p0 [spmem:s3], $0x20, s5, s8, $0xb8;
	[tilespmem:$0x17000] =	vst v63  }
0x11d: {  	s5 =	simm.s32 @!p0 $0x2A00;
	s10 =	simm.s32 @!p0 $0x9000  }
0x11e: {  	[tilespmem:s10], [sflag:$0x5] =	stream.indirect.gather @!p0 [spmem:s3], $0x20, s5, s8, $0xb8;
	[tilespmem:$0x17000] =	vst v63  }
0x11f: {  	s5 =	simm.s32 @!p0 $0x2A80;
	s10 =	simm.s32 @!p0 $0xA000  }
0x120: {  	[tilespmem:s10], [sflag:$0x6] =	stream.indirect.gather @!p0 [spmem:s3], $0x20, s5, s8, $0xb8;
	[tilespmem:$0x17000] =	vst v63  }
0x121: {  	s5 =	simm.s32 @!p0 $0x2B00;
	s10 =	simm.s32 @!p0 $0xB000  }
0x122: {  	[tilespmem:s10], [sflag:$0x7] =	stream.indirect.gather @!p0 [spmem:s3], $0x20, s5, s8, $0xb8;
	[tilespmem:$0x17000] =	vst v63  }
0x123: {  	s5 =	smov.u32 s9  }
0x124: {  	s5 =	simm.s32 @!p0 $0x380  }
0x125: {  	s10 =	sadd.s32 $0x2800, s5  }
0x126: {  	[tilespmem:s17], [sflag:$0x8] =	stream.indirect.gather [spmem:s3], $0x20, s10, s16, $0xb8;
	[tilespmem:$0x17000] =	vst v63  }
0x127: {  	_ =	swait.ge [sflag:s18], $0x1000  }
0x128: {  	[sflag:s18] =	ssyncset.done $0x0  }
0x129: {  	s14 =	sshra.s32 s7, $0x2;
	s11 =	rddreg [dreg:$0x5];
	[sflag:s18] =	ssyncadd.s32 $0xFFFFF000  }
0x12a: {  	[spmem:s2] =	stream.indirect.scatter.add.f32 [tilespmem:s11], [sflag:$0x9], $0x20, s14, s16, $0xb8;
	[tilespmem:$0x17000] =	vst v63  }
0x12b: {  	_ =	swait.ge [sflag:s19], $0x1000  }
0x12c: {  	s8 =	sadd.s32 @p0 $0xFFFFFD00, s9;
	[sflag:s19] =	ssyncset.done $0x0  }
0x12d: {  	s8 =	simm.s32 @!p0 $0x80;
	s26 =	rddreg [dreg:$0x6];
	[sflag:s19] =	ssyncadd.s32 $0xFFFFF000  }
0x12e: {  	[spmem:s2] =	stream.indirect.scatter.add.f32 [tilespmem:s26], [sflag:$0xA], $0x20, s8, s16, $0xb8;
	[tilespmem:$0x17000] =	vst v63  }
0x12f: {  	_ =	swait.ge [sflag:s20], $0x1000  }
0x130: {  	s8 =	sadd.s32 @p0 $0xFFFFFD80, s9;
	[sflag:s20] =	ssyncset.done $0x0  }
0x131: {  	s8 =	simm.s32 @!p0 $0x100;
	s28 =	rddreg [dreg:$0x7];
	[sflag:s20] =	ssyncadd.s32 $0xFFFFF000  }
0x132: {  	[spmem:s2] =	stream.indirect.scatter.add.f32 [tilespmem:s28], [sflag:$0xB], $0x20, s8, s16, $0xb8;
	[tilespmem:$0x17000] =	vst v63  }
0x133: {  	_ =	swait.ge [sflag:s21], $0x1000  }
0x134: {  	s8 =	sadd.s32 @p0 $0xFFFFFE00, s9;
	[sflag:s21] =	ssyncset.done $0x0  }
0x135: {  	s8 =	simm.s32 @!p0 $0x180;
	s29 =	rddreg [dreg:$0x8];
	[sflag:s21] =	ssyncadd.s32 $0xFFFFF000  }
0x136: {  	[spmem:s2] =	stream.indirect.scatter.add.f32 [tilespmem:s29], [sflag:$0xC], $0x20, s8, s16, $0xb8;
	[tilespmem:$0x17000] =	vst v63  }
0x137: {  	_ =	swait.ge [sflag:s22], $0x1000  }
0x138: {  	s8 =	sadd.s32 @p0 $0xFFFFFE80, s9;
	[sflag:s22] =	ssyncset.done $0x0  }
0x139: {  	s8 =	simm.s32 @!p0 $0x200;
	s30 =	rddreg [dreg:$0x9];
	[sflag:s22] =	ssyncadd.s32 $0xFFFFF000  }
0x13a: {  	[spmem:s2] =	stream.indirect.scatter.add.f32 [tilespmem:s30], [sflag:$0xD], $0x20, s8, s16, $0xb8;
	[tilespmem:$0x17000] =	vst v63  }
0x13b: {  	_ =	swait.ge [sflag:s23], $0x1000  }
0x13c: {  	s8 =	sadd.s32 @p0 $0xFFFFFF00, s9;
	[sflag:s23] =	ssyncset.done $0x0  }
0x13d: {  	s8 =	simm.s32 @!p0 $0x280;
	s31 =	rddreg [dreg:$0xa];
	[sflag:s23] =	ssyncadd.s32 $0xFFFFF000  }
0x13e: {  	[spmem:s2] =	stream.indirect.scatter.add.f32 [tilespmem:s31], [sflag:$0xE], $0x20, s8, s16, $0xb8;
	[tilespmem:$0x17000] =	vst v63  }
0x13f: {  	_ =	swait.ge [sflag:s24], $0x1000  }
0x140: {  	s8 =	sadd.s32 @p0 $0xFFFFFF80, s9;
	[sflag:s24] =	ssyncset.done $0x0  }
0x141: {  	s8 =	simm.s32 @!p0 $0x300;
	s10 =	rddreg [dreg:$0xb];
	[sflag:s24] =	ssyncadd.s32 $0xFFFFF000  }
0x142: {  	[spmem:s2] =	stream.indirect.scatter.add.f32 [tilespmem:s10], [sflag:$0xF], $0x20, s8, s16, $0xb8;
	[tilespmem:$0x17000] =	vst v63  }
0x143: {  	_ =	swait.ge [sflag:s25], $0x1000  }
0x144: {  	[sflag:s25] =	ssyncset.done $0x0  }
0x145: {  	s11 =	simm.s32 $0x9;
	[sflag:s25] =	ssyncadd.s32 $0xFFFFF000  }
0x146: {  	[spmem:s2] =	stream.indirect.scatter.add.f32 [tilespmem:s17], [sflag:$0x10], $0x20, s5, s16, $0xb8;
	[tilespmem:$0x17000] =	vst v63  }
0x147: {  	_ =	swait.ge [sflag:s11], $0x1000  }
0x148: {  	[sflag:s11] =	ssyncset.done $0x0  }
0x149: {  	s14 =	simm.s32 $0xA;
	[sflag:s11] =	ssyncadd.s32 $0xFFFFF000  }
0x14a: {  	_ =	swait.ge [sflag:s14], $0x1000  }
0x14b: {  	[sflag:s14] =	ssyncset.done $0x0  }
0x14c: {  	s26 =	simm.s32 $0xB;
	[sflag:s14] =	ssyncadd.s32 $0xFFFFF000  }
0x14d: {  	_ =	swait.ge [sflag:s26], $0x1000  }
0x14e: {  	[sflag:s26] =	ssyncset.done $0x0  }
0x14f: {  	s28 =	simm.s32 $0xC;
	[sflag:s26] =	ssyncadd.s32 $0xFFFFF000  }
0x150: {  	_ =	swait.ge [sflag:s28], $0x1000  }
0x151: {  	[sflag:s28] =	ssyncset.done $0x0  }
0x152: {  	s29 =	simm.s32 $0xD;
	[sflag:s28] =	ssyncadd.s32 $0xFFFFF000  }
0x153: {  	_ =	swait.ge [sflag:s29], $0x1000  }
0x154: {  	[sflag:s29] =	ssyncset.done $0x0  }
0x155: {  	[sflag:s29] =	ssyncadd.s32 $0xFFFFF000  }
0x156: {  	_ =	swait.ge [sflag:s1], $0x1000  }
0x157: {  	[sflag:s1] =	ssyncset.done $0x0  }
0x158: {  	[sflag:s1] =	ssyncadd.s32 $0xFFFFF000  }
0x159: {  	_ =	swait.ge [sflag:s0], $0x1000  }
0x15a: {  	[sflag:s0] =	ssyncset.done $0x0  }
0x15b: {  	[sflag:s0] =	ssyncadd.s32 $0xFFFFF000  }
0x15c: {  	_ =	swait.ge [sflag:s15], $0x1000  }
0x15d: {  	[sflag:s15] =	ssyncset.done $0x0  }
0x15e: {  	[sflag:s15] =	ssyncadd.s32 $0xFFFFF000  }
0x15f: {  	[bflag:$0x0] =	sbarrier.arrive $0xFFFF  }
0x160: {  	s30 =	rddreg [dreg:$0x10]  }
0x161: {  	[hbm:s30], [sflag:s6] =	dma.local [spmem:s12], $0xA00  }
0x162: {  	_ =	swait.ge [sflag:s13], $0xA00  }
0x163: {  	s4 =	sadd.s32 $0x1, s4;
	s31 =	rddreg [dreg:$0x11]  }
0x164: {  	p0 =	sne.s32 s4, s31  }
.Ltmp2:
0x165: {  	_ = 	snop;
	(pc) =	sbr.rel @p0 .LBB2_1-.Ltmp2, $3  }
0x166: {  	_ =	sdelay $0x1  }
0x167: {  	[sflag:s13] =	ssyncset.done $0x0  }
0x168: {  	[sflag:s13] =	ssyncadd.s32 $0xFFFFF600  }
0x169: {  	_ =	sfence.sel $0x180000  }
0x16a: {  	[bflag:$0x0] =	sbarrier.arrive $0xFFFF  }
0x16b: {  	_ =	strace $0x9000004A  }
0x16c: {  	s0 =	stileid.u32;
	[bflag:$0x2] =	sbarrier.arrive $0xFFFF  }
0x16d: {  	p0 =	sne.s32 s0, $0x0;
	s0 =	rddreg [dreg:$0x4]  }
0x16e: {  	s0 =	sadd.s32 @!p0 $0x100000, s0  }
0x16f: {  	[sflag:s0] =	ssyncadd.tile.s32 @!p0 $0x1;
	_ =	shalt  }
.Lfunc_end2:
_tile_overlayer_lowered:
.L_overlay_start_2:
0x170: {  	(tag) =	ssettag $0x2  }
0x171: {  	s0 =	rddreg [dreg:$0x0];
	s2 =	stileid.u32  }
0x172: {  	s1 =	rddreg [dreg:$0x1];
	p0 =	sne.s32 s2, $0x0  }
0x173: {  	s3 =	rddreg [dreg:$0x2];
	[bflag:$0x3] =	sbarrier.arrive $0xFFFF;
	s2 =	simm.s32 @!p0 $0x1C11  }
0x174: {  	[timem:s3], [sflag:s2] =	dma.local @!p0 [hbm:s0], s1  }
0x175: {  	s0 =	simm.s32 @!p0 $0x11  }
0x176: {  	_ =	swait.ge @!p0 [sflag:s0], s1  }
0x177: {  	s1 =	ssub.s32 @!p0 $0x0, s1;
	[sflag:s0] =	ssyncset.done @!p0 $0x0  }
0x178: {  	[sflag:s0] =	ssyncadd.s32 @!p0 s1  }
0x179: {  	[bflag:$0x3] =	sbarrier.arrive $0xFFFF  }
0x17a: {  	_ =	shalt  }

// kernel: sc_scatter_f32.7.cloned.1.call-start
scs
__scs_entry_jumppad:
0x0: {  	(pc) =	sbr.rel $0x88, $3  }
0x1: {  	(tag) =	ssettag $0x0;
	lr =	simm.s32 $0x1  }
0x2: {  	[smem:$0x3F99] =	sst lr;
	_ =	strace $0xD0000000  }
0x3: {  	_ = 	snop  }
0x4: {  	_ = 	snop  }
0x5: {  	_ = 	snop  }
0x6: {  	_ = 	snop  }
0x7: {  	_ = 	snop  }
__scs_overlays_trampoline_lowered:
0x8: {  	[smem:$0x3FA8] =	sst s0  }
0x9: {  	[smem:$0x3FA9] =	sst s1  }
0xa: {  	[smem:$0x3FAA] =	sst s2  }
0xb: {  	[smem:$0x3FAB] =	sst s3  }
0xc: {  	[smem:$0x3FAC] =	sst s4  }
0xd: {  	[smem:$0x3FAD] =	sst s5  }
0xe: {  	[smem:$0x3FAE] =	sst s6  }
0xf: {  	[smem:$0x3FAF] =	sst s7  }
0x10: {  	[smem:$0x3FB0] =	sst s8  }
0x11: {  	[smem:$0x3FB1] =	sst s9;
	s0 =	simm.s32 @!p0 $0x0  }
0x12: {  	s1 =	sld [smem:$0x3F97];
	s0 =	simm.s32 @p0 $0x1  }
0x13: {  	[smem:$0x3FB2] =	sst s0;
	s0 =	simm.s32 @!p1 $0x0  }
0x14: {  	s2 =	sld [smem:$0x3F96];
	s0 =	simm.s32 @p1 $0x1  }
0x15: {  	[smem:$0x3FB3] =	sst s0;
	s0 =	simm.s32 @!p2 $0x0  }
0x16: {  	s3 =	sld [smem:$0x3FDB];
	s0 =	simm.s32 @p2 $0x1  }
0x17: {  	s4 =	simm.s32 $0x1BF5;
	[smem:$0x3FB5] =	sst s0  }
0x18: {  	s0 =	sld [smem:$0x3F98];
	_ =	swait.ge [sflag:s4], $0x0  }
0x19: {  	s7 =	sld [smem:$0x3F99]  }
0x1a: {  	s8 =	sadd.s32 $0xFFFFE003, lr  }
0x1b: {  	s9 =	sadd.s32 $0xFFFFFEF7, lr;
	s5 =	simm.s32 $0xFFFFFFFF;
	p2 =	slt.u32 s8, $0xFFFFF086  }
0x1c: {  	p1 =	slt.u32 s9, $0xF7A;
	s5 =	simm.s32 @!p2 $0x0  }
0x1d: {  	s5 =	simm.s32 @p1 $0x1;
	p0 =	seq.s32 s7, s2  }
0x1e: {  	s7 =	smul.u32 @!p0 $0xF7A, s2;
	p2 =	seq.s32 @!p0 s5, $0x0  }
0x1f: {  	s9 =	smul.u32 $0xF7A, s1;
	s8 =	simm.s32 @!p0 $0x1BF5;
	p2 =	por !p2, p0  }
0x20: {  	[sflag:s8] =	ssyncset.s32 @!p0 $0xFFFFF086;
	s6 =	sadd.s32 @!p0 s3, s7;
	s7 =	simm.s32 @!p0 $0x108  }
0x21: {  	s3 =	sadd.s32 s3, s9;
	s6 =	sadd.s32 @!p0 $0x88, s6;
	s7 =	simm.s32 @p2 $0x1082  }
0x22: {  	[simem:s7], [sflag:s8] =	dma.local @!p0 [hbm:s6], $0xF7A  }
0x23: {  	s9 =	sor.u32 $0xD0000000, s2;
	s6 =	simm.s32 $0x108;
	_ =	swait.ge @!p0 [sflag:s8], $0x0  }
0x24: {  	s3 =	sadd.s32 $0x88, s3;
	s6 =	simm.s32 @!p1 $0x1082;
	[sflag:s4] =	ssyncset.s32 $0xFFFFF086  }
0x25: {  	[simem:s6], [sflag:s4] =	dma.local [hbm:s3], $0xF7A  }
0x26: {  	[smem:$0x3F99] =	sst s1;
	(tag) =	ssettag s2;
	_ =	strace s9  }
0x27: {  	s1 =	sld [smem:$0x3FA9]  }
0x28: {  	s2 =	sld [smem:$0x3FAA]  }
0x29: {  	s4 =	sld [smem:$0x3FAC]  }
0x2a: {  	p0 =	seq.s32 s5, $0x0;
	s5 =	sld [smem:$0x3FAD]  }
0x2b: {  	s6 =	sld [smem:$0x3FAE]  }
0x2c: {  	s7 =	sld [smem:$0x3FAF]  }
0x2d: {  	s3 =	simm.s32 $0x108;
	s8 =	sld [smem:$0x3FB0]  }
0x2e: {  	s3 =	simm.s32 @!p0 $0x1082;
	s9 =	sld [smem:$0x3FB1]  }
0x2f: {  	lr =	sadd.s32 s0, s3;
	s0 =	sld [smem:$0x3FA8]  }
0x30: {  	s3 =	sld [smem:$0x3FAB]  }
0x31: {  	[smem:$0x3FB4] =	sst s10  }
0x32: {  	s10 =	sld [smem:$0x3FB2];
	_ =	sdelay $0x3  }
0x33: {  	p0 =	seq.s32 s10, $0x1;
	s10 =	sld [smem:$0x3FB4];
	_ =	sdelay $0x3  }
0x34: {  	[smem:$0x3FB4] =	sst s10  }
0x35: {  	s10 =	sld [smem:$0x3FB3];
	_ =	sdelay $0x3  }
0x36: {  	p1 =	seq.s32 s10, $0x1;
	s10 =	sld [smem:$0x3FB4];
	_ =	sdelay $0x3  }
0x37: {  	[smem:$0x3FB4] =	sst s10  }
0x38: {  	s10 =	sld [smem:$0x3FB5]  }
0x39: {  	_ = 	snop;
	(pc) =	sbr.ind lr, $3  }
0x3a: {  	_ = 	snop  }
0x3b: {  	_ = 	snop  }
0x3c: {  	p2 =	seq.s32 s10, $0x1;
	s10 =	sld [smem:$0x3FB4]  }
0x3d: {  	_ =	shalt  }
0x3e: {  	_ =	shalt  }
0x3f: {  	_ =	shalt  }
0x40: {  	_ =	shalt  }
0x41: {  	_ =	shalt  }
0x42: {  	_ =	shalt  }
0x43: {  	_ =	shalt  }
0x44: {  	_ =	shalt  }
0x45: {  	_ =	shalt  }
0x46: {  	_ =	shalt  }
0x47: {  	_ =	shalt  }
0x48: {  	_ =	shalt  }
0x49: {  	_ =	shalt  }
0x4a: {  	_ =	shalt  }
0x4b: {  	_ =	shalt  }
0x4c: {  	_ =	shalt  }
0x4d: {  	_ =	shalt  }
0x4e: {  	_ =	shalt  }
0x4f: {  	_ =	shalt  }
0x50: {  	_ =	shalt  }
0x51: {  	_ =	shalt  }
0x52: {  	_ =	shalt  }
0x53: {  	_ =	shalt  }
0x54: {  	_ =	shalt  }
0x55: {  	_ =	shalt  }
0x56: {  	_ =	shalt  }
0x57: {  	_ =	shalt  }
0x58: {  	_ =	shalt  }
0x59: {  	_ =	shalt  }
0x5a: {  	_ =	shalt  }
0x5b: {  	_ =	shalt  }
0x5c: {  	_ =	shalt  }
0x5d: {  	_ =	shalt  }
0x5e: {  	_ =	shalt  }
0x5f: {  	_ =	shalt  }
0x60: {  	_ =	shalt  }
0x61: {  	_ =	shalt  }
0x62: {  	_ =	shalt  }
0x63: {  	_ =	shalt  }
0x64: {  	_ =	shalt  }
0x65: {  	_ =	shalt  }
0x66: {  	_ =	shalt  }
0x67: {  	_ =	shalt  }
0x68: {  	_ =	shalt  }
0x69: {  	_ =	shalt  }
0x6a: {  	_ =	shalt  }
0x6b: {  	_ =	shalt  }
0x6c: {  	_ =	shalt  }
0x6d: {  	_ =	shalt  }
0x6e: {  	_ =	shalt  }
0x6f: {  	_ =	shalt  }
0x70: {  	_ =	shalt  }
0x71: {  	_ =	shalt  }
0x72: {  	_ =	shalt  }
0x73: {  	_ =	shalt  }
0x74: {  	_ =	shalt  }
0x75: {  	_ =	shalt  }
0x76: {  	_ =	shalt  }
0x77: {  	_ =	shalt  }
0x78: {  	_ =	shalt  }
0x79: {  	_ =	shalt  }
0x7a: {  	_ =	shalt  }
0x7b: {  	_ =	shalt  }
0x7c: {  	_ =	shalt  }
0x7d: {  	_ =	shalt  }
0x7e: {  	_ =	shalt  }
0x7f: {  	_ =	shalt  }
0x80: {  	_ =	shalt  }
0x81: {  	_ =	shalt  }
0x82: {  	_ =	shalt  }
0x83: {  	_ =	shalt  }
0x84: {  	_ =	shalt  }
0x85: {  	_ =	shalt  }
0x86: {  	_ =	shalt  }
0x87: {  	_ =	shalt  }
.Lfunc_end0:
.L_simem_size_0:
called_computation.2_lowered:
.L_overlay_start_0:
0x88: {  	s2 =	sld [smem:$0x3FD9]  }
0x89: {  	s3 =	sld [smem:$0x3FFE];
	_ =	sdelay $0x1  }
0x8a: {  	s1 =	srdreg.scid  }
0x8b: {  	s0 =	sand.u32 $0x1, s1  }
0x8c: {  	s17 =	sshll.u32 s0, $0xA;
	s2 =	sadd.s32 s3, s2  }
0x8d: {  	s2 =	sadd.s32 s2, s17  }
0x8e: {  	[smem:$0x3FC0] =	sst s2  }
0x8f: {  	_ = 	snop  }
0x90: {  	s2 =	sld [smem:$0x3FD0];
	(tm) =	ssettm $0x1  }
0x91: {  	s18 =	sld [smem:$0x3FFB];
	_ =	sdelay $0x3  }
0x92: {  	_ =	strace s18  }
0x93: {  	s3 =	sld [smem:$0x3FFC];
	_ =	sdelay $0x3  }
0x94: {  	_ =	strace s3  }
0x95: {  	s3 =	sld [smem:$0x3FFD];
	_ =	sdelay $0x3  }
0x96: {  	_ =	strace s3  }
0x97: {  	_ =	strace $0x8FFFFFFF  }
0x98: {  	s19 =	sld [smem:$0x3FDB];
	_ =	sdelay $0x1  }
0x99: {  	s4 =	simm.s32 $_scs_section_size  }
0x9a: {  	s5 =	simm.s32 $_size__tile_overlayer_lowered;
	s6 =	simm.s32 $_tile_overlayer_lowered  }
0x9b: {  	s22 =	simm.s32 $0x1BFF;
	s21 =	sshll.u32 s6, $0x1;
	s3 =	sadd.s32 s4, s19  }
0x9c: {  	s7 =	simm.s32 $0x0;
	s20 =	sshll.u32 s5, $0x1;
	s5 =	sadd.s32 s21, s3  }
0x9d: {  	[timem:s7], [sflag:s22] =	dma.local [hbm:s5], s20  }
0x9e: {  	_ =	swait.ge [sflag:s22], s20  }
0x9f: {  	s4 =	ssub.s32 $0x0, s20;
	[sflag:s22] =	ssyncset.done $0x0  }
0xa0: {  	[sflag:s22] =	ssyncadd.s32 s4;
	_ =	sdelay $0x1  }
0xa1: {  	s23 =	simm.s32 $0x1B8B  }
0xa2: {  	_ =	swait.ge [sflag:s23], $0x1  }
0xa3: {  	[sflag:s23] =	ssyncset.done $0x0  }
0xa4: {  	s25 =	simm.s32 $0x1B8E;
	s24 =	sld [smem:$0x3FFE];
	[sflag:s23] =	ssyncadd.s32 $0xFFFFFFFF  }
0xa5: {  	s26 =	simm.s32 $execute0_lowered;
	[smem:$0x3FD2] =	sst s25  }
0xa6: {  	s5 =	sshll.u32 s26, $0x1;
	_ =	strace $0x8000004C;
	[dreg:$0x1] =	wrdreg $0xFFFFFFFF  }
0xa7: {  	s28 =	simm.s32 $_size_execute0_lowered;
	s3 =	sadd.s32 s3, s5;
	[dreg:$0x0] =	wrdreg $0x0  }
0xa8: {  	s5 =	sshll.u32 s28, $0x1;
	[dreg:$0x2] =	wrdreg s3  }
0xa9: {  	[dreg:$0x3] =	wrdreg s5  }
0xaa: {  	[dreg:$0x4] =	wrdreg $0xC0  }
0xab: {  	_ =	task [dreg:s7], $0x5FFFF  }
0xac: {  	[dreg:$0x1] =	wrdreg $0xFFFFFFFF  }
0xad: {  	[dreg:$0x0] =	wrdreg $0x60  }
0xae: {  	[dreg:$0x2] =	wrdreg s24  }
0xaf: {  	[dreg:$0x3] =	wrdreg s2  }
0xb0: {  	[dreg:$0x4] =	wrdreg $0xD0000  }
0xb1: {  	[dreg:$0x5] =	wrdreg $0x120000  }
0xb2: {  	[dreg:$0x6] =	wrdreg $0x9  }
0xb3: {  	_ =	task.clear_ibuf [dreg:s7], $0x7FFFF;
	_ =	strace $0x9000004C  }
0xb4: {  	s29 =	simm.s32 $0x9;
	_ =	strace $0x8000004E  }
0xb5: {  	_ =	swait.ge [sflag:s29], $0x1  }
0xb6: {  	[sflag:s29] =	ssyncadd.s32 $0xFFFFFFFF  }
0xb7: {  	_ =	strace $0x9000004E  }
0xb8: {  	_ =	sfence  }
0xb9: {  	s30 =	sld [smem:$0x0];
	_ =	sdelay $0x2  }
0xba: {  	s31 =	sshll.u32 s1, $0xD;
	s1 =	sshrl.u32 s1, $0x2  }
0xbb: {  	s3 =	sand.u32 $0x4000, s31;
	s1 =	sadd.s32 s1, s30  }
0xbc: {  	s0 =	sor.u32 s3, s0;
	s1 =	sshll.u32 s1, $0x11  }
0xbd: {  	s0 =	sor.u32 s1, s0  }
0xbe: {  	s0 =	sadd.s32 $0x8F2B, s0  }
0xbf: {  	[sflag:s0] =	ssyncadd.remote.s32 $0x1  }
0xc0: {  	_ =	sfence.sel $0xFFFF  }
0xc1: {  	[dreg:$0x0] =	wrdreg $0xFFFFFFFF;
	(pc) =	sbr.abs _section_cstart, $3  }
0xc2: {  	[dreg:$0x1] =	wrdreg $0xFFFFFFFF  }
0xc3: {  	_ =	task.clear_ibuf [dreg:s7], $0x2FFFF;
	_ =	strace $0x9FFFFFFF  }
0xc4: {  	(tm) =	ssettm $0x7FFFFFFF  }
0xc5: {  	_ =	shalt  }
tec
execute0_lowered:
.L_overlay_start_1:
0x0: {  	(tag) =	ssettag $0x1  }
0x1: {  	s0 =	srdreg.scid  }
0x2: {  	s9 =	stileid.u32;
	s1 =	rddreg [dreg:$0x0]  }
0x3: {  	s4 =	rddreg [dreg:$0x1];
	s8 =	simm.s32 $0x0;
	s13 =	simm.s32 $0x11  }
0x4: {  	s0 =	sand.u32 $0x1, s0;
	s2 =	sshll.u32 s9, $0x1;
	[smem:$0x7FF] =	sst s8  }
0x5: {  	s24 =	simm.s32 $0x5000;
	s3 =	sor.u32 s0, s2;
	s2 =	rddreg [dreg:$0x2]  }
0x6: {  	s16 =	sadd.s32 $0x90200, s1;
	s5 =	smul.u32 $0x2800, s3;
	s3 =	rddreg [dreg:$0x3]  }
0x7: {  	s25 =	simm.s32 $0x6000;
	_ =	strace $0x8000004D;
	[dreg:$0xc] =	wrdreg s16  }
0x8: {  	s26 =	simm.s32 $0x7000;
	s28 =	simm.s32 $0x8000;
	[dreg:$0x5] =	wrdreg s24  }
0x9: {  	s29 =	simm.s32 $0x9000;
	s30 =	simm.s32 $0xA000;
	[dreg:$0x6] =	wrdreg s25  }
0xa: {  	s31 =	simm.s32 $0xB000;
	s15 =	simm.s32 $0x10;
	[dreg:$0x7] =	wrdreg s26  }
0xb: {  	s7 =	smul.u32 $0x5000, s9;
	s19 =	sshll.u32 s9, $0x6;
	[dreg:$0x8] =	wrdreg s28  }
0xc: {  	s6 =	smul.u32 $0x50000, s0;
	s0 =	ssub.s32 $0x2, s0;
	[dreg:$0x9] =	wrdreg s29  }
0xd: {  	s17 =	sshrl.u32 s0, $0x1;
	s18 =	sadd.s32 s7, s2;
	[dreg:$0xa] =	wrdreg s30  }
0xe: {  	s16 =	simm.s32 $0x80;
	s24 =	simm.s32 $0x7;
	[dreg:$0xb] =	wrdreg s31  }
0xf: {  	s25 =	simm.s32 $0x8;
	s6 =	sadd.s32 s7, s6;
	s0 =	ssub.s32 s0, s17  }
0x10: {  	s20 =	sadd.s32 s7, s3;
	s7 =	sshrl.u32 s7, $0x3;
	s12 =	sshrl.u32 s18, $0x3  }
0x11: {  	s17 =	simm.s32 $0xC000;
	s18 =	simm.s32 $0x1;
	s5 =	sshrl.u32 s5, $0x3  }
0x12: {  	s6 =	sshrl.u32 s6, $0x3;
	s4 =	sadd.s32 s4, s7;
	s0 =	smax.u32 s0, $0x1  }
0x13: {  	s23 =	sshrl.u32 s20, $0x3;
	s20 =	simm.s32 $0x3;
	[dreg:$0xd] =	wrdreg s4  }
0x14: {  	s5 =	sadd.s32 s5, s1;
	s1 =	sadd.s32 s6, s1;
	[dreg:$0x11] =	wrdreg s0  }
0x15: {  	s6 =	sor.u32 $0x1C11, s19;
	[dreg:$0x12] =	wrdreg s23;
	s21 =	sadd.s32 $0x3C00, s5  }
0x16: {  	s19 =	simm.s32 $0x2;
	s22 =	sadd.s32 $0xDC00, s5;
	[dreg:$0xe] =	wrdreg s21  }
0x17: {  	s23 =	simm.s32 $0x6;
	s1 =	sadd.s32 $0x17C00, s1;
	[dreg:$0xf] =	wrdreg s22  }
0x18: {  	s0 =	simm.s32 $0xF;
	s4 =	simm.s32 $0x0;
	[dreg:$0x10] =	wrdreg s1  }
0x19: {  	s21 =	simm.s32 $0x4;
	s22 =	simm.s32 $0x5;
	s1 =	simm.s32 $0xE  }
.LBB2_1:
0x1a: {  	s5 =	rddreg [dreg:$0xc]  }
0x1b: {  	[spmem:s12], [sflag:s6] =	dma.local [hbm:s5], $0xA00  }
0x1c: {  	_ =	swait.ge [sflag:s13], $0xA00  }
0x1d: {  	[sflag:s13] =	ssyncset.done $0x0;
	s28 =	rddreg [dreg:$0xd]  }
0x1e: {  	s7 =	rddreg [dreg:$0x12];
	[sflag:s13] =	ssyncadd.s32 $0xFFFFF600  }
0x1f: {  	[spmem:s7], [sflag:s6] =	dma.local [hbm:s28], $0xA00  }
0x20: {  	_ =	swait.ge [sflag:s13], $0xA00  }
0x21: {  	[sflag:s13] =	ssyncset.done $0x0  }
0x22: {  	s29 =	simm.s32 $0x0;
	s30 =	rddreg [dreg:$0xe];
	[sflag:s13] =	ssyncadd.s32 $0xFFFFF600  }
0x23: {  	[tilespmem:s29], [sflag:$0x11] =	stream.linear.gather [hbm4b:s30+s29], $0x2800, $0x38;
	[tilespmem:$0x17000] =	vst v63  }
0x24: {  	_ =	swait.ge [sflag:s13], $0x2800  }
0x25: {  	[sflag:s13] =	ssyncset.done $0x0  }
0x26: {  	s8 =	simm.s32 $0x2800;
	s31 =	rddreg [dreg:$0xf];
	[sflag:s13] =	ssyncadd.s32 $0xFFFFD800  }
0x27: {  	[tilespmem:s8], [sflag:$0x11] =	stream.linear.gather [hbm4b:s31+s29], $0x2800, $0x38;
	[tilespmem:$0x17000] =	vst v63  }
0x28: {  	_ =	swait.ge [sflag:s13], $0x2800  }
0x29: {  	[sflag:s13] =	ssyncset.done $0x0  }
0x2a: {  	s5 =	simm.s32 $0x0;
	[sflag:s13] =	ssyncadd.s32 $0xFFFFD800  }
0x2b: {  	v6 =	vld [tilespmem:s5+$0x0]  }
0x2c: {  	v13 =	vld [tilespmem:s5+$0x10]  }
0x2d: {  	v5 =	vld [tilespmem:s5+$0x20]  }
0x2e: {  	v4 =	vld [tilespmem:s5+$0x30]  }
0x2f: {  	v3 =	vld [tilespmem:s5+$0x40]  }
0x30: {  	v2 =	vld [tilespmem:s5+$0x50]  }
0x31: {  	v1 =	vld [tilespmem:s5+$0x60]  }
0x32: {  	v0 =	vld [tilespmem:s5+$0x70]  }
0x33: {  	v12 =	vld [tilespmem:s5+$0x2800]  }
0x34: {  	v11 =	vld [tilespmem:s5+$0x2810]  }
0x35: {  	v10 =	vld [tilespmem:s5+$0x2820]  }
0x36: {  	v9 =	vld [tilespmem:s5+$0x2830]  }
0x37: {  	v8 =	vld [tilespmem:s5+$0x2840]  }
0x38: {  	v7 =	vld [tilespmem:s5+$0x2850];
	vm0 =	veq.s32 v6, v12  }
0x39: {  	s7 =	simm.s32 $0x200;
	v6 =	vld [tilespmem:s5+$0x2860];
	v12 =	vsel vm0, $0x2710, v12;
	vm0 =	veq.s32 v13, v11  }
.LBB2_2:
0x3a: {  	s8 =	sshra.s32 s7, $0x2;
	p0 =	sne.s32 s7, $0x9E00;
	[tilespmem:s5+$0x2800] =	vst v12;
	v11 =	vsel vm0, $0x2710, v11;
	vm0 =	veq.s32 v5, v10;
	v12 =	vld [tilespmem:s5+$0x2870]  }
0x3b: {  	v13 =	vld [tilespmem:s8+$0x0];
	[tilespmem:s5+$0x2810] =	vst v11;
	v5 =	vsel vm0, $0x2710, v10;
	vm0 =	veq.s32 v4, v9  }
0x3c: {  	v14 =	vld [tilespmem:s8+$0x10];
	[tilespmem:s5+$0x2820] =	vst v5;
	v4 =	vsel vm0, $0x2710, v9;
	vm0 =	veq.s32 v3, v8  }
0x3d: {  	v5 =	vld [tilespmem:s8+$0x20];
	[tilespmem:s5+$0x2830] =	vst v4;
	v3 =	vsel vm0, $0x2710, v8;
	vm0 =	veq.s32 v2, v7  }
0x3e: {  	v4 =	vld [tilespmem:s8+$0x30];
	[tilespmem:s5+$0x2840] =	vst v3;
	v2 =	vsel vm0, $0x2710, v7;
	vm0 =	veq.s32 v1, v6  }
0x3f: {  	v3 =	vld [tilespmem:s8+$0x40];
	[tilespmem:s5+$0x2850] =	vst v2;
	v1 =	vsel vm0, $0x2710, v6;
	vm0 =	veq.s32 v0, v12  }
0x40: {  	v2 =	vld [tilespmem:s8+$0x50];
	[tilespmem:s5+$0x2860] =	vst v1;
	v0 =	vsel vm0, $0x2710, v12  }
0x41: {  	v1 =	vld [tilespmem:s8+$0x60];
	[tilespmem:s5+$0x2870] =	vst v0;
	s5 =	smov.u32 s8  }
0x42: {  	v0 =	vld [tilespmem:s5+$0x70]  }
0x43: {  	v6 =	vld [tilespmem:s5+$0x2800]  }
0x44: {  	v11 =	vld [tilespmem:s5+$0x2810]  }
.Ltmp0:
0x45: {  	v10 =	vld [tilespmem:s5+$0x2820];
	(pc) =	sbr.rel @p0 .LBB2_2-.Ltmp0, $4  }
0x46: {  	v9 =	vld [tilespmem:s5+$0x2830]  }
0x47: {  	v8 =	vld [tilespmem:s5+$0x2840]  }
0x48: {  	vm0 =	veq.s32 v13, v6;
	v7 =	vld [tilespmem:s5+$0x2850]  }
0x49: {  	s7 =	sadd.s32 $0x200, s7;
	v12 =	vsel vm0, $0x2710, v6;
	vm0 =	veq.s32 v14, v11;
	v6 =	vld [tilespmem:s5+$0x2860]  }
0x4a: {  	[tilespmem:s5+$0x2800] =	vst v12;
	v11 =	vsel vm0, $0x2710, v11;
	vm10 =	veq.s32 v5, v10;
	v63 =	vld [tilespmem:s5+$0x2870]  }
0x4b: {  	[tilespmem:s5+$0x2810] =	vst v11;
	v10 =	vsel vm10, $0x2710, v10;
	vm11 =	veq.s32 v4, v9  }
0x4c: {  	[tilespmem:s5+$0x2820] =	vst v10;
	v4 =	vsel vm11, $0x2710, v9;
	vm12 =	veq.s32 v3, v8  }
0x4d: {  	[tilespmem:s5+$0x2830] =	vst v4;
	v3 =	vsel vm12, $0x2710, v8;
	vm13 =	veq.s32 v2, v7  }
0x4e: {  	[tilespmem:s5+$0x2840] =	vst v3;
	v2 =	vsel vm13, $0x2710, v7;
	vm14 =	veq.s32 v1, v6  }
0x4f: {  	[tilespmem:s5+$0x2850] =	vst v2;
	v1 =	vsel vm14, $0x2710, v6;
	vm15 =	veq.s32 v0, v63  }
0x50: {  	[tilespmem:s5+$0x2860] =	vst v1;
	v0 =	vsel vm15, $0x2710, v63  }
0x51: {  	p0 =	por $0x0, $0x0;
	[tilespmem:s5+$0x2870] =	vst v0  }
0x52: {  	s5 =	simm.s32 @p0 $0x9;
	[bflag:$0x0] =	sbarrier.arrive $0xFFFF  }
0x53: {  	_ =	swait.ge @p0 [sflag:s5], $0x1000  }
0x54: {  	s7 =	simm.s32 @p0 $0xA;
	s8 =	simm.s32 @p0 $0x5000;
	[sflag:s5] =	ssyncset.done @p0 $0x0  }
0x55: {  	s9 =	simm.s32 @p0 $0x80;
	[sflag:s5] =	ssyncadd.s32 @p0 $0xFFFFF000;
	s5 =	simm.s32 @p0 $0x2800  }
0x56: {  	[tilespmem:s8], [sflag:$0x1] =	stream.indirect.gather @p0 [spmem:s3], $0x20, s5, s9, $0xb8;
	[tilespmem:$0x17000] =	vst v63  }
0x57: {  	_ =	swait.ge @p0 [sflag:s7], $0x1000  }
0x58: {  	s5 =	simm.s32 @p0 $0x2880;
	[sflag:s7] =	ssyncset.done @p0 $0x0  }
0x59: {  	s8 =	simm.s32 @p0 $0xB;
	[sflag:s7] =	ssyncadd.s32 @p0 $0xFFFFF000;
	s7 =	simm.s32 @p0 $0x6000  }
0x5a: {  	[tilespmem:s7], [sflag:$0x2] =	stream.indirect.gather @p0 [spmem:s3], $0x20, s5, s9, $0xb8;
	[tilespmem:$0x17000] =	vst v63  }
0x5b: {  	_ =	swait.ge @p0 [sflag:s8], $0x1000  }
0x5c: {  	s5 =	simm.s32 @p0 $0x2900;
	[sflag:s8] =	ssyncset.done @p0 $0x0  }
0x5d: {  	s7 =	simm.s32 @p0 $0x7000;
	[sflag:s8] =	ssyncadd.s32 @p0 $0xFFFFF000;
	s8 =	simm.s32 @p0 $0xC  }
0x5e: {  	[tilespmem:s7], [sflag:$0x3] =	stream.indirect.gather @p0 [spmem:s3], $0x20, s5, s9, $0xb8;
	[tilespmem:$0x17000] =	vst v63  }
0x5f: {  	_ =	swait.ge @p0 [sflag:s8], $0x1000  }
0x60: {  	s5 =	simm.s32 @p0 $0x2980;
	[sflag:s8] =	ssyncset.done @p0 $0x0  }
0x61: {  	s7 =	simm.s32 @p0 $0x8000;
	[sflag:s8] =	ssyncadd.s32 @p0 $0xFFFFF000;
	s8 =	simm.s32 @p0 $0xD  }
0x62: {  	[tilespmem:s7], [sflag:$0x4] =	stream.indirect.gather @p0 [spmem:s3], $0x20, s5, s9, $0xb8;
	[tilespmem:$0x17000] =	vst v63  }
0x63: {  	_ =	swait.ge @p0 [sflag:s8], $0x1000  }
0x64: {  	s5 =	simm.s32 @p0 $0x2A00;
	[sflag:s8] =	ssyncset.done @p0 $0x0  }
0x65: {  	s7 =	simm.s32 @p0 $0x9000;
	[sflag:s8] =	ssyncadd.s32 @p0 $0xFFFFF000;
	s8 =	simm.s32 @p0 $0xE  }
0x66: {  	[tilespmem:s7], [sflag:$0x5] =	stream.indirect.gather @p0 [spmem:s3], $0x20, s5, s9, $0xb8;
	[tilespmem:$0x17000] =	vst v63  }
0x67: {  	_ =	swait.ge @p0 [sflag:s8], $0x1000  }
0x68: {  	s5 =	simm.s32 @p0 $0x2A80;
	[sflag:s8] =	ssyncset.done @p0 $0x0  }
0x69: {  	s7 =	simm.s32 @p0 $0xA000;
	[sflag:s8] =	ssyncadd.s32 @p0 $0xFFFFF000;
	s8 =	simm.s32 @p0 $0xF  }
0x6a: {  	[tilespmem:s7], [sflag:$0x6] =	stream.indirect.gather @p0 [spmem:s3], $0x20, s5, s9, $0xb8;
	[tilespmem:$0x17000] =	vst v63  }
0x6b: {  	_ =	swait.ge @p0 [sflag:s8], $0x1000  }
0x6c: {  	s5 =	simm.s32 @p0 $0x2B00;
	[sflag:s8] =	ssyncset.done @p0 $0x0  }
0x6d: {  	s7 =	simm.s32 @p0 $0xB000;
	[sflag:s8] =	ssyncadd.s32 @p0 $0xFFFFF000;
	s8 =	simm.s32 @p0 $0x10  }
0x6e: {  	[tilespmem:s7], [sflag:$0x7] =	stream.indirect.gather @p0 [spmem:s3], $0x20, s5, s9, $0xb8;
	[tilespmem:$0x17000] =	vst v63  }
0x6f: {  	_ =	swait.ge @p0 [sflag:s8], $0x1000  }
0x70: {  	s5 =	simm.s32 @!p0 $0x5000;
	[sflag:s8] =	ssyncset.done @p0 $0x0  }
0x71: {  	s7 =	simm.s32 @!p0 $0x2800;
	[sflag:s8] =	ssyncadd.s32 @p0 $0xFFFFF000;
	s8 =	simm.s32 @!p0 $0x80  }
0x72: {  	[tilespmem:s5], [sflag:$0x1] =	stream.indirect.gather @!p0 [spmem:s3], $0x20, s7, s8, $0xb8;
	[tilespmem:$0x17000] =	vst v63  }
0x73: {  	s5 =	simm.s32 @!p0 $0x2880;
	s7 =	simm.s32 @!p0 $0x6000  }
0x74: {  	[tilespmem:s7], [sflag:$0x2] =	stream.indirect.gather @!p0 [spmem:s3], $0x20, s5, s8, $0xb8;
	[tilespmem:$0x17000] =	vst v63  }
0x75: {  	s5 =	simm.s32 @!p0 $0x2900;
	s7 =	simm.s32 @!p0 $0x7000  }
0x76: {  	[tilespmem:s7], [sflag:$0x3] =	stream.indirect.gather @!p0 [spmem:s3], $0x20, s5, s8, $0xb8;
	[tilespmem:$0x17000] =	vst v63  }
0x77: {  	s5 =	simm.s32 @!p0 $0x2980;
	s7 =	simm.s32 @!p0 $0x8000  }
0x78: {  	[tilespmem:s7], [sflag:$0x4] =	stream.indirect.gather @!p0 [spmem:s3], $0x20, s5, s8, $0xb8;
	[tilespmem:$0x17000] =	vst v63  }
0x79: {  	s5 =	simm.s32 @!p0 $0x2A00;
	s7 =	simm.s32 @!p0 $0x9000  }
0x7a: {  	[tilespmem:s7], [sflag:$0x5] =	stream.indirect.gather @!p0 [spmem:s3], $0x20, s5, s8, $0xb8;
	[tilespmem:$0x17000] =	vst v63  }
0x7b: {  	s9 =	simm.s32 @!p0 $0xA000;
	s5 =	simm.s32 $0x380;
	s7 =	simm.s32 @!p0 $0x2A80  }
0x7c: {  	[tilespmem:s9], [sflag:$0x6] =	stream.indirect.gather @!p0 [spmem:s3], $0x20, s7, s8, $0xb8;
	[tilespmem:$0x17000] =	vst v63  }
0x7d: {  	s5 =	simm.s32 @!p0 $0x380;
	s7 =	simm.s32 @!p0 $0x2B00;
	s9 =	simm.s32 @!p0 $0xB000  }
0x7e: {  	[tilespmem:s9], [sflag:$0x7] =	stream.indirect.gather @!p0 [spmem:s3], $0x20, s7, s8, $0xb8;
	[tilespmem:$0x17000] =	vst v63  }
0x7f: {  	s9 =	sadd.s32 $0x2800, s5  }
0x80: {  	[tilespmem:s17], [sflag:$0x8] =	stream.indirect.gather [spmem:s3], $0x20, s9, s16, $0xb8;
	[tilespmem:$0x17000] =	vst v63  }
0x81: {  	_ =	swait.ge [sflag:s18], $0x1000  }
0x82: {  	[sflag:s18] =	ssyncset.done $0x0  }
0x83: {  	s11 =	simm.s32 $0x0;
	s10 =	rddreg [dreg:$0x5];
	[sflag:s18] =	ssyncadd.s32 $0xFFFFF000  }
0x84: {  	[spmem:s2] =	stream.indirect.scatter.add.f32 [tilespmem:s10], [sflag:$0x9], $0x20, s11, s16, $0xb8;
	[tilespmem:$0x17000] =	vst v63  }
0x85: {  	_ =	swait.ge [sflag:s19], $0x1000  }
0x86: {  	s8 =	simm.s32 @p0 $0x80;
	[sflag:s19] =	ssyncset.done $0x0  }
0x87: {  	s8 =	simm.s32 @!p0 $0x80;
	s14 =	rddreg [dreg:$0x6];
	[sflag:s19] =	ssyncadd.s32 $0xFFFFF000  }
0x88: {  	[spmem:s2] =	stream.indirect.scatter.add.f32 [tilespmem:s14], [sflag:$0xA], $0x20, s8, s16, $0xb8;
	[tilespmem:$0x17000] =	vst v63  }
0x89: {  	_ =	swait.ge [sflag:s20], $0x1000  }
0x8a: {  	s8 =	simm.s32 @p0 $0x100;
	[sflag:s20] =	ssyncset.done $0x0  }
0x8b: {  	s8 =	simm.s32 @!p0 $0x100;
	s26 =	rddreg [dreg:$0x7];
	[sflag:s20] =	ssyncadd.s32 $0xFFFFF000  }
0x8c: {  	[spmem:s2] =	stream.indirect.scatter.add.f32 [tilespmem:s26], [sflag:$0xB], $0x20, s8, s16, $0xb8;
	[tilespmem:$0x17000] =	vst v63  }
0x8d: {  	_ =	swait.ge [sflag:s21], $0x1000  }
0x8e: {  	s8 =	simm.s32 @p0 $0x180;
	[sflag:s21] =	ssyncset.done $0x0  }
0x8f: {  	s8 =	simm.s32 @!p0 $0x180;
	s28 =	rddreg [dreg:$0x8];
	[sflag:s21] =	ssyncadd.s32 $0xFFFFF000  }
0x90: {  	[spmem:s2] =	stream.indirect.scatter.add.f32 [tilespmem:s28], [sflag:$0xC], $0x20, s8, s16, $0xb8;
	[tilespmem:$0x17000] =	vst v63  }
0x91: {  	_ =	swait.ge [sflag:s22], $0x1000  }
0x92: {  	s8 =	simm.s32 @p0 $0x200;
	[sflag:s22] =	ssyncset.done $0x0  }
0x93: {  	s8 =	simm.s32 @!p0 $0x200;
	s29 =	rddreg [dreg:$0x9];
	[sflag:s22] =	ssyncadd.s32 $0xFFFFF000  }
0x94: {  	[spmem:s2] =	stream.indirect.scatter.add.f32 [tilespmem:s29], [sflag:$0xD], $0x20, s8, s16, $0xb8;
	[tilespmem:$0x17000] =	vst v63  }
0x95: {  	_ =	swait.ge [sflag:s23], $0x1000  }
0x96: {  	s8 =	simm.s32 @p0 $0x280;
	[sflag:s23] =	ssyncset.done $0x0  }
0x97: {  	s8 =	simm.s32 @!p0 $0x280;
	s30 =	rddreg [dreg:$0xa];
	[sflag:s23] =	ssyncadd.s32 $0xFFFFF000  }
0x98: {  	[spmem:s2] =	stream.indirect.scatter.add.f32 [tilespmem:s30], [sflag:$0xE], $0x20, s8, s16, $0xb8;
	[tilespmem:$0x17000] =	vst v63  }
0x99: {  	_ =	swait.ge [sflag:s24], $0x1000  }
0x9a: {  	s8 =	simm.s32 @p0 $0x300;
	[sflag:s24] =	ssyncset.done $0x0  }
0x9b: {  	s8 =	simm.s32 @!p0 $0x300;
	s31 =	rddreg [dreg:$0xb];
	[sflag:s24] =	ssyncadd.s32 $0xFFFFF000  }
0x9c: {  	[spmem:s2] =	stream.indirect.scatter.add.f32 [tilespmem:s31], [sflag:$0xF], $0x20, s8, s16, $0xb8;
	[tilespmem:$0x17000] =	vst v63  }
0x9d: {  	s7 =	simm.s32 $0x1000;
	s9 =	simm.s32 $0x780;
	_ =	swait.ge [sflag:s25], $0x1000  }
0x9e: {  	p0 =	por $0x1, $0x1;
	s8 =	simm.s32 $0x2000;
	[sflag:s25] =	ssyncset.done $0x0  }
.LBB2_4:
0x9f: {  	s11 =	simm.s32 @p0 $0x9;
	[sflag:s25] =	ssyncadd.s32 $0xFFFFF000  }
0xa0: {  	[spmem:s2] =	stream.indirect.scatter.add.f32 [tilespmem:s17], [sflag:$0x10], $0x20, s5, s16, $0xb8;
	[tilespmem:$0x17000] =	vst v63  }
0xa1: {  	s14 =	simm.s32 @p0 $0xA;
	_ =	swait.ge @p0 [sflag:s11], $0x1000  }
0xa2: {  	s26 =	sshra.s32 @p0 s7, $0x2;
	s28 =	simm.s32 @p0 $0x5000;
	[sflag:s11] =	ssyncset.done @p0 $0x0  }
0xa3: {  	s5 =	simm.s32 @p0 $0x80;
	[sflag:s11] =	ssyncadd.s32 @p0 $0xFFFFF000;
	s11 =	sadd.s32 @p0 $0x2800, s26  }
0xa4: {  	[tilespmem:s28], [sflag:$0x1] =	stream.indirect.gather @p0 [spmem:s3], $0x20, s11, s5, $0xb8;
	[tilespmem:$0x17000] =	vst v63  }
0xa5: {  	_ =	swait.ge @p0 [sflag:s14], $0x1000  }
0xa6: {  	s31 =	simm.s32 @p0 $0xB;
	s29 =	sadd.s32 @p0 $0x2980, s26;
	[sflag:s14] =	ssyncset.done @p0 $0x0  }
0xa7: {  	s11 =	sadd.s32 @p0 $0x2880, s26;
	[sflag:s14] =	ssyncadd.s32 @p0 $0xFFFFF000;
	s14 =	simm.s32 @p0 $0x6000  }
0xa8: {  	[tilespmem:s14], [sflag:$0x2] =	stream.indirect.gather @p0 [spmem:s3], $0x20, s11, s5, $0xb8;
	[tilespmem:$0x17000] =	vst v63  }
0xa9: {  	s30 =	sadd.s32 @p0 $0x2A00, s26;
	s28 =	sadd.s32 @p0 $0x2900, s26;
	_ =	swait.ge @p0 [sflag:s31], $0x1000  }
0xaa: {  	s11 =	sadd.s32 @p0 $0x2A80, s26;
	s14 =	sadd.s32 @p0 $0x2B00, s26;
	[sflag:s31] =	ssyncset.done @p0 $0x0  }
0xab: {  	s26 =	simm.s32 @p0 $0x7000;
	[sflag:s31] =	ssyncadd.s32 @p0 $0xFFFFF000;
	s31 =	simm.s32 @p0 $0xC  }
0xac: {  	[tilespmem:s26], [sflag:$0x3] =	stream.indirect.gather @p0 [spmem:s3], $0x20, s28, s5, $0xb8;
	[tilespmem:$0x17000] =	vst v63  }
0xad: {  	_ =	swait.ge @p0 [sflag:s31], $0x1000  }
0xae: {  	[sflag:s31] =	ssyncset.done @p0 $0x0  }
0xaf: {  	s26 =	simm.s32 @p0 $0x8000;
	s28 =	simm.s32 @p0 $0xD;
	[sflag:s31] =	ssyncadd.s32 @p0 $0xFFFFF000  }
0xb0: {  	[tilespmem:s26], [sflag:$0x4] =	stream.indirect.gather @p0 [spmem:s3], $0x20, s29, s5, $0xb8;
	[tilespmem:$0x17000] =	vst v63  }
0xb1: {  	_ =	swait.ge @p0 [sflag:s28], $0x1000  }
0xb2: {  	[sflag:s28] =	ssyncset.done @p0 $0x0  }
0xb3: {  	s26 =	simm.s32 @p0 $0x9000;
	[sflag:s28] =	ssyncadd.s32 @p0 $0xFFFFF000;
	s28 =	simm.s32 @p0 $0xE  }
0xb4: {  	[tilespmem:s26], [sflag:$0x5] =	stream.indirect.gather @p0 [spmem:s3], $0x20, s30, s5, $0xb8;
	[tilespmem:$0x17000] =	vst v63  }
0xb5: {  	_ =	swait.ge @p0 [sflag:s28], $0x1000  }
0xb6: {  	[sflag:s28] =	ssyncset.done @p0 $0x0  }
0xb7: {  	s26 =	simm.s32 @p0 $0xA000;
	[sflag:s28] =	ssyncadd.s32 @p0 $0xFFFFF000;
	s28 =	simm.s32 @p0 $0xF  }
0xb8: {  	[tilespmem:s26], [sflag:$0x6] =	stream.indirect.gather @p0 [spmem:s3], $0x20, s11, s5, $0xb8;
	[tilespmem:$0x17000] =	vst v63  }
0xb9: {  	_ =	swait.ge @p0 [sflag:s28], $0x1000  }
0xba: {  	[sflag:s28] =	ssyncset.done @p0 $0x0  }
0xbb: {  	s11 =	simm.s32 @p0 $0xB000;
	s26 =	simm.s32 @p0 $0x10;
	[sflag:s28] =	ssyncadd.s32 @p0 $0xFFFFF000  }
0xbc: {  	[tilespmem:s11], [sflag:$0x7] =	stream.indirect.gather @p0 [spmem:s3], $0x20, s14, s5, $0xb8;
	[tilespmem:$0x17000] =	vst v63  }
0xbd: {  	_ =	swait.ge @p0 [sflag:s26], $0x1000  }
0xbe: {  	s5 =	sshra.s32 @!p0 s7, $0x2;
	s11 =	simm.s32 @!p0 $0x5000;
	[sflag:s26] =	ssyncset.done @p0 $0x0  }
0xbf: {  	s14 =	simm.s32 @!p0 $0x80;
	s5 =	sadd.s32 @!p0 $0x2800, s5;
	[sflag:s26] =	ssyncadd.s32 @p0 $0xFFFFF000  }
0xc0: {  	[tilespmem:s11], [sflag:$0x1] =	stream.indirect.gather @!p0 [spmem:s3], $0x20, s5, s14, $0xb8;
	[tilespmem:$0x17000] =	vst v63  }
0xc1: {  	s5 =	simm.s32 @!p0 $0x2880;
	s11 =	simm.s32 @!p0 $0x6000  }
0xc2: {  	[tilespmem:s11], [sflag:$0x2] =	stream.indirect.gather @!p0 [spmem:s3], $0x20, s5, s14, $0xb8;
	[tilespmem:$0x17000] =	vst v63  }
0xc3: {  	s5 =	simm.s32 @!p0 $0x2900;
	s11 =	simm.s32 @!p0 $0x7000  }
0xc4: {  	[tilespmem:s11], [sflag:$0x3] =	stream.indirect.gather @!p0 [spmem:s3], $0x20, s5, s14, $0xb8;
	[tilespmem:$0x17000] =	vst v63  }
0xc5: {  	s5 =	simm.s32 @!p0 $0x2980;
	s11 =	simm.s32 @!p0 $0x8000  }
0xc6: {  	[tilespmem:s11], [sflag:$0x4] =	stream.indirect.gather @!p0 [spmem:s3], $0x20, s5, s14, $0xb8;
	[tilespmem:$0x17000] =	vst v63  }
0xc7: {  	s5 =	simm.s32 @!p0 $0x2A00;
	s11 =	simm.s32 @!p0 $0x9000  }
0xc8: {  	[tilespmem:s11], [sflag:$0x5] =	stream.indirect.gather @!p0 [spmem:s3], $0x20, s5, s14, $0xb8;
	[tilespmem:$0x17000] =	vst v63  }
0xc9: {  	s5 =	simm.s32 @!p0 $0x2A80;
	s11 =	simm.s32 @!p0 $0xA000  }
0xca: {  	[tilespmem:s11], [sflag:$0x6] =	stream.indirect.gather @!p0 [spmem:s3], $0x20, s5, s14, $0xb8;
	[tilespmem:$0x17000] =	vst v63  }
0xcb: {  	s5 =	smov.u32 s9  }
0xcc: {  	s26 =	simm.s32 @!p0 $0xB000;
	s11 =	simm.s32 @!p0 $0x2B00;
	s5 =	simm.s32 @!p0 $0x380  }
0xcd: {  	[tilespmem:s26], [sflag:$0x7] =	stream.indirect.gather @!p0 [spmem:s3], $0x20, s11, s14, $0xb8;
	[tilespmem:$0x17000] =	vst v63  }
0xce: {  	s29 =	sadd.s32 $0x2800, s5  }
0xcf: {  	[tilespmem:s17], [sflag:$0x8] =	stream.indirect.gather [spmem:s3], $0x20, s29, s16, $0xb8;
	[tilespmem:$0x17000] =	vst v63  }
0xd0: {  	_ =	swait.ge [sflag:s18], $0x1000  }
0xd1: {  	[sflag:s18] =	ssyncset.done $0x0  }
0xd2: {  	s31 =	sshra.s32 s7, $0x2;
	s30 =	rddreg [dreg:$0x5];
	[sflag:s18] =	ssyncadd.s32 $0xFFFFF000  }
0xd3: {  	[spmem:s2] =	stream.indirect.scatter.add.f32 [tilespmem:s30], [sflag:$0x9], $0x20, s31, s16, $0xb8;
	[tilespmem:$0x17000] =	vst v63  }
0xd4: {  	_ =	swait.ge [sflag:s19], $0x1000  }
0xd5: {  	s11 =	sadd.s32 @p0 $0xFFFFFD00, s9;
	[sflag:s19] =	ssyncset.done $0x0  }
0xd6: {  	s11 =	simm.s32 @!p0 $0x80;
	s14 =	rddreg [dreg:$0x6];
	[sflag:s19] =	ssyncadd.s32 $0xFFFFF000  }
0xd7: {  	[spmem:s2] =	stream.indirect.scatter.add.f32 [tilespmem:s14], [sflag:$0xA], $0x20, s11, s16, $0xb8;
	[tilespmem:$0x17000] =	vst v63  }
0xd8: {  	_ =	swait.ge [sflag:s20], $0x1000  }
0xd9: {  	s11 =	sadd.s32 @p0 $0xFFFFFD80, s9;
	[sflag:s20] =	ssyncset.done $0x0  }
0xda: {  	s11 =	simm.s32 @!p0 $0x100;
	s26 =	rddreg [dreg:$0x7];
	[sflag:s20] =	ssyncadd.s32 $0xFFFFF000  }
0xdb: {  	[spmem:s2] =	stream.indirect.scatter.add.f32 [tilespmem:s26], [sflag:$0xB], $0x20, s11, s16, $0xb8;
	[tilespmem:$0x17000] =	vst v63  }
0xdc: {  	_ =	swait.ge [sflag:s21], $0x1000  }
0xdd: {  	s11 =	sadd.s32 @p0 $0xFFFFFE00, s9;
	[sflag:s21] =	ssyncset.done $0x0  }
0xde: {  	s11 =	simm.s32 @!p0 $0x180;
	s28 =	rddreg [dreg:$0x8];
	[sflag:s21] =	ssyncadd.s32 $0xFFFFF000  }
0xdf: {  	[spmem:s2] =	stream.indirect.scatter.add.f32 [tilespmem:s28], [sflag:$0xC], $0x20, s11, s16, $0xb8;
	[tilespmem:$0x17000] =	vst v63  }
0xe0: {  	_ =	swait.ge [sflag:s22], $0x1000  }
0xe1: {  	s11 =	sadd.s32 @p0 $0xFFFFFE80, s9;
	[sflag:s22] =	ssyncset.done $0x0  }
0xe2: {  	s11 =	simm.s32 @!p0 $0x200;
	s29 =	rddreg [dreg:$0x9];
	[sflag:s22] =	ssyncadd.s32 $0xFFFFF000  }
0xe3: {  	[spmem:s2] =	stream.indirect.scatter.add.f32 [tilespmem:s29], [sflag:$0xD], $0x20, s11, s16, $0xb8;
	[tilespmem:$0x17000] =	vst v63  }
0xe4: {  	s10 =	smov.u32 s8;
	_ =	swait.ge [sflag:s23], $0x1000  }
0xe5: {  	s8 =	sadd.s32 $0x1000, s8;
	s11 =	sadd.s32 @p0 $0xFFFFFF00, s9;
	[sflag:s23] =	ssyncset.done $0x0  }
0xe6: {  	s11 =	simm.s32 @!p0 $0x280;
	s30 =	rddreg [dreg:$0xa];
	[sflag:s23] =	ssyncadd.s32 $0xFFFFF000  }
0xe7: {  	[spmem:s2] =	stream.indirect.scatter.add.f32 [tilespmem:s30], [sflag:$0xE], $0x20, s11, s16, $0xb8;
	[tilespmem:$0x17000] =	vst v63  }
0xe8: {  	p1 =	sne.s32 s8, $0xA000;
	_ =	swait.ge [sflag:s24], $0x1000  }
.Ltmp1:
0xe9: {  	s11 =	sadd.s32 @p0 $0xFFFFFF80, s9;
	[sflag:s24] =	ssyncset.done $0x0;
	(pc) =	sbr.rel @p1 .LBB2_4-.Ltmp1, $4  }
0xea: {  	s11 =	simm.s32 @!p0 $0x300;
	s31 =	rddreg [dreg:$0xb];
	[sflag:s24] =	ssyncadd.s32 $0xFFFFF000  }
0xeb: {  	[spmem:s2] =	stream.indirect.scatter.add.f32 [tilespmem:s31], [sflag:$0xF], $0x20, s11, s16, $0xb8;
	[tilespmem:$0x17000] =	vst v63  }
0xec: {  	s7 =	smov.u32 s10;
	_ =	swait.ge [sflag:s25], $0x1000  }
0xed: {  	s9 =	sadd.s32 $0x400, s9;
	p0 =	sne.s32 s7, $0x0;
	[sflag:s25] =	ssyncset.done $0x0  }
0xee: {  	s8 =	simm.s32 @p0 $0x9;
	[sflag:s25] =	ssyncadd.s32 $0xFFFFF000  }
0xef: {  	[spmem:s2] =	stream.indirect.scatter.add.f32 [tilespmem:s17], [sflag:$0x10], $0x20, s5, s16, $0xb8;
	[tilespmem:$0x17000] =	vst v63  }
0xf0: {  	_ =	swait.ge @p0 [sflag:s8], $0x1000  }
0xf1: {  	s10 =	simm.s32 @p0 $0x5000;
	s5 =	sshra.s32 @p0 s7, $0x2;
	[sflag:s8] =	ssyncset.done @p0 $0x0  }
0xf2: {  	s11 =	simm.s32 @p0 $0x80;
	[sflag:s8] =	ssyncadd.s32 @p0 $0xFFFFF000;
	s8 =	sadd.s32 @p0 $0x2800, s5  }
0xf3: {  	[tilespmem:s10], [sflag:$0x1] =	stream.indirect.gather @p0 [spmem:s3], $0x20, s8, s11, $0xb8;
	[tilespmem:$0x17000] =	vst v63  }
0xf4: {  	s8 =	simm.s32 @p0 $0xA  }
0xf5: {  	_ =	swait.ge @p0 [sflag:s8], $0x1000  }
0xf6: {  	[sflag:s8] =	ssyncset.done @p0 $0x0  }
0xf7: {  	s10 =	sadd.s32 @p0 $0x2880, s5;
	[sflag:s8] =	ssyncadd.s32 @p0 $0xFFFFF000;
	s8 =	simm.s32 @p0 $0x6000  }
0xf8: {  	[tilespmem:s8], [sflag:$0x2] =	stream.indirect.gather @p0 [spmem:s3], $0x20, s10, s11, $0xb8;
	[tilespmem:$0x17000] =	vst v63  }
0xf9: {  	s8 =	simm.s32 @p0 $0xB  }
0xfa: {  	_ =	swait.ge @p0 [sflag:s8], $0x1000  }
0xfb: {  	[sflag:s8] =	ssyncset.done @p0 $0x0  }
0xfc: {  	s10 =	sadd.s32 @p0 $0x2900, s5;
	[sflag:s8] =	ssyncadd.s32 @p0 $0xFFFFF000;
	s8 =	simm.s32 @p0 $0x7000  }
0xfd: {  	[tilespmem:s8], [sflag:$0x3] =	stream.indirect.gather @p0 [spmem:s3], $0x20, s10, s11, $0xb8;
	[tilespmem:$0x17000] =	vst v63  }
0xfe: {  	s8 =	simm.s32 @p0 $0xC  }
0xff: {  	_ =	swait.ge @p0 [sflag:s8], $0x1000  }
0x100: {  	[sflag:s8] =	ssyncset.done @p0 $0x0  }
0x101: {  	s10 =	sadd.s32 @p0 $0x2980, s5;
	[sflag:s8] =	ssyncadd.s32 @p0 $0xFFFFF000;
	s8 =	simm.s32 @p0 $0x8000  }
0x102: {  	[tilespmem:s8], [sflag:$0x4] =	stream.indirect.gather @p0 [spmem:s3], $0x20, s10, s11, $0xb8;
	[tilespmem:$0x17000] =	vst v63  }
0x103: {  	s8 =	simm.s32 @p0 $0xD  }
0x104: {  	_ =	swait.ge @p0 [sflag:s8], $0x1000  }
0x105: {  	[sflag:s8] =	ssyncset.done @p0 $0x0  }
0x106: {  	s10 =	sadd.s32 @p0 $0x2A00, s5;
	[sflag:s8] =	ssyncadd.s32 @p0 $0xFFFFF000;
	s8 =	simm.s32 @p0 $0x9000  }
0x107: {  	[tilespmem:s8], [sflag:$0x5] =	stream.indirect.gather @p0 [spmem:s3], $0x20, s10, s11, $0xb8;
	[tilespmem:$0x17000] =	vst v63  }
0x108: {  	s8 =	simm.s32 @p0 $0xE  }
0x109: {  	_ =	swait.ge @p0 [sflag:s8], $0x1000  }
0x10a: {  	[sflag:s8] =	ssyncset.done @p0 $0x0  }
0x10b: {  	s10 =	sadd.s32 @p0 $0x2A80, s5;
	[sflag:s8] =	ssyncadd.s32 @p0 $0xFFFFF000;
	s8 =	simm.s32 @p0 $0xA000  }
0x10c: {  	[tilespmem:s8], [sflag:$0x6] =	stream.indirect.gather @p0 [spmem:s3], $0x20, s10, s11, $0xb8;
	[tilespmem:$0x17000] =	vst v63  }
0x10d: {  	s8 =	simm.s32 @p0 $0xF  }
0x10e: {  	_ =	swait.ge @p0 [sflag:s8], $0x1000  }
0x10f: {  	[sflag:s8] =	ssyncset.done @p0 $0x0  }
0x110: {  	s5 =	sadd.s32 @p0 $0x2B00, s5;
	[sflag:s8] =	ssyncadd.s32 @p0 $0xFFFFF000;
	s8 =	simm.s32 @p0 $0xB000  }
0x111: {  	[tilespmem:s8], [sflag:$0x7] =	stream.indirect.gather @p0 [spmem:s3], $0x20, s5, s11, $0xb8;
	[tilespmem:$0x17000] =	vst v63  }
0x112: {  	s5 =	simm.s32 @p0 $0x10  }
0x113: {  	_ =	swait.ge @p0 [sflag:s5], $0x1000  }
0x114: {  	s10 =	simm.s32 @!p0 $0x5000;
	s8 =	sshra.s32 @!p0 s7, $0x2;
	[sflag:s5] =	ssyncset.done @p0 $0x0  }
0x115: {  	[sflag:s5] =	ssyncadd.s32 @p0 $0xFFFFF000;
	s5 =	sadd.s32 @!p0 $0x2800, s8;
	s8 =	simm.s32 @!p0 $0x80  }
0x116: {  	[tilespmem:s10], [sflag:$0x1] =	stream.indirect.gather @!p0 [spmem:s3], $0x20, s5, s8, $0xb8;
	[tilespmem:$0x17000] =	vst v63  }
0x117: {  	s5 =	simm.s32 @!p0 $0x2880;
	s10 =	simm.s32 @!p0 $0x6000  }
0x118: {  	[tilespmem:s10], [sflag:$0x2] =	stream.indirect.gather @!p0 [spmem:s3], $0x20, s5, s8, $0xb8;
	[tilespmem:$0x17000] =	vst v63  }
0x119: {  	s5 =	simm.s32 @!p0 $0x2900;
	s10 =	simm.s32 @!p0 $0x7000  }
0x11a: {  	[tilespmem:s10], [sflag:$0x3] =	stream.indirect.gather @!p0 [spmem:s3], $0x20, s5, s8, $0xb8;
	[tilespmem:$0x17000] =	vst v63  }
0x11b: {  	s5 =	simm.s32 @!p0 $0x2980;
	s10 =	simm.s32 @!p0 $0x8000  }
0x11c: {  	[tilespmem:s10], [sflag:$0x4] =	stream.indirect.gather @!p0 [spmem:s3], $0x20, s5, s8, $0xb8;
	[tilespmem:$0x17000] =	vst v63  }
0x11d: {  	s5 =	simm.s32 @!p0 $0x2A00;
	s10 =	simm.s32 @!p0 $0x9000  }
0x11e: {  	[tilespmem:s10], [sflag:$0x5] =	stream.indirect.gather @!p0 [spmem:s3], $0x20, s5, s8, $0xb8;
	[tilespmem:$0x17000] =	vst v63  }
0x11f: {  	s5 =	simm.s32 @!p0 $0x2A80;
	s10 =	simm.s32 @!p0 $0xA000  }
0x120: {  	[tilespmem:s10], [sflag:$0x6] =	stream.indirect.gather @!p0 [spmem:s3], $0x20, s5, s8, $0xb8;
	[tilespmem:$0x17000] =	vst v63  }
0x121: {  	s5 =	simm.s32 @!p0 $0x2B00;
	s10 =	simm.s32 @!p0 $0xB000  }
0x122: {  	[tilespmem:s10], [sflag:$0x7] =	stream.indirect.gather @!p0 [spmem:s3], $0x20, s5, s8, $0xb8;
	[tilespmem:$0x17000] =	vst v63  }
0x123: {  	s5 =	smov.u32 s9  }
0x124: {  	s5 =	simm.s32 @!p0 $0x380  }
0x125: {  	s10 =	sadd.s32 $0x2800, s5  }
0x126: {  	[tilespmem:s17], [sflag:$0x8] =	stream.indirect.gather [spmem:s3], $0x20, s10, s16, $0xb8;
	[tilespmem:$0x17000] =	vst v63  }
0x127: {  	_ =	swait.ge [sflag:s18], $0x1000  }
0x128: {  	[sflag:s18] =	ssyncset.done $0x0  }
0x129: {  	s14 =	sshra.s32 s7, $0x2;
	s11 =	rddreg [dreg:$0x5];
	[sflag:s18] =	ssyncadd.s32 $0xFFFFF000  }
0x12a: {  	[spmem:s2] =	stream.indirect.scatter.add.f32 [tilespmem:s11], [sflag:$0x9], $0x20, s14, s16, $0xb8;
	[tilespmem:$0x17000] =	vst v63  }
0x12b: {  	_ =	swait.ge [sflag:s19], $0x1000  }
0x12c: {  	s8 =	sadd.s32 @p0 $0xFFFFFD00, s9;
	[sflag:s19] =	ssyncset.done $0x0  }
0x12d: {  	s8 =	simm.s32 @!p0 $0x80;
	s26 =	rddreg [dreg:$0x6];
	[sflag:s19] =	ssyncadd.s32 $0xFFFFF000  }
0x12e: {  	[spmem:s2] =	stream.indirect.scatter.add.f32 [tilespmem:s26], [sflag:$0xA], $0x20, s8, s16, $0xb8;
	[tilespmem:$0x17000] =	vst v63  }
0x12f: {  	_ =	swait.ge [sflag:s20], $0x1000  }
0x130: {  	s8 =	sadd.s32 @p0 $0xFFFFFD80, s9;
	[sflag:s20] =	ssyncset.done $0x0  }
0x131: {  	s8 =	simm.s32 @!p0 $0x100;
	s28 =	rddreg [dreg:$0x7];
	[sflag:s20] =	ssyncadd.s32 $0xFFFFF000  }
0x132: {  	[spmem:s2] =	stream.indirect.scatter.add.f32 [tilespmem:s28], [sflag:$0xB], $0x20, s8, s16, $0xb8;
	[tilespmem:$0x17000] =	vst v63  }
0x133: {  	_ =	swait.ge [sflag:s21], $0x1000  }
0x134: {  	s8 =	sadd.s32 @p0 $0xFFFFFE00, s9;
	[sflag:s21] =	ssyncset.done $0x0  }
0x135: {  	s8 =	simm.s32 @!p0 $0x180;
	s29 =	rddreg [dreg:$0x8];
	[sflag:s21] =	ssyncadd.s32 $0xFFFFF000  }
0x136: {  	[spmem:s2] =	stream.indirect.scatter.add.f32 [tilespmem:s29], [sflag:$0xC], $0x20, s8, s16, $0xb8;
	[tilespmem:$0x17000] =	vst v63  }
0x137: {  	_ =	swait.ge [sflag:s22], $0x1000  }
0x138: {  	s8 =	sadd.s32 @p0 $0xFFFFFE80, s9;
	[sflag:s22] =	ssyncset.done $0x0  }
0x139: {  	s8 =	simm.s32 @!p0 $0x200;
	s30 =	rddreg [dreg:$0x9];
	[sflag:s22] =	ssyncadd.s32 $0xFFFFF000  }
0x13a: {  	[spmem:s2] =	stream.indirect.scatter.add.f32 [tilespmem:s30], [sflag:$0xD], $0x20, s8, s16, $0xb8;
	[tilespmem:$0x17000] =	vst v63  }
0x13b: {  	_ =	swait.ge [sflag:s23], $0x1000  }
0x13c: {  	s8 =	sadd.s32 @p0 $0xFFFFFF00, s9;
	[sflag:s23] =	ssyncset.done $0x0  }
0x13d: {  	s8 =	simm.s32 @!p0 $0x280;
	s31 =	rddreg [dreg:$0xa];
	[sflag:s23] =	ssyncadd.s32 $0xFFFFF000  }
0x13e: {  	[spmem:s2] =	stream.indirect.scatter.add.f32 [tilespmem:s31], [sflag:$0xE], $0x20, s8, s16, $0xb8;
	[tilespmem:$0x17000] =	vst v63  }
0x13f: {  	_ =	swait.ge [sflag:s24], $0x1000  }
0x140: {  	s8 =	sadd.s32 @p0 $0xFFFFFF80, s9;
	[sflag:s24] =	ssyncset.done $0x0  }
0x141: {  	s8 =	simm.s32 @!p0 $0x300;
	s10 =	rddreg [dreg:$0xb];
	[sflag:s24] =	ssyncadd.s32 $0xFFFFF000  }
0x142: {  	[spmem:s2] =	stream.indirect.scatter.add.f32 [tilespmem:s10], [sflag:$0xF], $0x20, s8, s16, $0xb8;
	[tilespmem:$0x17000] =	vst v63  }
0x143: {  	_ =	swait.ge [sflag:s25], $0x1000  }
0x144: {  	[sflag:s25] =	ssyncset.done $0x0  }
0x145: {  	s11 =	simm.s32 $0x9;
	[sflag:s25] =	ssyncadd.s32 $0xFFFFF000  }
0x146: {  	[spmem:s2] =	stream.indirect.scatter.add.f32 [tilespmem:s17], [sflag:$0x10], $0x20, s5, s16, $0xb8;
	[tilespmem:$0x17000] =	vst v63  }
0x147: {  	_ =	swait.ge [sflag:s11], $0x1000  }
0x148: {  	[sflag:s11] =	ssyncset.done $0x0  }
0x149: {  	s14 =	simm.s32 $0xA;
	[sflag:s11] =	ssyncadd.s32 $0xFFFFF000  }
0x14a: {  	_ =	swait.ge [sflag:s14], $0x1000  }
0x14b: {  	[sflag:s14] =	ssyncset.done $0x0  }
0x14c: {  	s26 =	simm.s32 $0xB;
	[sflag:s14] =	ssyncadd.s32 $0xFFFFF000  }
0x14d: {  	_ =	swait.ge [sflag:s26], $0x1000  }
0x14e: {  	[sflag:s26] =	ssyncset.done $0x0  }
0x14f: {  	s28 =	simm.s32 $0xC;
	[sflag:s26] =	ssyncadd.s32 $0xFFFFF000  }
0x150: {  	_ =	swait.ge [sflag:s28], $0x1000  }
0x151: {  	[sflag:s28] =	ssyncset.done $0x0  }
0x152: {  	s29 =	simm.s32 $0xD;
	[sflag:s28] =	ssyncadd.s32 $0xFFFFF000  }
0x153: {  	_ =	swait.ge [sflag:s29], $0x1000  }
0x154: {  	[sflag:s29] =	ssyncset.done $0x0  }
0x155: {  	[sflag:s29] =	ssyncadd.s32 $0xFFFFF000  }
0x156: {  	_ =	swait.ge [sflag:s1], $0x1000  }
0x157: {  	[sflag:s1] =	ssyncset.done $0x0  }
0x158: {  	[sflag:s1] =	ssyncadd.s32 $0xFFFFF000  }
0x159: {  	_ =	swait.ge [sflag:s0], $0x1000  }
0x15a: {  	[sflag:s0] =	ssyncset.done $0x0  }
0x15b: {  	[sflag:s0] =	ssyncadd.s32 $0xFFFFF000  }
0x15c: {  	_ =	swait.ge [sflag:s15], $0x1000  }
0x15d: {  	[sflag:s15] =	ssyncset.done $0x0  }
0x15e: {  	[sflag:s15] =	ssyncadd.s32 $0xFFFFF000  }
0x15f: {  	[bflag:$0x0] =	sbarrier.arrive $0xFFFF  }
0x160: {  	s30 =	rddreg [dreg:$0x10]  }
0x161: {  	[hbm:s30], [sflag:s6] =	dma.local [spmem:s12], $0xA00  }
0x162: {  	_ =	swait.ge [sflag:s13], $0xA00  }
0x163: {  	s4 =	sadd.s32 $0x1, s4;
	s31 =	rddreg [dreg:$0x11]  }
0x164: {  	p0 =	sne.s32 s4, s31  }
.Ltmp2:
0x165: {  	_ = 	snop;
	(pc) =	sbr.rel @p0 .LBB2_1-.Ltmp2, $3  }
0x166: {  	_ =	sdelay $0x1  }
0x167: {  	[sflag:s13] =	ssyncset.done $0x0  }
0x168: {  	[sflag:s13] =	ssyncadd.s32 $0xFFFFF600  }
0x169: {  	_ =	sfence.sel $0x180000  }
0x16a: {  	[bflag:$0x0] =	sbarrier.arrive $0xFFFF  }
0x16b: {  	_ =	strace $0x9000004D  }
0x16c: {  	s0 =	stileid.u32;
	[bflag:$0x2] =	sbarrier.arrive $0xFFFF  }
0x16d: {  	p0 =	sne.s32 s0, $0x0;
	s0 =	rddreg [dreg:$0x4]  }
0x16e: {  	s0 =	sadd.s32 @!p0 $0x100000, s0  }
0x16f: {  	[sflag:s0] =	ssyncadd.tile.s32 @!p0 $0x1;
	_ =	shalt  }
.Lfunc_end2:
_tile_overlayer_lowered:
.L_overlay_start_2:
0x170: {  	(tag) =	ssettag $0x2  }
0x171: {  	s0 =	rddreg [dreg:$0x0];
	s2 =	stileid.u32  }
0x172: {  	s1 =	rddreg [dreg:$0x1];
	p0 =	sne.s32 s2, $0x0  }
0x173: {  	s3 =	rddreg [dreg:$0x2];
	[bflag:$0x3] =	sbarrier.arrive $0xFFFF;
	s2 =	simm.s32 @!p0 $0x1C11  }
0x174: {  	[timem:s3], [sflag:s2] =	dma.local @!p0 [hbm:s0], s1  }
0x175: {  	s0 =	simm.s32 @!p0 $0x11  }
0x176: {  	_ =	swait.ge @!p0 [sflag:s0], s1  }
0x177: {  	s1 =	ssub.s32 @!p0 $0x0, s1;
	[sflag:s0] =	ssyncset.done @!p0 $0x0  }
0x178: {  	[sflag:s0] =	ssyncadd.s32 @!p0 s1  }
0x179: {  	[bflag:$0x3] =	sbarrier.arrive $0xFFFF  }
0x17a: {  	_ =	shalt  }

// kernel: sc_scatter_f8.3.cloned.1.call-start
scs
__scs_entry_jumppad:
0x0: {  	(pc) =	sbr.rel $0x88, $3  }
0x1: {  	(tag) =	ssettag $0x0;
	lr =	simm.s32 $0x1  }
0x2: {  	[smem:$0x3F99] =	sst lr;
	_ =	strace $0xD0000000  }
0x3: {  	_ = 	snop  }
0x4: {  	_ = 	snop  }
0x5: {  	_ = 	snop  }
0x6: {  	_ = 	snop  }
0x7: {  	_ = 	snop  }
__scs_overlays_trampoline_lowered:
0x8: {  	[smem:$0x3FA8] =	sst s0  }
0x9: {  	[smem:$0x3FA9] =	sst s1  }
0xa: {  	[smem:$0x3FAA] =	sst s2  }
0xb: {  	[smem:$0x3FAB] =	sst s3  }
0xc: {  	[smem:$0x3FAC] =	sst s4  }
0xd: {  	[smem:$0x3FAD] =	sst s5  }
0xe: {  	[smem:$0x3FAE] =	sst s6  }
0xf: {  	[smem:$0x3FAF] =	sst s7  }
0x10: {  	[smem:$0x3FB0] =	sst s8  }
0x11: {  	[smem:$0x3FB1] =	sst s9;
	s0 =	simm.s32 @!p0 $0x0  }
0x12: {  	s1 =	sld [smem:$0x3F97];
	s0 =	simm.s32 @p0 $0x1  }
0x13: {  	[smem:$0x3FB2] =	sst s0;
	s0 =	simm.s32 @!p1 $0x0  }
0x14: {  	s2 =	sld [smem:$0x3F96];
	s0 =	simm.s32 @p1 $0x1  }
0x15: {  	[smem:$0x3FB3] =	sst s0;
	s0 =	simm.s32 @!p2 $0x0  }
0x16: {  	s3 =	sld [smem:$0x3FDB];
	s0 =	simm.s32 @p2 $0x1  }
0x17: {  	s4 =	simm.s32 $0x1BF5;
	[smem:$0x3FB5] =	sst s0  }
0x18: {  	s0 =	sld [smem:$0x3F98];
	_ =	swait.ge [sflag:s4], $0x0  }
0x19: {  	s7 =	sld [smem:$0x3F99]  }
0x1a: {  	s8 =	sadd.s32 $0xFFFFE003, lr  }
0x1b: {  	s9 =	sadd.s32 $0xFFFFFEF7, lr;
	s5 =	simm.s32 $0xFFFFFFFF;
	p2 =	slt.u32 s8, $0xFFFFF086  }
0x1c: {  	p1 =	slt.u32 s9, $0xF7A;
	s5 =	simm.s32 @!p2 $0x0  }
0x1d: {  	s5 =	simm.s32 @p1 $0x1;
	p0 =	seq.s32 s7, s2  }
0x1e: {  	s7 =	smul.u32 @!p0 $0xF7A, s2;
	p2 =	seq.s32 @!p0 s5, $0x0  }
0x1f: {  	s9 =	smul.u32 $0xF7A, s1;
	s8 =	simm.s32 @!p0 $0x1BF5;
	p2 =	por !p2, p0  }
0x20: {  	[sflag:s8] =	ssyncset.s32 @!p0 $0xFFFFF086;
	s6 =	sadd.s32 @!p0 s3, s7;
	s7 =	simm.s32 @!p0 $0x108  }
0x21: {  	s3 =	sadd.s32 s3, s9;
	s6 =	sadd.s32 @!p0 $0x88, s6;
	s7 =	simm.s32 @p2 $0x1082  }
0x22: {  	[simem:s7], [sflag:s8] =	dma.local @!p0 [hbm:s6], $0xF7A  }
0x23: {  	s9 =	sor.u32 $0xD0000000, s2;
	s6 =	simm.s32 $0x108;
	_ =	swait.ge @!p0 [sflag:s8], $0x0  }
0x24: {  	s3 =	sadd.s32 $0x88, s3;
	s6 =	simm.s32 @!p1 $0x1082;
	[sflag:s4] =	ssyncset.s32 $0xFFFFF086  }
0x25: {  	[simem:s6], [sflag:s4] =	dma.local [hbm:s3], $0xF7A  }
0x26: {  	[smem:$0x3F99] =	sst s1;
	(tag) =	ssettag s2;
	_ =	strace s9  }
0x27: {  	s1 =	sld [smem:$0x3FA9]  }
0x28: {  	s2 =	sld [smem:$0x3FAA]  }
0x29: {  	s4 =	sld [smem:$0x3FAC]  }
0x2a: {  	p0 =	seq.s32 s5, $0x0;
	s5 =	sld [smem:$0x3FAD]  }
0x2b: {  	s6 =	sld [smem:$0x3FAE]  }
0x2c: {  	s7 =	sld [smem:$0x3FAF]  }
0x2d: {  	s3 =	simm.s32 $0x108;
	s8 =	sld [smem:$0x3FB0]  }
0x2e: {  	s3 =	simm.s32 @!p0 $0x1082;
	s9 =	sld [smem:$0x3FB1]  }
0x2f: {  	lr =	sadd.s32 s0, s3;
	s0 =	sld [smem:$0x3FA8]  }
0x30: {  	s3 =	sld [smem:$0x3FAB]  }
0x31: {  	[smem:$0x3FB4] =	sst s10  }
0x32: {  	s10 =	sld [smem:$0x3FB2];
	_ =	sdelay $0x3  }
0x33: {  	p0 =	seq.s32 s10, $0x1;
	s10 =	sld [smem:$0x3FB4];
	_ =	sdelay $0x3  }
0x34: {  	[smem:$0x3FB4] =	sst s10  }
0x35: {  	s10 =	sld [smem:$0x3FB3];
	_ =	sdelay $0x3  }
0x36: {  	p1 =	seq.s32 s10, $0x1;
	s10 =	sld [smem:$0x3FB4];
	_ =	sdelay $0x3  }
0x37: {  	[smem:$0x3FB4] =	sst s10  }
0x38: {  	s10 =	sld [smem:$0x3FB5]  }
0x39: {  	_ = 	snop;
	(pc) =	sbr.ind lr, $3  }
0x3a: {  	_ = 	snop  }
0x3b: {  	_ = 	snop  }
0x3c: {  	p2 =	seq.s32 s10, $0x1;
	s10 =	sld [smem:$0x3FB4]  }
0x3d: {  	_ =	shalt  }
0x3e: {  	_ =	shalt  }
0x3f: {  	_ =	shalt  }
0x40: {  	_ =	shalt  }
0x41: {  	_ =	shalt  }
0x42: {  	_ =	shalt  }
0x43: {  	_ =	shalt  }
0x44: {  	_ =	shalt  }
0x45: {  	_ =	shalt  }
0x46: {  	_ =	shalt  }
0x47: {  	_ =	shalt  }
0x48: {  	_ =	shalt  }
0x49: {  	_ =	shalt  }
0x4a: {  	_ =	shalt  }
0x4b: {  	_ =	shalt  }
0x4c: {  	_ =	shalt  }
0x4d: {  	_ =	shalt  }
0x4e: {  	_ =	shalt  }
0x4f: {  	_ =	shalt  }
0x50: {  	_ =	shalt  }
0x51: {  	_ =	shalt  }
0x52: {  	_ =	shalt  }
0x53: {  	_ =	shalt  }
0x54: {  	_ =	shalt  }
0x55: {  	_ =	shalt  }
0x56: {  	_ =	shalt  }
0x57: {  	_ =	shalt  }
0x58: {  	_ =	shalt  }
0x59: {  	_ =	shalt  }
0x5a: {  	_ =	shalt  }
0x5b: {  	_ =	shalt  }
0x5c: {  	_ =	shalt  }
0x5d: {  	_ =	shalt  }
0x5e: {  	_ =	shalt  }
0x5f: {  	_ =	shalt  }
0x60: {  	_ =	shalt  }
0x61: {  	_ =	shalt  }
0x62: {  	_ =	shalt  }
0x63: {  	_ =	shalt  }
0x64: {  	_ =	shalt  }
0x65: {  	_ =	shalt  }
0x66: {  	_ =	shalt  }
0x67: {  	_ =	shalt  }
0x68: {  	_ =	shalt  }
0x69: {  	_ =	shalt  }
0x6a: {  	_ =	shalt  }
0x6b: {  	_ =	shalt  }
0x6c: {  	_ =	shalt  }
0x6d: {  	_ =	shalt  }
0x6e: {  	_ =	shalt  }
0x6f: {  	_ =	shalt  }
0x70: {  	_ =	shalt  }
0x71: {  	_ =	shalt  }
0x72: {  	_ =	shalt  }
0x73: {  	_ =	shalt  }
0x74: {  	_ =	shalt  }
0x75: {  	_ =	shalt  }
0x76: {  	_ =	shalt  }
0x77: {  	_ =	shalt  }
0x78: {  	_ =	shalt  }
0x79: {  	_ =	shalt  }
0x7a: {  	_ =	shalt  }
0x7b: {  	_ =	shalt  }
0x7c: {  	_ =	shalt  }
0x7d: {  	_ =	shalt  }
0x7e: {  	_ =	shalt  }
0x7f: {  	_ =	shalt  }
0x80: {  	_ =	shalt  }
0x81: {  	_ =	shalt  }
0x82: {  	_ =	shalt  }
0x83: {  	_ =	shalt  }
0x84: {  	_ =	shalt  }
0x85: {  	_ =	shalt  }
0x86: {  	_ =	shalt  }
0x87: {  	_ =	shalt  }
.Lfunc_end0:
.L_simem_size_0:
called_computation_lowered:
.L_overlay_start_0:
0x88: {  	s2 =	sld [smem:$0x3FD9]  }
0x89: {  	s3 =	sld [smem:$0x3FFE];
	_ =	sdelay $0x1  }
0x8a: {  	s1 =	srdreg.scid  }
0x8b: {  	s0 =	sand.u32 $0x1, s1  }
0x8c: {  	s17 =	sshll.u32 s0, $0xA;
	s2 =	sadd.s32 s3, s2  }
0x8d: {  	s2 =	sadd.s32 s2, s17  }
0x8e: {  	[smem:$0x3FC0] =	sst s2  }
0x8f: {  	_ = 	snop  }
0x90: {  	s2 =	sld [smem:$0x3FD0];
	(tm) =	ssettm $0x1  }
0x91: {  	s18 =	sld [smem:$0x3FFB];
	_ =	sdelay $0x3  }
0x92: {  	_ =	strace s18  }
0x93: {  	s3 =	sld [smem:$0x3FFC];
	_ =	sdelay $0x3  }
0x94: {  	_ =	strace s3  }
0x95: {  	s3 =	sld [smem:$0x3FFD];
	_ =	sdelay $0x3  }
0x96: {  	_ =	strace s3  }
0x97: {  	_ =	strace $0x8FFFFFFF  }
0x98: {  	s19 =	sld [smem:$0x3FDB];
	_ =	sdelay $0x1  }
0x99: {  	s4 =	simm.s32 $_scs_section_size  }
0x9a: {  	s5 =	simm.s32 $_size__tile_overlayer_lowered;
	s6 =	simm.s32 $_tile_overlayer_lowered  }
0x9b: {  	s22 =	simm.s32 $0x1BFF;
	s21 =	sshll.u32 s6, $0x1;
	s3 =	sadd.s32 s4, s19  }
0x9c: {  	s7 =	simm.s32 $0x0;
	s20 =	sshll.u32 s5, $0x1;
	s5 =	sadd.s32 s21, s3  }
0x9d: {  	[timem:s7], [sflag:s22] =	dma.local [hbm:s5], s20  }
0x9e: {  	_ =	swait.ge [sflag:s22], s20  }
0x9f: {  	s4 =	ssub.s32 $0x0, s20;
	[sflag:s22] =	ssyncset.done $0x0  }
0xa0: {  	[sflag:s22] =	ssyncadd.s32 s4;
	_ =	sdelay $0x1  }
0xa1: {  	s23 =	simm.s32 $0x1B8B  }
0xa2: {  	_ =	swait.ge [sflag:s23], $0x1  }
0xa3: {  	[sflag:s23] =	ssyncset.done $0x0  }
0xa4: {  	s25 =	simm.s32 $0x1B8E;
	s24 =	sld [smem:$0x3FFE];
	[sflag:s23] =	ssyncadd.s32 $0xFFFFFFFF  }
0xa5: {  	s26 =	simm.s32 $execute0_lowered;
	[smem:$0x3FD2] =	sst s25  }
0xa6: {  	s5 =	sshll.u32 s26, $0x1;
	_ =	strace $0x80000046;
	[dreg:$0x1] =	wrdreg $0xFFFFFFFF  }
0xa7: {  	s28 =	simm.s32 $_size_execute0_lowered;
	s3 =	sadd.s32 s3, s5;
	[dreg:$0x0] =	wrdreg $0x0  }
0xa8: {  	s5 =	sshll.u32 s28, $0x1;
	[dreg:$0x2] =	wrdreg s3  }
0xa9: {  	[dreg:$0x3] =	wrdreg s5  }
0xaa: {  	[dreg:$0x4] =	wrdreg $0xC0  }
0xab: {  	_ =	task [dreg:s7], $0x5FFFF  }
0xac: {  	[dreg:$0x1] =	wrdreg $0xFFFFFFFF  }
0xad: {  	[dreg:$0x0] =	wrdreg $0x60  }
0xae: {  	[dreg:$0x2] =	wrdreg s24  }
0xaf: {  	[dreg:$0x3] =	wrdreg s2  }
0xb0: {  	[dreg:$0x4] =	wrdreg $0x60000  }
0xb1: {  	[dreg:$0x5] =	wrdreg $0x9  }
0xb2: {  	_ =	task.clear_ibuf [dreg:s7], $0x6FFFF;
	_ =	strace $0x90000046  }
0xb3: {  	s29 =	simm.s32 $0x9;
	_ =	strace $0x80000048  }
0xb4: {  	_ =	swait.ge [sflag:s29], $0x1  }
0xb5: {  	[sflag:s29] =	ssyncadd.s32 $0xFFFFFFFF  }
0xb6: {  	_ =	strace $0x90000048  }
0xb7: {  	_ =	sfence  }
0xb8: {  	s30 =	sld [smem:$0x0];
	_ =	sdelay $0x2  }
0xb9: {  	s31 =	sshll.u32 s1, $0xD;
	s1 =	sshrl.u32 s1, $0x2  }
0xba: {  	s3 =	sand.u32 $0x4000, s31;
	s1 =	sadd.s32 s1, s30  }
0xbb: {  	s0 =	sor.u32 s3, s0;
	s1 =	sshll.u32 s1, $0x11  }
0xbc: {  	s0 =	sor.u32 s1, s0  }
0xbd: {  	s0 =	sadd.s32 $0x8F2B, s0  }
0xbe: {  	[sflag:s0] =	ssyncadd.remote.s32 $0x1  }
0xbf: {  	_ =	sfence.sel $0xFFFF  }
0xc0: {  	[dreg:$0x0] =	wrdreg $0xFFFFFFFF;
	(pc) =	sbr.abs _section_cstart, $3  }
0xc1: {  	[dreg:$0x1] =	wrdreg $0xFFFFFFFF  }
0xc2: {  	_ =	task.clear_ibuf [dreg:s7], $0x2FFFF;
	_ =	strace $0x9FFFFFFF  }
0xc3: {  	(tm) =	ssettm $0x7FFFFFFF  }
tec
execute0_lowered:
.L_overlay_start_1:
0x0: {  	(tag) =	ssettag $0x1  }
0x1: {  	s5 =	rddreg [dreg:$0x0]  }
0x2: {  	s9 =	rddreg [dreg:$0x1]  }
0x3: {  	s1 =	srdreg.scid;
	s0 =	stileid.u32  }
0x4: {  	s2 =	rddreg [dreg:$0x2];
	s3 =	simm.s32 $0x0;
	s14 =	simm.s32 $0x5000  }
0x5: {  	s15 =	simm.s32 $0x5400;
	s16 =	simm.s32 $0x5800;
	s17 =	simm.s32 $0x5C00  }
0x6: {  	s18 =	simm.s32 $0x80;
	s19 =	simm.s32 $0x100;
	s20 =	simm.s32 $0x180  }
0x7: {  	s21 =	simm.s32 $0x1;
	s22 =	simm.s32 $0x2;
	s23 =	simm.s32 $0x3  }
0x8: {  	s24 =	simm.s32 $0x4;
	s25 =	simm.s32 $0x0;
	s4 =	sand.u32 $0x1, s1  }
0x9: {  	s6 =	sshll.u32 s0, $0x1;
	s1 =	rddreg [dreg:$0x3];
	s8 =	smul.u32 $0x1400, s0  }
0xa: {  	[smem:$0x7FF] =	sst s3;
	s6 =	sor.u32 s4, s6;
	s11 =	smul.u32 $0x14000, s4  }
0xb: {  	s31 =	sshll.u32 s0, $0x6;
	s7 =	ssub.s32 $0x2, s4;
	s6 =	smul.u32 $0x2800, s6  }
0xc: {  	_ =	strace $0x80000047;
	s4 =	sadd.s32 $0x17E00, s5;
	s30 =	sshrl.u32 s7, $0x1  }
0xd: {  	s13 =	sadd.s32 s8, s2;
	s8 =	sadd.s32 s8, s11;
	s6 =	sshrl.u32 s6, $0x3  }
0xe: {  	s12 =	ssub.s32 s7, s30;
	s11 =	sshrl.u32 s8, $0x3;
	s10 =	sadd.s32 s6, s5  }
0xf: {  	s5 =	sadd.s32 $0x17C00, s5;
	s6 =	sor.u32 $0x1C05, s31;
	s9 =	sadd.s32 s9, s11  }
0x10: {  	s11 =	sshrl.u32 s13, $0x3;
	s13 =	simm.s32 $0x2800;
	s7 =	sadd.s32 $0x3C00, s10  }
0x11: {  	s8 =	sadd.s32 $0xDC00, s10;
	s10 =	smax.u32 s12, $0x1;
	s12 =	simm.s32 $0x5  }
.LBB2_1:
0x12: {  	[spmem:s11], [sflag:s6] =	dma.local [hbm:s4], $0x280  }
0x13: {  	_ =	swait.ge [sflag:s12], $0x280  }
0x14: {  	[sflag:s12] =	ssyncset.done $0x0  }
0x15: {  	[sflag:s12] =	ssyncadd.s32 $0xFFFFFD80  }
0x16: {  	[tilespmem:s3], [sflag:$0x5] =	stream.linear.gather [hbm4b:s7+s3], $0x2800, $0x38;
	[tilespmem:$0x7400] =	vst v63  }
0x17: {  	_ =	swait.ge [sflag:s12], $0x2800  }
0x18: {  	[sflag:s12] =	ssyncset.done $0x0  }
0x19: {  	[sflag:s12] =	ssyncadd.s32 $0xFFFFD800  }
0x1a: {  	[tilespmem:s13], [sflag:$0x5] =	stream.linear.gather [hbm4b:s8+s3], $0x2800, $0x38;
	[tilespmem:$0x7400] =	vst v63  }
0x1b: {  	_ =	swait.ge [sflag:s12], $0x2800  }
0x1c: {  	[sflag:s12] =	ssyncset.done $0x0  }
0x1d: {  	[sflag:s12] =	ssyncadd.s32 $0xFFFFD800  }
0x1e: {  	[tilespmem:s14], [sflag:$0x5] =	stream.linear.gather [hbm4b:s5+s3], $0x400, $0x38;
	[tilespmem:$0x7400] =	vst v63  }
0x1f: {  	_ =	swait.ge [sflag:s12], $0x400  }
0x20: {  	[sflag:s12] =	ssyncset.done $0x0  }
0x21: {  	[sflag:s12] =	ssyncadd.s32 $0xFFFFFC00  }
0x22: {  	[tilespmem:s15], [sflag:$0x5] =	stream.linear.gather [hbm4b:s5+s3], $0x400, $0x38;
	[tilespmem:$0x7400] =	vst v63  }
0x23: {  	_ =	swait.ge [sflag:s12], $0x400  }
0x24: {  	[sflag:s12] =	ssyncset.done $0x0  }
0x25: {  	[sflag:s12] =	ssyncadd.s32 $0xFFFFFC00  }
0x26: {  	[tilespmem:s16], [sflag:$0x5] =	stream.linear.gather [hbm4b:s5+s3], $0x400, $0x38;
	[tilespmem:$0x7400] =	vst v63  }
0x27: {  	_ =	swait.ge [sflag:s12], $0x400  }
0x28: {  	[sflag:s12] =	ssyncset.done $0x0  }
0x29: {  	[sflag:s12] =	ssyncadd.s32 $0xFFFFFC00  }
0x2a: {  	[tilespmem:s17], [sflag:$0x5] =	stream.linear.gather [hbm4b:s5+s3], $0x400, $0x38;
	[tilespmem:$0x7400] =	vst v63  }
0x2b: {  	_ =	swait.ge [sflag:s12], $0x400  }
0x2c: {  	[sflag:s12] =	ssyncset.done $0x0  }
0x2d: {  	s26 =	simm.s32 $0x0;
	[sflag:s12] =	ssyncadd.s32 $0xFFFFFC00  }
0x2e: {  	v6 =	vld [tilespmem:s26+$0x2800]  }
0x2f: {  	v13 =	vld [tilespmem:s26+$0x2810]  }
0x30: {  	v5 =	vld [tilespmem:s26+$0x2820]  }
0x31: {  	v4 =	vld [tilespmem:s26+$0x2830]  }
0x32: {  	v3 =	vld [tilespmem:s26+$0x2840]  }
0x33: {  	v2 =	vld [tilespmem:s26+$0x2850]  }
0x34: {  	v1 =	vld [tilespmem:s26+$0x2860]  }
0x35: {  	v0 =	vld [tilespmem:s26+$0x2870]  }
0x36: {  	v12 =	vld [tilespmem:s26+$0x0]  }
0x37: {  	v11 =	vld [tilespmem:s26+$0x10]  }
0x38: {  	v10 =	vld [tilespmem:s26+$0x20]  }
0x39: {  	v9 =	vld [tilespmem:s26+$0x30]  }
0x3a: {  	v8 =	vld [tilespmem:s26+$0x40]  }
0x3b: {  	v7 =	vld [tilespmem:s26+$0x50];
	vm0 =	veq.s32 v12, v6  }
0x3c: {  	s28 =	simm.s32 $0x200;
	v6 =	vld [tilespmem:s26+$0x60];
	v12 =	vsel vm0, $0x2710, v12;
	vm0 =	veq.s32 v11, v13  }
.LBB2_2:
0x3d: {  	s29 =	sshra.s32 s28, $0x2;
	p0 =	sne.s32 s28, $0x9E00;
	[tilespmem:s26+$0x0] =	vst v12;
	v11 =	vsel vm0, $0x2710, v11;
	vm0 =	veq.s32 v10, v5;
	v12 =	vld [tilespmem:s26+$0x70]  }
0x3e: {  	v13 =	vld [tilespmem:s29+$0x2800];
	[tilespmem:s26+$0x10] =	vst v11;
	v5 =	vsel vm0, $0x2710, v10;
	vm0 =	veq.s32 v9, v4  }
0x3f: {  	v14 =	vld [tilespmem:s29+$0x2810];
	[tilespmem:s26+$0x20] =	vst v5;
	v4 =	vsel vm0, $0x2710, v9;
	vm0 =	veq.s32 v8, v3  }
0x40: {  	v5 =	vld [tilespmem:s29+$0x2820];
	[tilespmem:s26+$0x30] =	vst v4;
	v3 =	vsel vm0, $0x2710, v8;
	vm0 =	veq.s32 v7, v2  }
0x41: {  	v4 =	vld [tilespmem:s29+$0x2830];
	[tilespmem:s26+$0x40] =	vst v3;
	v2 =	vsel vm0, $0x2710, v7;
	vm0 =	veq.s32 v6, v1  }
0x42: {  	v3 =	vld [tilespmem:s29+$0x2840];
	[tilespmem:s26+$0x50] =	vst v2;
	v1 =	vsel vm0, $0x2710, v6;
	vm0 =	veq.s32 v12, v0  }
0x43: {  	v2 =	vld [tilespmem:s29+$0x2850];
	[tilespmem:s26+$0x60] =	vst v1;
	v0 =	vsel vm0, $0x2710, v12  }
0x44: {  	v1 =	vld [tilespmem:s29+$0x2860];
	[tilespmem:s26+$0x70] =	vst v0;
	s26 =	smov.u32 s29  }
0x45: {  	v0 =	vld [tilespmem:s26+$0x2870]  }
0x46: {  	v6 =	vld [tilespmem:s26+$0x0]  }
0x47: {  	v11 =	vld [tilespmem:s26+$0x10]  }
.Ltmp0:
0x48: {  	v10 =	vld [tilespmem:s26+$0x20];
	(pc) =	sbr.rel @p0 .LBB2_2-.Ltmp0, $4  }
0x49: {  	v9 =	vld [tilespmem:s26+$0x30]  }
0x4a: {  	v8 =	vld [tilespmem:s26+$0x40]  }
0x4b: {  	vm0 =	veq.s32 v6, v13;
	v7 =	vld [tilespmem:s26+$0x50]  }
0x4c: {  	s28 =	sadd.s32 $0x200, s28;
	v12 =	vsel vm0, $0x2710, v6;
	vm0 =	veq.s32 v11, v14;
	v6 =	vld [tilespmem:s26+$0x60]  }
0x4d: {  	[tilespmem:s26+$0x0] =	vst v12;
	v11 =	vsel vm0, $0x2710, v11;
	vm10 =	veq.s32 v10, v5;
	v63 =	vld [tilespmem:s26+$0x70]  }
0x4e: {  	[tilespmem:s26+$0x10] =	vst v11;
	v10 =	vsel vm10, $0x2710, v10;
	vm11 =	veq.s32 v9, v4  }
0x4f: {  	[tilespmem:s26+$0x20] =	vst v10;
	v4 =	vsel vm11, $0x2710, v9;
	vm12 =	veq.s32 v8, v3  }
0x50: {  	[tilespmem:s26+$0x30] =	vst v4;
	v3 =	vsel vm12, $0x2710, v8;
	vm13 =	veq.s32 v7, v2  }
0x51: {  	[tilespmem:s26+$0x40] =	vst v3;
	v2 =	vsel vm13, $0x2710, v7;
	vm14 =	veq.s32 v6, v1  }
0x52: {  	[tilespmem:s26+$0x50] =	vst v2;
	v1 =	vsel vm14, $0x2710, v6;
	vm15 =	veq.s32 v63, v0  }
0x53: {  	[tilespmem:s26+$0x60] =	vst v1;
	v0 =	vsel vm15, $0x2710, v63  }
0x54: {  	[tilespmem:s26+$0x70] =	vst v0  }
0x55: {  	[bflag:$0x0] =	sbarrier.arrive $0xFFFF  }
0x56: {  	[spmem:s2] =	stream.indirect.scatter.add.f32 [tilespmem:s14], [sflag:$0x1], $0x8, s3, s18, $0xb8;
	[tilespmem:$0x7400] =	vst v63  }
0x57: {  	_ = 	snop  }
0x58: {  	[spmem:s2] =	stream.indirect.scatter.add.f32 [tilespmem:s15], [sflag:$0x2], $0x8, s18, s18, $0xb8;
	[tilespmem:$0x7400] =	vst v63  }
0x59: {  	_ = 	snop  }
0x5a: {  	[spmem:s2] =	stream.indirect.scatter.add.f32 [tilespmem:s16], [sflag:$0x3], $0x8, s19, s18, $0xb8;
	[tilespmem:$0x7400] =	vst v63  }
0x5b: {  	_ = 	snop  }
0x5c: {  	[spmem:s2] =	stream.indirect.scatter.add.f32 [tilespmem:s17], [sflag:$0x4], $0x8, s20, s18, $0xb8;
	[tilespmem:$0x7400] =	vst v63  }
0x5d: {  	_ =	swait.ge [sflag:s21], $0x400  }
0x5e: {  	[sflag:s21] =	ssyncset.done $0x0  }
0x5f: {  	s29 =	simm.s32 $0x200;
	[sflag:s21] =	ssyncadd.s32 $0xFFFFFC00  }
0x60: {  	[spmem:s2] =	stream.indirect.scatter.add.f32 [tilespmem:s14], [sflag:$0x1], $0x8, s29, s18, $0xb8;
	[tilespmem:$0x7400] =	vst v63  }
0x61: {  	_ =	swait.ge [sflag:s22], $0x400  }
0x62: {  	[sflag:s22] =	ssyncset.done $0x0  }
0x63: {  	s30 =	simm.s32 $0x280;
	[sflag:s22] =	ssyncadd.s32 $0xFFFFFC00  }
0x64: {  	[spmem:s2] =	stream.indirect.scatter.add.f32 [tilespmem:s15], [sflag:$0x2], $0x8, s30, s18, $0xb8;
	[tilespmem:$0x7400] =	vst v63  }
0x65: {  	_ =	swait.ge [sflag:s23], $0x400  }
0x66: {  	[sflag:s23] =	ssyncset.done $0x0  }
0x67: {  	s31 =	simm.s32 $0x300;
	[sflag:s23] =	ssyncadd.s32 $0xFFFFFC00  }
0x68: {  	[spmem:s2] =	stream.indirect.scatter.add.f32 [tilespmem:s16], [sflag:$0x3], $0x8, s31, s18, $0xb8;
	[tilespmem:$0x7400] =	vst v63  }
0x69: {  	_ =	swait.ge [sflag:s24], $0x400  }
0x6a: {  	[sflag:s24] =	ssyncset.done $0x0  }
0x6b: {  	s28 =	simm.s32 $0x380;
	s26 =	simm.s32 $0xFFFF7000;
	[sflag:s24] =	ssyncadd.s32 $0xFFFFFC00  }
.LBB2_4:
0x6c: {  	[spmem:s2] =	stream.indirect.scatter.add.f32 [tilespmem:s17], [sflag:$0x4], $0x8, s28, s18, $0xb8;
	[tilespmem:$0x7400] =	vst v63  }
0x6d: {  	s28 =	smov.u32 s26  }
0x6e: {  	p0 =	sne.s32 s26, $0xFFFFF800;
	s26 =	sadd.s32 $0x800, s26;
	_ =	swait.ge [sflag:s21], $0x400  }
0x6f: {  	s28 =	sshra.s32 s28, $0x2;
	[sflag:s21] =	ssyncset.done $0x0  }
0x70: {  	s29 =	sadd.s32 $0x2800, s28;
	[sflag:s21] =	ssyncadd.s32 $0xFFFFFC00  }
0x71: {  	[spmem:s2] =	stream.indirect.scatter.add.f32 [tilespmem:s14], [sflag:$0x1], $0x8, s29, s18, $0xb8;
	[tilespmem:$0x7400] =	vst v63  }
0x72: {  	_ =	swait.ge [sflag:s22], $0x400  }
0x73: {  	[sflag:s22] =	ssyncset.done $0x0  }
0x74: {  	s29 =	sadd.s32 $0x2880, s28;
	[sflag:s22] =	ssyncadd.s32 $0xFFFFFC00  }
0x75: {  	[spmem:s2] =	stream.indirect.scatter.add.f32 [tilespmem:s15], [sflag:$0x2], $0x8, s29, s18, $0xb8;
	[tilespmem:$0x7400] =	vst v63  }
0x76: {  	_ =	swait.ge [sflag:s23], $0x400  }
0x77: {  	[sflag:s23] =	ssyncset.done $0x0  }
.Ltmp1:
0x78: {  	s29 =	sadd.s32 $0x2900, s28;
	[sflag:s23] =	ssyncadd.s32 $0xFFFFFC00;
	(pc) =	sbr.rel @p0 .LBB2_4-.Ltmp1, $4  }
0x79: {  	[spmem:s2] =	stream.indirect.scatter.add.f32 [tilespmem:s16], [sflag:$0x3], $0x8, s29, s18, $0xb8;
	[tilespmem:$0x7400] =	vst v63  }
0x7a: {  	_ =	swait.ge [sflag:s24], $0x400  }
0x7b: {  	[sflag:s24] =	ssyncset.done $0x0  }
0x7c: {  	s28 =	sadd.s32 $0x2980, s28;
	[sflag:s24] =	ssyncadd.s32 $0xFFFFFC00  }
0x7d: {  	[spmem:s2] =	stream.indirect.scatter.add.f32 [tilespmem:s17], [sflag:$0x4], $0x8, s28, s18, $0xb8;
	[tilespmem:$0x7400] =	vst v63  }
0x7e: {  	_ =	swait.ge [sflag:s21], $0x400  }
0x7f: {  	[sflag:s21] =	ssyncset.done $0x0  }
0x80: {  	[sflag:s21] =	ssyncadd.s32 $0xFFFFFC00  }
0x81: {  	_ =	swait.ge [sflag:s22], $0x400  }
0x82: {  	[sflag:s22] =	ssyncset.done $0x0  }
0x83: {  	[sflag:s22] =	ssyncadd.s32 $0xFFFFFC00  }
0x84: {  	_ =	swait.ge [sflag:s23], $0x400  }
0x85: {  	[sflag:s23] =	ssyncset.done $0x0  }
0x86: {  	[sflag:s23] =	ssyncadd.s32 $0xFFFFFC00  }
0x87: {  	_ =	swait.ge [sflag:s24], $0x400  }
0x88: {  	s25 =	sadd.s32 $0x1, s25;
	[sflag:s24] =	ssyncset.done $0x0  }
0x89: {  	p0 =	sne.s32 s25, s10;
	[sflag:s24] =	ssyncadd.s32 $0xFFFFFC00  }
.Ltmp2:
0x8a: {  	[bflag:$0x0] =	sbarrier.arrive $0xFFFF;
	(pc) =	sbr.rel @p0 .LBB2_1-.Ltmp2, $4  }
0x8b: {  	[hbm:s9], [sflag:s6] =	dma.local [spmem:s11], $0x280  }
0x8c: {  	_ =	swait.ge [sflag:s12], $0x280  }
0x8d: {  	[sflag:s12] =	ssyncset.done $0x0  }
0x8e: {  	[sflag:s12] =	ssyncadd.s32 $0xFFFFFD80  }
0x8f: {  	_ =	sfence.sel $0x180000  }
0x90: {  	[bflag:$0x0] =	sbarrier.arrive $0xFFFF  }
0x91: {  	p0 =	sne.s32 s0, $0x0;
	_ =	strace $0x90000047  }
0x92: {  	s0 =	sadd.s32 @!p0 $0x100000, s1;
	[bflag:$0x2] =	sbarrier.arrive $0xFFFF  }
0x93: {  	[sflag:s0] =	ssyncadd.tile.s32 @!p0 $0x1;
	_ =	shalt  }
.Lfunc_end2:
_tile_overlayer_lowered:
.L_overlay_start_2:
0x94: {  	(tag) =	ssettag $0x2  }
0x95: {  	s0 =	rddreg [dreg:$0x0];
	s2 =	stileid.u32  }
0x96: {  	s1 =	rddreg [dreg:$0x1];
	p0 =	sne.s32 s2, $0x0  }
0x97: {  	s3 =	rddreg [dreg:$0x2];
	[bflag:$0x3] =	sbarrier.arrive $0xFFFF;
	s2 =	simm.s32 @!p0 $0x1C05  }
0x98: {  	[timem:s3], [sflag:s2] =	dma.local @!p0 [hbm:s0], s1  }
0x99: {  	s0 =	simm.s32 @!p0 $0x5  }
0x9a: {  	_ =	swait.ge @!p0 [sflag:s0], s1  }
0x9b: {  	s1 =	ssub.s32 @!p0 $0x0, s1;
	[sflag:s0] =	ssyncset.done @!p0 $0x0  }
0x9c: {  	[sflag:s0] =	ssyncadd.s32 @!p0 s1  }
0x9d: {  	[bflag:$0x3] =	sbarrier.arrive $0xFFFF  }
0x9e: {  	_ =	shalt  }

</sc_bundles>
